<compile_context>
chip_gen: v7x
topology: tpu7x:2x2x1
jax: 0.10.2.dev20260603
libtpu: 0.0.44.dev20260713+nightly
codegen_flags: <defaults>
</compile_context>

<pallas_src>
import functools

import jax
import jax.numpy as jnp
from jax import lax
from jax.experimental import pallas as pl
from jax.experimental.pallas import tpu as pltpu
from jax.experimental.pallas import tpu_sc as plsc

_F = 16


@functools.lru_cache(maxsize=None)
def _build(batch):
    info = plsc.get_sparse_core_info()
    nc, ns = info.num_cores, info.num_subcores
    nw = nc * ns
    assert batch % (8 * nw) == 0
    bpw = batch // nw
    ngrp = bpw // 16

    mesh = plsc.VectorSubcoreMesh(core_axis_name="c", subcore_axis_name="s")

    @functools.partial(
        pl.kernel,
        mesh=mesh,
        out_type=jax.ShapeDtypeStruct((batch,), jnp.float32),
        compiler_params=pltpu.CompilerParams(needs_layout_passes=False),
        scratch_types=[
            pltpu.VMEM((bpw,), jnp.int32),
            pltpu.VMEM((bpw,), jnp.int32),
            pltpu.VMEM((16, 8, 128), jnp.float32),
            pltpu.VMEM((16, 8, 128), jnp.float32),
            pltpu.VMEM((16, 8, 128), jnp.float32),
            pltpu.VMEM((16, 8, 128), jnp.float32),
            pltpu.VMEM((bpw,), jnp.float32),
            pltpu.VMEM((bpw,), jnp.float32),
            pltpu.VMEM((bpw,), jnp.float32),
            pltpu.VMEM((bpw,), jnp.float32),
            pltpu.SemaphoreType.DMA,
            pltpu.SemaphoreType.DMA,
            pltpu.SemaphoreType.DMA,
        ],
    )
    def cdcf_kernel(user_hbm, item_hbm, avg_hbm, eu_hbm, ei_hbm,
                    bu_hbm, bi_hbm, out_hbm,
                    uidx_v, iidx_v, ux_v, ix_v, uy_v, iy_v,
                    bu_v, bi_v, avg_v, out_v,
                    sem_x, sem_y, sem_b):
        wid = lax.axis_index("s") * nc + lax.axis_index("c")
        base = wid * bpw

        pltpu.sync_copy(user_hbm.at[pl.ds(base, bpw)], uidx_v)
        pltpu.sync_copy(item_hbm.at[pl.ds(base, bpw)], iidx_v)

        cbu = pltpu.async_copy(bu_hbm.at[uidx_v], bu_v, sem_b)
        cbi = pltpu.async_copy(bi_hbm.at[iidx_v], bi_v, sem_b)

        pltpu.sync_copy(avg_hbm.at[pl.ds(base, bpw)], avg_v)
        cbu.wait()
        cbi.wait()

        lane = lax.iota(jnp.int32, 16)
        lane8 = lane & 7

        def cols(g):
            s = pl.ds(g * 16, 16)
            return uidx_v[s], iidx_v[s]

        def fire(g, h, udst, idst, sem):
            u16, i16 = cols(g)
            ucol16 = (u16 >> 7) * 128
            icol16 = (i16 >> 7) * 128
            for k in range(16):
                ucol = pl.multiple_of(ucol16[k], 128)
                icol = pl.multiple_of(icol16[k], 128)
                pltpu.async_copy(
                    eu_hbm.at[pl.ds(h * 8, 8), pl.ds(ucol, 128)],
                    udst.at[k], sem)
                pltpu.async_copy(
                    ei_hbm.at[pl.ds(h * 8, 8), pl.ds(icol, 128)],
                    idst.at[k], sem)

        def drain(udst, idst, sem):
            for k in range(16):
                pltpu.make_async_copy(
                    eu_hbm.at[pl.ds(0, 8), pl.ds(0, 128)],
                    udst.at[k], sem).wait()
                pltpu.make_async_copy(
                    ei_hbm.at[pl.ds(0, 8), pl.ds(0, 128)],
                    idst.at[k], sem).wait()

        def accumulate(g, usrc, isrc, acc):
            u16, i16 = cols(g)
            for k in range(16):
                kk = jnp.full((16,), k, jnp.int32)
                uc = jnp.broadcast_to(u16[k] & 127, (16,))
                ic = jnp.broadcast_to(i16[k] & 127, (16,))
                uf = plsc.load_gather(usrc, [kk, lane8, uc])
                vf = plsc.load_gather(isrc, [kk, lane8, ic])
                prod = jnp.where(lane < 8, uf * vf, 0.0)
                dot = jnp.sum(prod, axis=0)
                acc = jnp.where(lane == k, acc + dot, acc)
            return acc

        fire(0, 0, ux_v, ix_v, sem_x)

        def grp(g, carry):
            s = pl.ds(g * 16, 16)
            fire(g, 1, uy_v, iy_v, sem_y)
            acc = avg_v[s] + bu_v[s] + bi_v[s]
            drain(ux_v, ix_v, sem_x)
            acc = accumulate(g, ux_v, ix_v, acc)

            @pl.when(g + 1 < ngrp)
            def _():
                fire(g + 1, 0, ux_v, ix_v, sem_x)

            drain(uy_v, iy_v, sem_y)
            acc = accumulate(g, uy_v, iy_v, acc)
            out_v[s] = acc
            return carry

        lax.fori_loop(0, ngrp, grp, 0)

        pltpu.sync_copy(out_v, out_hbm.at[pl.ds(base, bpw)])

    return cdcf_kernel


def kernel(user, item, average, embed_user, embed_item, user_bias, item_bias):
    user = user.astype(jnp.int32)
    item = item.astype(jnp.int32)
    fn = _build(user.shape[0])
    return fn(user, item, average, embed_user.T, embed_item.T,
              user_bias, item_bias)

# --- scband reference (transcript-rebuilt; emitter-appended) ---
"""Pipeline reference for scband-cdcf-26113401160410 (READ-ONLY COPY).

The authoritative reference and input builder live on the scoring server;
editing this copy changes nothing except your own understanding.
"""

import jax, jax.numpy as jnp
import numpy as np

USERNUM = 1000000
ITEMNUM = 1000000
FACTOR_NUM = 16
BATCH = 16384

def setup_inputs(seed: int = 0) -> dict:
    key = jax.random.key(seed)
    k1, k2, k3, k4, k5 = jax.random.split(key, 5)
    user = jax.random.randint(k1, (BATCH,), 0, USERNUM, dtype=jnp.int64) if jax.config.jax_enable_x64 else jax.random.randint(k1, (BATCH,), 0, USERNUM, dtype=jnp.int32)
    item = jax.random.randint(k2, (BATCH,), 0, ITEMNUM, dtype=jnp.int32)
    average = jax.random.uniform(k3, (BATCH,), dtype=jnp.float32)
    embed_user = jax.random.normal(k4, (USERNUM, FACTOR_NUM), dtype=jnp.float32) * 0.01
    embed_item = jax.random.normal(k5, (ITEMNUM, FACTOR_NUM), dtype=jnp.float32) * 0.01
    user_bias = jnp.zeros((USERNUM,), dtype=jnp.float32)
    item_bias = jnp.zeros((ITEMNUM,), dtype=jnp.float32)
    return {"user": user, "item": item, "average": average,
            "embed_user": embed_user, "embed_item": embed_item,
            "user_bias": user_bias, "item_bias": item_bias}

def reference(user, item, average, embed_user, embed_item, user_bias, item_bias):
    # Collaborative-filtering rating prediction (the faithful intent of CDCF):
    #   r_hat = average + b_u + b_i + <p_u, q_i>
    u_emb = jnp.take(embed_user, user, axis=0)   # [B, F] gather
    i_emb = jnp.take(embed_item, item, axis=0)   # [B, F] gather
    b_u = jnp.take(user_bias, user, axis=0)      # [B] gather
    b_i = jnp.take(item_bias, item, axis=0)      # [B] gather
    pred = average + b_u + b_i + jnp.sum(u_emb * i_emb, axis=-1)
    return pred

if __name__ == "__main__":
    import jax
    _d = setup_inputs()
    print(jax.jit(kernel)(*tuple(_d.values())))

</pallas_src>

<mosaic_0001>
#map = affine_map<(d0, d1) -> (0)>
#map1 = affine_map<(d0, d1) -> (0, 0)>
module attributes {stable_mosaic.version = 14 : i64} {
  func.func @cdcf_kernel(%arg0: i32, %arg1: i32, %arg2: memref<16384xi32, #tpu.memory_space<hbm>>, %arg3: memref<16384xi32, #tpu.memory_space<hbm>>, %arg4: memref<16384xf32, #tpu.memory_space<hbm>>, %arg5: memref<16x1000000xf32, #tpu.memory_space<hbm>>, %arg6: memref<16x1000000xf32, #tpu.memory_space<hbm>>, %arg7: memref<1000000xf32, #tpu.memory_space<hbm>>, %arg8: memref<1000000xf32, #tpu.memory_space<hbm>>, %arg9: memref<16384xf32, #tpu.memory_space<hbm>>, %arg10: memref<512xi32, #tpu.memory_space<vmem>>, %arg11: memref<512xi32, #tpu.memory_space<vmem>>, %arg12: memref<16x8x128xf32, #tpu.memory_space<vmem>>, %arg13: memref<16x8x128xf32, #tpu.memory_space<vmem>>, %arg14: memref<16x8x128xf32, #tpu.memory_space<vmem>>, %arg15: memref<16x8x128xf32, #tpu.memory_space<vmem>>, %arg16: memref<512xf32, #tpu.memory_space<vmem>>, %arg17: memref<512xf32, #tpu.memory_space<vmem>>, %arg18: memref<512xf32, #tpu.memory_space<vmem>>, %arg19: memref<512xf32, #tpu.memory_space<vmem>>, %arg20: memref<!tpu.dma_semaphore, #tpu.memory_space<semaphore_mem>>, %arg21: memref<!tpu.dma_semaphore, #tpu.memory_space<semaphore_mem>>, %arg22: memref<!tpu.dma_semaphore, #tpu.memory_space<semaphore_mem>>) attributes {dimension_semantics = [#tpu.dimension_semantics<core_parallel>, #tpu.dimension_semantics<subcore_parallel>], iteration_bounds = array<i64: 2, 16>, scalar_prefetch = 0 : i64, scratch_operands = 13 : i64, tpu.core_type = #tpu.core_type<sc_vector_subcore>, window_params = [{transform_indices = #map}, {transform_indices = #map}, {transform_indices = #map}, {transform_indices = #map1}, {transform_indices = #map1}, {transform_indices = #map}, {transform_indices = #map}, {transform_indices = #map}]} {
    %mul3A = arith.constant 2 : i32
    %mul3A_0 = arith.muli %arg1, %mul3A : i32
    %add3A = arith.addi %mul3A_0, %arg0 : i32
    %mul3A_1 = arith.constant 512 : i32
    %mul3A_2 = arith.muli %add3A, %mul3A_1 : i32
    "tpu.region"() ({
      %run_scoped3A = tpu.sem_alloc : memref<!tpu.dma_semaphore, #tpu.memory_space<semaphore_mem>>
      %dma_start3A_539 = tpu.memref_slice %arg2[%mul3A_2] : memref<16384xi32, #tpu.memory_space<hbm>> -> memref<512xi32, #tpu.memory_space<hbm>>
      %dma_start3A_540 = tpu.memref_slice %arg2[%mul3A_2] : memref<16384xi32, #tpu.memory_space<hbm>> -> memref<512xi32, #tpu.memory_space<hbm>>
      tpu.enqueue_dma source(%dma_start3A_540 : memref<512xi32, #tpu.memory_space<hbm>>) target(%arg10 : memref<512xi32, #tpu.memory_space<vmem>>) target_semaphore(%run_scoped3A : memref<!tpu.dma_semaphore, #tpu.memory_space<semaphore_mem>>)
      %dma_wait3A_541 = tpu.memref_slice %arg2[%mul3A_2] : memref<16384xi32, #tpu.memory_space<hbm>> -> memref<512xi32, #tpu.memory_space<hbm>>
      %dma_wait3A_542 = tpu.memref_slice %arg2[%mul3A_2] : memref<16384xi32, #tpu.memory_space<hbm>> -> memref<512xi32, #tpu.memory_space<hbm>>
      tpu.wait_dma2 semaphore(%run_scoped3A : memref<!tpu.dma_semaphore, #tpu.memory_space<semaphore_mem>>) src(%dma_wait3A_542 : memref<512xi32, #tpu.memory_space<hbm>>) dst(%arg10 : memref<512xi32, #tpu.memory_space<vmem>>)
      tpu.yield
    }) : () -> ()
    "tpu.region"() ({
      %run_scoped3A = tpu.sem_alloc : memref<!tpu.dma_semaphore, #tpu.memory_space<semaphore_mem>>
      %dma_start3A_539 = tpu.memref_slice %arg3[%mul3A_2] : memref<16384xi32, #tpu.memory_space<hbm>> -> memref<512xi32, #tpu.memory_space<hbm>>
      %dma_start3A_540 = tpu.memref_slice %arg3[%mul3A_2] : memref<16384xi32, #tpu.memory_space<hbm>> -> memref<512xi32, #tpu.memory_space<hbm>>
      tpu.enqueue_dma source(%dma_start3A_540 : memref<512xi32, #tpu.memory_space<hbm>>) target(%arg11 : memref<512xi32, #tpu.memory_space<vmem>>) target_semaphore(%run_scoped3A : memref<!tpu.dma_semaphore, #tpu.memory_space<semaphore_mem>>)
      %dma_wait3A_541 = tpu.memref_slice %arg3[%mul3A_2] : memref<16384xi32, #tpu.memory_space<hbm>> -> memref<512xi32, #tpu.memory_space<hbm>>
      %dma_wait3A_542 = tpu.memref_slice %arg3[%mul3A_2] : memref<16384xi32, #tpu.memory_space<hbm>> -> memref<512xi32, #tpu.memory_space<hbm>>
      tpu.wait_dma2 semaphore(%run_scoped3A : memref<!tpu.dma_semaphore, #tpu.memory_space<semaphore_mem>>) src(%dma_wait3A_542 : memref<512xi32, #tpu.memory_space<hbm>>) dst(%arg11 : memref<512xi32, #tpu.memory_space<vmem>>)
      tpu.yield
    }) : () -> ()
    %dma_start3A = arith.constant 0 : i32
    %dma_start3A_3 = tpu.memref_slice %arg7[%dma_start3A] : memref<1000000xf32, #tpu.memory_space<hbm>> -> memref<1000000xf32, #tpu.memory_space<hbm>>
    tpu.enqueue_indirect_dma source(%dma_start3A_3 : memref<1000000xf32, #tpu.memory_space<hbm>>) target(%arg16 : memref<512xf32, #tpu.memory_space<vmem>>) offsets(%arg10 : memref<512xi32, #tpu.memory_space<vmem>>) semaphore(%arg22 : memref<!tpu.dma_semaphore, #tpu.memory_space<semaphore_mem>>)
    %dma_start3A_4 = arith.constant 0 : i32
    %dma_start3A_5 = tpu.memref_slice %arg8[%dma_start3A_4] : memref<1000000xf32, #tpu.memory_space<hbm>> -> memref<1000000xf32, #tpu.memory_space<hbm>>
    tpu.enqueue_indirect_dma source(%dma_start3A_5 : memref<1000000xf32, #tpu.memory_space<hbm>>) target(%arg17 : memref<512xf32, #tpu.memory_space<vmem>>) offsets(%arg11 : memref<512xi32, #tpu.memory_space<vmem>>) semaphore(%arg22 : memref<!tpu.dma_semaphore, #tpu.memory_space<semaphore_mem>>)
    "tpu.region"() ({
      %run_scoped3A = tpu.sem_alloc : memref<!tpu.dma_semaphore, #tpu.memory_space<semaphore_mem>>
      %dma_start3A_539 = tpu.memref_slice %arg4[%mul3A_2] : memref<16384xf32, #tpu.memory_space<hbm>> -> memref<512xf32, #tpu.memory_space<hbm>>
      %dma_start3A_540 = tpu.memref_slice %arg4[%mul3A_2] : memref<16384xf32, #tpu.memory_space<hbm>> -> memref<512xf32, #tpu.memory_space<hbm>>
      tpu.enqueue_dma source(%dma_start3A_540 : memref<512xf32, #tpu.memory_space<hbm>>) target(%arg18 : memref<512xf32, #tpu.memory_space<vmem>>) target_semaphore(%run_scoped3A : memref<!tpu.dma_semaphore, #tpu.memory_space<semaphore_mem>>)
      %dma_wait3A_541 = tpu.memref_slice %arg4[%mul3A_2] : memref<16384xf32, #tpu.memory_space<hbm>> -> memref<512xf32, #tpu.memory_space<hbm>>
      %dma_wait3A_542 = tpu.memref_slice %arg4[%mul3A_2] : memref<16384xf32, #tpu.memory_space<hbm>> -> memref<512xf32, #tpu.memory_space<hbm>>
      tpu.wait_dma2 semaphore(%run_scoped3A : memref<!tpu.dma_semaphore, #tpu.memory_space<semaphore_mem>>) src(%dma_wait3A_542 : memref<512xf32, #tpu.memory_space<hbm>>) dst(%arg18 : memref<512xf32, #tpu.memory_space<vmem>>)
      tpu.yield
    }) : () -> ()
    %dma_wait3A = arith.constant 0 : i32
    %dma_wait3A_6 = tpu.memref_slice %arg7[%dma_wait3A] : memref<1000000xf32, #tpu.memory_space<hbm>> -> memref<1000000xf32, #tpu.memory_space<hbm>>
    tpu.wait_indirect_dma semaphore(%arg22 : memref<!tpu.dma_semaphore, #tpu.memory_space<semaphore_mem>>) src(%dma_wait3A_6 : memref<1000000xf32, #tpu.memory_space<hbm>>) dst(%arg16 : memref<512xf32, #tpu.memory_space<vmem>>)
    %dma_wait3A_7 = arith.constant 0 : i32
    %dma_wait3A_8 = tpu.memref_slice %arg8[%dma_wait3A_7] : memref<1000000xf32, #tpu.memory_space<hbm>> -> memref<1000000xf32, #tpu.memory_space<hbm>>
    tpu.wait_indirect_dma semaphore(%arg22 : memref<!tpu.dma_semaphore, #tpu.memory_space<semaphore_mem>>) src(%dma_wait3A_8 : memref<1000000xf32, #tpu.memory_space<hbm>>) dst(%arg17 : memref<512xf32, #tpu.memory_space<vmem>>)
    %iota3A = tpu.iota {dimensions = array<i32: 0>} : vector<16xi32>
    %and3A = arith.constant 7 : i32
    %and3A_9 = vector.broadcast %and3A : i32 to vector<16xi32>
    %and3A_10 = arith.andi %iota3A, %and3A_9 : vector<16xi32>
    %get3A = arith.constant 0 : index
    %get3A_11 = tpu.vector_load %arg10[%get3A] {strides = array<i32>} : memref<512xi32, #tpu.memory_space<vmem>>, vector<16xi32>,
    %get3A_12 = arith.constant 0 : index
    %get3A_13 = tpu.vector_load %arg11[%get3A_12] {strides = array<i32>} : memref<512xi32, #tpu.memory_space<vmem>>, vector<16xi32>,
    %shift_right_arithmetic3A = arith.constant 7 : i32
    %shift_right_arithmetic3A_14 = vector.broadcast %shift_right_arithmetic3A : i32 to vector<16xi32>
    %shift_right_arithmetic3A_15 = arith.shrsi %get3A_11, %shift_right_arithmetic3A_14 : vector<16xi32>
    %mul3A_16 = arith.constant 128 : i32
    %mul3A_17 = vector.broadcast %mul3A_16 : i32 to vector<16xi32>
    %mul3A_18 = arith.muli %shift_right_arithmetic3A_15, %mul3A_17 : vector<16xi32>
    %shift_right_arithmetic3A_19 = arith.constant 7 : i32
    %shift_right_arithmetic3A_20 = vector.broadcast %shift_right_arithmetic3A_19 : i32 to vector<16xi32>
    %shift_right_arithmetic3A_21 = arith.shrsi %get3A_13, %shift_right_arithmetic3A_20 : vector<16xi32>
    %mul3A_22 = arith.constant 128 : i32
    %mul3A_23 = vector.broadcast %mul3A_22 : i32 to vector<16xi32>
    %mul3A_24 = arith.muli %shift_right_arithmetic3A_21, %mul3A_23 : vector<16xi32>
    %slice3A = vector.extract_strided_slice %mul3A_18 {offsets = [0], sizes = [1], strides = [1]} : vector<16xi32> to vector<1xi32>
    %squeeze3A = vector.extract %slice3A[0] : i32 from vector<1xi32>
    %multiple_of3A = tpu.assume_multiple %squeeze3A, 128 : i32
    %slice3A_25 = vector.extract_strided_slice %mul3A_24 {offsets = [0], sizes = [1], strides = [1]} : vector<16xi32> to vector<1xi32>
    %squeeze3A_26 = vector.extract %slice3A_25[0] : i32 from vector<1xi32>
    %multiple_of3A_27 = tpu.assume_multiple %squeeze3A_26, 128 : i32
    %dma_start3A_28 = arith.constant 0 : i32
    %dma_start3A_29 = arith.constant 0 : i32
    %dma_start3A_30 = arith.constant 0 : i32
    %dma_start3A_31 = tpu.memref_slice %arg12[%dma_start3A_28, %dma_start3A_29, %dma_start3A_30] : memref<16x8x128xf32, #tpu.memory_space<vmem>> -> memref<1x8x128xf32, #tpu.memory_space<vmem>>
    %dma_start3A_32 = tpu.memref_squeeze %dma_start3A_31 : memref<1x8x128xf32, #tpu.memory_space<vmem>> -> memref<8x128xf32, #tpu.memory_space<vmem>>
    %dma_start3A_33 = arith.constant 0 : i32
    %dma_start3A_34 = tpu.memref_slice %arg5[%dma_start3A_33, %multiple_of3A] : memref<16x1000000xf32, #tpu.memory_space<hbm>> -> memref<8x128xf32, #tpu.memory_space<hbm>>
    %dma_start3A_35 = arith.constant 0 : i32
    %dma_start3A_36 = arith.constant 0 : i32
    %dma_start3A_37 = tpu.memref_slice %arg12[%dma_start3A_28, %dma_start3A_35, %dma_start3A_36] : memref<16x8x128xf32, #tpu.memory_space<vmem>> -> memref<1x8x128xf32, #tpu.memory_space<vmem>>
    %dma_start3A_38 = tpu.memref_squeeze %dma_start3A_37 : memref<1x8x128xf32, #tpu.memory_space<vmem>> -> memref<8x128xf32, #tpu.memory_space<vmem>>
    %dma_start3A_39 = arith.constant 0 : i32
    %dma_start3A_40 = tpu.memref_slice %arg5[%dma_start3A_39, %multiple_of3A] : memref<16x1000000xf32, #tpu.memory_space<hbm>> -> memref<8x128xf32, #tpu.memory_space<hbm>>
    tpu.enqueue_dma source(%dma_start3A_40 : memref<8x128xf32, #tpu.memory_space<hbm>>) target(%dma_start3A_38 : memref<8x128xf32, #tpu.memory_space<vmem>>) target_semaphore(%arg20 : memref<!tpu.dma_semaphore, #tpu.memory_space<semaphore_mem>>)
    %dma_start3A_41 = arith.constant 0 : i32
    %dma_start3A_42 = arith.constant 0 : i32
    %dma_start3A_43 = arith.constant 0 : i32
    %dma_start3A_44 = tpu.memref_slice %arg13[%dma_start3A_41, %dma_start3A_42, %dma_start3A_43] : memref<16x8x128xf32, #tpu.memory_space<vmem>> -> memref<1x8x128xf32, #tpu.memory_space<vmem>>
    %dma_start3A_45 = tpu.memref_squeeze %dma_start3A_44 : memref<1x8x128xf32, #tpu.memory_space<vmem>> -> memref<8x128xf32, #tpu.memory_space<vmem>>
    %dma_start3A_46 = arith.constant 0 : i32
    %dma_start3A_47 = tpu.memref_slice %arg6[%dma_start3A_46, %multiple_of3A_27] : memref<16x1000000xf32, #tpu.memory_space<hbm>> -> memref<8x128xf32, #tpu.memory_space<hbm>>
    %dma_start3A_48 = arith.constant 0 : i32
    %dma_start3A_49 = arith.constant 0 : i32
    %dma_start3A_50 = tpu.memref_slice %arg13[%dma_start3A_41, %dma_start3A_48, %dma_start3A_49] : memref<16x8x128xf32, #tpu.memory_space<vmem>> -> memref<1x8x128xf32, #tpu.memory_space<vmem>>
    %dma_start3A_51 = tpu.memref_squeeze %dma_start3A_50 : memref<1x8x128xf32, #tpu.memory_space<vmem>> -> memref<8x128xf32, #tpu.memory_space<vmem>>
    %dma_start3A_52 = arith.constant 0 : i32
    %dma_start3A_53 = tpu.memref_slice %arg6[%dma_start3A_52, %multiple_of3A_27] : memref<16x1000000xf32, #tpu.memory_space<hbm>> -> memref<8x128xf32, #tpu.memory_space<hbm>>
    tpu.enqueue_dma source(%dma_start3A_53 : memref<8x128xf32, #tpu.memory_space<hbm>>) target(%dma_start3A_51 : memref<8x128xf32, #tpu.memory_space<vmem>>) target_semaphore(%arg20 : memref<!tpu.dma_semaphore, #tpu.memory_space<semaphore_mem>>)
    %slice3A_54 = vector.extract_strided_slice %mul3A_18 {offsets = [1], sizes = [1], strides = [1]} : vector<16xi32> to vector<1xi32>
    %squeeze3A_55 = vector.extract %slice3A_54[0] : i32 from vector<1xi32>
    %multiple_of3A_56 = tpu.assume_multiple %squeeze3A_55, 128 : i32
    %slice3A_57 = vector.extract_strided_slice %mul3A_24 {offsets = [1], sizes = [1], strides = [1]} : vector<16xi32> to vector<1xi32>
    %squeeze3A_58 = vector.extract %slice3A_57[0] : i32 from vector<1xi32>
    %multiple_of3A_59 = tpu.assume_multiple %squeeze3A_58, 128 : i32
    %dma_start3A_60 = arith.constant 1 : i32
    %dma_start3A_61 = arith.constant 0 : i32
    %dma_start3A_62 = arith.constant 0 : i32
    %dma_start3A_63 = tpu.memref_slice %arg12[%dma_start3A_60, %dma_start3A_61, %dma_start3A_62] : memref<16x8x128xf32, #tpu.memory_space<vmem>> -> memref<1x8x128xf32, #tpu.memory_space<vmem>>
    %dma_start3A_64 = tpu.memref_squeeze %dma_start3A_63 : memref<1x8x128xf32, #tpu.memory_space<vmem>> -> memref<8x128xf32, #tpu.memory_space<vmem>>
    %dma_start3A_65 = arith.constant 0 : i32
    %dma_start3A_66 = tpu.memref_slice %arg5[%dma_start3A_65, %multiple_of3A_56] : memref<16x1000000xf32, #tpu.memory_space<hbm>> -> memref<8x128xf32, #tpu.memory_space<hbm>>
    %dma_start3A_67 = arith.constant 0 : i32
    %dma_start3A_68 = arith.constant 0 : i32
    %dma_start3A_69 = tpu.memref_slice %arg12[%dma_start3A_60, %dma_start3A_67, %dma_start3A_68] : memref<16x8x128xf32, #tpu.memory_space<vmem>> -> memref<1x8x128xf32, #tpu.memory_space<vmem>>
    %dma_start3A_70 = tpu.memref_squeeze %dma_start3A_69 : memref<1x8x128xf32, #tpu.memory_space<vmem>> -> memref<8x128xf32, #tpu.memory_space<vmem>>
    %dma_start3A_71 = arith.constant 0 : i32
    %dma_start3A_72 = tpu.memref_slice %arg5[%dma_start3A_71, %multiple_of3A_56] : memref<16x1000000xf32, #tpu.memory_space<hbm>> -> memref<8x128xf32, #tpu.memory_space<hbm>>
    tpu.enqueue_dma source(%dma_start3A_72 : memref<8x128xf32, #tpu.memory_space<hbm>>) target(%dma_start3A_70 : memref<8x128xf32, #tpu.memory_space<vmem>>) target_semaphore(%arg20 : memref<!tpu.dma_semaphore, #tpu.memory_space<semaphore_mem>>)
    %dma_start3A_73 = arith.constant 1 : i32
    %dma_start3A_74 = arith.constant 0 : i32
    %dma_start3A_75 = arith.constant 0 : i32
    %dma_start3A_76 = tpu.memref_slice %arg13[%dma_start3A_73, %dma_start3A_74, %dma_start3A_75] : memref<16x8x128xf32, #tpu.memory_space<vmem>> -> memref<1x8x128xf32, #tpu.memory_space<vmem>>
    %dma_start3A_77 = tpu.memref_squeeze %dma_start3A_76 : memref<1x8x128xf32, #tpu.memory_space<vmem>> -> memref<8x128xf32, #tpu.memory_space<vmem>>
    %dma_start3A_78 = arith.constant 0 : i32
    %dma_start3A_79 = tpu.memref_slice %arg6[%dma_start3A_78, %multiple_of3A_59] : memref<16x1000000xf32, #tpu.memory_space<hbm>> -> memref<8x128xf32, #tpu.memory_space<hbm>>
    %dma_start3A_80 = arith.constant 0 : i32
    %dma_start3A_81 = arith.constant 0 : i32
    %dma_start3A_82 = tpu.memref_slice %arg13[%dma_start3A_73, %dma_start3A_80, %dma_start3A_81] : memref<16x8x128xf32, #tpu.memory_space<vmem>> -> memref<1x8x128xf32, #tpu.memory_space<vmem>>
    %dma_start3A_83 = tpu.memref_squeeze %dma_start3A_82 : memref<1x8x128xf32, #tpu.memory_space<vmem>> -> memref<8x128xf32, #tpu.memory_space<vmem>>
    %dma_start3A_84 = arith.constant 0 : i32
    %dma_start3A_85 = tpu.memref_slice %arg6[%dma_start3A_84, %multiple_of3A_59] : memref<16x1000000xf32, #tpu.memory_space<hbm>> -> memref<8x128xf32, #tpu.memory_space<hbm>>
    tpu.enqueue_dma source(%dma_start3A_85 : memref<8x128xf32, #tpu.memory_space<hbm>>) target(%dma_start3A_83 : memref<8x128xf32, #tpu.memory_space<vmem>>) target_semaphore(%arg20 : memref<!tpu.dma_semaphore, #tpu.memory_space<semaphore_mem>>)
    %slice3A_86 = vector.extract_strided_slice %mul3A_18 {offsets = [2], sizes = [1], strides = [1]} : vector<16xi32> to vector<1xi32>
    %squeeze3A_87 = vector.extract %slice3A_86[0] : i32 from vector<1xi32>
    %multiple_of3A_88 = tpu.assume_multiple %squeeze3A_87, 128 : i32
    %slice3A_89 = vector.extract_strided_slice %mul3A_24 {offsets = [2], sizes = [1], strides = [1]} : vector<16xi32> to vector<1xi32>
    %squeeze3A_90 = vector.extract %slice3A_89[0] : i32 from vector<1xi32>
    %multiple_of3A_91 = tpu.assume_multiple %squeeze3A_90, 128 : i32
    %dma_start3A_92 = arith.constant 2 : i32
    %dma_start3A_93 = arith.constant 0 : i32
    %dma_start3A_94 = arith.constant 0 : i32
    %dma_start3A_95 = tpu.memref_slice %arg12[%dma_start3A_92, %dma_start3A_93, %dma_start3A_94] : memref<16x8x128xf32, #tpu.memory_space<vmem>> -> memref<1x8x128xf32, #tpu.memory_space<vmem>>
    %dma_start3A_96 = tpu.memref_squeeze %dma_start3A_95 : memref<1x8x128xf32, #tpu.memory_space<vmem>> -> memref<8x128xf32, #tpu.memory_space<vmem>>
    %dma_start3A_97 = arith.constant 0 : i32
    %dma_start3A_98 = tpu.memref_slice %arg5[%dma_start3A_97, %multiple_of3A_88] : memref<16x1000000xf32, #tpu.memory_space<hbm>> -> memref<8x128xf32, #tpu.memory_space<hbm>>
    %dma_start3A_99 = arith.constant 0 : i32
    %dma_start3A_100 = arith.constant 0 : i32
    %dma_start3A_101 = tpu.memref_slice %arg12[%dma_start3A_92, %dma_start3A_99, %dma_start3A_100] : memref<16x8x128xf32, #tpu.memory_space<vmem>> -> memref<1x8x128xf32, #tpu.memory_space<vmem>>
    %dma_start3A_102 = tpu.memref_squeeze %dma_start3A_101 : memref<1x8x128xf32, #tpu.memory_space<vmem>> -> memref<8x128xf32, #tpu.memory_space<vmem>>
    %dma_start3A_103 = arith.constant 0 : i32
    %dma_start3A_104 = tpu.memref_slice %arg5[%dma_start3A_103, %multiple_of3A_88] : memref<16x1000000xf32, #tpu.memory_space<hbm>> -> memref<8x128xf32, #tpu.memory_space<hbm>>
    tpu.enqueue_dma source(%dma_start3A_104 : memref<8x128xf32, #tpu.memory_space<hbm>>) target(%dma_start3A_102 : memref<8x128xf32, #tpu.memory_space<vmem>>) target_semaphore(%arg20 : memref<!tpu.dma_semaphore, #tpu.memory_space<semaphore_mem>>)
    %dma_start3A_105 = arith.constant 2 : i32
    %dma_start3A_106 = arith.constant 0 : i32
    %dma_start3A_107 = arith.constant 0 : i32
    %dma_start3A_108 = tpu.memref_slice %arg13[%dma_start3A_105, %dma_start3A_106, %dma_start3A_107] : memref<16x8x128xf32, #tpu.memory_space<vmem>> -> memref<1x8x128xf32, #tpu.memory_space<vmem>>
    %dma_start3A_109 = tpu.memref_squeeze %dma_start3A_108 : memref<1x8x128xf32, #tpu.memory_space<vmem>> -> memref<8x128xf32, #tpu.memory_space<vmem>>
    %dma_start3A_110 = arith.constant 0 : i32
    %dma_start3A_111 = tpu.memref_slice %arg6[%dma_start3A_110, %multiple_of3A_91] : memref<16x1000000xf32, #tpu.memory_space<hbm>> -> memref<8x128xf32, #tpu.memory_space<hbm>>
    %dma_start3A_112 = arith.constant 0 : i32
    %dma_start3A_113 = arith.constant 0 : i32
    %dma_start3A_114 = tpu.memref_slice %arg13[%dma_start3A_105, %dma_start3A_112, %dma_start3A_113] : memref<16x8x128xf32, #tpu.memory_space<vmem>> -> memref<1x8x128xf32, #tpu.memory_space<vmem>>
    %dma_start3A_115 = tpu.memref_squeeze %dma_start3A_114 : memref<1x8x128xf32, #tpu.memory_space<vmem>> -> memref<8x128xf32, #tpu.memory_space<vmem>>
    %dma_start3A_116 = arith.constant 0 : i32
    %dma_start3A_117 = tpu.memref_slice %arg6[%dma_start3A_116, %multiple_of3A_91] : memref<16x1000000xf32, #tpu.memory_space<hbm>> -> memref<8x128xf32, #tpu.memory_space<hbm>>
    tpu.enqueue_dma source(%dma_start3A_117 : memref<8x128xf32, #tpu.memory_space<hbm>>) target(%dma_start3A_115 : memref<8x128xf32, #tpu.memory_space<vmem>>) target_semaphore(%arg20 : memref<!tpu.dma_semaphore, #tpu.memory_space<semaphore_mem>>)
    %slice3A_118 = vector.extract_strided_slice %mul3A_18 {offsets = [3], sizes = [1], strides = [1]} : vector<16xi32> to vector<1xi32>
    %squeeze3A_119 = vector.extract %slice3A_118[0] : i32 from vector<1xi32>
    %multiple_of3A_120 = tpu.assume_multiple %squeeze3A_119, 128 : i32
    %slice3A_121 = vector.extract_strided_slice %mul3A_24 {offsets = [3], sizes = [1], strides = [1]} : vector<16xi32> to vector<1xi32>
    %squeeze3A_122 = vector.extract %slice3A_121[0] : i32 from vector<1xi32>
    %multiple_of3A_123 = tpu.assume_multiple %squeeze3A_122, 128 : i32
    %dma_start3A_124 = arith.constant 3 : i32
    %dma_start3A_125 = arith.constant 0 : i32
    %dma_start3A_126 = arith.constant 0 : i32
    %dma_start3A_127 = tpu.memref_slice %arg12[%dma_start3A_124, %dma_start3A_125, %dma_start3A_126] : memref<16x8x128xf32, #tpu.memory_space<vmem>> -> memref<1x8x128xf32, #tpu.memory_space<vmem>>
    %dma_start3A_128 = tpu.memref_squeeze %dma_start3A_127 : memref<1x8x128xf32, #tpu.memory_space<vmem>> -> memref<8x128xf32, #tpu.memory_space<vmem>>
    %dma_start3A_129 = arith.constant 0 : i32
    %dma_start3A_130 = tpu.memref_slice %arg5[%dma_start3A_129, %multiple_of3A_120] : memref<16x1000000xf32, #tpu.memory_space<hbm>> -> memref<8x128xf32, #tpu.memory_space<hbm>>
    %dma_start3A_131 = arith.constant 0 : i32
    %dma_start3A_132 = arith.constant 0 : i32
    %dma_start3A_133 = tpu.memref_slice %arg12[%dma_start3A_124, %dma_start3A_131, %dma_start3A_132] : memref<16x8x128xf32, #tpu.memory_space<vmem>> -> memref<1x8x128xf32, #tpu.memory_space<vmem>>
    %dma_start3A_134 = tpu.memref_squeeze %dma_start3A_133 : memref<1x8x128xf32, #tpu.memory_space<vmem>> -> memref<8x128xf32, #tpu.memory_space<vmem>>
    %dma_start3A_135 = arith.constant 0 : i32
    %dma_start3A_136 = tpu.memref_slice %arg5[%dma_start3A_135, %multiple_of3A_120] : memref<16x1000000xf32, #tpu.memory_space<hbm>> -> memref<8x128xf32, #tpu.memory_space<hbm>>
    tpu.enqueue_dma source(%dma_start3A_136 : memref<8x128xf32, #tpu.memory_space<hbm>>) target(%dma_start3A_134 : memref<8x128xf32, #tpu.memory_space<vmem>>) target_semaphore(%arg20 : memref<!tpu.dma_semaphore, #tpu.memory_space<semaphore_mem>>)
    %dma_start3A_137 = arith.constant 3 : i32
    %dma_start3A_138 = arith.constant 0 : i32
    %dma_start3A_139 = arith.constant 0 : i32
    %dma_start3A_140 = tpu.memref_slice %arg13[%dma_start3A_137, %dma_start3A_138, %dma_start3A_139] : memref<16x8x128xf32, #tpu.memory_space<vmem>> -> memref<1x8x128xf32, #tpu.memory_space<vmem>>
    %dma_start3A_141 = tpu.memref_squeeze %dma_start3A_140 : memref<1x8x128xf32, #tpu.memory_space<vmem>> -> memref<8x128xf32, #tpu.memory_space<vmem>>
    %dma_start3A_142 = arith.constant 0 : i32
    %dma_start3A_143 = tpu.memref_slice %arg6[%dma_start3A_142, %multiple_of3A_123] : memref<16x1000000xf32, #tpu.memory_space<hbm>> -> memref<8x128xf32, #tpu.memory_space<hbm>>
    %dma_start3A_144 = arith.constant 0 : i32
    %dma_start3A_145 = arith.constant 0 : i32
    %dma_start3A_146 = tpu.memref_slice %arg13[%dma_start3A_137, %dma_start3A_144, %dma_start3A_145] : memref<16x8x128xf32, #tpu.memory_space<vmem>> -> memref<1x8x128xf32, #tpu.memory_space<vmem>>
    %dma_start3A_147 = tpu.memref_squeeze %dma_start3A_146 : memref<1x8x128xf32, #tpu.memory_space<vmem>> -> memref<8x128xf32, #tpu.memory_space<vmem>>
    %dma_start3A_148 = arith.constant 0 : i32
    %dma_start3A_149 = tpu.memref_slice %arg6[%dma_start3A_148, %multiple_of3A_123] : memref<16x1000000xf32, #tpu.memory_space<hbm>> -> memref<8x128xf32, #tpu.memory_space<hbm>>
    tpu.enqueue_dma source(%dma_start3A_149 : memref<8x128xf32, #tpu.memory_space<hbm>>) target(%dma_start3A_147 : memref<8x128xf32, #tpu.memory_space<vmem>>) target_semaphore(%arg20 : memref<!tpu.dma_semaphore, #tpu.memory_space<semaphore_mem>>)
    %slice3A_150 = vector.extract_strided_slice %mul3A_18 {offsets = [4], sizes = [1], strides = [1]} : vector<16xi32> to vector<1xi32>
    %squeeze3A_151 = vector.extract %slice3A_150[0] : i32 from vector<1xi32>
    %multiple_of3A_152 = tpu.assume_multiple %squeeze3A_151, 128 : i32
    %slice3A_153 = vector.extract_strided_slice %mul3A_24 {offsets = [4], sizes = [1], strides = [1]} : vector<16xi32> to vector<1xi32>
    %squeeze3A_154 = vector.extract %slice3A_153[0] : i32 from vector<1xi32>
    %multiple_of3A_155 = tpu.assume_multiple %squeeze3A_154, 128 : i32
    %dma_start3A_156 = arith.constant 4 : i32
    %dma_start3A_157 = arith.constant 0 : i32
    %dma_start3A_158 = arith.constant 0 : i32
    %dma_start3A_159 = tpu.memref_slice %arg12[%dma_start3A_156, %dma_start3A_157, %dma_start3A_158] : memref<16x8x128xf32, #tpu.memory_space<vmem>> -> memref<1x8x128xf32, #tpu.memory_space<vmem>>
    %dma_start3A_160 = tpu.memref_squeeze %dma_start3A_159 : memref<1x8x128xf32, #tpu.memory_space<vmem>> -> memref<8x128xf32, #tpu.memory_space<vmem>>
    %dma_start3A_161 = arith.constant 0 : i32
    %dma_start3A_162 = tpu.memref_slice %arg5[%dma_start3A_161, %multiple_of3A_152] : memref<16x1000000xf32, #tpu.memory_space<hbm>> -> memref<8x128xf32, #tpu.memory_space<hbm>>
    %dma_start3A_163 = arith.constant 0 : i32
    %dma_start3A_164 = arith.constant 0 : i32
    %dma_start3A_165 = tpu.memref_slice %arg12[%dma_start3A_156, %dma_start3A_163, %dma_start3A_164] : memref<16x8x128xf32, #tpu.memory_space<vmem>> -> memref<1x8x128xf32, #tpu.memory_space<vmem>>
    %dma_start3A_166 = tpu.memref_squeeze %dma_start3A_165 : memref<1x8x128xf32, #tpu.memory_space<vmem>> -> memref<8x128xf32, #tpu.memory_space<vmem>>
    %dma_start3A_167 = arith.constant 0 : i32
    %dma_start3A_168 = tpu.memref_slice %arg5[%dma_start3A_167, %multiple_of3A_152] : memref<16x1000000xf32, #tpu.memory_space<hbm>> -> memref<8x128xf32, #tpu.memory_space<hbm>>
    tpu.enqueue_dma source(%dma_start3A_168 : memref<8x128xf32, #tpu.memory_space<hbm>>) target(%dma_start3A_166 : memref<8x128xf32, #tpu.memory_space<vmem>>) target_semaphore(%arg20 : memref<!tpu.dma_semaphore, #tpu.memory_space<semaphore_mem>>)
    %dma_start3A_169 = arith.constant 4 : i32
    %dma_start3A_170 = arith.constant 0 : i32
    %dma_start3A_171 = arith.constant 0 : i32
    %dma_start3A_172 = tpu.memref_slice %arg13[%dma_start3A_169, %dma_start3A_170, %dma_start3A_171] : memref<16x8x128xf32, #tpu.memory_space<vmem>> -> memref<1x8x128xf32, #tpu.memory_space<vmem>>
    %dma_start3A_173 = tpu.memref_squeeze %dma_start3A_172 : memref<1x8x128xf32, #tpu.memory_space<vmem>> -> memref<8x128xf32, #tpu.memory_space<vmem>>
    %dma_start3A_174 = arith.constant 0 : i32
    %dma_start3A_175 = tpu.memref_slice %arg6[%dma_start3A_174, %multiple_of3A_155] : memref<16x1000000xf32, #tpu.memory_space<hbm>> -> memref<8x128xf32, #tpu.memory_space<hbm>>
    %dma_start3A_176 = arith.constant 0 : i32
    %dma_start3A_177 = arith.constant 0 : i32
    %dma_start3A_178 = tpu.memref_slice %arg13[%dma_start3A_169, %dma_start3A_176, %dma_start3A_177] : memref<16x8x128xf32, #tpu.memory_space<vmem>> -> memref<1x8x128xf32, #tpu.memory_space<vmem>>
    %dma_start3A_179 = tpu.memref_squeeze %dma_start3A_178 : memref<1x8x128xf32, #tpu.memory_space<vmem>> -> memref<8x128xf32, #tpu.memory_space<vmem>>
    %dma_start3A_180 = arith.constant 0 : i32
    %dma_start3A_181 = tpu.memref_slice %arg6[%dma_start3A_180, %multiple_of3A_155] : memref<16x1000000xf32, #tpu.memory_space<hbm>> -> memref<8x128xf32, #tpu.memory_space<hbm>>
    tpu.enqueue_dma source(%dma_start3A_181 : memref<8x128xf32, #tpu.memory_space<hbm>>) target(%dma_start3A_179 : memref<8x128xf32, #tpu.memory_space<vmem>>) target_semaphore(%arg20 : memref<!tpu.dma_semaphore, #tpu.memory_space<semaphore_mem>>)
    %slice3A_182 = vector.extract_strided_slice %mul3A_18 {offsets = [5], sizes = [1], strides = [1]} : vector<16xi32> to vector<1xi32>
    %squeeze3A_183 = vector.extract %slice3A_182[0] : i32 from vector<1xi32>
    %multiple_of3A_184 = tpu.assume_multiple %squeeze3A_183, 128 : i32
    %slice3A_185 = vector.extract_strided_slice %mul3A_24 {offsets = [5], sizes = [1], strides = [1]} : vector<16xi32> to vector<1xi32>
    %squeeze3A_186 = vector.extract %slice3A_185[0] : i32 from vector<1xi32>
    %multiple_of3A_187 = tpu.assume_multiple %squeeze3A_186, 128 : i32
    %dma_start3A_188 = arith.constant 5 : i32
    %dma_start3A_189 = arith.constant 0 : i32
    %dma_start3A_190 = arith.constant 0 : i32
    %dma_start3A_191 = tpu.memref_slice %arg12[%dma_start3A_188, %dma_start3A_189, %dma_start3A_190] : memref<16x8x128xf32, #tpu.memory_space<vmem>> -> memref<1x8x128xf32, #tpu.memory_space<vmem>>
    %dma_start3A_192 = tpu.memref_squeeze %dma_start3A_191 : memref<1x8x128xf32, #tpu.memory_space<vmem>> -> memref<8x128xf32, #tpu.memory_space<vmem>>
    %dma_start3A_193 = arith.constant 0 : i32
    %dma_start3A_194 = tpu.memref_slice %arg5[%dma_start3A_193, %multiple_of3A_184] : memref<16x1000000xf32, #tpu.memory_space<hbm>> -> memref<8x128xf32, #tpu.memory_space<hbm>>
    %dma_start3A_195 = arith.constant 0 : i32
    %dma_start3A_196 = arith.constant 0 : i32
    %dma_start3A_197 = tpu.memref_slice %arg12[%dma_start3A_188, %dma_start3A_195, %dma_start3A_196] : memref<16x8x128xf32, #tpu.memory_space<vmem>> -> memref<1x8x128xf32, #tpu.memory_space<vmem>>
    %dma_start3A_198 = tpu.memref_squeeze %dma_start3A_197 : memref<1x8x128xf32, #tpu.memory_space<vmem>> -> memref<8x128xf32, #tpu.memory_space<vmem>>
    %dma_start3A_199 = arith.constant 0 : i32
    %dma_start3A_200 = tpu.memref_slice %arg5[%dma_start3A_199, %multiple_of3A_184] : memref<16x1000000xf32, #tpu.memory_space<hbm>> -> memref<8x128xf32, #tpu.memory_space<hbm>>
    tpu.enqueue_dma source(%dma_start3A_200 : memref<8x128xf32, #tpu.memory_space<hbm>>) target(%dma_start3A_198 : memref<8x128xf32, #tpu.memory_space<vmem>>) target_semaphore(%arg20 : memref<!tpu.dma_semaphore, #tpu.memory_space<semaphore_mem>>)
    %dma_start3A_201 = arith.constant 5 : i32
    %dma_start3A_202 = arith.constant 0 : i32
    %dma_start3A_203 = arith.constant 0 : i32
    %dma_start3A_204 = tpu.memref_slice %arg13[%dma_start3A_201, %dma_start3A_202, %dma_start3A_203] : memref<16x8x128xf32, #tpu.memory_space<vmem>> -> memref<1x8x128xf32, #tpu.memory_space<vmem>>
    %dma_start3A_205 = tpu.memref_squeeze %dma_start3A_204 : memref<1x8x128xf32, #tpu.memory_space<vmem>> -> memref<8x128xf32, #tpu.memory_space<vmem>>
    %dma_start3A_206 = arith.constant 0 : i32
    %dma_start3A_207 = tpu.memref_slice %arg6[%dma_start3A_206, %multiple_of3A_187] : memref<16x1000000xf32, #tpu.memory_space<hbm>> -> memref<8x128xf32, #tpu.memory_space<hbm>>
    %dma_start3A_208 = arith.constant 0 : i32
    %dma_start3A_209 = arith.constant 0 : i32
    %dma_start3A_210 = tpu.memref_slice %arg13[%dma_start3A_201, %dma_start3A_208, %dma_start3A_209] : memref<16x8x128xf32, #tpu.memory_space<vmem>> -> memref<1x8x128xf32, #tpu.memory_space<vmem>>
    %dma_start3A_211 = tpu.memref_squeeze %dma_start3A_210 : memref<1x8x128xf32, #tpu.memory_space<vmem>> -> memref<8x128xf32, #tpu.memory_space<vmem>>
    %dma_start3A_212 = arith.constant 0 : i32
    %dma_start3A_213 = tpu.memref_slice %arg6[%dma_start3A_212, %multiple_of3A_187] : memref<16x1000000xf32, #tpu.memory_space<hbm>> -> memref<8x128xf32, #tpu.memory_space<hbm>>
    tpu.enqueue_dma source(%dma_start3A_213 : memref<8x128xf32, #tpu.memory_space<hbm>>) target(%dma_start3A_211 : memref<8x128xf32, #tpu.memory_space<vmem>>) target_semaphore(%arg20 : memref<!tpu.dma_semaphore, #tpu.memory_space<semaphore_mem>>)
    %slice3A_214 = vector.extract_strided_slice %mul3A_18 {offsets = [6], sizes = [1], strides = [1]} : vector<16xi32> to vector<1xi32>
    %squeeze3A_215 = vector.extract %slice3A_214[0] : i32 from vector<1xi32>
    %multiple_of3A_216 = tpu.assume_multiple %squeeze3A_215, 128 : i32
    %slice3A_217 = vector.extract_strided_slice %mul3A_24 {offsets = [6], sizes = [1], strides = [1]} : vector<16xi32> to vector<1xi32>
    %squeeze3A_218 = vector.extract %slice3A_217[0] : i32 from vector<1xi32>
    %multiple_of3A_219 = tpu.assume_multiple %squeeze3A_218, 128 : i32
    %dma_start3A_220 = arith.constant 6 : i32
    %dma_start3A_221 = arith.constant 0 : i32
    %dma_start3A_222 = arith.constant 0 : i32
    %dma_start3A_223 = tpu.memref_slice %arg12[%dma_start3A_220, %dma_start3A_221, %dma_start3A_222] : memref<16x8x128xf32, #tpu.memory_space<vmem>> -> memref<1x8x128xf32, #tpu.memory_space<vmem>>
    %dma_start3A_224 = tpu.memref_squeeze %dma_start3A_223 : memref<1x8x128xf32, #tpu.memory_space<vmem>> -> memref<8x128xf32, #tpu.memory_space<vmem>>
    %dma_start3A_225 = arith.constant 0 : i32
    %dma_start3A_226 = tpu.memref_slice %arg5[%dma_start3A_225, %multiple_of3A_216] : memref<16x1000000xf32, #tpu.memory_space<hbm>> -> memref<8x128xf32, #tpu.memory_space<hbm>>
    %dma_start3A_227 = arith.constant 0 : i32
    %dma_start3A_228 = arith.constant 0 : i32
    %dma_start3A_229 = tpu.memref_slice %arg12[%dma_start3A_220, %dma_start3A_227, %dma_start3A_228] : memref<16x8x128xf32, #tpu.memory_space<vmem>> -> memref<1x8x128xf32, #tpu.memory_space<vmem>>
    %dma_start3A_230 = tpu.memref_squeeze %dma_start3A_229 : memref<1x8x128xf32, #tpu.memory_space<vmem>> -> memref<8x128xf32, #tpu.memory_space<vmem>>
    %dma_start3A_231 = arith.constant 0 : i32
    %dma_start3A_232 = tpu.memref_slice %arg5[%dma_start3A_231, %multiple_of3A_216] : memref<16x1000000xf32, #tpu.memory_space<hbm>> -> memref<8x128xf32, #tpu.memory_space<hbm>>
    tpu.enqueue_dma source(%dma_start3A_232 : memref<8x128xf32, #tpu.memory_space<hbm>>) target(%dma_start3A_230 : memref<8x128xf32, #tpu.memory_space<vmem>>) target_semaphore(%arg20 : memref<!tpu.dma_semaphore, #tpu.memory_space<semaphore_mem>>)
    %dma_start3A_233 = arith.constant 6 : i32
    %dma_start3A_234 = arith.constant 0 : i32
    %dma_start3A_235 = arith.constant 0 : i32
    %dma_start3A_236 = tpu.memref_slice %arg13[%dma_start3A_233, %dma_start3A_234, %dma_start3A_235] : memref<16x8x128xf32, #tpu.memory_space<vmem>> -> memref<1x8x128xf32, #tpu.memory_space<vmem>>
    %dma_start3A_237 = tpu.memref_squeeze %dma_start3A_236 : memref<1x8x128xf32, #tpu.memory_space<vmem>> -> memref<8x128xf32, #tpu.memory_space<vmem>>
    %dma_start3A_238 = arith.constant 0 : i32
    %dma_start3A_239 = tpu.memref_slice %arg6[%dma_start3A_238, %multiple_of3A_219] : memref<16x1000000xf32, #tpu.memory_space<hbm>> -> memref<8x128xf32, #tpu.memory_space<hbm>>
    %dma_start3A_240 = arith.constant 0 : i32
    %dma_start3A_241 = arith.constant 0 : i32
    %dma_start3A_242 = tpu.memref_slice %arg13[%dma_start3A_233, %dma_start3A_240, %dma_start3A_241] : memref<16x8x128xf32, #tpu.memory_space<vmem>> -> memref<1x8x128xf32, #tpu.memory_space<vmem>>
    %dma_start3A_243 = tpu.memref_squeeze %dma_start3A_242 : memref<1x8x128xf32, #tpu.memory_space<vmem>> -> memref<8x128xf32, #tpu.memory_space<vmem>>
    %dma_start3A_244 = arith.constant 0 : i32
    %dma_start3A_245 = tpu.memref_slice %arg6[%dma_start3A_244, %multiple_of3A_219] : memref<16x1000000xf32, #tpu.memory_space<hbm>> -> memref<8x128xf32, #tpu.memory_space<hbm>>
    tpu.enqueue_dma source(%dma_start3A_245 : memref<8x128xf32, #tpu.memory_space<hbm>>) target(%dma_start3A_243 : memref<8x128xf32, #tpu.memory_space<vmem>>) target_semaphore(%arg20 : memref<!tpu.dma_semaphore, #tpu.memory_space<semaphore_mem>>)
    %slice3A_246 = vector.extract_strided_slice %mul3A_18 {offsets = [7], sizes = [1], strides = [1]} : vector<16xi32> to vector<1xi32>
    %squeeze3A_247 = vector.extract %slice3A_246[0] : i32 from vector<1xi32>
    %multiple_of3A_248 = tpu.assume_multiple %squeeze3A_247, 128 : i32
    %slice3A_249 = vector.extract_strided_slice %mul3A_24 {offsets = [7], sizes = [1], strides = [1]} : vector<16xi32> to vector<1xi32>
    %squeeze3A_250 = vector.extract %slice3A_249[0] : i32 from vector<1xi32>
    %multiple_of3A_251 = tpu.assume_multiple %squeeze3A_250, 128 : i32
    %dma_start3A_252 = arith.constant 7 : i32
    %dma_start3A_253 = arith.constant 0 : i32
    %dma_start3A_254 = arith.constant 0 : i32
    %dma_start3A_255 = tpu.memref_slice %arg12[%dma_start3A_252, %dma_start3A_253, %dma_start3A_254] : memref<16x8x128xf32, #tpu.memory_space<vmem>> -> memref<1x8x128xf32, #tpu.memory_space<vmem>>
    %dma_start3A_256 = tpu.memref_squeeze %dma_start3A_255 : memref<1x8x128xf32, #tpu.memory_space<vmem>> -> memref<8x128xf32, #tpu.memory_space<vmem>>
    %dma_start3A_257 = arith.constant 0 : i32
    %dma_start3A_258 = tpu.memref_slice %arg5[%dma_start3A_257, %multiple_of3A_248] : memref<16x1000000xf32, #tpu.memory_space<hbm>> -> memref<8x128xf32, #tpu.memory_space<hbm>>
    %dma_start3A_259 = arith.constant 0 : i32
    %dma_start3A_260 = arith.constant 0 : i32
    %dma_start3A_261 = tpu.memref_slice %arg12[%dma_start3A_252, %dma_start3A_259, %dma_start3A_260] : memref<16x8x128xf32, #tpu.memory_space<vmem>> -> memref<1x8x128xf32, #tpu.memory_space<vmem>>
    %dma_start3A_262 = tpu.memref_squeeze %dma_start3A_261 : memref<1x8x128xf32, #tpu.memory_space<vmem>> -> memref<8x128xf32, #tpu.memory_space<vmem>>
    %dma_start3A_263 = arith.constant 0 : i32
    %dma_start3A_264 = tpu.memref_slice %arg5[%dma_start3A_263, %multiple_of3A_248] : memref<16x1000000xf32, #tpu.memory_space<hbm>> -> memref<8x128xf32, #tpu.memory_space<hbm>>
    tpu.enqueue_dma source(%dma_start3A_264 : memref<8x128xf32, #tpu.memory_space<hbm>>) target(%dma_start3A_262 : memref<8x128xf32, #tpu.memory_space<vmem>>) target_semaphore(%arg20 : memref<!tpu.dma_semaphore, #tpu.memory_space<semaphore_mem>>)
    %dma_start3A_265 = arith.constant 7 : i32
    %dma_start3A_266 = arith.constant 0 : i32
    %dma_start3A_267 = arith.constant 0 : i32
    %dma_start3A_268 = tpu.memref_slice %arg13[%dma_start3A_265, %dma_start3A_266, %dma_start3A_267] : memref<16x8x128xf32, #tpu.memory_space<vmem>> -> memref<1x8x128xf32, #tpu.memory_space<vmem>>
    %dma_start3A_269 = tpu.memref_squeeze %dma_start3A_268 : memref<1x8x128xf32, #tpu.memory_space<vmem>> -> memref<8x128xf32, #tpu.memory_space<vmem>>
    %dma_start3A_270 = arith.constant 0 : i32
    %dma_start3A_271 = tpu.memref_slice %arg6[%dma_start3A_270, %multiple_of3A_251] : memref<16x1000000xf32, #tpu.memory_space<hbm>> -> memref<8x128xf32, #tpu.memory_space<hbm>>
    %dma_start3A_272 = arith.constant 0 : i32
    %dma_start3A_273 = arith.constant 0 : i32
    %dma_start3A_274 = tpu.memref_slice %arg13[%dma_start3A_265, %dma_start3A_272, %dma_start3A_273] : memref<16x8x128xf32, #tpu.memory_space<vmem>> -> memref<1x8x128xf32, #tpu.memory_space<vmem>>
    %dma_start3A_275 = tpu.memref_squeeze %dma_start3A_274 : memref<1x8x128xf32, #tpu.memory_space<vmem>> -> memref<8x128xf32, #tpu.memory_space<vmem>>
    %dma_start3A_276 = arith.constant 0 : i32
    %dma_start3A_277 = tpu.memref_slice %arg6[%dma_start3A_276, %multiple_of3A_251] : memref<16x1000000xf32, #tpu.memory_space<hbm>> -> memref<8x128xf32, #tpu.memory_space<hbm>>
    tpu.enqueue_dma source(%dma_start3A_277 : memref<8x128xf32, #tpu.memory_space<hbm>>) target(%dma_start3A_275 : memref<8x128xf32, #tpu.memory_space<vmem>>) target_semaphore(%arg20 : memref<!tpu.dma_semaphore, #tpu.memory_space<semaphore_mem>>)
    %slice3A_278 = vector.extract_strided_slice %mul3A_18 {offsets = [8], sizes = [1], strides = [1]} : vector<16xi32> to vector<1xi32>
    %squeeze3A_279 = vector.extract %slice3A_278[0] : i32 from vector<1xi32>
    %multiple_of3A_280 = tpu.assume_multiple %squeeze3A_279, 128 : i32
    %slice3A_281 = vector.extract_strided_slice %mul3A_24 {offsets = [8], sizes = [1], strides = [1]} : vector<16xi32> to vector<1xi32>
    %squeeze3A_282 = vector.extract %slice3A_281[0] : i32 from vector<1xi32>
    %multiple_of3A_283 = tpu.assume_multiple %squeeze3A_282, 128 : i32
    %dma_start3A_284 = arith.constant 8 : i32
    %dma_start3A_285 = arith.constant 0 : i32
    %dma_start3A_286 = arith.constant 0 : i32
    %dma_start3A_287 = tpu.memref_slice %arg12[%dma_start3A_284, %dma_start3A_285, %dma_start3A_286] : memref<16x8x128xf32, #tpu.memory_space<vmem>> -> memref<1x8x128xf32, #tpu.memory_space<vmem>>
    %dma_start3A_288 = tpu.memref_squeeze %dma_start3A_287 : memref<1x8x128xf32, #tpu.memory_space<vmem>> -> memref<8x128xf32, #tpu.memory_space<vmem>>
    %dma_start3A_289 = arith.constant 0 : i32
    %dma_start3A_290 = tpu.memref_slice %arg5[%dma_start3A_289, %multiple_of3A_280] : memref<16x1000000xf32, #tpu.memory_space<hbm>> -> memref<8x128xf32, #tpu.memory_space<hbm>>
    %dma_start3A_291 = arith.constant 0 : i32
    %dma_start3A_292 = arith.constant 0 : i32
    %dma_start3A_293 = tpu.memref_slice %arg12[%dma_start3A_284, %dma_start3A_291, %dma_start3A_292] : memref<16x8x128xf32, #tpu.memory_space<vmem>> -> memref<1x8x128xf32, #tpu.memory_space<vmem>>
    %dma_start3A_294 = tpu.memref_squeeze %dma_start3A_293 : memref<1x8x128xf32, #tpu.memory_space<vmem>> -> memref<8x128xf32, #tpu.memory_space<vmem>>
    %dma_start3A_295 = arith.constant 0 : i32
    %dma_start3A_296 = tpu.memref_slice %arg5[%dma_start3A_295, %multiple_of3A_280] : memref<16x1000000xf32, #tpu.memory_space<hbm>> -> memref<8x128xf32, #tpu.memory_space<hbm>>
    tpu.enqueue_dma source(%dma_start3A_296 : memref<8x128xf32, #tpu.memory_space<hbm>>) target(%dma_start3A_294 : memref<8x128xf32, #tpu.memory_space<vmem>>) target_semaphore(%arg20 : memref<!tpu.dma_semaphore, #tpu.memory_space<semaphore_mem>>)
    %dma_start3A_297 = arith.constant 8 : i32
    %dma_start3A_298 = arith.constant 0 : i32
    %dma_start3A_299 = arith.constant 0 : i32
    %dma_start3A_300 = tpu.memref_slice %arg13[%dma_start3A_297, %dma_start3A_298, %dma_start3A_299] : memref<16x8x128xf32, #tpu.memory_space<vmem>> -> memref<1x8x128xf32, #tpu.memory_space<vmem>>
    %dma_start3A_301 = tpu.memref_squeeze %dma_start3A_300 : memref<1x8x128xf32, #tpu.memory_space<vmem>> -> memref<8x128xf32, #tpu.memory_space<vmem>>
    %dma_start3A_302 = arith.constant 0 : i32
    %dma_start3A_303 = tpu.memref_slice %arg6[%dma_start3A_302, %multiple_of3A_283] : memref<16x1000000xf32, #tpu.memory_space<hbm>> -> memref<8x128xf32, #tpu.memory_space<hbm>>
    %dma_start3A_304 = arith.constant 0 : i32
    %dma_start3A_305 = arith.constant 0 : i32
    %dma_start3A_306 = tpu.memref_slice %arg13[%dma_start3A_297, %dma_start3A_304, %dma_start3A_305] : memref<16x8x128xf32, #tpu.memory_space<vmem>> -> memref<1x8x128xf32, #tpu.memory_space<vmem>>
    %dma_start3A_307 = tpu.memref_squeeze %dma_start3A_306 : memref<1x8x128xf32, #tpu.memory_space<vmem>> -> memref<8x128xf32, #tpu.memory_space<vmem>>
    %dma_start3A_308 = arith.constant 0 : i32
    %dma_start3A_309 = tpu.memref_slice %arg6[%dma_start3A_308, %multiple_of3A_283] : memref<16x1000000xf32, #tpu.memory_space<hbm>> -> memref<8x128xf32, #tpu.memory_space<hbm>>
    tpu.enqueue_dma source(%dma_start3A_309 : memref<8x128xf32, #tpu.memory_space<hbm>>) target(%dma_start3A_307 : memref<8x128xf32, #tpu.memory_space<vmem>>) target_semaphore(%arg20 : memref<!tpu.dma_semaphore, #tpu.memory_space<semaphore_mem>>)
    %slice3A_310 = vector.extract_strided_slice %mul3A_18 {offsets = [9], sizes = [1], strides = [1]} : vector<16xi32> to vector<1xi32>
    %squeeze3A_311 = vector.extract %slice3A_310[0] : i32 from vector<1xi32>
    %multiple_of3A_312 = tpu.assume_multiple %squeeze3A_311, 128 : i32
    %slice3A_313 = vector.extract_strided_slice %mul3A_24 {offsets = [9], sizes = [1], strides = [1]} : vector<16xi32> to vector<1xi32>
    %squeeze3A_314 = vector.extract %slice3A_313[0] : i32 from vector<1xi32>
    %multiple_of3A_315 = tpu.assume_multiple %squeeze3A_314, 128 : i32
    %dma_start3A_316 = arith.constant 9 : i32
    %dma_start3A_317 = arith.constant 0 : i32
    %dma_start3A_318 = arith.constant 0 : i32
    %dma_start3A_319 = tpu.memref_slice %arg12[%dma_start3A_316, %dma_start3A_317, %dma_start3A_318] : memref<16x8x128xf32, #tpu.memory_space<vmem>> -> memref<1x8x128xf32, #tpu.memory_space<vmem>>
    %dma_start3A_320 = tpu.memref_squeeze %dma_start3A_319 : memref<1x8x128xf32, #tpu.memory_space<vmem>> -> memref<8x128xf32, #tpu.memory_space<vmem>>
    %dma_start3A_321 = arith.constant 0 : i32
    %dma_start3A_322 = tpu.memref_slice %arg5[%dma_start3A_321, %multiple_of3A_312] : memref<16x1000000xf32, #tpu.memory_space<hbm>> -> memref<8x128xf32, #tpu.memory_space<hbm>>
    %dma_start3A_323 = arith.constant 0 : i32
    %dma_start3A_324 = arith.constant 0 : i32
    %dma_start3A_325 = tpu.memref_slice %arg12[%dma_start3A_316, %dma_start3A_323, %dma_start3A_324] : memref<16x8x128xf32, #tpu.memory_space<vmem>> -> memref<1x8x128xf32, #tpu.memory_space<vmem>>
    %dma_start3A_326 = tpu.memref_squeeze %dma_start3A_325 : memref<1x8x128xf32, #tpu.memory_space<vmem>> -> memref<8x128xf32, #tpu.memory_space<vmem>>
    %dma_start3A_327 = arith.constant 0 : i32
    %dma_start3A_328 = tpu.memref_slice %arg5[%dma_start3A_327, %multiple_of3A_312] : memref<16x1000000xf32, #tpu.memory_space<hbm>> -> memref<8x128xf32, #tpu.memory_space<hbm>>
    tpu.enqueue_dma source(%dma_start3A_328 : memref<8x128xf32, #tpu.memory_space<hbm>>) target(%dma_start3A_326 : memref<8x128xf32, #tpu.memory_space<vmem>>) target_semaphore(%arg20 : memref<!tpu.dma_semaphore, #tpu.memory_space<semaphore_mem>>)
    %dma_start3A_329 = arith.constant 9 : i32
    %dma_start3A_330 = arith.constant 0 : i32
    %dma_start3A_331 = arith.constant 0 : i32
    %dma_start3A_332 = tpu.memref_slice %arg13[%dma_start3A_329, %dma_start3A_330, %dma_start3A_331] : memref<16x8x128xf32, #tpu.memory_space<vmem>> -> memref<1x8x128xf32, #tpu.memory_space<vmem>>
    %dma_start3A_333 = tpu.memref_squeeze %dma_start3A_332 : memref<1x8x128xf32, #tpu.memory_space<vmem>> -> memref<8x128xf32, #tpu.memory_space<vmem>>
    %dma_start3A_334 = arith.constant 0 : i32
    %dma_start3A_335 = tpu.memref_slice %arg6[%dma_start3A_334, %multiple_of3A_315] : memref<16x1000000xf32, #tpu.memory_space<hbm>> -> memref<8x128xf32, #tpu.memory_space<hbm>>
    %dma_start3A_336 = arith.constant 0 : i32
    %dma_start3A_337 = arith.constant 0 : i32
    %dma_start3A_338 = tpu.memref_slice %arg13[%dma_start3A_329, %dma_start3A_336, %dma_start3A_337] : memref<16x8x128xf32, #tpu.memory_space<vmem>> -> memref<1x8x128xf32, #tpu.memory_space<vmem>>
    %dma_start3A_339 = tpu.memref_squeeze %dma_start3A_338 : memref<1x8x128xf32, #tpu.memory_space<vmem>> -> memref<8x128xf32, #tpu.memory_space<vmem>>
    %dma_start3A_340 = arith.constant 0 : i32
    %dma_start3A_341 = tpu.memref_slice %arg6[%dma_start3A_340, %multiple_of3A_315] : memref<16x1000000xf32, #tpu.memory_space<hbm>> -> memref<8x128xf32, #tpu.memory_space<hbm>>
    tpu.enqueue_dma source(%dma_start3A_341 : memref<8x128xf32, #tpu.memory_space<hbm>>) target(%dma_start3A_339 : memref<8x128xf32, #tpu.memory_space<vmem>>) target_semaphore(%arg20 : memref<!tpu.dma_semaphore, #tpu.memory_space<semaphore_mem>>)
    %slice3A_342 = vector.extract_strided_slice %mul3A_18 {offsets = [10], sizes = [1], strides = [1]} : vector<16xi32> to vector<1xi32>
    %squeeze3A_343 = vector.extract %slice3A_342[0] : i32 from vector<1xi32>
    %multiple_of3A_344 = tpu.assume_multiple %squeeze3A_343, 128 : i32
    %slice3A_345 = vector.extract_strided_slice %mul3A_24 {offsets = [10], sizes = [1], strides = [1]} : vector<16xi32> to vector<1xi32>
    %squeeze3A_346 = vector.extract %slice3A_345[0] : i32 from vector<1xi32>
    %multiple_of3A_347 = tpu.assume_multiple %squeeze3A_346, 128 : i32
    %dma_start3A_348 = arith.constant 10 : i32
    %dma_start3A_349 = arith.constant 0 : i32
    %dma_start3A_350 = arith.constant 0 : i32
    %dma_start3A_351 = tpu.memref_slice %arg12[%dma_start3A_348, %dma_start3A_349, %dma_start3A_350] : memref<16x8x128xf32, #tpu.memory_space<vmem>> -> memref<1x8x128xf32, #tpu.memory_space<vmem>>
    %dma_start3A_352 = tpu.memref_squeeze %dma_start3A_351 : memref<1x8x128xf32, #tpu.memory_space<vmem>> -> memref<8x128xf32, #tpu.memory_space<vmem>>
    %dma_start3A_353 = arith.constant 0 : i32
    %dma_start3A_354 = tpu.memref_slice %arg5[%dma_start3A_353, %multiple_of3A_344] : memref<16x1000000xf32, #tpu.memory_space<hbm>> -> memref<8x128xf32, #tpu.memory_space<hbm>>
    %dma_start3A_355 = arith.constant 0 : i32
    %dma_start3A_356 = arith.constant 0 : i32
    %dma_start3A_357 = tpu.memref_slice %arg12[%dma_start3A_348, %dma_start3A_355, %dma_start3A_356] : memref<16x8x128xf32, #tpu.memory_space<vmem>> -> memref<1x8x128xf32, #tpu.memory_space<vmem>>
    %dma_start3A_358 = tpu.memref_squeeze %dma_start3A_357 : memref<1x8x128xf32, #tpu.memory_space<vmem>> -> memref<8x128xf32, #tpu.memory_space<vmem>>
    %dma_start3A_359 = arith.constant 0 : i32
    %dma_start3A_360 = tpu.memref_slice %arg5[%dma_start3A_359, %multiple_of3A_344] : memref<16x1000000xf32, #tpu.memory_space<hbm>> -> memref<8x128xf32, #tpu.memory_space<hbm>>
    tpu.enqueue_dma source(%dma_start3A_360 : memref<8x128xf32, #tpu.memory_space<hbm>>) target(%dma_start3A_358 : memref<8x128xf32, #tpu.memory_space<vmem>>) target_semaphore(%arg20 : memref<!tpu.dma_semaphore, #tpu.memory_space<semaphore_mem>>)
    %dma_start3A_361 = arith.constant 10 : i32
    %dma_start3A_362 = arith.constant 0 : i32
    %dma_start3A_363 = arith.constant 0 : i32
    %dma_start3A_364 = tpu.memref_slice %arg13[%dma_start3A_361, %dma_start3A_362, %dma_start3A_363] : memref<16x8x128xf32, #tpu.memory_space<vmem>> -> memref<1x8x128xf32, #tpu.memory_space<vmem>>
    %dma_start3A_365 = tpu.memref_squeeze %dma_start3A_364 : memref<1x8x128xf32, #tpu.memory_space<vmem>> -> memref<8x128xf32, #tpu.memory_space<vmem>>
    %dma_start3A_366 = arith.constant 0 : i32
    %dma_start3A_367 = tpu.memref_slice %arg6[%dma_start3A_366, %multiple_of3A_347] : memref<16x1000000xf32, #tpu.memory_space<hbm>> -> memref<8x128xf32, #tpu.memory_space<hbm>>
    %dma_start3A_368 = arith.constant 0 : i32
    %dma_start3A_369 = arith.constant 0 : i32
    %dma_start3A_370 = tpu.memref_slice %arg13[%dma_start3A_361, %dma_start3A_368, %dma_start3A_369] : memref<16x8x128xf32, #tpu.memory_space<vmem>> -> memref<1x8x128xf32, #tpu.memory_space<vmem>>
    %dma_start3A_371 = tpu.memref_squeeze %dma_start3A_370 : memref<1x8x128xf32, #tpu.memory_space<vmem>> -> memref<8x128xf32, #tpu.memory_space<vmem>>
    %dma_start3A_372 = arith.constant 0 : i32
    %dma_start3A_373 = tpu.memref_slice %arg6[%dma_start3A_372, %multiple_of3A_347] : memref<16x1000000xf32, #tpu.memory_space<hbm>> -> memref<8x128xf32, #tpu.memory_space<hbm>>
    tpu.enqueue_dma source(%dma_start3A_373 : memref<8x128xf32, #tpu.memory_space<hbm>>) target(%dma_start3A_371 : memref<8x128xf32, #tpu.memory_space<vmem>>) target_semaphore(%arg20 : memref<!tpu.dma_semaphore, #tpu.memory_space<semaphore_mem>>)
    %slice3A_374 = vector.extract_strided_slice %mul3A_18 {offsets = [11], sizes = [1], strides = [1]} : vector<16xi32> to vector<1xi32>
    %squeeze3A_375 = vector.extract %slice3A_374[0] : i32 from vector<1xi32>
    %multiple_of3A_376 = tpu.assume_multiple %squeeze3A_375, 128 : i32
    %slice3A_377 = vector.extract_strided_slice %mul3A_24 {offsets = [11], sizes = [1], strides = [1]} : vector<16xi32> to vector<1xi32>
    %squeeze3A_378 = vector.extract %slice3A_377[0] : i32 from vector<1xi32>
    %multiple_of3A_379 = tpu.assume_multiple %squeeze3A_378, 128 : i32
    %dma_start3A_380 = arith.constant 11 : i32
    %dma_start3A_381 = arith.constant 0 : i32
    %dma_start3A_382 = arith.constant 0 : i32
    %dma_start3A_383 = tpu.memref_slice %arg12[%dma_start3A_380, %dma_start3A_381, %dma_start3A_382] : memref<16x8x128xf32, #tpu.memory_space<vmem>> -> memref<1x8x128xf32, #tpu.memory_space<vmem>>
    %dma_start3A_384 = tpu.memref_squeeze %dma_start3A_383 : memref<1x8x128xf32, #tpu.memory_space<vmem>> -> memref<8x128xf32, #tpu.memory_space<vmem>>
    %dma_start3A_385 = arith.constant 0 : i32
    %dma_start3A_386 = tpu.memref_slice %arg5[%dma_start3A_385, %multiple_of3A_376] : memref<16x1000000xf32, #tpu.memory_space<hbm>> -> memref<8x128xf32, #tpu.memory_space<hbm>>
    %dma_start3A_387 = arith.constant 0 : i32
    %dma_start3A_388 = arith.constant 0 : i32
    %dma_start3A_389 = tpu.memref_slice %arg12[%dma_start3A_380, %dma_start3A_387, %dma_start3A_388] : memref<16x8x128xf32, #tpu.memory_space<vmem>> -> memref<1x8x128xf32, #tpu.memory_space<vmem>>
    %dma_start3A_390 = tpu.memref_squeeze %dma_start3A_389 : memref<1x8x128xf32, #tpu.memory_space<vmem>> -> memref<8x128xf32, #tpu.memory_space<vmem>>
    %dma_start3A_391 = arith.constant 0 : i32
    %dma_start3A_392 = tpu.memref_slice %arg5[%dma_start3A_391, %multiple_of3A_376] : memref<16x1000000xf32, #tpu.memory_space<hbm>> -> memref<8x128xf32, #tpu.memory_space<hbm>>
    tpu.enqueue_dma source(%dma_start3A_392 : memref<8x128xf32, #tpu.memory_space<hbm>>) target(%dma_start3A_390 : memref<8x128xf32, #tpu.memory_space<vmem>>) target_semaphore(%arg20 : memref<!tpu.dma_semaphore, #tpu.memory_space<semaphore_mem>>)
    %dma_start3A_393 = arith.constant 11 : i32
    %dma_start3A_394 = arith.constant 0 : i32
    %dma_start3A_395 = arith.constant 0 : i32
    %dma_start3A_396 = tpu.memref_slice %arg13[%dma_start3A_393, %dma_start3A_394, %dma_start3A_395] : memref<16x8x128xf32, #tpu.memory_space<vmem>> -> memref<1x8x128xf32, #tpu.memory_space<vmem>>
    %dma_start3A_397 = tpu.memref_squeeze %dma_start3A_396 : memref<1x8x128xf32, #tpu.memory_space<vmem>> -> memref<8x128xf32, #tpu.memory_space<vmem>>
    %dma_start3A_398 = arith.constant 0 : i32
    %dma_start3A_399 = tpu.memref_slice %arg6[%dma_start3A_398, %multiple_of3A_379] : memref<16x1000000xf32, #tpu.memory_space<hbm>> -> memref<8x128xf32, #tpu.memory_space<hbm>>
    %dma_start3A_400 = arith.constant 0 : i32
    %dma_start3A_401 = arith.constant 0 : i32
    %dma_start3A_402 = tpu.memref_slice %arg13[%dma_start3A_393, %dma_start3A_400, %dma_start3A_401] : memref<16x8x128xf32, #tpu.memory_space<vmem>> -> memref<1x8x128xf32, #tpu.memory_space<vmem>>
    %dma_start3A_403 = tpu.memref_squeeze %dma_start3A_402 : memref<1x8x128xf32, #tpu.memory_space<vmem>> -> memref<8x128xf32, #tpu.memory_space<vmem>>
    %dma_start3A_404 = arith.constant 0 : i32
    %dma_start3A_405 = tpu.memref_slice %arg6[%dma_start3A_404, %multiple_of3A_379] : memref<16x1000000xf32, #tpu.memory_space<hbm>> -> memref<8x128xf32, #tpu.memory_space<hbm>>
    tpu.enqueue_dma source(%dma_start3A_405 : memref<8x128xf32, #tpu.memory_space<hbm>>) target(%dma_start3A_403 : memref<8x128xf32, #tpu.memory_space<vmem>>) target_semaphore(%arg20 : memref<!tpu.dma_semaphore, #tpu.memory_space<semaphore_mem>>)
    %slice3A_406 = vector.extract_strided_slice %mul3A_18 {offsets = [12], sizes = [1], strides = [1]} : vector<16xi32> to vector<1xi32>
    %squeeze3A_407 = vector.extract %slice3A_406[0] : i32 from vector<1xi32>
    %multiple_of3A_408 = tpu.assume_multiple %squeeze3A_407, 128 : i32
    %slice3A_409 = vector.extract_strided_slice %mul3A_24 {offsets = [12], sizes = [1], strides = [1]} : vector<16xi32> to vector<1xi32>
    %squeeze3A_410 = vector.extract %slice3A_409[0] : i32 from vector<1xi32>
    %multiple_of3A_411 = tpu.assume_multiple %squeeze3A_410, 128 : i32
    %dma_start3A_412 = arith.constant 12 : i32
    %dma_start3A_413 = arith.constant 0 : i32
    %dma_start3A_414 = arith.constant 0 : i32
    %dma_start3A_415 = tpu.memref_slice %arg12[%dma_start3A_412, %dma_start3A_413, %dma_start3A_414] : memref<16x8x128xf32, #tpu.memory_space<vmem>> -> memref<1x8x128xf32, #tpu.memory_space<vmem>>
    %dma_start3A_416 = tpu.memref_squeeze %dma_start3A_415 : memref<1x8x128xf32, #tpu.memory_space<vmem>> -> memref<8x128xf32, #tpu.memory_space<vmem>>
    %dma_start3A_417 = arith.constant 0 : i32
    %dma_start3A_418 = tpu.memref_slice %arg5[%dma_start3A_417, %multiple_of3A_408] : memref<16x1000000xf32, #tpu.memory_space<hbm>> -> memref<8x128xf32, #tpu.memory_space<hbm>>
    %dma_start3A_419 = arith.constant 0 : i32
    %dma_start3A_420 = arith.constant 0 : i32
    %dma_start3A_421 = tpu.memref_slice %arg12[%dma_start3A_412, %dma_start3A_419, %dma_start3A_420] : memref<16x8x128xf32, #tpu.memory_space<vmem>> -> memref<1x8x128xf32, #tpu.memory_space<vmem>>
    %dma_start3A_422 = tpu.memref_squeeze %dma_start3A_421 : memref<1x8x128xf32, #tpu.memory_space<vmem>> -> memref<8x128xf32, #tpu.memory_space<vmem>>
    %dma_start3A_423 = arith.constant 0 : i32
    %dma_start3A_424 = tpu.memref_slice %arg5[%dma_start3A_423, %multiple_of3A_408] : memref<16x1000000xf32, #tpu.memory_space<hbm>> -> memref<8x128xf32, #tpu.memory_space<hbm>>
    tpu.enqueue_dma source(%dma_start3A_424 : memref<8x128xf32, #tpu.memory_space<hbm>>) target(%dma_start3A_422 : memref<8x128xf32, #tpu.memory_space<vmem>>) target_semaphore(%arg20 : memref<!tpu.dma_semaphore, #tpu.memory_space<semaphore_mem>>)
    %dma_start3A_425 = arith.constant 12 : i32
    %dma_start3A_426 = arith.constant 0 : i32
    %dma_start3A_427 = arith.constant 0 : i32
    %dma_start3A_428 = tpu.memref_slice %arg13[%dma_start3A_425, %dma_start3A_426, %dma_start3A_427] : memref<16x8x128xf32, #tpu.memory_space<vmem>> -> memref<1x8x128xf32, #tpu.memory_space<vmem>>
    %dma_start3A_429 = tpu.memref_squeeze %dma_start3A_428 : memref<1x8x128xf32, #tpu.memory_space<vmem>> -> memref<8x128xf32, #tpu.memory_space<vmem>>
    %dma_start3A_430 = arith.constant 0 : i32
    %dma_start3A_431 = tpu.memref_slice %arg6[%dma_start3A_430, %multiple_of3A_411] : memref<16x1000000xf32, #tpu.memory_space<hbm>> -> memref<8x128xf32, #tpu.memory_space<hbm>>
    %dma_start3A_432 = arith.constant 0 : i32
    %dma_start3A_433 = arith.constant 0 : i32
    %dma_start3A_434 = tpu.memref_slice %arg13[%dma_start3A_425, %dma_start3A_432, %dma_start3A_433] : memref<16x8x128xf32, #tpu.memory_space<vmem>> -> memref<1x8x128xf32, #tpu.memory_space<vmem>>
    %dma_start3A_435 = tpu.memref_squeeze %dma_start3A_434 : memref<1x8x128xf32, #tpu.memory_space<vmem>> -> memref<8x128xf32, #tpu.memory_space<vmem>>
    %dma_start3A_436 = arith.constant 0 : i32
    %dma_start3A_437 = tpu.memref_slice %arg6[%dma_start3A_436, %multiple_of3A_411] : memref<16x1000000xf32, #tpu.memory_space<hbm>> -> memref<8x128xf32, #tpu.memory_space<hbm>>
    tpu.enqueue_dma source(%dma_start3A_437 : memref<8x128xf32, #tpu.memory_space<hbm>>) target(%dma_start3A_435 : memref<8x128xf32, #tpu.memory_space<vmem>>) target_semaphore(%arg20 : memref<!tpu.dma_semaphore, #tpu.memory_space<semaphore_mem>>)
    %slice3A_438 = vector.extract_strided_slice %mul3A_18 {offsets = [13], sizes = [1], strides = [1]} : vector<16xi32> to vector<1xi32>
    %squeeze3A_439 = vector.extract %slice3A_438[0] : i32 from vector<1xi32>
    %multiple_of3A_440 = tpu.assume_multiple %squeeze3A_439, 128 : i32
    %slice3A_441 = vector.extract_strided_slice %mul3A_24 {offsets = [13], sizes = [1], strides = [1]} : vector<16xi32> to vector<1xi32>
    %squeeze3A_442 = vector.extract %slice3A_441[0] : i32 from vector<1xi32>
    %multiple_of3A_443 = tpu.assume_multiple %squeeze3A_442, 128 : i32
    %dma_start3A_444 = arith.constant 13 : i32
    %dma_start3A_445 = arith.constant 0 : i32
    %dma_start3A_446 = arith.constant 0 : i32
    %dma_start3A_447 = tpu.memref_slice %arg12[%dma_start3A_444, %dma_start3A_445, %dma_start3A_446] : memref<16x8x128xf32, #tpu.memory_space<vmem>> -> memref<1x8x128xf32, #tpu.memory_space<vmem>>
    %dma_start3A_448 = tpu.memref_squeeze %dma_start3A_447 : memref<1x8x128xf32, #tpu.memory_space<vmem>> -> memref<8x128xf32, #tpu.memory_space<vmem>>
    %dma_start3A_449 = arith.constant 0 : i32
    %dma_start3A_450 = tpu.memref_slice %arg5[%dma_start3A_449, %multiple_of3A_440] : memref<16x1000000xf32, #tpu.memory_space<hbm>> -> memref<8x128xf32, #tpu.memory_space<hbm>>
    %dma_start3A_451 = arith.constant 0 : i32
    %dma_start3A_452 = arith.constant 0 : i32
    %dma_start3A_453 = tpu.memref_slice %arg12[%dma_start3A_444, %dma_start3A_451, %dma_start3A_452] : memref<16x8x128xf32, #tpu.memory_space<vmem>> -> memref<1x8x128xf32, #tpu.memory_space<vmem>>
    %dma_start3A_454 = tpu.memref_squeeze %dma_start3A_453 : memref<1x8x128xf32, #tpu.memory_space<vmem>> -> memref<8x128xf32, #tpu.memory_space<vmem>>
    %dma_start3A_455 = arith.constant 0 : i32
    %dma_start3A_456 = tpu.memref_slice %arg5[%dma_start3A_455, %multiple_of3A_440] : memref<16x1000000xf32, #tpu.memory_space<hbm>> -> memref<8x128xf32, #tpu.memory_space<hbm>>
    tpu.enqueue_dma source(%dma_start3A_456 : memref<8x128xf32, #tpu.memory_space<hbm>>) target(%dma_start3A_454 : memref<8x128xf32, #tpu.memory_space<vmem>>) target_semaphore(%arg20 : memref<!tpu.dma_semaphore, #tpu.memory_space<semaphore_mem>>)
    %dma_start3A_457 = arith.constant 13 : i32
    %dma_start3A_458 = arith.constant 0 : i32
    %dma_start3A_459 = arith.constant 0 : i32
    %dma_start3A_460 = tpu.memref_slice %arg13[%dma_start3A_457, %dma_start3A_458, %dma_start3A_459] : memref<16x8x128xf32, #tpu.memory_space<vmem>> -> memref<1x8x128xf32, #tpu.memory_space<vmem>>
    %dma_start3A_461 = tpu.memref_squeeze %dma_start3A_460 : memref<1x8x128xf32, #tpu.memory_space<vmem>> -> memref<8x128xf32, #tpu.memory_space<vmem>>
    %dma_start3A_462 = arith.constant 0 : i32
    %dma_start3A_463 = tpu.memref_slice %arg6[%dma_start3A_462, %multiple_of3A_443] : memref<16x1000000xf32, #tpu.memory_space<hbm>> -> memref<8x128xf32, #tpu.memory_space<hbm>>
    %dma_start3A_464 = arith.constant 0 : i32
    %dma_start3A_465 = arith.constant 0 : i32
    %dma_start3A_466 = tpu.memref_slice %arg13[%dma_start3A_457, %dma_start3A_464, %dma_start3A_465] : memref<16x8x128xf32, #tpu.memory_space<vmem>> -> memref<1x8x128xf32, #tpu.memory_space<vmem>>
    %dma_start3A_467 = tpu.memref_squeeze %dma_start3A_466 : memref<1x8x128xf32, #tpu.memory_space<vmem>> -> memref<8x128xf32, #tpu.memory_space<vmem>>
    %dma_start3A_468 = arith.constant 0 : i32
    %dma_start3A_469 = tpu.memref_slice %arg6[%dma_start3A_468, %multiple_of3A_443] : memref<16x1000000xf32, #tpu.memory_space<hbm>> -> memref<8x128xf32, #tpu.memory_space<hbm>>
    tpu.enqueue_dma source(%dma_start3A_469 : memref<8x128xf32, #tpu.memory_space<hbm>>) target(%dma_start3A_467 : memref<8x128xf32, #tpu.memory_space<vmem>>) target_semaphore(%arg20 : memref<!tpu.dma_semaphore, #tpu.memory_space<semaphore_mem>>)
    %slice3A_470 = vector.extract_strided_slice %mul3A_18 {offsets = [14], sizes = [1], strides = [1]} : vector<16xi32> to vector<1xi32>
    %squeeze3A_471 = vector.extract %slice3A_470[0] : i32 from vector<1xi32>
    %multiple_of3A_472 = tpu.assume_multiple %squeeze3A_471, 128 : i32
    %slice3A_473 = vector.extract_strided_slice %mul3A_24 {offsets = [14], sizes = [1], strides = [1]} : vector<16xi32> to vector<1xi32>
    %squeeze3A_474 = vector.extract %slice3A_473[0] : i32 from vector<1xi32>
    %multiple_of3A_475 = tpu.assume_multiple %squeeze3A_474, 128 : i32
    %dma_start3A_476 = arith.constant 14 : i32
    %dma_start3A_477 = arith.constant 0 : i32
    %dma_start3A_478 = arith.constant 0 : i32
    %dma_start3A_479 = tpu.memref_slice %arg12[%dma_start3A_476, %dma_start3A_477, %dma_start3A_478] : memref<16x8x128xf32, #tpu.memory_space<vmem>> -> memref<1x8x128xf32, #tpu.memory_space<vmem>>
    %dma_start3A_480 = tpu.memref_squeeze %dma_start3A_479 : memref<1x8x128xf32, #tpu.memory_space<vmem>> -> memref<8x128xf32, #tpu.memory_space<vmem>>
    %dma_start3A_481 = arith.constant 0 : i32
    %dma_start3A_482 = tpu.memref_slice %arg5[%dma_start3A_481, %multiple_of3A_472] : memref<16x1000000xf32, #tpu.memory_space<hbm>> -> memref<8x128xf32, #tpu.memory_space<hbm>>
    %dma_start3A_483 = arith.constant 0 : i32
    %dma_start3A_484 = arith.constant 0 : i32
    %dma_start3A_485 = tpu.memref_slice %arg12[%dma_start3A_476, %dma_start3A_483, %dma_start3A_484] : memref<16x8x128xf32, #tpu.memory_space<vmem>> -> memref<1x8x128xf32, #tpu.memory_space<vmem>>
    %dma_start3A_486 = tpu.memref_squeeze %dma_start3A_485 : memref<1x8x128xf32, #tpu.memory_space<vmem>> -> memref<8x128xf32, #tpu.memory_space<vmem>>
    %dma_start3A_487 = arith.constant 0 : i32
    %dma_start3A_488 = tpu.memref_slice %arg5[%dma_start3A_487, %multiple_of3A_472] : memref<16x1000000xf32, #tpu.memory_space<hbm>> -> memref<8x128xf32, #tpu.memory_space<hbm>>
    tpu.enqueue_dma source(%dma_start3A_488 : memref<8x128xf32, #tpu.memory_space<hbm>>) target(%dma_start3A_486 : memref<8x128xf32, #tpu.memory_space<vmem>>) target_semaphore(%arg20 : memref<!tpu.dma_semaphore, #tpu.memory_space<semaphore_mem>>)
    %dma_start3A_489 = arith.constant 14 : i32
    %dma_start3A_490 = arith.constant 0 : i32
    %dma_start3A_491 = arith.constant 0 : i32
    %dma_start3A_492 = tpu.memref_slice %arg13[%dma_start3A_489, %dma_start3A_490, %dma_start3A_491] : memref<16x8x128xf32, #tpu.memory_space<vmem>> -> memref<1x8x128xf32, #tpu.memory_space<vmem>>
    %dma_start3A_493 = tpu.memref_squeeze %dma_start3A_492 : memref<1x8x128xf32, #tpu.memory_space<vmem>> -> memref<8x128xf32, #tpu.memory_space<vmem>>
    %dma_start3A_494 = arith.constant 0 : i32
    %dma_start3A_495 = tpu.memref_slice %arg6[%dma_start3A_494, %multiple_of3A_475] : memref<16x1000000xf32, #tpu.memory_space<hbm>> -> memref<8x128xf32, #tpu.memory_space<hbm>>
    %dma_start3A_496 = arith.constant 0 : i32
    %dma_start3A_497 = arith.constant 0 : i32
    %dma_start3A_498 = tpu.memref_slice %arg13[%dma_start3A_489, %dma_start3A_496, %dma_start3A_497] : memref<16x8x128xf32, #tpu.memory_space<vmem>> -> memref<1x8x128xf32, #tpu.memory_space<vmem>>
    %dma_start3A_499 = tpu.memref_squeeze %dma_start3A_498 : memref<1x8x128xf32, #tpu.memory_space<vmem>> -> memref<8x128xf32, #tpu.memory_space<vmem>>
    %dma_start3A_500 = arith.constant 0 : i32
    %dma_start3A_501 = tpu.memref_slice %arg6[%dma_start3A_500, %multiple_of3A_475] : memref<16x1000000xf32, #tpu.memory_space<hbm>> -> memref<8x128xf32, #tpu.memory_space<hbm>>
    tpu.enqueue_dma source(%dma_start3A_501 : memref<8x128xf32, #tpu.memory_space<hbm>>) target(%dma_start3A_499 : memref<8x128xf32, #tpu.memory_space<vmem>>) target_semaphore(%arg20 : memref<!tpu.dma_semaphore, #tpu.memory_space<semaphore_mem>>)
    %slice3A_502 = vector.extract_strided_slice %mul3A_18 {offsets = [15], sizes = [1], strides = [1]} : vector<16xi32> to vector<1xi32>
    %squeeze3A_503 = vector.extract %slice3A_502[0] : i32 from vector<1xi32>
    %multiple_of3A_504 = tpu.assume_multiple %squeeze3A_503, 128 : i32
    %slice3A_505 = vector.extract_strided_slice %mul3A_24 {offsets = [15], sizes = [1], strides = [1]} : vector<16xi32> to vector<1xi32>
    %squeeze3A_506 = vector.extract %slice3A_505[0] : i32 from vector<1xi32>
    %multiple_of3A_507 = tpu.assume_multiple %squeeze3A_506, 128 : i32
    %dma_start3A_508 = arith.constant 15 : i32
    %dma_start3A_509 = arith.constant 0 : i32
    %dma_start3A_510 = arith.constant 0 : i32
    %dma_start3A_511 = tpu.memref_slice %arg12[%dma_start3A_508, %dma_start3A_509, %dma_start3A_510] : memref<16x8x128xf32, #tpu.memory_space<vmem>> -> memref<1x8x128xf32, #tpu.memory_space<vmem>>
    %dma_start3A_512 = tpu.memref_squeeze %dma_start3A_511 : memref<1x8x128xf32, #tpu.memory_space<vmem>> -> memref<8x128xf32, #tpu.memory_space<vmem>>
    %dma_start3A_513 = arith.constant 0 : i32
    %dma_start3A_514 = tpu.memref_slice %arg5[%dma_start3A_513, %multiple_of3A_504] : memref<16x1000000xf32, #tpu.memory_space<hbm>> -> memref<8x128xf32, #tpu.memory_space<hbm>>
    %dma_start3A_515 = arith.constant 0 : i32
    %dma_start3A_516 = arith.constant 0 : i32
    %dma_start3A_517 = tpu.memref_slice %arg12[%dma_start3A_508, %dma_start3A_515, %dma_start3A_516] : memref<16x8x128xf32, #tpu.memory_space<vmem>> -> memref<1x8x128xf32, #tpu.memory_space<vmem>>
    %dma_start3A_518 = tpu.memref_squeeze %dma_start3A_517 : memref<1x8x128xf32, #tpu.memory_space<vmem>> -> memref<8x128xf32, #tpu.memory_space<vmem>>
    %dma_start3A_519 = arith.constant 0 : i32
    %dma_start3A_520 = tpu.memref_slice %arg5[%dma_start3A_519, %multiple_of3A_504] : memref<16x1000000xf32, #tpu.memory_space<hbm>> -> memref<8x128xf32, #tpu.memory_space<hbm>>
    tpu.enqueue_dma source(%dma_start3A_520 : memref<8x128xf32, #tpu.memory_space<hbm>>) target(%dma_start3A_518 : memref<8x128xf32, #tpu.memory_space<vmem>>) target_semaphore(%arg20 : memref<!tpu.dma_semaphore, #tpu.memory_space<semaphore_mem>>)
    %dma_start3A_521 = arith.constant 15 : i32
    %dma_start3A_522 = arith.constant 0 : i32
    %dma_start3A_523 = arith.constant 0 : i32
    %dma_start3A_524 = tpu.memref_slice %arg13[%dma_start3A_521, %dma_start3A_522, %dma_start3A_523] : memref<16x8x128xf32, #tpu.memory_space<vmem>> -> memref<1x8x128xf32, #tpu.memory_space<vmem>>
    %dma_start3A_525 = tpu.memref_squeeze %dma_start3A_524 : memref<1x8x128xf32, #tpu.memory_space<vmem>> -> memref<8x128xf32, #tpu.memory_space<vmem>>
    %dma_start3A_526 = arith.constant 0 : i32
    %dma_start3A_527 = tpu.memref_slice %arg6[%dma_start3A_526, %multiple_of3A_507] : memref<16x1000000xf32, #tpu.memory_space<hbm>> -> memref<8x128xf32, #tpu.memory_space<hbm>>
    %dma_start3A_528 = arith.constant 0 : i32
    %dma_start3A_529 = arith.constant 0 : i32
    %dma_start3A_530 = tpu.memref_slice %arg13[%dma_start3A_521, %dma_start3A_528, %dma_start3A_529] : memref<16x8x128xf32, #tpu.memory_space<vmem>> -> memref<1x8x128xf32, #tpu.memory_space<vmem>>
    %dma_start3A_531 = tpu.memref_squeeze %dma_start3A_530 : memref<1x8x128xf32, #tpu.memory_space<vmem>> -> memref<8x128xf32, #tpu.memory_space<vmem>>
    %dma_start3A_532 = arith.constant 0 : i32
    %dma_start3A_533 = tpu.memref_slice %arg6[%dma_start3A_532, %multiple_of3A_507] : memref<16x1000000xf32, #tpu.memory_space<hbm>> -> memref<8x128xf32, #tpu.memory_space<hbm>>
    tpu.enqueue_dma source(%dma_start3A_533 : memref<8x128xf32, #tpu.memory_space<hbm>>) target(%dma_start3A_531 : memref<8x128xf32, #tpu.memory_space<vmem>>) target_semaphore(%arg20 : memref<!tpu.dma_semaphore, #tpu.memory_space<semaphore_mem>>)
    %scan3A = arith.constant 0 : i32
    %scan3A_534 = arith.constant 0 : i32
    %scan3A_535 = arith.constant 32 : i32
    %scan3A_536 = arith.addi %scan3A_534, %scan3A_535 : i32
    %scan3A_537 = arith.constant 1 : i32
    scf.for %scan3A_539 = %scan3A_534 to %scan3A_536 step %scan3A_537  : i32 {
      %mul3A_540 = arith.constant 16 : i32
      %mul3A_541 = arith.muli %scan3A_539, %mul3A_540 : i32
      %mul3A_542 = arith.constant 16 : i32
      %mul3A_543 = arith.muli %scan3A_539, %mul3A_542 : i32
      %get3A_544 = arith.index_cast %mul3A_543 : i32 to index
      %get3A_545 = tpu.vector_load %arg10[%get3A_544] {strides = array<i32>} : memref<512xi32, #tpu.memory_space<vmem>>, vector<16xi32>,
      %get3A_546 = arith.index_cast %mul3A_543 : i32 to index
      %get3A_547 = tpu.vector_load %arg11[%get3A_546] {strides = array<i32>} : memref<512xi32, #tpu.memory_space<vmem>>, vector<16xi32>,
      %shift_right_arithmetic3A_548 = arith.constant 7 : i32
      %shift_right_arithmetic3A_549 = vector.broadcast %shift_right_arithmetic3A_548 : i32 to vector<16xi32>
      %shift_right_arithmetic3A_550 = arith.shrsi %get3A_545, %shift_right_arithmetic3A_549 : vector<16xi32>
      %mul3A_551 = arith.constant 128 : i32
      %mul3A_552 = vector.broadcast %mul3A_551 : i32 to vector<16xi32>
      %mul3A_553 = arith.muli %shift_right_arithmetic3A_550, %mul3A_552 : vector<16xi32>
      %shift_right_arithmetic3A_554 = arith.constant 7 : i32
      %shift_right_arithmetic3A_555 = vector.broadcast %shift_right_arithmetic3A_554 : i32 to vector<16xi32>
      %shift_right_arithmetic3A_556 = arith.shrsi %get3A_547, %shift_right_arithmetic3A_555 : vector<16xi32>
      %mul3A_557 = arith.constant 128 : i32
      %mul3A_558 = vector.broadcast %mul3A_557 : i32 to vector<16xi32>
      %mul3A_559 = arith.muli %shift_right_arithmetic3A_556, %mul3A_558 : vector<16xi32>
      %slice3A_560 = vector.extract_strided_slice %mul3A_553 {offsets = [0], sizes = [1], strides = [1]} : vector<16xi32> to vector<1xi32>
      %squeeze3A_561 = vector.extract %slice3A_560[0] : i32 from vector<1xi32>
      %multiple_of3A_562 = tpu.assume_multiple %squeeze3A_561, 128 : i32
      %slice3A_563 = vector.extract_strided_slice %mul3A_559 {offsets = [0], sizes = [1], strides = [1]} : vector<16xi32> to vector<1xi32>
      %squeeze3A_564 = vector.extract %slice3A_563[0] : i32 from vector<1xi32>
      %multiple_of3A_565 = tpu.assume_multiple %squeeze3A_564, 128 : i32
      %dma_start3A_566 = arith.constant 0 : i32
      %dma_start3A_567 = arith.constant 0 : i32
      %dma_start3A_568 = arith.constant 0 : i32
      %dma_start3A_569 = tpu.memref_slice %arg14[%dma_start3A_566, %dma_start3A_567, %dma_start3A_568] : memref<16x8x128xf32, #tpu.memory_space<vmem>> -> memref<1x8x128xf32, #tpu.memory_space<vmem>>
      %dma_start3A_570 = tpu.memref_squeeze %dma_start3A_569 : memref<1x8x128xf32, #tpu.memory_space<vmem>> -> memref<8x128xf32, #tpu.memory_space<vmem>>
      %dma_start3A_571 = arith.constant 8 : i32
      %dma_start3A_572 = tpu.memref_slice %arg5[%dma_start3A_571, %multiple_of3A_562] : memref<16x1000000xf32, #tpu.memory_space<hbm>> -> memref<8x128xf32, #tpu.memory_space<hbm>>
      %dma_start3A_573 = arith.constant 0 : i32
      %dma_start3A_574 = arith.constant 0 : i32
      %dma_start3A_575 = tpu.memref_slice %arg14[%dma_start3A_566, %dma_start3A_573, %dma_start3A_574] : memref<16x8x128xf32, #tpu.memory_space<vmem>> -> memref<1x8x128xf32, #tpu.memory_space<vmem>>
      %dma_start3A_576 = tpu.memref_squeeze %dma_start3A_575 : memref<1x8x128xf32, #tpu.memory_space<vmem>> -> memref<8x128xf32, #tpu.memory_space<vmem>>
      %dma_start3A_577 = arith.constant 8 : i32
      %dma_start3A_578 = tpu.memref_slice %arg5[%dma_start3A_577, %multiple_of3A_562] : memref<16x1000000xf32, #tpu.memory_space<hbm>> -> memref<8x128xf32, #tpu.memory_space<hbm>>
      tpu.enqueue_dma source(%dma_start3A_578 : memref<8x128xf32, #tpu.memory_space<hbm>>) target(%dma_start3A_576 : memref<8x128xf32, #tpu.memory_space<vmem>>) target_semaphore(%arg21 : memref<!tpu.dma_semaphore, #tpu.memory_space<semaphore_mem>>)
      %dma_start3A_579 = arith.constant 0 : i32
      %dma_start3A_580 = arith.constant 0 : i32
      %dma_start3A_581 = arith.constant 0 : i32
      %dma_start3A_582 = tpu.memref_slice %arg15[%dma_start3A_579, %dma_start3A_580, %dma_start3A_581] : memref<16x8x128xf32, #tpu.memory_space<vmem>> -> memref<1x8x128xf32, #tpu.memory_space<vmem>>
      %dma_start3A_583 = tpu.memref_squeeze %dma_start3A_582 : memref<1x8x128xf32, #tpu.memory_space<vmem>> -> memref<8x128xf32, #tpu.memory_space<vmem>>
      %dma_start3A_584 = arith.constant 8 : i32
      %dma_start3A_585 = tpu.memref_slice %arg6[%dma_start3A_584, %multiple_of3A_565] : memref<16x1000000xf32, #tpu.memory_space<hbm>> -> memref<8x128xf32, #tpu.memory_space<hbm>>
      %dma_start3A_586 = arith.constant 0 : i32
      %dma_start3A_587 = arith.constant 0 : i32
      %dma_start3A_588 = tpu.memref_slice %arg15[%dma_start3A_579, %dma_start3A_586, %dma_start3A_587] : memref<16x8x128xf32, #tpu.memory_space<vmem>> -> memref<1x8x128xf32, #tpu.memory_space<vmem>>
      %dma_start3A_589 = tpu.memref_squeeze %dma_start3A_588 : memref<1x8x128xf32, #tpu.memory_space<vmem>> -> memref<8x128xf32, #tpu.memory_space<vmem>>
      %dma_start3A_590 = arith.constant 8 : i32
      %dma_start3A_591 = tpu.memref_slice %arg6[%dma_start3A_590, %multiple_of3A_565] : memref<16x1000000xf32, #tpu.memory_space<hbm>> -> memref<8x128xf32, #tpu.memory_space<hbm>>
      tpu.enqueue_dma source(%dma_start3A_591 : memref<8x128xf32, #tpu.memory_space<hbm>>) target(%dma_start3A_589 : memref<8x128xf32, #tpu.memory_space<vmem>>) target_semaphore(%arg21 : memref<!tpu.dma_semaphore, #tpu.memory_space<semaphore_mem>>)
      %slice3A_592 = vector.extract_strided_slice %mul3A_553 {offsets = [1], sizes = [1], strides = [1]} : vector<16xi32> to vector<1xi32>
      %squeeze3A_593 = vector.extract %slice3A_592[0] : i32 from vector<1xi32>
      %multiple_of3A_594 = tpu.assume_multiple %squeeze3A_593, 128 : i32
      %slice3A_595 = vector.extract_strided_slice %mul3A_559 {offsets = [1], sizes = [1], strides = [1]} : vector<16xi32> to vector<1xi32>
      %squeeze3A_596 = vector.extract %slice3A_595[0] : i32 from vector<1xi32>
      %multiple_of3A_597 = tpu.assume_multiple %squeeze3A_596, 128 : i32
      %dma_start3A_598 = arith.constant 1 : i32
      %dma_start3A_599 = arith.constant 0 : i32
      %dma_start3A_600 = arith.constant 0 : i32
      %dma_start3A_601 = tpu.memref_slice %arg14[%dma_start3A_598, %dma_start3A_599, %dma_start3A_600] : memref<16x8x128xf32, #tpu.memory_space<vmem>> -> memref<1x8x128xf32, #tpu.memory_space<vmem>>
      %dma_start3A_602 = tpu.memref_squeeze %dma_start3A_601 : memref<1x8x128xf32, #tpu.memory_space<vmem>> -> memref<8x128xf32, #tpu.memory_space<vmem>>
      %dma_start3A_603 = arith.constant 8 : i32
      %dma_start3A_604 = tpu.memref_slice %arg5[%dma_start3A_603, %multiple_of3A_594] : memref<16x1000000xf32, #tpu.memory_space<hbm>> -> memref<8x128xf32, #tpu.memory_space<hbm>>
      %dma_start3A_605 = arith.constant 0 : i32
      %dma_start3A_606 = arith.constant 0 : i32
      %dma_start3A_607 = tpu.memref_slice %arg14[%dma_start3A_598, %dma_start3A_605, %dma_start3A_606] : memref<16x8x128xf32, #tpu.memory_space<vmem>> -> memref<1x8x128xf32, #tpu.memory_space<vmem>>
      %dma_start3A_608 = tpu.memref_squeeze %dma_start3A_607 : memref<1x8x128xf32, #tpu.memory_space<vmem>> -> memref<8x128xf32, #tpu.memory_space<vmem>>
      %dma_start3A_609 = arith.constant 8 : i32
      %dma_start3A_610 = tpu.memref_slice %arg5[%dma_start3A_609, %multiple_of3A_594] : memref<16x1000000xf32, #tpu.memory_space<hbm>> -> memref<8x128xf32, #tpu.memory_space<hbm>>
      tpu.enqueue_dma source(%dma_start3A_610 : memref<8x128xf32, #tpu.memory_space<hbm>>) target(%dma_start3A_608 : memref<8x128xf32, #tpu.memory_space<vmem>>) target_semaphore(%arg21 : memref<!tpu.dma_semaphore, #tpu.memory_space<semaphore_mem>>)
      %dma_start3A_611 = arith.constant 1 : i32
      %dma_start3A_612 = arith.constant 0 : i32
      %dma_start3A_613 = arith.constant 0 : i32
      %dma_start3A_614 = tpu.memref_slice %arg15[%dma_start3A_611, %dma_start3A_612, %dma_start3A_613] : memref<16x8x128xf32, #tpu.memory_space<vmem>> -> memref<1x8x128xf32, #tpu.memory_space<vmem>>
      %dma_start3A_615 = tpu.memref_squeeze %dma_start3A_614 : memref<1x8x128xf32, #tpu.memory_space<vmem>> -> memref<8x128xf32, #tpu.memory_space<vmem>>
      %dma_start3A_616 = arith.constant 8 : i32
      %dma_start3A_617 = tpu.memref_slice %arg6[%dma_start3A_616, %multiple_of3A_597] : memref<16x1000000xf32, #tpu.memory_space<hbm>> -> memref<8x128xf32, #tpu.memory_space<hbm>>
      %dma_start3A_618 = arith.constant 0 : i32
      %dma_start3A_619 = arith.constant 0 : i32
      %dma_start3A_620 = tpu.memref_slice %arg15[%dma_start3A_611, %dma_start3A_618, %dma_start3A_619] : memref<16x8x128xf32, #tpu.memory_space<vmem>> -> memref<1x8x128xf32, #tpu.memory_space<vmem>>
      %dma_start3A_621 = tpu.memref_squeeze %dma_start3A_620 : memref<1x8x128xf32, #tpu.memory_space<vmem>> -> memref<8x128xf32, #tpu.memory_space<vmem>>
      %dma_start3A_622 = arith.constant 8 : i32
      %dma_start3A_623 = tpu.memref_slice %arg6[%dma_start3A_622, %multiple_of3A_597] : memref<16x1000000xf32, #tpu.memory_space<hbm>> -> memref<8x128xf32, #tpu.memory_space<hbm>>
      tpu.enqueue_dma source(%dma_start3A_623 : memref<8x128xf32, #tpu.memory_space<hbm>>) target(%dma_start3A_621 : memref<8x128xf32, #tpu.memory_space<vmem>>) target_semaphore(%arg21 : memref<!tpu.dma_semaphore, #tpu.memory_space<semaphore_mem>>)
      %slice3A_624 = vector.extract_strided_slice %mul3A_553 {offsets = [2], sizes = [1], strides = [1]} : vector<16xi32> to vector<1xi32>
      %squeeze3A_625 = vector.extract %slice3A_624[0] : i32 from vector<1xi32>
      %multiple_of3A_626 = tpu.assume_multiple %squeeze3A_625, 128 : i32
      %slice3A_627 = vector.extract_strided_slice %mul3A_559 {offsets = [2], sizes = [1], strides = [1]} : vector<16xi32> to vector<1xi32>
      %squeeze3A_628 = vector.extract %slice3A_627[0] : i32 from vector<1xi32>
      %multiple_of3A_629 = tpu.assume_multiple %squeeze3A_628, 128 : i32
      %dma_start3A_630 = arith.constant 2 : i32
      %dma_start3A_631 = arith.constant 0 : i32
      %dma_start3A_632 = arith.constant 0 : i32
      %dma_start3A_633 = tpu.memref_slice %arg14[%dma_start3A_630, %dma_start3A_631, %dma_start3A_632] : memref<16x8x128xf32, #tpu.memory_space<vmem>> -> memref<1x8x128xf32, #tpu.memory_space<vmem>>
      %dma_start3A_634 = tpu.memref_squeeze %dma_start3A_633 : memref<1x8x128xf32, #tpu.memory_space<vmem>> -> memref<8x128xf32, #tpu.memory_space<vmem>>
      %dma_start3A_635 = arith.constant 8 : i32
      %dma_start3A_636 = tpu.memref_slice %arg5[%dma_start3A_635, %multiple_of3A_626] : memref<16x1000000xf32, #tpu.memory_space<hbm>> -> memref<8x128xf32, #tpu.memory_space<hbm>>
      %dma_start3A_637 = arith.constant 0 : i32
      %dma_start3A_638 = arith.constant 0 : i32
      %dma_start3A_639 = tpu.memref_slice %arg14[%dma_start3A_630, %dma_start3A_637, %dma_start3A_638] : memref<16x8x128xf32, #tpu.memory_space<vmem>> -> memref<1x8x128xf32, #tpu.memory_space<vmem>>
      %dma_start3A_640 = tpu.memref_squeeze %dma_start3A_639 : memref<1x8x128xf32, #tpu.memory_space<vmem>> -> memref<8x128xf32, #tpu.memory_space<vmem>>
      %dma_start3A_641 = arith.constant 8 : i32
      %dma_start3A_642 = tpu.memref_slice %arg5[%dma_start3A_641, %multiple_of3A_626] : memref<16x1000000xf32, #tpu.memory_space<hbm>> -> memref<8x128xf32, #tpu.memory_space<hbm>>
      tpu.enqueue_dma source(%dma_start3A_642 : memref<8x128xf32, #tpu.memory_space<hbm>>) target(%dma_start3A_640 : memref<8x128xf32, #tpu.memory_space<vmem>>) target_semaphore(%arg21 : memref<!tpu.dma_semaphore, #tpu.memory_space<semaphore_mem>>)
      %dma_start3A_643 = arith.constant 2 : i32
      %dma_start3A_644 = arith.constant 0 : i32
      %dma_start3A_645 = arith.constant 0 : i32
      %dma_start3A_646 = tpu.memref_slice %arg15[%dma_start3A_643, %dma_start3A_644, %dma_start3A_645] : memref<16x8x128xf32, #tpu.memory_space<vmem>> -> memref<1x8x128xf32, #tpu.memory_space<vmem>>
      %dma_start3A_647 = tpu.memref_squeeze %dma_start3A_646 : memref<1x8x128xf32, #tpu.memory_space<vmem>> -> memref<8x128xf32, #tpu.memory_space<vmem>>
      %dma_start3A_648 = arith.constant 8 : i32
      %dma_start3A_649 = tpu.memref_slice %arg6[%dma_start3A_648, %multiple_of3A_629] : memref<16x1000000xf32, #tpu.memory_space<hbm>> -> memref<8x128xf32, #tpu.memory_space<hbm>>
      %dma_start3A_650 = arith.constant 0 : i32
      %dma_start3A_651 = arith.constant 0 : i32
      %dma_start3A_652 = tpu.memref_slice %arg15[%dma_start3A_643, %dma_start3A_650, %dma_start3A_651] : memref<16x8x128xf32, #tpu.memory_space<vmem>> -> memref<1x8x128xf32, #tpu.memory_space<vmem>>
      %dma_start3A_653 = tpu.memref_squeeze %dma_start3A_652 : memref<1x8x128xf32, #tpu.memory_space<vmem>> -> memref<8x128xf32, #tpu.memory_space<vmem>>
      %dma_start3A_654 = arith.constant 8 : i32
      %dma_start3A_655 = tpu.memref_slice %arg6[%dma_start3A_654, %multiple_of3A_629] : memref<16x1000000xf32, #tpu.memory_space<hbm>> -> memref<8x128xf32, #tpu.memory_space<hbm>>
      tpu.enqueue_dma source(%dma_start3A_655 : memref<8x128xf32, #tpu.memory_space<hbm>>) target(%dma_start3A_653 : memref<8x128xf32, #tpu.memory_space<vmem>>) target_semaphore(%arg21 : memref<!tpu.dma_semaphore, #tpu.memory_space<semaphore_mem>>)
      %slice3A_656 = vector.extract_strided_slice %mul3A_553 {offsets = [3], sizes = [1], strides = [1]} : vector<16xi32> to vector<1xi32>
      %squeeze3A_657 = vector.extract %slice3A_656[0] : i32 from vector<1xi32>
      %multiple_of3A_658 = tpu.assume_multiple %squeeze3A_657, 128 : i32
      %slice3A_659 = vector.extract_strided_slice %mul3A_559 {offsets = [3], sizes = [1], strides = [1]} : vector<16xi32> to vector<1xi32>
      %squeeze3A_660 = vector.extract %slice3A_659[0] : i32 from vector<1xi32>
      %multiple_of3A_661 = tpu.assume_multiple %squeeze3A_660, 128 : i32
      %dma_start3A_662 = arith.constant 3 : i32
      %dma_start3A_663 = arith.constant 0 : i32
      %dma_start3A_664 = arith.constant 0 : i32
      %dma_start3A_665 = tpu.memref_slice %arg14[%dma_start3A_662, %dma_start3A_663, %dma_start3A_664] : memref<16x8x128xf32, #tpu.memory_space<vmem>> -> memref<1x8x128xf32, #tpu.memory_space<vmem>>
      %dma_start3A_666 = tpu.memref_squeeze %dma_start3A_665 : memref<1x8x128xf32, #tpu.memory_space<vmem>> -> memref<8x128xf32, #tpu.memory_space<vmem>>
      %dma_start3A_667 = arith.constant 8 : i32
      %dma_start3A_668 = tpu.memref_slice %arg5[%dma_start3A_667, %multiple_of3A_658] : memref<16x1000000xf32, #tpu.memory_space<hbm>> -> memref<8x128xf32, #tpu.memory_space<hbm>>
      %dma_start3A_669 = arith.constant 0 : i32
      %dma_start3A_670 = arith.constant 0 : i32
      %dma_start3A_671 = tpu.memref_slice %arg14[%dma_start3A_662, %dma_start3A_669, %dma_start3A_670] : memref<16x8x128xf32, #tpu.memory_space<vmem>> -> memref<1x8x128xf32, #tpu.memory_space<vmem>>
      %dma_start3A_672 = tpu.memref_squeeze %dma_start3A_671 : memref<1x8x128xf32, #tpu.memory_space<vmem>> -> memref<8x128xf32, #tpu.memory_space<vmem>>
      %dma_start3A_673 = arith.constant 8 : i32
      %dma_start3A_674 = tpu.memref_slice %arg5[%dma_start3A_673, %multiple_of3A_658] : memref<16x1000000xf32, #tpu.memory_space<hbm>> -> memref<8x128xf32, #tpu.memory_space<hbm>>
      tpu.enqueue_dma source(%dma_start3A_674 : memref<8x128xf32, #tpu.memory_space<hbm>>) target(%dma_start3A_672 : memref<8x128xf32, #tpu.memory_space<vmem>>) target_semaphore(%arg21 : memref<!tpu.dma_semaphore, #tpu.memory_space<semaphore_mem>>)
      %dma_start3A_675 = arith.constant 3 : i32
      %dma_start3A_676 = arith.constant 0 : i32
      %dma_start3A_677 = arith.constant 0 : i32
      %dma_start3A_678 = tpu.memref_slice %arg15[%dma_start3A_675, %dma_start3A_676, %dma_start3A_677] : memref<16x8x128xf32, #tpu.memory_space<vmem>> -> memref<1x8x128xf32, #tpu.memory_space<vmem>>
      %dma_start3A_679 = tpu.memref_squeeze %dma_start3A_678 : memref<1x8x128xf32, #tpu.memory_space<vmem>> -> memref<8x128xf32, #tpu.memory_space<vmem>>
      %dma_start3A_680 = arith.constant 8 : i32
      %dma_start3A_681 = tpu.memref_slice %arg6[%dma_start3A_680, %multiple_of3A_661] : memref<16x1000000xf32, #tpu.memory_space<hbm>> -> memref<8x128xf32, #tpu.memory_space<hbm>>
      %dma_start3A_682 = arith.constant 0 : i32
      %dma_start3A_683 = arith.constant 0 : i32
      %dma_start3A_684 = tpu.memref_slice %arg15[%dma_start3A_675, %dma_start3A_682, %dma_start3A_683] : memref<16x8x128xf32, #tpu.memory_space<vmem>> -> memref<1x8x128xf32, #tpu.memory_space<vmem>>
      %dma_start3A_685 = tpu.memref_squeeze %dma_start3A_684 : memref<1x8x128xf32, #tpu.memory_space<vmem>> -> memref<8x128xf32, #tpu.memory_space<vmem>>
      %dma_start3A_686 = arith.constant 8 : i32
      %dma_start3A_687 = tpu.memref_slice %arg6[%dma_start3A_686, %multiple_of3A_661] : memref<16x1000000xf32, #tpu.memory_space<hbm>> -> memref<8x128xf32, #tpu.memory_space<hbm>>
      tpu.enqueue_dma source(%dma_start3A_687 : memref<8x128xf32, #tpu.memory_space<hbm>>) target(%dma_start3A_685 : memref<8x128xf32, #tpu.memory_space<vmem>>) target_semaphore(%arg21 : memref<!tpu.dma_semaphore, #tpu.memory_space<semaphore_mem>>)
      %slice3A_688 = vector.extract_strided_slice %mul3A_553 {offsets = [4], sizes = [1], strides = [1]} : vector<16xi32> to vector<1xi32>
      %squeeze3A_689 = vector.extract %slice3A_688[0] : i32 from vector<1xi32>
      %multiple_of3A_690 = tpu.assume_multiple %squeeze3A_689, 128 : i32
      %slice3A_691 = vector.extract_strided_slice %mul3A_559 {offsets = [4], sizes = [1], strides = [1]} : vector<16xi32> to vector<1xi32>
      %squeeze3A_692 = vector.extract %slice3A_691[0] : i32 from vector<1xi32>
      %multiple_of3A_693 = tpu.assume_multiple %squeeze3A_692, 128 : i32
      %dma_start3A_694 = arith.constant 4 : i32
      %dma_start3A_695 = arith.constant 0 : i32
      %dma_start3A_696 = arith.constant 0 : i32
      %dma_start3A_697 = tpu.memref_slice %arg14[%dma_start3A_694, %dma_start3A_695, %dma_start3A_696] : memref<16x8x128xf32, #tpu.memory_space<vmem>> -> memref<1x8x128xf32, #tpu.memory_space<vmem>>
      %dma_start3A_698 = tpu.memref_squeeze %dma_start3A_697 : memref<1x8x128xf32, #tpu.memory_space<vmem>> -> memref<8x128xf32, #tpu.memory_space<vmem>>
      %dma_start3A_699 = arith.constant 8 : i32
      %dma_start3A_700 = tpu.memref_slice %arg5[%dma_start3A_699, %multiple_of3A_690] : memref<16x1000000xf32, #tpu.memory_space<hbm>> -> memref<8x128xf32, #tpu.memory_space<hbm>>
      %dma_start3A_701 = arith.constant 0 : i32
      %dma_start3A_702 = arith.constant 0 : i32
      %dma_start3A_703 = tpu.memref_slice %arg14[%dma_start3A_694, %dma_start3A_701, %dma_start3A_702] : memref<16x8x128xf32, #tpu.memory_space<vmem>> -> memref<1x8x128xf32, #tpu.memory_space<vmem>>
      %dma_start3A_704 = tpu.memref_squeeze %dma_start3A_703 : memref<1x8x128xf32, #tpu.memory_space<vmem>> -> memref<8x128xf32, #tpu.memory_space<vmem>>
      %dma_start3A_705 = arith.constant 8 : i32
      %dma_start3A_706 = tpu.memref_slice %arg5[%dma_start3A_705, %multiple_of3A_690] : memref<16x1000000xf32, #tpu.memory_space<hbm>> -> memref<8x128xf32, #tpu.memory_space<hbm>>
      tpu.enqueue_dma source(%dma_start3A_706 : memref<8x128xf32, #tpu.memory_space<hbm>>) target(%dma_start3A_704 : memref<8x128xf32, #tpu.memory_space<vmem>>) target_semaphore(%arg21 : memref<!tpu.dma_semaphore, #tpu.memory_space<semaphore_mem>>)
      %dma_start3A_707 = arith.constant 4 : i32
      %dma_start3A_708 = arith.constant 0 : i32
      %dma_start3A_709 = arith.constant 0 : i32
      %dma_start3A_710 = tpu.memref_slice %arg15[%dma_start3A_707, %dma_start3A_708, %dma_start3A_709] : memref<16x8x128xf32, #tpu.memory_space<vmem>> -> memref<1x8x128xf32, #tpu.memory_space<vmem>>
      %dma_start3A_711 = tpu.memref_squeeze %dma_start3A_710 : memref<1x8x128xf32, #tpu.memory_space<vmem>> -> memref<8x128xf32, #tpu.memory_space<vmem>>
      %dma_start3A_712 = arith.constant 8 : i32
      %dma_start3A_713 = tpu.memref_slice %arg6[%dma_start3A_712, %multiple_of3A_693] : memref<16x1000000xf32, #tpu.memory_space<hbm>> -> memref<8x128xf32, #tpu.memory_space<hbm>>
      %dma_start3A_714 = arith.constant 0 : i32
      %dma_start3A_715 = arith.constant 0 : i32
      %dma_start3A_716 = tpu.memref_slice %arg15[%dma_start3A_707, %dma_start3A_714, %dma_start3A_715] : memref<16x8x128xf32, #tpu.memory_space<vmem>> -> memref<1x8x128xf32, #tpu.memory_space<vmem>>
      %dma_start3A_717 = tpu.memref_squeeze %dma_start3A_716 : memref<1x8x128xf32, #tpu.memory_space<vmem>> -> memref<8x128xf32, #tpu.memory_space<vmem>>
      %dma_start3A_718 = arith.constant 8 : i32
      %dma_start3A_719 = tpu.memref_slice %arg6[%dma_start3A_718, %multiple_of3A_693] : memref<16x1000000xf32, #tpu.memory_space<hbm>> -> memref<8x128xf32, #tpu.memory_space<hbm>>
      tpu.enqueue_dma source(%dma_start3A_719 : memref<8x128xf32, #tpu.memory_space<hbm>>) target(%dma_start3A_717 : memref<8x128xf32, #tpu.memory_space<vmem>>) target_semaphore(%arg21 : memref<!tpu.dma_semaphore, #tpu.memory_space<semaphore_mem>>)
      %slice3A_720 = vector.extract_strided_slice %mul3A_553 {offsets = [5], sizes = [1], strides = [1]} : vector<16xi32> to vector<1xi32>
      %squeeze3A_721 = vector.extract %slice3A_720[0] : i32 from vector<1xi32>
      %multiple_of3A_722 = tpu.assume_multiple %squeeze3A_721, 128 : i32
      %slice3A_723 = vector.extract_strided_slice %mul3A_559 {offsets = [5], sizes = [1], strides = [1]} : vector<16xi32> to vector<1xi32>
      %squeeze3A_724 = vector.extract %slice3A_723[0] : i32 from vector<1xi32>
      %multiple_of3A_725 = tpu.assume_multiple %squeeze3A_724, 128 : i32
      %dma_start3A_726 = arith.constant 5 : i32
      %dma_start3A_727 = arith.constant 0 : i32
      %dma_start3A_728 = arith.constant 0 : i32
      %dma_start3A_729 = tpu.memref_slice %arg14[%dma_start3A_726, %dma_start3A_727, %dma_start3A_728] : memref<16x8x128xf32, #tpu.memory_space<vmem>> -> memref<1x8x128xf32, #tpu.memory_space<vmem>>
      %dma_start3A_730 = tpu.memref_squeeze %dma_start3A_729 : memref<1x8x128xf32, #tpu.memory_space<vmem>> -> memref<8x128xf32, #tpu.memory_space<vmem>>
      %dma_start3A_731 = arith.constant 8 : i32
      %dma_start3A_732 = tpu.memref_slice %arg5[%dma_start3A_731, %multiple_of3A_722] : memref<16x1000000xf32, #tpu.memory_space<hbm>> -> memref<8x128xf32, #tpu.memory_space<hbm>>
      %dma_start3A_733 = arith.constant 0 : i32
      %dma_start3A_734 = arith.constant 0 : i32
      %dma_start3A_735 = tpu.memref_slice %arg14[%dma_start3A_726, %dma_start3A_733, %dma_start3A_734] : memref<16x8x128xf32, #tpu.memory_space<vmem>> -> memref<1x8x128xf32, #tpu.memory_space<vmem>>
      %dma_start3A_736 = tpu.memref_squeeze %dma_start3A_735 : memref<1x8x128xf32, #tpu.memory_space<vmem>> -> memref<8x128xf32, #tpu.memory_space<vmem>>
      %dma_start3A_737 = arith.constant 8 : i32
      %dma_start3A_738 = tpu.memref_slice %arg5[%dma_start3A_737, %multiple_of3A_722] : memref<16x1000000xf32, #tpu.memory_space<hbm>> -> memref<8x128xf32, #tpu.memory_space<hbm>>
      tpu.enqueue_dma source(%dma_start3A_738 : memref<8x128xf32, #tpu.memory_space<hbm>>) target(%dma_start3A_736 : memref<8x128xf32, #tpu.memory_space<vmem>>) target_semaphore(%arg21 : memref<!tpu.dma_semaphore, #tpu.memory_space<semaphore_mem>>)
      %dma_start3A_739 = arith.constant 5 : i32
      %dma_start3A_740 = arith.constant 0 : i32
      %dma_start3A_741 = arith.constant 0 : i32
      %dma_start3A_742 = tpu.memref_slice %arg15[%dma_start3A_739, %dma_start3A_740, %dma_start3A_741] : memref<16x8x128xf32, #tpu.memory_space<vmem>> -> memref<1x8x128xf32, #tpu.memory_space<vmem>>
      %dma_start3A_743 = tpu.memref_squeeze %dma_start3A_742 : memref<1x8x128xf32, #tpu.memory_space<vmem>> -> memref<8x128xf32, #tpu.memory_space<vmem>>
      %dma_start3A_744 = arith.constant 8 : i32
      %dma_start3A_745 = tpu.memref_slice %arg6[%dma_start3A_744, %multiple_of3A_725] : memref<16x1000000xf32, #tpu.memory_space<hbm>> -> memref<8x128xf32, #tpu.memory_space<hbm>>
      %dma_start3A_746 = arith.constant 0 : i32
      %dma_start3A_747 = arith.constant 0 : i32
      %dma_start3A_748 = tpu.memref_slice %arg15[%dma_start3A_739, %dma_start3A_746, %dma_start3A_747] : memref<16x8x128xf32, #tpu.memory_space<vmem>> -> memref<1x8x128xf32, #tpu.memory_space<vmem>>
      %dma_start3A_749 = tpu.memref_squeeze %dma_start3A_748 : memref<1x8x128xf32, #tpu.memory_space<vmem>> -> memref<8x128xf32, #tpu.memory_space<vmem>>
      %dma_start3A_750 = arith.constant 8 : i32
      %dma_start3A_751 = tpu.memref_slice %arg6[%dma_start3A_750, %multiple_of3A_725] : memref<16x1000000xf32, #tpu.memory_space<hbm>> -> memref<8x128xf32, #tpu.memory_space<hbm>>
      tpu.enqueue_dma source(%dma_start3A_751 : memref<8x128xf32, #tpu.memory_space<hbm>>) target(%dma_start3A_749 : memref<8x128xf32, #tpu.memory_space<vmem>>) target_semaphore(%arg21 : memref<!tpu.dma_semaphore, #tpu.memory_space<semaphore_mem>>)
      %slice3A_752 = vector.extract_strided_slice %mul3A_553 {offsets = [6], sizes = [1], strides = [1]} : vector<16xi32> to vector<1xi32>
      %squeeze3A_753 = vector.extract %slice3A_752[0] : i32 from vector<1xi32>
      %multiple_of3A_754 = tpu.assume_multiple %squeeze3A_753, 128 : i32
      %slice3A_755 = vector.extract_strided_slice %mul3A_559 {offsets = [6], sizes = [1], strides = [1]} : vector<16xi32> to vector<1xi32>
      %squeeze3A_756 = vector.extract %slice3A_755[0] : i32 from vector<1xi32>
      %multiple_of3A_757 = tpu.assume_multiple %squeeze3A_756, 128 : i32
      %dma_start3A_758 = arith.constant 6 : i32
      %dma_start3A_759 = arith.constant 0 : i32
      %dma_start3A_760 = arith.constant 0 : i32
      %dma_start3A_761 = tpu.memref_slice %arg14[%dma_start3A_758, %dma_start3A_759, %dma_start3A_760] : memref<16x8x128xf32, #tpu.memory_space<vmem>> -> memref<1x8x128xf32, #tpu.memory_space<vmem>>
      %dma_start3A_762 = tpu.memref_squeeze %dma_start3A_761 : memref<1x8x128xf32, #tpu.memory_space<vmem>> -> memref<8x128xf32, #tpu.memory_space<vmem>>
      %dma_start3A_763 = arith.constant 8 : i32
      %dma_start3A_764 = tpu.memref_slice %arg5[%dma_start3A_763, %multiple_of3A_754] : memref<16x1000000xf32, #tpu.memory_space<hbm>> -> memref<8x128xf32, #tpu.memory_space<hbm>>
      %dma_start3A_765 = arith.constant 0 : i32
      %dma_start3A_766 = arith.constant 0 : i32
      %dma_start3A_767 = tpu.memref_slice %arg14[%dma_start3A_758, %dma_start3A_765, %dma_start3A_766] : memref<16x8x128xf32, #tpu.memory_space<vmem>> -> memref<1x8x128xf32, #tpu.memory_space<vmem>>
      %dma_start3A_768 = tpu.memref_squeeze %dma_start3A_767 : memref<1x8x128xf32, #tpu.memory_space<vmem>> -> memref<8x128xf32, #tpu.memory_space<vmem>>
      %dma_start3A_769 = arith.constant 8 : i32
      %dma_start3A_770 = tpu.memref_slice %arg5[%dma_start3A_769, %multiple_of3A_754] : memref<16x1000000xf32, #tpu.memory_space<hbm>> -> memref<8x128xf32, #tpu.memory_space<hbm>>
      tpu.enqueue_dma source(%dma_start3A_770 : memref<8x128xf32, #tpu.memory_space<hbm>>) target(%dma_start3A_768 : memref<8x128xf32, #tpu.memory_space<vmem>>) target_semaphore(%arg21 : memref<!tpu.dma_semaphore, #tpu.memory_space<semaphore_mem>>)
      %dma_start3A_771 = arith.constant 6 : i32
      %dma_start3A_772 = arith.constant 0 : i32
      %dma_start3A_773 = arith.constant 0 : i32
      %dma_start3A_774 = tpu.memref_slice %arg15[%dma_start3A_771, %dma_start3A_772, %dma_start3A_773] : memref<16x8x128xf32, #tpu.memory_space<vmem>> -> memref<1x8x128xf32, #tpu.memory_space<vmem>>
      %dma_start3A_775 = tpu.memref_squeeze %dma_start3A_774 : memref<1x8x128xf32, #tpu.memory_space<vmem>> -> memref<8x128xf32, #tpu.memory_space<vmem>>
      %dma_start3A_776 = arith.constant 8 : i32
      %dma_start3A_777 = tpu.memref_slice %arg6[%dma_start3A_776, %multiple_of3A_757] : memref<16x1000000xf32, #tpu.memory_space<hbm>> -> memref<8x128xf32, #tpu.memory_space<hbm>>
      %dma_start3A_778 = arith.constant 0 : i32
      %dma_start3A_779 = arith.constant 0 : i32
      %dma_start3A_780 = tpu.memref_slice %arg15[%dma_start3A_771, %dma_start3A_778, %dma_start3A_779] : memref<16x8x128xf32, #tpu.memory_space<vmem>> -> memref<1x8x128xf32, #tpu.memory_space<vmem>>
      %dma_start3A_781 = tpu.memref_squeeze %dma_start3A_780 : memref<1x8x128xf32, #tpu.memory_space<vmem>> -> memref<8x128xf32, #tpu.memory_space<vmem>>
      %dma_start3A_782 = arith.constant 8 : i32
      %dma_start3A_783 = tpu.memref_slice %arg6[%dma_start3A_782, %multiple_of3A_757] : memref<16x1000000xf32, #tpu.memory_space<hbm>> -> memref<8x128xf32, #tpu.memory_space<hbm>>
      tpu.enqueue_dma source(%dma_start3A_783 : memref<8x128xf32, #tpu.memory_space<hbm>>) target(%dma_start3A_781 : memref<8x128xf32, #tpu.memory_space<vmem>>) target_semaphore(%arg21 : memref<!tpu.dma_semaphore, #tpu.memory_space<semaphore_mem>>)
      %slice3A_784 = vector.extract_strided_slice %mul3A_553 {offsets = [7], sizes = [1], strides = [1]} : vector<16xi32> to vector<1xi32>
      %squeeze3A_785 = vector.extract %slice3A_784[0] : i32 from vector<1xi32>
      %multiple_of3A_786 = tpu.assume_multiple %squeeze3A_785, 128 : i32
      %slice3A_787 = vector.extract_strided_slice %mul3A_559 {offsets = [7], sizes = [1], strides = [1]} : vector<16xi32> to vector<1xi32>
      %squeeze3A_788 = vector.extract %slice3A_787[0] : i32 from vector<1xi32>
      %multiple_of3A_789 = tpu.assume_multiple %squeeze3A_788, 128 : i32
      %dma_start3A_790 = arith.constant 7 : i32
      %dma_start3A_791 = arith.constant 0 : i32
      %dma_start3A_792 = arith.constant 0 : i32
      %dma_start3A_793 = tpu.memref_slice %arg14[%dma_start3A_790, %dma_start3A_791, %dma_start3A_792] : memref<16x8x128xf32, #tpu.memory_space<vmem>> -> memref<1x8x128xf32, #tpu.memory_space<vmem>>
      %dma_start3A_794 = tpu.memref_squeeze %dma_start3A_793 : memref<1x8x128xf32, #tpu.memory_space<vmem>> -> memref<8x128xf32, #tpu.memory_space<vmem>>
      %dma_start3A_795 = arith.constant 8 : i32
      %dma_start3A_796 = tpu.memref_slice %arg5[%dma_start3A_795, %multiple_of3A_786] : memref<16x1000000xf32, #tpu.memory_space<hbm>> -> memref<8x128xf32, #tpu.memory_space<hbm>>
      %dma_start3A_797 = arith.constant 0 : i32
      %dma_start3A_798 = arith.constant 0 : i32
      %dma_start3A_799 = tpu.memref_slice %arg14[%dma_start3A_790, %dma_start3A_797, %dma_start3A_798] : memref<16x8x128xf32, #tpu.memory_space<vmem>> -> memref<1x8x128xf32, #tpu.memory_space<vmem>>
      %dma_start3A_800 = tpu.memref_squeeze %dma_start3A_799 : memref<1x8x128xf32, #tpu.memory_space<vmem>> -> memref<8x128xf32, #tpu.memory_space<vmem>>
      %dma_start3A_801 = arith.constant 8 : i32
      %dma_start3A_802 = tpu.memref_slice %arg5[%dma_start3A_801, %multiple_of3A_786] : memref<16x1000000xf32, #tpu.memory_space<hbm>> -> memref<8x128xf32, #tpu.memory_space<hbm>>
      tpu.enqueue_dma source(%dma_start3A_802 : memref<8x128xf32, #tpu.memory_space<hbm>>) target(%dma_start3A_800 : memref<8x128xf32, #tpu.memory_space<vmem>>) target_semaphore(%arg21 : memref<!tpu.dma_semaphore, #tpu.memory_space<semaphore_mem>>)
      %dma_start3A_803 = arith.constant 7 : i32
      %dma_start3A_804 = arith.constant 0 : i32
      %dma_start3A_805 = arith.constant 0 : i32
      %dma_start3A_806 = tpu.memref_slice %arg15[%dma_start3A_803, %dma_start3A_804, %dma_start3A_805] : memref<16x8x128xf32, #tpu.memory_space<vmem>> -> memref<1x8x128xf32, #tpu.memory_space<vmem>>
      %dma_start3A_807 = tpu.memref_squeeze %dma_start3A_806 : memref<1x8x128xf32, #tpu.memory_space<vmem>> -> memref<8x128xf32, #tpu.memory_space<vmem>>
      %dma_start3A_808 = arith.constant 8 : i32
      %dma_start3A_809 = tpu.memref_slice %arg6[%dma_start3A_808, %multiple_of3A_789] : memref<16x1000000xf32, #tpu.memory_space<hbm>> -> memref<8x128xf32, #tpu.memory_space<hbm>>
      %dma_start3A_810 = arith.constant 0 : i32
      %dma_start3A_811 = arith.constant 0 : i32
      %dma_start3A_812 = tpu.memref_slice %arg15[%dma_start3A_803, %dma_start3A_810, %dma_start3A_811] : memref<16x8x128xf32, #tpu.memory_space<vmem>> -> memref<1x8x128xf32, #tpu.memory_space<vmem>>
      %dma_start3A_813 = tpu.memref_squeeze %dma_start3A_812 : memref<1x8x128xf32, #tpu.memory_space<vmem>> -> memref<8x128xf32, #tpu.memory_space<vmem>>
      %dma_start3A_814 = arith.constant 8 : i32
      %dma_start3A_815 = tpu.memref_slice %arg6[%dma_start3A_814, %multiple_of3A_789] : memref<16x1000000xf32, #tpu.memory_space<hbm>> -> memref<8x128xf32, #tpu.memory_space<hbm>>
      tpu.enqueue_dma source(%dma_start3A_815 : memref<8x128xf32, #tpu.memory_space<hbm>>) target(%dma_start3A_813 : memref<8x128xf32, #tpu.memory_space<vmem>>) target_semaphore(%arg21 : memref<!tpu.dma_semaphore, #tpu.memory_space<semaphore_mem>>)
      %slice3A_816 = vector.extract_strided_slice %mul3A_553 {offsets = [8], sizes = [1], strides = [1]} : vector<16xi32> to vector<1xi32>
      %squeeze3A_817 = vector.extract %slice3A_816[0] : i32 from vector<1xi32>
      %multiple_of3A_818 = tpu.assume_multiple %squeeze3A_817, 128 : i32
      %slice3A_819 = vector.extract_strided_slice %mul3A_559 {offsets = [8], sizes = [1], strides = [1]} : vector<16xi32> to vector<1xi32>
      %squeeze3A_820 = vector.extract %slice3A_819[0] : i32 from vector<1xi32>
      %multiple_of3A_821 = tpu.assume_multiple %squeeze3A_820, 128 : i32
      %dma_start3A_822 = arith.constant 8 : i32
      %dma_start3A_823 = arith.constant 0 : i32
      %dma_start3A_824 = arith.constant 0 : i32
      %dma_start3A_825 = tpu.memref_slice %arg14[%dma_start3A_822, %dma_start3A_823, %dma_start3A_824] : memref<16x8x128xf32, #tpu.memory_space<vmem>> -> memref<1x8x128xf32, #tpu.memory_space<vmem>>
      %dma_start3A_826 = tpu.memref_squeeze %dma_start3A_825 : memref<1x8x128xf32, #tpu.memory_space<vmem>> -> memref<8x128xf32, #tpu.memory_space<vmem>>
      %dma_start3A_827 = arith.constant 8 : i32
      %dma_start3A_828 = tpu.memref_slice %arg5[%dma_start3A_827, %multiple_of3A_818] : memref<16x1000000xf32, #tpu.memory_space<hbm>> -> memref<8x128xf32, #tpu.memory_space<hbm>>
      %dma_start3A_829 = arith.constant 0 : i32
      %dma_start3A_830 = arith.constant 0 : i32
      %dma_start3A_831 = tpu.memref_slice %arg14[%dma_start3A_822, %dma_start3A_829, %dma_start3A_830] : memref<16x8x128xf32, #tpu.memory_space<vmem>> -> memref<1x8x128xf32, #tpu.memory_space<vmem>>
      %dma_start3A_832 = tpu.memref_squeeze %dma_start3A_831 : memref<1x8x128xf32, #tpu.memory_space<vmem>> -> memref<8x128xf32, #tpu.memory_space<vmem>>
      %dma_start3A_833 = arith.constant 8 : i32
      %dma_start3A_834 = tpu.memref_slice %arg5[%dma_start3A_833, %multiple_of3A_818] : memref<16x1000000xf32, #tpu.memory_space<hbm>> -> memref<8x128xf32, #tpu.memory_space<hbm>>
      tpu.enqueue_dma source(%dma_start3A_834 : memref<8x128xf32, #tpu.memory_space<hbm>>) target(%dma_start3A_832 : memref<8x128xf32, #tpu.memory_space<vmem>>) target_semaphore(%arg21 : memref<!tpu.dma_semaphore, #tpu.memory_space<semaphore_mem>>)
      %dma_start3A_835 = arith.constant 8 : i32
      %dma_start3A_836 = arith.constant 0 : i32
      %dma_start3A_837 = arith.constant 0 : i32
      %dma_start3A_838 = tpu.memref_slice %arg15[%dma_start3A_835, %dma_start3A_836, %dma_start3A_837] : memref<16x8x128xf32, #tpu.memory_space<vmem>> -> memref<1x8x128xf32, #tpu.memory_space<vmem>>
      %dma_start3A_839 = tpu.memref_squeeze %dma_start3A_838 : memref<1x8x128xf32, #tpu.memory_space<vmem>> -> memref<8x128xf32, #tpu.memory_space<vmem>>
      %dma_start3A_840 = arith.constant 8 : i32
      %dma_start3A_841 = tpu.memref_slice %arg6[%dma_start3A_840, %multiple_of3A_821] : memref<16x1000000xf32, #tpu.memory_space<hbm>> -> memref<8x128xf32, #tpu.memory_space<hbm>>
      %dma_start3A_842 = arith.constant 0 : i32
      %dma_start3A_843 = arith.constant 0 : i32
      %dma_start3A_844 = tpu.memref_slice %arg15[%dma_start3A_835, %dma_start3A_842, %dma_start3A_843] : memref<16x8x128xf32, #tpu.memory_space<vmem>> -> memref<1x8x128xf32, #tpu.memory_space<vmem>>
      %dma_start3A_845 = tpu.memref_squeeze %dma_start3A_844 : memref<1x8x128xf32, #tpu.memory_space<vmem>> -> memref<8x128xf32, #tpu.memory_space<vmem>>
      %dma_start3A_846 = arith.constant 8 : i32
      %dma_start3A_847 = tpu.memref_slice %arg6[%dma_start3A_846, %multiple_of3A_821] : memref<16x1000000xf32, #tpu.memory_space<hbm>> -> memref<8x128xf32, #tpu.memory_space<hbm>>
      tpu.enqueue_dma source(%dma_start3A_847 : memref<8x128xf32, #tpu.memory_space<hbm>>) target(%dma_start3A_845 : memref<8x128xf32, #tpu.memory_space<vmem>>) target_semaphore(%arg21 : memref<!tpu.dma_semaphore, #tpu.memory_space<semaphore_mem>>)
      %slice3A_848 = vector.extract_strided_slice %mul3A_553 {offsets = [9], sizes = [1], strides = [1]} : vector<16xi32> to vector<1xi32>
      %squeeze3A_849 = vector.extract %slice3A_848[0] : i32 from vector<1xi32>
      %multiple_of3A_850 = tpu.assume_multiple %squeeze3A_849, 128 : i32
      %slice3A_851 = vector.extract_strided_slice %mul3A_559 {offsets = [9], sizes = [1], strides = [1]} : vector<16xi32> to vector<1xi32>
      %squeeze3A_852 = vector.extract %slice3A_851[0] : i32 from vector<1xi32>
      %multiple_of3A_853 = tpu.assume_multiple %squeeze3A_852, 128 : i32
      %dma_start3A_854 = arith.constant 9 : i32
      %dma_start3A_855 = arith.constant 0 : i32
      %dma_start3A_856 = arith.constant 0 : i32
      %dma_start3A_857 = tpu.memref_slice %arg14[%dma_start3A_854, %dma_start3A_855, %dma_start3A_856] : memref<16x8x128xf32, #tpu.memory_space<vmem>> -> memref<1x8x128xf32, #tpu.memory_space<vmem>>
      %dma_start3A_858 = tpu.memref_squeeze %dma_start3A_857 : memref<1x8x128xf32, #tpu.memory_space<vmem>> -> memref<8x128xf32, #tpu.memory_space<vmem>>
      %dma_start3A_859 = arith.constant 8 : i32
      %dma_start3A_860 = tpu.memref_slice %arg5[%dma_start3A_859, %multiple_of3A_850] : memref<16x1000000xf32, #tpu.memory_space<hbm>> -> memref<8x128xf32, #tpu.memory_space<hbm>>
      %dma_start3A_861 = arith.constant 0 : i32
      %dma_start3A_862 = arith.constant 0 : i32
      %dma_start3A_863 = tpu.memref_slice %arg14[%dma_start3A_854, %dma_start3A_861, %dma_start3A_862] : memref<16x8x128xf32, #tpu.memory_space<vmem>> -> memref<1x8x128xf32, #tpu.memory_space<vmem>>
      %dma_start3A_864 = tpu.memref_squeeze %dma_start3A_863 : memref<1x8x128xf32, #tpu.memory_space<vmem>> -> memref<8x128xf32, #tpu.memory_space<vmem>>
      %dma_start3A_865 = arith.constant 8 : i32
      %dma_start3A_866 = tpu.memref_slice %arg5[%dma_start3A_865, %multiple_of3A_850] : memref<16x1000000xf32, #tpu.memory_space<hbm>> -> memref<8x128xf32, #tpu.memory_space<hbm>>
      tpu.enqueue_dma source(%dma_start3A_866 : memref<8x128xf32, #tpu.memory_space<hbm>>) target(%dma_start3A_864 : memref<8x128xf32, #tpu.memory_space<vmem>>) target_semaphore(%arg21 : memref<!tpu.dma_semaphore, #tpu.memory_space<semaphore_mem>>)
      %dma_start3A_867 = arith.constant 9 : i32
      %dma_start3A_868 = arith.constant 0 : i32
      %dma_start3A_869 = arith.constant 0 : i32
      %dma_start3A_870 = tpu.memref_slice %arg15[%dma_start3A_867, %dma_start3A_868, %dma_start3A_869] : memref<16x8x128xf32, #tpu.memory_space<vmem>> -> memref<1x8x128xf32, #tpu.memory_space<vmem>>
      %dma_start3A_871 = tpu.memref_squeeze %dma_start3A_870 : memref<1x8x128xf32, #tpu.memory_space<vmem>> -> memref<8x128xf32, #tpu.memory_space<vmem>>
      %dma_start3A_872 = arith.constant 8 : i32
      %dma_start3A_873 = tpu.memref_slice %arg6[%dma_start3A_872, %multiple_of3A_853] : memref<16x1000000xf32, #tpu.memory_space<hbm>> -> memref<8x128xf32, #tpu.memory_space<hbm>>
      %dma_start3A_874 = arith.constant 0 : i32
      %dma_start3A_875 = arith.constant 0 : i32
      %dma_start3A_876 = tpu.memref_slice %arg15[%dma_start3A_867, %dma_start3A_874, %dma_start3A_875] : memref<16x8x128xf32, #tpu.memory_space<vmem>> -> memref<1x8x128xf32, #tpu.memory_space<vmem>>
      %dma_start3A_877 = tpu.memref_squeeze %dma_start3A_876 : memref<1x8x128xf32, #tpu.memory_space<vmem>> -> memref<8x128xf32, #tpu.memory_space<vmem>>
      %dma_start3A_878 = arith.constant 8 : i32
      %dma_start3A_879 = tpu.memref_slice %arg6[%dma_start3A_878, %multiple_of3A_853] : memref<16x1000000xf32, #tpu.memory_space<hbm>> -> memref<8x128xf32, #tpu.memory_space<hbm>>
      tpu.enqueue_dma source(%dma_start3A_879 : memref<8x128xf32, #tpu.memory_space<hbm>>) target(%dma_start3A_877 : memref<8x128xf32, #tpu.memory_space<vmem>>) target_semaphore(%arg21 : memref<!tpu.dma_semaphore, #tpu.memory_space<semaphore_mem>>)
      %slice3A_880 = vector.extract_strided_slice %mul3A_553 {offsets = [10], sizes = [1], strides = [1]} : vector<16xi32> to vector<1xi32>
      %squeeze3A_881 = vector.extract %slice3A_880[0] : i32 from vector<1xi32>
      %multiple_of3A_882 = tpu.assume_multiple %squeeze3A_881, 128 : i32
      %slice3A_883 = vector.extract_strided_slice %mul3A_559 {offsets = [10], sizes = [1], strides = [1]} : vector<16xi32> to vector<1xi32>
      %squeeze3A_884 = vector.extract %slice3A_883[0] : i32 from vector<1xi32>
      %multiple_of3A_885 = tpu.assume_multiple %squeeze3A_884, 128 : i32
      %dma_start3A_886 = arith.constant 10 : i32
      %dma_start3A_887 = arith.constant 0 : i32
      %dma_start3A_888 = arith.constant 0 : i32
      %dma_start3A_889 = tpu.memref_slice %arg14[%dma_start3A_886, %dma_start3A_887, %dma_start3A_888] : memref<16x8x128xf32, #tpu.memory_space<vmem>> -> memref<1x8x128xf32, #tpu.memory_space<vmem>>
      %dma_start3A_890 = tpu.memref_squeeze %dma_start3A_889 : memref<1x8x128xf32, #tpu.memory_space<vmem>> -> memref<8x128xf32, #tpu.memory_space<vmem>>
      %dma_start3A_891 = arith.constant 8 : i32
      %dma_start3A_892 = tpu.memref_slice %arg5[%dma_start3A_891, %multiple_of3A_882] : memref<16x1000000xf32, #tpu.memory_space<hbm>> -> memref<8x128xf32, #tpu.memory_space<hbm>>
      %dma_start3A_893 = arith.constant 0 : i32
      %dma_start3A_894 = arith.constant 0 : i32
      %dma_start3A_895 = tpu.memref_slice %arg14[%dma_start3A_886, %dma_start3A_893, %dma_start3A_894] : memref<16x8x128xf32, #tpu.memory_space<vmem>> -> memref<1x8x128xf32, #tpu.memory_space<vmem>>
      %dma_start3A_896 = tpu.memref_squeeze %dma_start3A_895 : memref<1x8x128xf32, #tpu.memory_space<vmem>> -> memref<8x128xf32, #tpu.memory_space<vmem>>
      %dma_start3A_897 = arith.constant 8 : i32
      %dma_start3A_898 = tpu.memref_slice %arg5[%dma_start3A_897, %multiple_of3A_882] : memref<16x1000000xf32, #tpu.memory_space<hbm>> -> memref<8x128xf32, #tpu.memory_space<hbm>>
      tpu.enqueue_dma source(%dma_start3A_898 : memref<8x128xf32, #tpu.memory_space<hbm>>) target(%dma_start3A_896 : memref<8x128xf32, #tpu.memory_space<vmem>>) target_semaphore(%arg21 : memref<!tpu.dma_semaphore, #tpu.memory_space<semaphore_mem>>)
      %dma_start3A_899 = arith.constant 10 : i32
      %dma_start3A_900 = arith.constant 0 : i32
      %dma_start3A_901 = arith.constant 0 : i32
      %dma_start3A_902 = tpu.memref_slice %arg15[%dma_start3A_899, %dma_start3A_900, %dma_start3A_901] : memref<16x8x128xf32, #tpu.memory_space<vmem>> -> memref<1x8x128xf32, #tpu.memory_space<vmem>>
      %dma_start3A_903 = tpu.memref_squeeze %dma_start3A_902 : memref<1x8x128xf32, #tpu.memory_space<vmem>> -> memref<8x128xf32, #tpu.memory_space<vmem>>
      %dma_start3A_904 = arith.constant 8 : i32
      %dma_start3A_905 = tpu.memref_slice %arg6[%dma_start3A_904, %multiple_of3A_885] : memref<16x1000000xf32, #tpu.memory_space<hbm>> -> memref<8x128xf32, #tpu.memory_space<hbm>>
      %dma_start3A_906 = arith.constant 0 : i32
      %dma_start3A_907 = arith.constant 0 : i32
      %dma_start3A_908 = tpu.memref_slice %arg15[%dma_start3A_899, %dma_start3A_906, %dma_start3A_907] : memref<16x8x128xf32, #tpu.memory_space<vmem>> -> memref<1x8x128xf32, #tpu.memory_space<vmem>>
      %dma_start3A_909 = tpu.memref_squeeze %dma_start3A_908 : memref<1x8x128xf32, #tpu.memory_space<vmem>> -> memref<8x128xf32, #tpu.memory_space<vmem>>
      %dma_start3A_910 = arith.constant 8 : i32
      %dma_start3A_911 = tpu.memref_slice %arg6[%dma_start3A_910, %multiple_of3A_885] : memref<16x1000000xf32, #tpu.memory_space<hbm>> -> memref<8x128xf32, #tpu.memory_space<hbm>>
      tpu.enqueue_dma source(%dma_start3A_911 : memref<8x128xf32, #tpu.memory_space<hbm>>) target(%dma_start3A_909 : memref<8x128xf32, #tpu.memory_space<vmem>>) target_semaphore(%arg21 : memref<!tpu.dma_semaphore, #tpu.memory_space<semaphore_mem>>)
      %slice3A_912 = vector.extract_strided_slice %mul3A_553 {offsets = [11], sizes = [1], strides = [1]} : vector<16xi32> to vector<1xi32>
      %squeeze3A_913 = vector.extract %slice3A_912[0] : i32 from vector<1xi32>
      %multiple_of3A_914 = tpu.assume_multiple %squeeze3A_913, 128 : i32
      %slice3A_915 = vector.extract_strided_slice %mul3A_559 {offsets = [11], sizes = [1], strides = [1]} : vector<16xi32> to vector<1xi32>
      %squeeze3A_916 = vector.extract %slice3A_915[0] : i32 from vector<1xi32>
      %multiple_of3A_917 = tpu.assume_multiple %squeeze3A_916, 128 : i32
      %dma_start3A_918 = arith.constant 11 : i32
      %dma_start3A_919 = arith.constant 0 : i32
      %dma_start3A_920 = arith.constant 0 : i32
      %dma_start3A_921 = tpu.memref_slice %arg14[%dma_start3A_918, %dma_start3A_919, %dma_start3A_920] : memref<16x8x128xf32, #tpu.memory_space<vmem>> -> memref<1x8x128xf32, #tpu.memory_space<vmem>>
      %dma_start3A_922 = tpu.memref_squeeze %dma_start3A_921 : memref<1x8x128xf32, #tpu.memory_space<vmem>> -> memref<8x128xf32, #tpu.memory_space<vmem>>
      %dma_start3A_923 = arith.constant 8 : i32
      %dma_start3A_924 = tpu.memref_slice %arg5[%dma_start3A_923, %multiple_of3A_914] : memref<16x1000000xf32, #tpu.memory_space<hbm>> -> memref<8x128xf32, #tpu.memory_space<hbm>>
      %dma_start3A_925 = arith.constant 0 : i32
      %dma_start3A_926 = arith.constant 0 : i32
      %dma_start3A_927 = tpu.memref_slice %arg14[%dma_start3A_918, %dma_start3A_925, %dma_start3A_926] : memref<16x8x128xf32, #tpu.memory_space<vmem>> -> memref<1x8x128xf32, #tpu.memory_space<vmem>>
      %dma_start3A_928 = tpu.memref_squeeze %dma_start3A_927 : memref<1x8x128xf32, #tpu.memory_space<vmem>> -> memref<8x128xf32, #tpu.memory_space<vmem>>
      %dma_start3A_929 = arith.constant 8 : i32
      %dma_start3A_930 = tpu.memref_slice %arg5[%dma_start3A_929, %multiple_of3A_914] : memref<16x1000000xf32, #tpu.memory_space<hbm>> -> memref<8x128xf32, #tpu.memory_space<hbm>>
      tpu.enqueue_dma source(%dma_start3A_930 : memref<8x128xf32, #tpu.memory_space<hbm>>) target(%dma_start3A_928 : memref<8x128xf32, #tpu.memory_space<vmem>>) target_semaphore(%arg21 : memref<!tpu.dma_semaphore, #tpu.memory_space<semaphore_mem>>)
      %dma_start3A_931 = arith.constant 11 : i32
      %dma_start3A_932 = arith.constant 0 : i32
      %dma_start3A_933 = arith.constant 0 : i32
      %dma_start3A_934 = tpu.memref_slice %arg15[%dma_start3A_931, %dma_start3A_932, %dma_start3A_933] : memref<16x8x128xf32, #tpu.memory_space<vmem>> -> memref<1x8x128xf32, #tpu.memory_space<vmem>>
      %dma_start3A_935 = tpu.memref_squeeze %dma_start3A_934 : memref<1x8x128xf32, #tpu.memory_space<vmem>> -> memref<8x128xf32, #tpu.memory_space<vmem>>
      %dma_start3A_936 = arith.constant 8 : i32
      %dma_start3A_937 = tpu.memref_slice %arg6[%dma_start3A_936, %multiple_of3A_917] : memref<16x1000000xf32, #tpu.memory_space<hbm>> -> memref<8x128xf32, #tpu.memory_space<hbm>>
      %dma_start3A_938 = arith.constant 0 : i32
      %dma_start3A_939 = arith.constant 0 : i32
      %dma_start3A_940 = tpu.memref_slice %arg15[%dma_start3A_931, %dma_start3A_938, %dma_start3A_939] : memref<16x8x128xf32, #tpu.memory_space<vmem>> -> memref<1x8x128xf32, #tpu.memory_space<vmem>>
      %dma_start3A_941 = tpu.memref_squeeze %dma_start3A_940 : memref<1x8x128xf32, #tpu.memory_space<vmem>> -> memref<8x128xf32, #tpu.memory_space<vmem>>
      %dma_start3A_942 = arith.constant 8 : i32
      %dma_start3A_943 = tpu.memref_slice %arg6[%dma_start3A_942, %multiple_of3A_917] : memref<16x1000000xf32, #tpu.memory_space<hbm>> -> memref<8x128xf32, #tpu.memory_space<hbm>>
      tpu.enqueue_dma source(%dma_start3A_943 : memref<8x128xf32, #tpu.memory_space<hbm>>) target(%dma_start3A_941 : memref<8x128xf32, #tpu.memory_space<vmem>>) target_semaphore(%arg21 : memref<!tpu.dma_semaphore, #tpu.memory_space<semaphore_mem>>)
      %slice3A_944 = vector.extract_strided_slice %mul3A_553 {offsets = [12], sizes = [1], strides = [1]} : vector<16xi32> to vector<1xi32>
      %squeeze3A_945 = vector.extract %slice3A_944[0] : i32 from vector<1xi32>
      %multiple_of3A_946 = tpu.assume_multiple %squeeze3A_945, 128 : i32
      %slice3A_947 = vector.extract_strided_slice %mul3A_559 {offsets = [12], sizes = [1], strides = [1]} : vector<16xi32> to vector<1xi32>
      %squeeze3A_948 = vector.extract %slice3A_947[0] : i32 from vector<1xi32>
      %multiple_of3A_949 = tpu.assume_multiple %squeeze3A_948, 128 : i32
      %dma_start3A_950 = arith.constant 12 : i32
      %dma_start3A_951 = arith.constant 0 : i32
      %dma_start3A_952 = arith.constant 0 : i32
      %dma_start3A_953 = tpu.memref_slice %arg14[%dma_start3A_950, %dma_start3A_951, %dma_start3A_952] : memref<16x8x128xf32, #tpu.memory_space<vmem>> -> memref<1x8x128xf32, #tpu.memory_space<vmem>>
      %dma_start3A_954 = tpu.memref_squeeze %dma_start3A_953 : memref<1x8x128xf32, #tpu.memory_space<vmem>> -> memref<8x128xf32, #tpu.memory_space<vmem>>
      %dma_start3A_955 = arith.constant 8 : i32
      %dma_start3A_956 = tpu.memref_slice %arg5[%dma_start3A_955, %multiple_of3A_946] : memref<16x1000000xf32, #tpu.memory_space<hbm>> -> memref<8x128xf32, #tpu.memory_space<hbm>>
      %dma_start3A_957 = arith.constant 0 : i32
      %dma_start3A_958 = arith.constant 0 : i32
      %dma_start3A_959 = tpu.memref_slice %arg14[%dma_start3A_950, %dma_start3A_957, %dma_start3A_958] : memref<16x8x128xf32, #tpu.memory_space<vmem>> -> memref<1x8x128xf32, #tpu.memory_space<vmem>>
      %dma_start3A_960 = tpu.memref_squeeze %dma_start3A_959 : memref<1x8x128xf32, #tpu.memory_space<vmem>> -> memref<8x128xf32, #tpu.memory_space<vmem>>
      %dma_start3A_961 = arith.constant 8 : i32
      %dma_start3A_962 = tpu.memref_slice %arg5[%dma_start3A_961, %multiple_of3A_946] : memref<16x1000000xf32, #tpu.memory_space<hbm>> -> memref<8x128xf32, #tpu.memory_space<hbm>>
      tpu.enqueue_dma source(%dma_start3A_962 : memref<8x128xf32, #tpu.memory_space<hbm>>) target(%dma_start3A_960 : memref<8x128xf32, #tpu.memory_space<vmem>>) target_semaphore(%arg21 : memref<!tpu.dma_semaphore, #tpu.memory_space<semaphore_mem>>)
      %dma_start3A_963 = arith.constant 12 : i32
      %dma_start3A_964 = arith.constant 0 : i32
      %dma_start3A_965 = arith.constant 0 : i32
      %dma_start3A_966 = tpu.memref_slice %arg15[%dma_start3A_963, %dma_start3A_964, %dma_start3A_965] : memref<16x8x128xf32, #tpu.memory_space<vmem>> -> memref<1x8x128xf32, #tpu.memory_space<vmem>>
      %dma_start3A_967 = tpu.memref_squeeze %dma_start3A_966 : memref<1x8x128xf32, #tpu.memory_space<vmem>> -> memref<8x128xf32, #tpu.memory_space<vmem>>
      %dma_start3A_968 = arith.constant 8 : i32
      %dma_start3A_969 = tpu.memref_slice %arg6[%dma_start3A_968, %multiple_of3A_949] : memref<16x1000000xf32, #tpu.memory_space<hbm>> -> memref<8x128xf32, #tpu.memory_space<hbm>>
      %dma_start3A_970 = arith.constant 0 : i32
      %dma_start3A_971 = arith.constant 0 : i32
      %dma_start3A_972 = tpu.memref_slice %arg15[%dma_start3A_963, %dma_start3A_970, %dma_start3A_971] : memref<16x8x128xf32, #tpu.memory_space<vmem>> -> memref<1x8x128xf32, #tpu.memory_space<vmem>>
      %dma_start3A_973 = tpu.memref_squeeze %dma_start3A_972 : memref<1x8x128xf32, #tpu.memory_space<vmem>> -> memref<8x128xf32, #tpu.memory_space<vmem>>
      %dma_start3A_974 = arith.constant 8 : i32
      %dma_start3A_975 = tpu.memref_slice %arg6[%dma_start3A_974, %multiple_of3A_949] : memref<16x1000000xf32, #tpu.memory_space<hbm>> -> memref<8x128xf32, #tpu.memory_space<hbm>>
      tpu.enqueue_dma source(%dma_start3A_975 : memref<8x128xf32, #tpu.memory_space<hbm>>) target(%dma_start3A_973 : memref<8x128xf32, #tpu.memory_space<vmem>>) target_semaphore(%arg21 : memref<!tpu.dma_semaphore, #tpu.memory_space<semaphore_mem>>)
      %slice3A_976 = vector.extract_strided_slice %mul3A_553 {offsets = [13], sizes = [1], strides = [1]} : vector<16xi32> to vector<1xi32>
      %squeeze3A_977 = vector.extract %slice3A_976[0] : i32 from vector<1xi32>
      %multiple_of3A_978 = tpu.assume_multiple %squeeze3A_977, 128 : i32
      %slice3A_979 = vector.extract_strided_slice %mul3A_559 {offsets = [13], sizes = [1], strides = [1]} : vector<16xi32> to vector<1xi32>
      %squeeze3A_980 = vector.extract %slice3A_979[0] : i32 from vector<1xi32>
      %multiple_of3A_981 = tpu.assume_multiple %squeeze3A_980, 128 : i32
      %dma_start3A_982 = arith.constant 13 : i32
      %dma_start3A_983 = arith.constant 0 : i32
      %dma_start3A_984 = arith.constant 0 : i32
      %dma_start3A_985 = tpu.memref_slice %arg14[%dma_start3A_982, %dma_start3A_983, %dma_start3A_984] : memref<16x8x128xf32, #tpu.memory_space<vmem>> -> memref<1x8x128xf32, #tpu.memory_space<vmem>>
      %dma_start3A_986 = tpu.memref_squeeze %dma_start3A_985 : memref<1x8x128xf32, #tpu.memory_space<vmem>> -> memref<8x128xf32, #tpu.memory_space<vmem>>
      %dma_start3A_987 = arith.constant 8 : i32
      %dma_start3A_988 = tpu.memref_slice %arg5[%dma_start3A_987, %multiple_of3A_978] : memref<16x1000000xf32, #tpu.memory_space<hbm>> -> memref<8x128xf32, #tpu.memory_space<hbm>>
      %dma_start3A_989 = arith.constant 0 : i32
      %dma_start3A_990 = arith.constant 0 : i32
      %dma_start3A_991 = tpu.memref_slice %arg14[%dma_start3A_982, %dma_start3A_989, %dma_start3A_990] : memref<16x8x128xf32, #tpu.memory_space<vmem>> -> memref<1x8x128xf32, #tpu.memory_space<vmem>>
      %dma_start3A_992 = tpu.memref_squeeze %dma_start3A_991 : memref<1x8x128xf32, #tpu.memory_space<vmem>> -> memref<8x128xf32, #tpu.memory_space<vmem>>
      %dma_start3A_993 = arith.constant 8 : i32
      %dma_start3A_994 = tpu.memref_slice %arg5[%dma_start3A_993, %multiple_of3A_978] : memref<16x1000000xf32, #tpu.memory_space<hbm>> -> memref<8x128xf32, #tpu.memory_space<hbm>>
      tpu.enqueue_dma source(%dma_start3A_994 : memref<8x128xf32, #tpu.memory_space<hbm>>) target(%dma_start3A_992 : memref<8x128xf32, #tpu.memory_space<vmem>>) target_semaphore(%arg21 : memref<!tpu.dma_semaphore, #tpu.memory_space<semaphore_mem>>)
      %dma_start3A_995 = arith.constant 13 : i32
      %dma_start3A_996 = arith.constant 0 : i32
      %dma_start3A_997 = arith.constant 0 : i32
      %dma_start3A_998 = tpu.memref_slice %arg15[%dma_start3A_995, %dma_start3A_996, %dma_start3A_997] : memref<16x8x128xf32, #tpu.memory_space<vmem>> -> memref<1x8x128xf32, #tpu.memory_space<vmem>>
      %dma_start3A_999 = tpu.memref_squeeze %dma_start3A_998 : memref<1x8x128xf32, #tpu.memory_space<vmem>> -> memref<8x128xf32, #tpu.memory_space<vmem>>
      %dma_start3A_1000 = arith.constant 8 : i32
      %dma_start3A_1001 = tpu.memref_slice %arg6[%dma_start3A_1000, %multiple_of3A_981] : memref<16x1000000xf32, #tpu.memory_space<hbm>> -> memref<8x128xf32, #tpu.memory_space<hbm>>
      %dma_start3A_1002 = arith.constant 0 : i32
      %dma_start3A_1003 = arith.constant 0 : i32
      %dma_start3A_1004 = tpu.memref_slice %arg15[%dma_start3A_995, %dma_start3A_1002, %dma_start3A_1003] : memref<16x8x128xf32, #tpu.memory_space<vmem>> -> memref<1x8x128xf32, #tpu.memory_space<vmem>>
      %dma_start3A_1005 = tpu.memref_squeeze %dma_start3A_1004 : memref<1x8x128xf32, #tpu.memory_space<vmem>> -> memref<8x128xf32, #tpu.memory_space<vmem>>
      %dma_start3A_1006 = arith.constant 8 : i32
      %dma_start3A_1007 = tpu.memref_slice %arg6[%dma_start3A_1006, %multiple_of3A_981] : memref<16x1000000xf32, #tpu.memory_space<hbm>> -> memref<8x128xf32, #tpu.memory_space<hbm>>
      tpu.enqueue_dma source(%dma_start3A_1007 : memref<8x128xf32, #tpu.memory_space<hbm>>) target(%dma_start3A_1005 : memref<8x128xf32, #tpu.memory_space<vmem>>) target_semaphore(%arg21 : memref<!tpu.dma_semaphore, #tpu.memory_space<semaphore_mem>>)
      %slice3A_1008 = vector.extract_strided_slice %mul3A_553 {offsets = [14], sizes = [1], strides = [1]} : vector<16xi32> to vector<1xi32>
      %squeeze3A_1009 = vector.extract %slice3A_1008[0] : i32 from vector<1xi32>
      %multiple_of3A_1010 = tpu.assume_multiple %squeeze3A_1009, 128 : i32
      %slice3A_1011 = vector.extract_strided_slice %mul3A_559 {offsets = [14], sizes = [1], strides = [1]} : vector<16xi32> to vector<1xi32>
      %squeeze3A_1012 = vector.extract %slice3A_1011[0] : i32 from vector<1xi32>
      %multiple_of3A_1013 = tpu.assume_multiple %squeeze3A_1012, 128 : i32
      %dma_start3A_1014 = arith.constant 14 : i32
      %dma_start3A_1015 = arith.constant 0 : i32
      %dma_start3A_1016 = arith.constant 0 : i32
      %dma_start3A_1017 = tpu.memref_slice %arg14[%dma_start3A_1014, %dma_start3A_1015, %dma_start3A_1016] : memref<16x8x128xf32, #tpu.memory_space<vmem>> -> memref<1x8x128xf32, #tpu.memory_space<vmem>>
      %dma_start3A_1018 = tpu.memref_squeeze %dma_start3A_1017 : memref<1x8x128xf32, #tpu.memory_space<vmem>> -> memref<8x128xf32, #tpu.memory_space<vmem>>
      %dma_start3A_1019 = arith.constant 8 : i32
      %dma_start3A_1020 = tpu.memref_slice %arg5[%dma_start3A_1019, %multiple_of3A_1010] : memref<16x1000000xf32, #tpu.memory_space<hbm>> -> memref<8x128xf32, #tpu.memory_space<hbm>>
      %dma_start3A_1021 = arith.constant 0 : i32
      %dma_start3A_1022 = arith.constant 0 : i32
      %dma_start3A_1023 = tpu.memref_slice %arg14[%dma_start3A_1014, %dma_start3A_1021, %dma_start3A_1022] : memref<16x8x128xf32, #tpu.memory_space<vmem>> -> memref<1x8x128xf32, #tpu.memory_space<vmem>>
      %dma_start3A_1024 = tpu.memref_squeeze %dma_start3A_1023 : memref<1x8x128xf32, #tpu.memory_space<vmem>> -> memref<8x128xf32, #tpu.memory_space<vmem>>
      %dma_start3A_1025 = arith.constant 8 : i32
      %dma_start3A_1026 = tpu.memref_slice %arg5[%dma_start3A_1025, %multiple_of3A_1010] : memref<16x1000000xf32, #tpu.memory_space<hbm>> -> memref<8x128xf32, #tpu.memory_space<hbm>>
      tpu.enqueue_dma source(%dma_start3A_1026 : memref<8x128xf32, #tpu.memory_space<hbm>>) target(%dma_start3A_1024 : memref<8x128xf32, #tpu.memory_space<vmem>>) target_semaphore(%arg21 : memref<!tpu.dma_semaphore, #tpu.memory_space<semaphore_mem>>)
      %dma_start3A_1027 = arith.constant 14 : i32
      %dma_start3A_1028 = arith.constant 0 : i32
      %dma_start3A_1029 = arith.constant 0 : i32
      %dma_start3A_1030 = tpu.memref_slice %arg15[%dma_start3A_1027, %dma_start3A_1028, %dma_start3A_1029] : memref<16x8x128xf32, #tpu.memory_space<vmem>> -> memref<1x8x128xf32, #tpu.memory_space<vmem>>
      %dma_start3A_1031 = tpu.memref_squeeze %dma_start3A_1030 : memref<1x8x128xf32, #tpu.memory_space<vmem>> -> memref<8x128xf32, #tpu.memory_space<vmem>>
      %dma_start3A_1032 = arith.constant 8 : i32
      %dma_start3A_1033 = tpu.memref_slice %arg6[%dma_start3A_1032, %multiple_of3A_1013] : memref<16x1000000xf32, #tpu.memory_space<hbm>> -> memref<8x128xf32, #tpu.memory_space<hbm>>
      %dma_start3A_1034 = arith.constant 0 : i32
      %dma_start3A_1035 = arith.constant 0 : i32
      %dma_start3A_1036 = tpu.memref_slice %arg15[%dma_start3A_1027, %dma_start3A_1034, %dma_start3A_1035] : memref<16x8x128xf32, #tpu.memory_space<vmem>> -> memref<1x8x128xf32, #tpu.memory_space<vmem>>
      %dma_start3A_1037 = tpu.memref_squeeze %dma_start3A_1036 : memref<1x8x128xf32, #tpu.memory_space<vmem>> -> memref<8x128xf32, #tpu.memory_space<vmem>>
      %dma_start3A_1038 = arith.constant 8 : i32
      %dma_start3A_1039 = tpu.memref_slice %arg6[%dma_start3A_1038, %multiple_of3A_1013] : memref<16x1000000xf32, #tpu.memory_space<hbm>> -> memref<8x128xf32, #tpu.memory_space<hbm>>
      tpu.enqueue_dma source(%dma_start3A_1039 : memref<8x128xf32, #tpu.memory_space<hbm>>) target(%dma_start3A_1037 : memref<8x128xf32, #tpu.memory_space<vmem>>) target_semaphore(%arg21 : memref<!tpu.dma_semaphore, #tpu.memory_space<semaphore_mem>>)
      %slice3A_1040 = vector.extract_strided_slice %mul3A_553 {offsets = [15], sizes = [1], strides = [1]} : vector<16xi32> to vector<1xi32>
      %squeeze3A_1041 = vector.extract %slice3A_1040[0] : i32 from vector<1xi32>
      %multiple_of3A_1042 = tpu.assume_multiple %squeeze3A_1041, 128 : i32
      %slice3A_1043 = vector.extract_strided_slice %mul3A_559 {offsets = [15], sizes = [1], strides = [1]} : vector<16xi32> to vector<1xi32>
      %squeeze3A_1044 = vector.extract %slice3A_1043[0] : i32 from vector<1xi32>
      %multiple_of3A_1045 = tpu.assume_multiple %squeeze3A_1044, 128 : i32
      %dma_start3A_1046 = arith.constant 15 : i32
      %dma_start3A_1047 = arith.constant 0 : i32
      %dma_start3A_1048 = arith.constant 0 : i32
      %dma_start3A_1049 = tpu.memref_slice %arg14[%dma_start3A_1046, %dma_start3A_1047, %dma_start3A_1048] : memref<16x8x128xf32, #tpu.memory_space<vmem>> -> memref<1x8x128xf32, #tpu.memory_space<vmem>>
      %dma_start3A_1050 = tpu.memref_squeeze %dma_start3A_1049 : memref<1x8x128xf32, #tpu.memory_space<vmem>> -> memref<8x128xf32, #tpu.memory_space<vmem>>
      %dma_start3A_1051 = arith.constant 8 : i32
      %dma_start3A_1052 = tpu.memref_slice %arg5[%dma_start3A_1051, %multiple_of3A_1042] : memref<16x1000000xf32, #tpu.memory_space<hbm>> -> memref<8x128xf32, #tpu.memory_space<hbm>>
      %dma_start3A_1053 = arith.constant 0 : i32
      %dma_start3A_1054 = arith.constant 0 : i32
      %dma_start3A_1055 = tpu.memref_slice %arg14[%dma_start3A_1046, %dma_start3A_1053, %dma_start3A_1054] : memref<16x8x128xf32, #tpu.memory_space<vmem>> -> memref<1x8x128xf32, #tpu.memory_space<vmem>>
      %dma_start3A_1056 = tpu.memref_squeeze %dma_start3A_1055 : memref<1x8x128xf32, #tpu.memory_space<vmem>> -> memref<8x128xf32, #tpu.memory_space<vmem>>
      %dma_start3A_1057 = arith.constant 8 : i32
      %dma_start3A_1058 = tpu.memref_slice %arg5[%dma_start3A_1057, %multiple_of3A_1042] : memref<16x1000000xf32, #tpu.memory_space<hbm>> -> memref<8x128xf32, #tpu.memory_space<hbm>>
      tpu.enqueue_dma source(%dma_start3A_1058 : memref<8x128xf32, #tpu.memory_space<hbm>>) target(%dma_start3A_1056 : memref<8x128xf32, #tpu.memory_space<vmem>>) target_semaphore(%arg21 : memref<!tpu.dma_semaphore, #tpu.memory_space<semaphore_mem>>)
      %dma_start3A_1059 = arith.constant 15 : i32
      %dma_start3A_1060 = arith.constant 0 : i32
      %dma_start3A_1061 = arith.constant 0 : i32
      %dma_start3A_1062 = tpu.memref_slice %arg15[%dma_start3A_1059, %dma_start3A_1060, %dma_start3A_1061] : memref<16x8x128xf32, #tpu.memory_space<vmem>> -> memref<1x8x128xf32, #tpu.memory_space<vmem>>
      %dma_start3A_1063 = tpu.memref_squeeze %dma_start3A_1062 : memref<1x8x128xf32, #tpu.memory_space<vmem>> -> memref<8x128xf32, #tpu.memory_space<vmem>>
      %dma_start3A_1064 = arith.constant 8 : i32
      %dma_start3A_1065 = tpu.memref_slice %arg6[%dma_start3A_1064, %multiple_of3A_1045] : memref<16x1000000xf32, #tpu.memory_space<hbm>> -> memref<8x128xf32, #tpu.memory_space<hbm>>
      %dma_start3A_1066 = arith.constant 0 : i32
      %dma_start3A_1067 = arith.constant 0 : i32
      %dma_start3A_1068 = tpu.memref_slice %arg15[%dma_start3A_1059, %dma_start3A_1066, %dma_start3A_1067] : memref<16x8x128xf32, #tpu.memory_space<vmem>> -> memref<1x8x128xf32, #tpu.memory_space<vmem>>
      %dma_start3A_1069 = tpu.memref_squeeze %dma_start3A_1068 : memref<1x8x128xf32, #tpu.memory_space<vmem>> -> memref<8x128xf32, #tpu.memory_space<vmem>>
      %dma_start3A_1070 = arith.constant 8 : i32
      %dma_start3A_1071 = tpu.memref_slice %arg6[%dma_start3A_1070, %multiple_of3A_1045] : memref<16x1000000xf32, #tpu.memory_space<hbm>> -> memref<8x128xf32, #tpu.memory_space<hbm>>
      tpu.enqueue_dma source(%dma_start3A_1071 : memref<8x128xf32, #tpu.memory_space<hbm>>) target(%dma_start3A_1069 : memref<8x128xf32, #tpu.memory_space<vmem>>) target_semaphore(%arg21 : memref<!tpu.dma_semaphore, #tpu.memory_space<semaphore_mem>>)
      %get3A_1072 = arith.index_cast %mul3A_541 : i32 to index
      %get3A_1073 = tpu.vector_load %arg18[%get3A_1072] {strides = array<i32>} : memref<512xf32, #tpu.memory_space<vmem>>, vector<16xf32>,
      %get3A_1074 = arith.index_cast %mul3A_541 : i32 to index
      %get3A_1075 = tpu.vector_load %arg16[%get3A_1074] {strides = array<i32>} : memref<512xf32, #tpu.memory_space<vmem>>, vector<16xf32>,
      %add3A_1076 = arith.addf %get3A_1073, %get3A_1075 : vector<16xf32>
      %get3A_1077 = arith.index_cast %mul3A_541 : i32 to index
      %get3A_1078 = tpu.vector_load %arg17[%get3A_1077] {strides = array<i32>} : memref<512xf32, #tpu.memory_space<vmem>>, vector<16xf32>,
      %add3A_1079 = arith.addf %add3A_1076, %get3A_1078 : vector<16xf32>
      %dma_wait3A_1080 = arith.constant 0 : i32
      %dma_wait3A_1081 = arith.constant 0 : i32
      %dma_wait3A_1082 = arith.constant 0 : i32
      %dma_wait3A_1083 = tpu.memref_slice %arg12[%dma_wait3A_1080, %dma_wait3A_1081, %dma_wait3A_1082] : memref<16x8x128xf32, #tpu.memory_space<vmem>> -> memref<1x8x128xf32, #tpu.memory_space<vmem>>
      %dma_wait3A_1084 = tpu.memref_squeeze %dma_wait3A_1083 : memref<1x8x128xf32, #tpu.memory_space<vmem>> -> memref<8x128xf32, #tpu.memory_space<vmem>>
      %dma_wait3A_1085 = arith.constant 0 : i32
      %dma_wait3A_1086 = arith.constant 0 : i32
      %dma_wait3A_1087 = tpu.memref_slice %arg5[%dma_wait3A_1085, %dma_wait3A_1086] : memref<16x1000000xf32, #tpu.memory_space<hbm>> -> memref<8x128xf32, #tpu.memory_space<hbm>>
      %dma_wait3A_1088 = arith.constant 0 : i32
      %dma_wait3A_1089 = arith.constant 0 : i32
      %dma_wait3A_1090 = tpu.memref_slice %arg12[%dma_wait3A_1080, %dma_wait3A_1088, %dma_wait3A_1089] : memref<16x8x128xf32, #tpu.memory_space<vmem>> -> memref<1x8x128xf32, #tpu.memory_space<vmem>>
      %dma_wait3A_1091 = tpu.memref_squeeze %dma_wait3A_1090 : memref<1x8x128xf32, #tpu.memory_space<vmem>> -> memref<8x128xf32, #tpu.memory_space<vmem>>
      %dma_wait3A_1092 = arith.constant 0 : i32
      %dma_wait3A_1093 = arith.constant 0 : i32
      %dma_wait3A_1094 = tpu.memref_slice %arg5[%dma_wait3A_1092, %dma_wait3A_1093] : memref<16x1000000xf32, #tpu.memory_space<hbm>> -> memref<8x128xf32, #tpu.memory_space<hbm>>
      tpu.wait_dma2 semaphore(%arg20 : memref<!tpu.dma_semaphore, #tpu.memory_space<semaphore_mem>>) src(%dma_wait3A_1094 : memref<8x128xf32, #tpu.memory_space<hbm>>) dst(%dma_wait3A_1091 : memref<8x128xf32, #tpu.memory_space<vmem>>)
      %dma_wait3A_1095 = arith.constant 0 : i32
      %dma_wait3A_1096 = arith.constant 0 : i32
      %dma_wait3A_1097 = arith.constant 0 : i32
      %dma_wait3A_1098 = tpu.memref_slice %arg13[%dma_wait3A_1095, %dma_wait3A_1096, %dma_wait3A_1097] : memref<16x8x128xf32, #tpu.memory_space<vmem>> -> memref<1x8x128xf32, #tpu.memory_space<vmem>>
      %dma_wait3A_1099 = tpu.memref_squeeze %dma_wait3A_1098 : memref<1x8x128xf32, #tpu.memory_space<vmem>> -> memref<8x128xf32, #tpu.memory_space<vmem>>
      %dma_wait3A_1100 = arith.constant 0 : i32
      %dma_wait3A_1101 = arith.constant 0 : i32
      %dma_wait3A_1102 = tpu.memref_slice %arg6[%dma_wait3A_1100, %dma_wait3A_1101] : memref<16x1000000xf32, #tpu.memory_space<hbm>> -> memref<8x128xf32, #tpu.memory_space<hbm>>
      %dma_wait3A_1103 = arith.constant 0 : i32
      %dma_wait3A_1104 = arith.constant 0 : i32
      %dma_wait3A_1105 = tpu.memref_slice %arg13[%dma_wait3A_1095, %dma_wait3A_1103, %dma_wait3A_1104] : memref<16x8x128xf32, #tpu.memory_space<vmem>> -> memref<1x8x128xf32, #tpu.memory_space<vmem>>
      %dma_wait3A_1106 = tpu.memref_squeeze %dma_wait3A_1105 : memref<1x8x128xf32, #tpu.memory_space<vmem>> -> memref<8x128xf32, #tpu.memory_space<vmem>>
      %dma_wait3A_1107 = arith.constant 0 : i32
      %dma_wait3A_1108 = arith.constant 0 : i32
      %dma_wait3A_1109 = tpu.memref_slice %arg6[%dma_wait3A_1107, %dma_wait3A_1108] : memref<16x1000000xf32, #tpu.memory_space<hbm>> -> memref<8x128xf32, #tpu.memory_space<hbm>>
      tpu.wait_dma2 semaphore(%arg20 : memref<!tpu.dma_semaphore, #tpu.memory_space<semaphore_mem>>) src(%dma_wait3A_1109 : memref<8x128xf32, #tpu.memory_space<hbm>>) dst(%dma_wait3A_1106 : memref<8x128xf32, #tpu.memory_space<vmem>>)
      %dma_wait3A_1110 = arith.constant 1 : i32
      %dma_wait3A_1111 = arith.constant 0 : i32
      %dma_wait3A_1112 = arith.constant 0 : i32
      %dma_wait3A_1113 = tpu.memref_slice %arg12[%dma_wait3A_1110, %dma_wait3A_1111, %dma_wait3A_1112] : memref<16x8x128xf32, #tpu.memory_space<vmem>> -> memref<1x8x128xf32, #tpu.memory_space<vmem>>
      %dma_wait3A_1114 = tpu.memref_squeeze %dma_wait3A_1113 : memref<1x8x128xf32, #tpu.memory_space<vmem>> -> memref<8x128xf32, #tpu.memory_space<vmem>>
      %dma_wait3A_1115 = arith.constant 0 : i32
      %dma_wait3A_1116 = arith.constant 0 : i32
      %dma_wait3A_1117 = tpu.memref_slice %arg5[%dma_wait3A_1115, %dma_wait3A_1116] : memref<16x1000000xf32, #tpu.memory_space<hbm>> -> memref<8x128xf32, #tpu.memory_space<hbm>>
      %dma_wait3A_1118 = arith.constant 0 : i32
      %dma_wait3A_1119 = arith.constant 0 : i32
      %dma_wait3A_1120 = tpu.memref_slice %arg12[%dma_wait3A_1110, %dma_wait3A_1118, %dma_wait3A_1119] : memref<16x8x128xf32, #tpu.memory_space<vmem>> -> memref<1x8x128xf32, #tpu.memory_space<vmem>>
      %dma_wait3A_1121 = tpu.memref_squeeze %dma_wait3A_1120 : memref<1x8x128xf32, #tpu.memory_space<vmem>> -> memref<8x128xf32, #tpu.memory_space<vmem>>
      %dma_wait3A_1122 = arith.constant 0 : i32
      %dma_wait3A_1123 = arith.constant 0 : i32
      %dma_wait3A_1124 = tpu.memref_slice %arg5[%dma_wait3A_1122, %dma_wait3A_1123] : memref<16x1000000xf32, #tpu.memory_space<hbm>> -> memref<8x128xf32, #tpu.memory_space<hbm>>
      tpu.wait_dma2 semaphore(%arg20 : memref<!tpu.dma_semaphore, #tpu.memory_space<semaphore_mem>>) src(%dma_wait3A_1124 : memref<8x128xf32, #tpu.memory_space<hbm>>) dst(%dma_wait3A_1121 : memref<8x128xf32, #tpu.memory_space<vmem>>)
      %dma_wait3A_1125 = arith.constant 1 : i32
      %dma_wait3A_1126 = arith.constant 0 : i32
      %dma_wait3A_1127 = arith.constant 0 : i32
      %dma_wait3A_1128 = tpu.memref_slice %arg13[%dma_wait3A_1125, %dma_wait3A_1126, %dma_wait3A_1127] : memref<16x8x128xf32, #tpu.memory_space<vmem>> -> memref<1x8x128xf32, #tpu.memory_space<vmem>>
      %dma_wait3A_1129 = tpu.memref_squeeze %dma_wait3A_1128 : memref<1x8x128xf32, #tpu.memory_space<vmem>> -> memref<8x128xf32, #tpu.memory_space<vmem>>
      %dma_wait3A_1130 = arith.constant 0 : i32
      %dma_wait3A_1131 = arith.constant 0 : i32
      %dma_wait3A_1132 = tpu.memref_slice %arg6[%dma_wait3A_1130, %dma_wait3A_1131] : memref<16x1000000xf32, #tpu.memory_space<hbm>> -> memref<8x128xf32, #tpu.memory_space<hbm>>
      %dma_wait3A_1133 = arith.constant 0 : i32
      %dma_wait3A_1134 = arith.constant 0 : i32
      %dma_wait3A_1135 = tpu.memref_slice %arg13[%dma_wait3A_1125, %dma_wait3A_1133, %dma_wait3A_1134] : memref<16x8x128xf32, #tpu.memory_space<vmem>> -> memref<1x8x128xf32, #tpu.memory_space<vmem>>
      %dma_wait3A_1136 = tpu.memref_squeeze %dma_wait3A_1135 : memref<1x8x128xf32, #tpu.memory_space<vmem>> -> memref<8x128xf32, #tpu.memory_space<vmem>>
      %dma_wait3A_1137 = arith.constant 0 : i32
      %dma_wait3A_1138 = arith.constant 0 : i32
      %dma_wait3A_1139 = tpu.memref_slice %arg6[%dma_wait3A_1137, %dma_wait3A_1138] : memref<16x1000000xf32, #tpu.memory_space<hbm>> -> memref<8x128xf32, #tpu.memory_space<hbm>>
      tpu.wait_dma2 semaphore(%arg20 : memref<!tpu.dma_semaphore, #tpu.memory_space<semaphore_mem>>) src(%dma_wait3A_1139 : memref<8x128xf32, #tpu.memory_space<hbm>>) dst(%dma_wait3A_1136 : memref<8x128xf32, #tpu.memory_space<vmem>>)
      %dma_wait3A_1140 = arith.constant 2 : i32
      %dma_wait3A_1141 = arith.constant 0 : i32
      %dma_wait3A_1142 = arith.constant 0 : i32
      %dma_wait3A_1143 = tpu.memref_slice %arg12[%dma_wait3A_1140, %dma_wait3A_1141, %dma_wait3A_1142] : memref<16x8x128xf32, #tpu.memory_space<vmem>> -> memref<1x8x128xf32, #tpu.memory_space<vmem>>
      %dma_wait3A_1144 = tpu.memref_squeeze %dma_wait3A_1143 : memref<1x8x128xf32, #tpu.memory_space<vmem>> -> memref<8x128xf32, #tpu.memory_space<vmem>>
      %dma_wait3A_1145 = arith.constant 0 : i32
      %dma_wait3A_1146 = arith.constant 0 : i32
      %dma_wait3A_1147 = tpu.memref_slice %arg5[%dma_wait3A_1145, %dma_wait3A_1146] : memref<16x1000000xf32, #tpu.memory_space<hbm>> -> memref<8x128xf32, #tpu.memory_space<hbm>>
      %dma_wait3A_1148 = arith.constant 0 : i32
      %dma_wait3A_1149 = arith.constant 0 : i32
      %dma_wait3A_1150 = tpu.memref_slice %arg12[%dma_wait3A_1140, %dma_wait3A_1148, %dma_wait3A_1149] : memref<16x8x128xf32, #tpu.memory_space<vmem>> -> memref<1x8x128xf32, #tpu.memory_space<vmem>>
      %dma_wait3A_1151 = tpu.memref_squeeze %dma_wait3A_1150 : memref<1x8x128xf32, #tpu.memory_space<vmem>> -> memref<8x128xf32, #tpu.memory_space<vmem>>
      %dma_wait3A_1152 = arith.constant 0 : i32
      %dma_wait3A_1153 = arith.constant 0 : i32
      %dma_wait3A_1154 = tpu.memref_slice %arg5[%dma_wait3A_1152, %dma_wait3A_1153] : memref<16x1000000xf32, #tpu.memory_space<hbm>> -> memref<8x128xf32, #tpu.memory_space<hbm>>
      tpu.wait_dma2 semaphore(%arg20 : memref<!tpu.dma_semaphore, #tpu.memory_space<semaphore_mem>>) src(%dma_wait3A_1154 : memref<8x128xf32, #tpu.memory_space<hbm>>) dst(%dma_wait3A_1151 : memref<8x128xf32, #tpu.memory_space<vmem>>)
      %dma_wait3A_1155 = arith.constant 2 : i32
      %dma_wait3A_1156 = arith.constant 0 : i32
      %dma_wait3A_1157 = arith.constant 0 : i32
      %dma_wait3A_1158 = tpu.memref_slice %arg13[%dma_wait3A_1155, %dma_wait3A_1156, %dma_wait3A_1157] : memref<16x8x128xf32, #tpu.memory_space<vmem>> -> memref<1x8x128xf32, #tpu.memory_space<vmem>>
      %dma_wait3A_1159 = tpu.memref_squeeze %dma_wait3A_1158 : memref<1x8x128xf32, #tpu.memory_space<vmem>> -> memref<8x128xf32, #tpu.memory_space<vmem>>
      %dma_wait3A_1160 = arith.constant 0 : i32
      %dma_wait3A_1161 = arith.constant 0 : i32
      %dma_wait3A_1162 = tpu.memref_slice %arg6[%dma_wait3A_1160, %dma_wait3A_1161] : memref<16x1000000xf32, #tpu.memory_space<hbm>> -> memref<8x128xf32, #tpu.memory_space<hbm>>
      %dma_wait3A_1163 = arith.constant 0 : i32
      %dma_wait3A_1164 = arith.constant 0 : i32
      %dma_wait3A_1165 = tpu.memref_slice %arg13[%dma_wait3A_1155, %dma_wait3A_1163, %dma_wait3A_1164] : memref<16x8x128xf32, #tpu.memory_space<vmem>> -> memref<1x8x128xf32, #tpu.memory_space<vmem>>
      %dma_wait3A_1166 = tpu.memref_squeeze %dma_wait3A_1165 : memref<1x8x128xf32, #tpu.memory_space<vmem>> -> memref<8x128xf32, #tpu.memory_space<vmem>>
      %dma_wait3A_1167 = arith.constant 0 : i32
      %dma_wait3A_1168 = arith.constant 0 : i32
      %dma_wait3A_1169 = tpu.memref_slice %arg6[%dma_wait3A_1167, %dma_wait3A_1168] : memref<16x1000000xf32, #tpu.memory_space<hbm>> -> memref<8x128xf32, #tpu.memory_space<hbm>>
      tpu.wait_dma2 semaphore(%arg20 : memref<!tpu.dma_semaphore, #tpu.memory_space<semaphore_mem>>) src(%dma_wait3A_1169 : memref<8x128xf32, #tpu.memory_space<hbm>>) dst(%dma_wait3A_1166 : memref<8x128xf32, #tpu.memory_space<vmem>>)
      %dma_wait3A_1170 = arith.constant 3 : i32
      %dma_wait3A_1171 = arith.constant 0 : i32
      %dma_wait3A_1172 = arith.constant 0 : i32
      %dma_wait3A_1173 = tpu.memref_slice %arg12[%dma_wait3A_1170, %dma_wait3A_1171, %dma_wait3A_1172] : memref<16x8x128xf32, #tpu.memory_space<vmem>> -> memref<1x8x128xf32, #tpu.memory_space<vmem>>
      %dma_wait3A_1174 = tpu.memref_squeeze %dma_wait3A_1173 : memref<1x8x128xf32, #tpu.memory_space<vmem>> -> memref<8x128xf32, #tpu.memory_space<vmem>>
      %dma_wait3A_1175 = arith.constant 0 : i32
      %dma_wait3A_1176 = arith.constant 0 : i32
      %dma_wait3A_1177 = tpu.memref_slice %arg5[%dma_wait3A_1175, %dma_wait3A_1176] : memref<16x1000000xf32, #tpu.memory_space<hbm>> -> memref<8x128xf32, #tpu.memory_space<hbm>>
      %dma_wait3A_1178 = arith.constant 0 : i32
      %dma_wait3A_1179 = arith.constant 0 : i32
      %dma_wait3A_1180 = tpu.memref_slice %arg12[%dma_wait3A_1170, %dma_wait3A_1178, %dma_wait3A_1179] : memref<16x8x128xf32, #tpu.memory_space<vmem>> -> memref<1x8x128xf32, #tpu.memory_space<vmem>>
      %dma_wait3A_1181 = tpu.memref_squeeze %dma_wait3A_1180 : memref<1x8x128xf32, #tpu.memory_space<vmem>> -> memref<8x128xf32, #tpu.memory_space<vmem>>
      %dma_wait3A_1182 = arith.constant 0 : i32
      %dma_wait3A_1183 = arith.constant 0 : i32
      %dma_wait3A_1184 = tpu.memref_slice %arg5[%dma_wait3A_1182, %dma_wait3A_1183] : memref<16x1000000xf32, #tpu.memory_space<hbm>> -> memref<8x128xf32, #tpu.memory_space<hbm>>
      tpu.wait_dma2 semaphore(%arg20 : memref<!tpu.dma_semaphore, #tpu.memory_space<semaphore_mem>>) src(%dma_wait3A_1184 : memref<8x128xf32, #tpu.memory_space<hbm>>) dst(%dma_wait3A_1181 : memref<8x128xf32, #tpu.memory_space<vmem>>)
      %dma_wait3A_1185 = arith.constant 3 : i32
      %dma_wait3A_1186 = arith.constant 0 : i32
      %dma_wait3A_1187 = arith.constant 0 : i32
      %dma_wait3A_1188 = tpu.memref_slice %arg13[%dma_wait3A_1185, %dma_wait3A_1186, %dma_wait3A_1187] : memref<16x8x128xf32, #tpu.memory_space<vmem>> -> memref<1x8x128xf32, #tpu.memory_space<vmem>>
      %dma_wait3A_1189 = tpu.memref_squeeze %dma_wait3A_1188 : memref<1x8x128xf32, #tpu.memory_space<vmem>> -> memref<8x128xf32, #tpu.memory_space<vmem>>
      %dma_wait3A_1190 = arith.constant 0 : i32
      %dma_wait3A_1191 = arith.constant 0 : i32
      %dma_wait3A_1192 = tpu.memref_slice %arg6[%dma_wait3A_1190, %dma_wait3A_1191] : memref<16x1000000xf32, #tpu.memory_space<hbm>> -> memref<8x128xf32, #tpu.memory_space<hbm>>
      %dma_wait3A_1193 = arith.constant 0 : i32
      %dma_wait3A_1194 = arith.constant 0 : i32
      %dma_wait3A_1195 = tpu.memref_slice %arg13[%dma_wait3A_1185, %dma_wait3A_1193, %dma_wait3A_1194] : memref<16x8x128xf32, #tpu.memory_space<vmem>> -> memref<1x8x128xf32, #tpu.memory_space<vmem>>
      %dma_wait3A_1196 = tpu.memref_squeeze %dma_wait3A_1195 : memref<1x8x128xf32, #tpu.memory_space<vmem>> -> memref<8x128xf32, #tpu.memory_space<vmem>>
      %dma_wait3A_1197 = arith.constant 0 : i32
      %dma_wait3A_1198 = arith.constant 0 : i32
      %dma_wait3A_1199 = tpu.memref_slice %arg6[%dma_wait3A_1197, %dma_wait3A_1198] : memref<16x1000000xf32, #tpu.memory_space<hbm>> -> memref<8x128xf32, #tpu.memory_space<hbm>>
      tpu.wait_dma2 semaphore(%arg20 : memref<!tpu.dma_semaphore, #tpu.memory_space<semaphore_mem>>) src(%dma_wait3A_1199 : memref<8x128xf32, #tpu.memory_space<hbm>>) dst(%dma_wait3A_1196 : memref<8x128xf32, #tpu.memory_space<vmem>>)
      %dma_wait3A_1200 = arith.constant 4 : i32
      %dma_wait3A_1201 = arith.constant 0 : i32
      %dma_wait3A_1202 = arith.constant 0 : i32
      %dma_wait3A_1203 = tpu.memref_slice %arg12[%dma_wait3A_1200, %dma_wait3A_1201, %dma_wait3A_1202] : memref<16x8x128xf32, #tpu.memory_space<vmem>> -> memref<1x8x128xf32, #tpu.memory_space<vmem>>
      %dma_wait3A_1204 = tpu.memref_squeeze %dma_wait3A_1203 : memref<1x8x128xf32, #tpu.memory_space<vmem>> -> memref<8x128xf32, #tpu.memory_space<vmem>>
      %dma_wait3A_1205 = arith.constant 0 : i32
      %dma_wait3A_1206 = arith.constant 0 : i32
      %dma_wait3A_1207 = tpu.memref_slice %arg5[%dma_wait3A_1205, %dma_wait3A_1206] : memref<16x1000000xf32, #tpu.memory_space<hbm>> -> memref<8x128xf32, #tpu.memory_space<hbm>>
      %dma_wait3A_1208 = arith.constant 0 : i32
      %dma_wait3A_1209 = arith.constant 0 : i32
      %dma_wait3A_1210 = tpu.memref_slice %arg12[%dma_wait3A_1200, %dma_wait3A_1208, %dma_wait3A_1209] : memref<16x8x128xf32, #tpu.memory_space<vmem>> -> memref<1x8x128xf32, #tpu.memory_space<vmem>>
      %dma_wait3A_1211 = tpu.memref_squeeze %dma_wait3A_1210 : memref<1x8x128xf32, #tpu.memory_space<vmem>> -> memref<8x128xf32, #tpu.memory_space<vmem>>
      %dma_wait3A_1212 = arith.constant 0 : i32
      %dma_wait3A_1213 = arith.constant 0 : i32
      %dma_wait3A_1214 = tpu.memref_slice %arg5[%dma_wait3A_1212, %dma_wait3A_1213] : memref<16x1000000xf32, #tpu.memory_space<hbm>> -> memref<8x128xf32, #tpu.memory_space<hbm>>
      tpu.wait_dma2 semaphore(%arg20 : memref<!tpu.dma_semaphore, #tpu.memory_space<semaphore_mem>>) src(%dma_wait3A_1214 : memref<8x128xf32, #tpu.memory_space<hbm>>) dst(%dma_wait3A_1211 : memref<8x128xf32, #tpu.memory_space<vmem>>)
      %dma_wait3A_1215 = arith.constant 4 : i32
      %dma_wait3A_1216 = arith.constant 0 : i32
      %dma_wait3A_1217 = arith.constant 0 : i32
      %dma_wait3A_1218 = tpu.memref_slice %arg13[%dma_wait3A_1215, %dma_wait3A_1216, %dma_wait3A_1217] : memref<16x8x128xf32, #tpu.memory_space<vmem>> -> memref<1x8x128xf32, #tpu.memory_space<vmem>>
      %dma_wait3A_1219 = tpu.memref_squeeze %dma_wait3A_1218 : memref<1x8x128xf32, #tpu.memory_space<vmem>> -> memref<8x128xf32, #tpu.memory_space<vmem>>
      %dma_wait3A_1220 = arith.constant 0 : i32
      %dma_wait3A_1221 = arith.constant 0 : i32
      %dma_wait3A_1222 = tpu.memref_slice %arg6[%dma_wait3A_1220, %dma_wait3A_1221] : memref<16x1000000xf32, #tpu.memory_space<hbm>> -> memref<8x128xf32, #tpu.memory_space<hbm>>
      %dma_wait3A_1223 = arith.constant 0 : i32
      %dma_wait3A_1224 = arith.constant 0 : i32
      %dma_wait3A_1225 = tpu.memref_slice %arg13[%dma_wait3A_1215, %dma_wait3A_1223, %dma_wait3A_1224] : memref<16x8x128xf32, #tpu.memory_space<vmem>> -> memref<1x8x128xf32, #tpu.memory_space<vmem>>
      %dma_wait3A_1226 = tpu.memref_squeeze %dma_wait3A_1225 : memref<1x8x128xf32, #tpu.memory_space<vmem>> -> memref<8x128xf32, #tpu.memory_space<vmem>>
      %dma_wait3A_1227 = arith.constant 0 : i32
      %dma_wait3A_1228 = arith.constant 0 : i32
      %dma_wait3A_1229 = tpu.memref_slice %arg6[%dma_wait3A_1227, %dma_wait3A_1228] : memref<16x1000000xf32, #tpu.memory_space<hbm>> -> memref<8x128xf32, #tpu.memory_space<hbm>>
      tpu.wait_dma2 semaphore(%arg20 : memref<!tpu.dma_semaphore, #tpu.memory_space<semaphore_mem>>) src(%dma_wait3A_1229 : memref<8x128xf32, #tpu.memory_space<hbm>>) dst(%dma_wait3A_1226 : memref<8x128xf32, #tpu.memory_space<vmem>>)
      %dma_wait3A_1230 = arith.constant 5 : i32
      %dma_wait3A_1231 = arith.constant 0 : i32
      %dma_wait3A_1232 = arith.constant 0 : i32
      %dma_wait3A_1233 = tpu.memref_slice %arg12[%dma_wait3A_1230, %dma_wait3A_1231, %dma_wait3A_1232] : memref<16x8x128xf32, #tpu.memory_space<vmem>> -> memref<1x8x128xf32, #tpu.memory_space<vmem>>
      %dma_wait3A_1234 = tpu.memref_squeeze %dma_wait3A_1233 : memref<1x8x128xf32, #tpu.memory_space<vmem>> -> memref<8x128xf32, #tpu.memory_space<vmem>>
      %dma_wait3A_1235 = arith.constant 0 : i32
      %dma_wait3A_1236 = arith.constant 0 : i32
      %dma_wait3A_1237 = tpu.memref_slice %arg5[%dma_wait3A_1235, %dma_wait3A_1236] : memref<16x1000000xf32, #tpu.memory_space<hbm>> -> memref<8x128xf32, #tpu.memory_space<hbm>>
      %dma_wait3A_1238 = arith.constant 0 : i32
      %dma_wait3A_1239 = arith.constant 0 : i32
      %dma_wait3A_1240 = tpu.memref_slice %arg12[%dma_wait3A_1230, %dma_wait3A_1238, %dma_wait3A_1239] : memref<16x8x128xf32, #tpu.memory_space<vmem>> -> memref<1x8x128xf32, #tpu.memory_space<vmem>>
      %dma_wait3A_1241 = tpu.memref_squeeze %dma_wait3A_1240 : memref<1x8x128xf32, #tpu.memory_space<vmem>> -> memref<8x128xf32, #tpu.memory_space<vmem>>
      %dma_wait3A_1242 = arith.constant 0 : i32
      %dma_wait3A_1243 = arith.constant 0 : i32
      %dma_wait3A_1244 = tpu.memref_slice %arg5[%dma_wait3A_1242, %dma_wait3A_1243] : memref<16x1000000xf32, #tpu.memory_space<hbm>> -> memref<8x128xf32, #tpu.memory_space<hbm>>
      tpu.wait_dma2 semaphore(%arg20 : memref<!tpu.dma_semaphore, #tpu.memory_space<semaphore_mem>>) src(%dma_wait3A_1244 : memref<8x128xf32, #tpu.memory_space<hbm>>) dst(%dma_wait3A_1241 : memref<8x128xf32, #tpu.memory_space<vmem>>)
      %dma_wait3A_1245 = arith.constant 5 : i32
      %dma_wait3A_1246 = arith.constant 0 : i32
      %dma_wait3A_1247 = arith.constant 0 : i32
      %dma_wait3A_1248 = tpu.memref_slice %arg13[%dma_wait3A_1245, %dma_wait3A_1246, %dma_wait3A_1247] : memref<16x8x128xf32, #tpu.memory_space<vmem>> -> memref<1x8x128xf32, #tpu.memory_space<vmem>>
      %dma_wait3A_1249 = tpu.memref_squeeze %dma_wait3A_1248 : memref<1x8x128xf32, #tpu.memory_space<vmem>> -> memref<8x128xf32, #tpu.memory_space<vmem>>
      %dma_wait3A_1250 = arith.constant 0 : i32
      %dma_wait3A_1251 = arith.constant 0 : i32
      %dma_wait3A_1252 = tpu.memref_slice %arg6[%dma_wait3A_1250, %dma_wait3A_1251] : memref<16x1000000xf32, #tpu.memory_space<hbm>> -> memref<8x128xf32, #tpu.memory_space<hbm>>
      %dma_wait3A_1253 = arith.constant 0 : i32
      %dma_wait3A_1254 = arith.constant 0 : i32
      %dma_wait3A_1255 = tpu.memref_slice %arg13[%dma_wait3A_1245, %dma_wait3A_1253, %dma_wait3A_1254] : memref<16x8x128xf32, #tpu.memory_space<vmem>> -> memref<1x8x128xf32, #tpu.memory_space<vmem>>
      %dma_wait3A_1256 = tpu.memref_squeeze %dma_wait3A_1255 : memref<1x8x128xf32, #tpu.memory_space<vmem>> -> memref<8x128xf32, #tpu.memory_space<vmem>>
      %dma_wait3A_1257 = arith.constant 0 : i32
      %dma_wait3A_1258 = arith.constant 0 : i32
      %dma_wait3A_1259 = tpu.memref_slice %arg6[%dma_wait3A_1257, %dma_wait3A_1258] : memref<16x1000000xf32, #tpu.memory_space<hbm>> -> memref<8x128xf32, #tpu.memory_space<hbm>>
      tpu.wait_dma2 semaphore(%arg20 : memref<!tpu.dma_semaphore, #tpu.memory_space<semaphore_mem>>) src(%dma_wait3A_1259 : memref<8x128xf32, #tpu.memory_space<hbm>>) dst(%dma_wait3A_1256 : memref<8x128xf32, #tpu.memory_space<vmem>>)
      %dma_wait3A_1260 = arith.constant 6 : i32
      %dma_wait3A_1261 = arith.constant 0 : i32
      %dma_wait3A_1262 = arith.constant 0 : i32
      %dma_wait3A_1263 = tpu.memref_slice %arg12[%dma_wait3A_1260, %dma_wait3A_1261, %dma_wait3A_1262] : memref<16x8x128xf32, #tpu.memory_space<vmem>> -> memref<1x8x128xf32, #tpu.memory_space<vmem>>
      %dma_wait3A_1264 = tpu.memref_squeeze %dma_wait3A_1263 : memref<1x8x128xf32, #tpu.memory_space<vmem>> -> memref<8x128xf32, #tpu.memory_space<vmem>>
      %dma_wait3A_1265 = arith.constant 0 : i32
      %dma_wait3A_1266 = arith.constant 0 : i32
      %dma_wait3A_1267 = tpu.memref_slice %arg5[%dma_wait3A_1265, %dma_wait3A_1266] : memref<16x1000000xf32, #tpu.memory_space<hbm>> -> memref<8x128xf32, #tpu.memory_space<hbm>>
      %dma_wait3A_1268 = arith.constant 0 : i32
      %dma_wait3A_1269 = arith.constant 0 : i32
      %dma_wait3A_1270 = tpu.memref_slice %arg12[%dma_wait3A_1260, %dma_wait3A_1268, %dma_wait3A_1269] : memref<16x8x128xf32, #tpu.memory_space<vmem>> -> memref<1x8x128xf32, #tpu.memory_space<vmem>>
      %dma_wait3A_1271 = tpu.memref_squeeze %dma_wait3A_1270 : memref<1x8x128xf32, #tpu.memory_space<vmem>> -> memref<8x128xf32, #tpu.memory_space<vmem>>
      %dma_wait3A_1272 = arith.constant 0 : i32
      %dma_wait3A_1273 = arith.constant 0 : i32
      %dma_wait3A_1274 = tpu.memref_slice %arg5[%dma_wait3A_1272, %dma_wait3A_1273] : memref<16x1000000xf32, #tpu.memory_space<hbm>> -> memref<8x128xf32, #tpu.memory_space<hbm>>
      tpu.wait_dma2 semaphore(%arg20 : memref<!tpu.dma_semaphore, #tpu.memory_space<semaphore_mem>>) src(%dma_wait3A_1274 : memref<8x128xf32, #tpu.memory_space<hbm>>) dst(%dma_wait3A_1271 : memref<8x128xf32, #tpu.memory_space<vmem>>)
      %dma_wait3A_1275 = arith.constant 6 : i32
      %dma_wait3A_1276 = arith.constant 0 : i32
      %dma_wait3A_1277 = arith.constant 0 : i32
      %dma_wait3A_1278 = tpu.memref_slice %arg13[%dma_wait3A_1275, %dma_wait3A_1276, %dma_wait3A_1277] : memref<16x8x128xf32, #tpu.memory_space<vmem>> -> memref<1x8x128xf32, #tpu.memory_space<vmem>>
      %dma_wait3A_1279 = tpu.memref_squeeze %dma_wait3A_1278 : memref<1x8x128xf32, #tpu.memory_space<vmem>> -> memref<8x128xf32, #tpu.memory_space<vmem>>
      %dma_wait3A_1280 = arith.constant 0 : i32
      %dma_wait3A_1281 = arith.constant 0 : i32
      %dma_wait3A_1282 = tpu.memref_slice %arg6[%dma_wait3A_1280, %dma_wait3A_1281] : memref<16x1000000xf32, #tpu.memory_space<hbm>> -> memref<8x128xf32, #tpu.memory_space<hbm>>
      %dma_wait3A_1283 = arith.constant 0 : i32
      %dma_wait3A_1284 = arith.constant 0 : i32
      %dma_wait3A_1285 = tpu.memref_slice %arg13[%dma_wait3A_1275, %dma_wait3A_1283, %dma_wait3A_1284] : memref<16x8x128xf32, #tpu.memory_space<vmem>> -> memref<1x8x128xf32, #tpu.memory_space<vmem>>
      %dma_wait3A_1286 = tpu.memref_squeeze %dma_wait3A_1285 : memref<1x8x128xf32, #tpu.memory_space<vmem>> -> memref<8x128xf32, #tpu.memory_space<vmem>>
      %dma_wait3A_1287 = arith.constant 0 : i32
      %dma_wait3A_1288 = arith.constant 0 : i32
      %dma_wait3A_1289 = tpu.memref_slice %arg6[%dma_wait3A_1287, %dma_wait3A_1288] : memref<16x1000000xf32, #tpu.memory_space<hbm>> -> memref<8x128xf32, #tpu.memory_space<hbm>>
      tpu.wait_dma2 semaphore(%arg20 : memref<!tpu.dma_semaphore, #tpu.memory_space<semaphore_mem>>) src(%dma_wait3A_1289 : memref<8x128xf32, #tpu.memory_space<hbm>>) dst(%dma_wait3A_1286 : memref<8x128xf32, #tpu.memory_space<vmem>>)
      %dma_wait3A_1290 = arith.constant 7 : i32
      %dma_wait3A_1291 = arith.constant 0 : i32
      %dma_wait3A_1292 = arith.constant 0 : i32
      %dma_wait3A_1293 = tpu.memref_slice %arg12[%dma_wait3A_1290, %dma_wait3A_1291, %dma_wait3A_1292] : memref<16x8x128xf32, #tpu.memory_space<vmem>> -> memref<1x8x128xf32, #tpu.memory_space<vmem>>
      %dma_wait3A_1294 = tpu.memref_squeeze %dma_wait3A_1293 : memref<1x8x128xf32, #tpu.memory_space<vmem>> -> memref<8x128xf32, #tpu.memory_space<vmem>>
      %dma_wait3A_1295 = arith.constant 0 : i32
      %dma_wait3A_1296 = arith.constant 0 : i32
      %dma_wait3A_1297 = tpu.memref_slice %arg5[%dma_wait3A_1295, %dma_wait3A_1296] : memref<16x1000000xf32, #tpu.memory_space<hbm>> -> memref<8x128xf32, #tpu.memory_space<hbm>>
      %dma_wait3A_1298 = arith.constant 0 : i32
      %dma_wait3A_1299 = arith.constant 0 : i32
      %dma_wait3A_1300 = tpu.memref_slice %arg12[%dma_wait3A_1290, %dma_wait3A_1298, %dma_wait3A_1299] : memref<16x8x128xf32, #tpu.memory_space<vmem>> -> memref<1x8x128xf32, #tpu.memory_space<vmem>>
      %dma_wait3A_1301 = tpu.memref_squeeze %dma_wait3A_1300 : memref<1x8x128xf32, #tpu.memory_space<vmem>> -> memref<8x128xf32, #tpu.memory_space<vmem>>
      %dma_wait3A_1302 = arith.constant 0 : i32
      %dma_wait3A_1303 = arith.constant 0 : i32
      %dma_wait3A_1304 = tpu.memref_slice %arg5[%dma_wait3A_1302, %dma_wait3A_1303] : memref<16x1000000xf32, #tpu.memory_space<hbm>> -> memref<8x128xf32, #tpu.memory_space<hbm>>
      tpu.wait_dma2 semaphore(%arg20 : memref<!tpu.dma_semaphore, #tpu.memory_space<semaphore_mem>>) src(%dma_wait3A_1304 : memref<8x128xf32, #tpu.memory_space<hbm>>) dst(%dma_wait3A_1301 : memref<8x128xf32, #tpu.memory_space<vmem>>)
      %dma_wait3A_1305 = arith.constant 7 : i32
      %dma_wait3A_1306 = arith.constant 0 : i32
      %dma_wait3A_1307 = arith.constant 0 : i32
      %dma_wait3A_1308 = tpu.memref_slice %arg13[%dma_wait3A_1305, %dma_wait3A_1306, %dma_wait3A_1307] : memref<16x8x128xf32, #tpu.memory_space<vmem>> -> memref<1x8x128xf32, #tpu.memory_space<vmem>>
      %dma_wait3A_1309 = tpu.memref_squeeze %dma_wait3A_1308 : memref<1x8x128xf32, #tpu.memory_space<vmem>> -> memref<8x128xf32, #tpu.memory_space<vmem>>
      %dma_wait3A_1310 = arith.constant 0 : i32
      %dma_wait3A_1311 = arith.constant 0 : i32
      %dma_wait3A_1312 = tpu.memref_slice %arg6[%dma_wait3A_1310, %dma_wait3A_1311] : memref<16x1000000xf32, #tpu.memory_space<hbm>> -> memref<8x128xf32, #tpu.memory_space<hbm>>
      %dma_wait3A_1313 = arith.constant 0 : i32
      %dma_wait3A_1314 = arith.constant 0 : i32
      %dma_wait3A_1315 = tpu.memref_slice %arg13[%dma_wait3A_1305, %dma_wait3A_1313, %dma_wait3A_1314] : memref<16x8x128xf32, #tpu.memory_space<vmem>> -> memref<1x8x128xf32, #tpu.memory_space<vmem>>
      %dma_wait3A_1316 = tpu.memref_squeeze %dma_wait3A_1315 : memref<1x8x128xf32, #tpu.memory_space<vmem>> -> memref<8x128xf32, #tpu.memory_space<vmem>>
      %dma_wait3A_1317 = arith.constant 0 : i32
      %dma_wait3A_1318 = arith.constant 0 : i32
      %dma_wait3A_1319 = tpu.memref_slice %arg6[%dma_wait3A_1317, %dma_wait3A_1318] : memref<16x1000000xf32, #tpu.memory_space<hbm>> -> memref<8x128xf32, #tpu.memory_space<hbm>>
      tpu.wait_dma2 semaphore(%arg20 : memref<!tpu.dma_semaphore, #tpu.memory_space<semaphore_mem>>) src(%dma_wait3A_1319 : memref<8x128xf32, #tpu.memory_space<hbm>>) dst(%dma_wait3A_1316 : memref<8x128xf32, #tpu.memory_space<vmem>>)
      %dma_wait3A_1320 = arith.constant 8 : i32
      %dma_wait3A_1321 = arith.constant 0 : i32
      %dma_wait3A_1322 = arith.constant 0 : i32
      %dma_wait3A_1323 = tpu.memref_slice %arg12[%dma_wait3A_1320, %dma_wait3A_1321, %dma_wait3A_1322] : memref<16x8x128xf32, #tpu.memory_space<vmem>> -> memref<1x8x128xf32, #tpu.memory_space<vmem>>
      %dma_wait3A_1324 = tpu.memref_squeeze %dma_wait3A_1323 : memref<1x8x128xf32, #tpu.memory_space<vmem>> -> memref<8x128xf32, #tpu.memory_space<vmem>>
      %dma_wait3A_1325 = arith.constant 0 : i32
      %dma_wait3A_1326 = arith.constant 0 : i32
      %dma_wait3A_1327 = tpu.memref_slice %arg5[%dma_wait3A_1325, %dma_wait3A_1326] : memref<16x1000000xf32, #tpu.memory_space<hbm>> -> memref<8x128xf32, #tpu.memory_space<hbm>>
      %dma_wait3A_1328 = arith.constant 0 : i32
      %dma_wait3A_1329 = arith.constant 0 : i32
      %dma_wait3A_1330 = tpu.memref_slice %arg12[%dma_wait3A_1320, %dma_wait3A_1328, %dma_wait3A_1329] : memref<16x8x128xf32, #tpu.memory_space<vmem>> -> memref<1x8x128xf32, #tpu.memory_space<vmem>>
      %dma_wait3A_1331 = tpu.memref_squeeze %dma_wait3A_1330 : memref<1x8x128xf32, #tpu.memory_space<vmem>> -> memref<8x128xf32, #tpu.memory_space<vmem>>
      %dma_wait3A_1332 = arith.constant 0 : i32
      %dma_wait3A_1333 = arith.constant 0 : i32
      %dma_wait3A_1334 = tpu.memref_slice %arg5[%dma_wait3A_1332, %dma_wait3A_1333] : memref<16x1000000xf32, #tpu.memory_space<hbm>> -> memref<8x128xf32, #tpu.memory_space<hbm>>
      tpu.wait_dma2 semaphore(%arg20 : memref<!tpu.dma_semaphore, #tpu.memory_space<semaphore_mem>>) src(%dma_wait3A_1334 : memref<8x128xf32, #tpu.memory_space<hbm>>) dst(%dma_wait3A_1331 : memref<8x128xf32, #tpu.memory_space<vmem>>)
      %dma_wait3A_1335 = arith.constant 8 : i32
      %dma_wait3A_1336 = arith.constant 0 : i32
      %dma_wait3A_1337 = arith.constant 0 : i32
      %dma_wait3A_1338 = tpu.memref_slice %arg13[%dma_wait3A_1335, %dma_wait3A_1336, %dma_wait3A_1337] : memref<16x8x128xf32, #tpu.memory_space<vmem>> -> memref<1x8x128xf32, #tpu.memory_space<vmem>>
      %dma_wait3A_1339 = tpu.memref_squeeze %dma_wait3A_1338 : memref<1x8x128xf32, #tpu.memory_space<vmem>> -> memref<8x128xf32, #tpu.memory_space<vmem>>
      %dma_wait3A_1340 = arith.constant 0 : i32
      %dma_wait3A_1341 = arith.constant 0 : i32
      %dma_wait3A_1342 = tpu.memref_slice %arg6[%dma_wait3A_1340, %dma_wait3A_1341] : memref<16x1000000xf32, #tpu.memory_space<hbm>> -> memref<8x128xf32, #tpu.memory_space<hbm>>
      %dma_wait3A_1343 = arith.constant 0 : i32
      %dma_wait3A_1344 = arith.constant 0 : i32
      %dma_wait3A_1345 = tpu.memref_slice %arg13[%dma_wait3A_1335, %dma_wait3A_1343, %dma_wait3A_1344] : memref<16x8x128xf32, #tpu.memory_space<vmem>> -> memref<1x8x128xf32, #tpu.memory_space<vmem>>
      %dma_wait3A_1346 = tpu.memref_squeeze %dma_wait3A_1345 : memref<1x8x128xf32, #tpu.memory_space<vmem>> -> memref<8x128xf32, #tpu.memory_space<vmem>>
      %dma_wait3A_1347 = arith.constant 0 : i32
      %dma_wait3A_1348 = arith.constant 0 : i32
      %dma_wait3A_1349 = tpu.memref_slice %arg6[%dma_wait3A_1347, %dma_wait3A_1348] : memref<16x1000000xf32, #tpu.memory_space<hbm>> -> memref<8x128xf32, #tpu.memory_space<hbm>>
      tpu.wait_dma2 semaphore(%arg20 : memref<!tpu.dma_semaphore, #tpu.memory_space<semaphore_mem>>) src(%dma_wait3A_1349 : memref<8x128xf32, #tpu.memory_space<hbm>>) dst(%dma_wait3A_1346 : memref<8x128xf32, #tpu.memory_space<vmem>>)
      %dma_wait3A_1350 = arith.constant 9 : i32
      %dma_wait3A_1351 = arith.constant 0 : i32
      %dma_wait3A_1352 = arith.constant 0 : i32
      %dma_wait3A_1353 = tpu.memref_slice %arg12[%dma_wait3A_1350, %dma_wait3A_1351, %dma_wait3A_1352] : memref<16x8x128xf32, #tpu.memory_space<vmem>> -> memref<1x8x128xf32, #tpu.memory_space<vmem>>
      %dma_wait3A_1354 = tpu.memref_squeeze %dma_wait3A_1353 : memref<1x8x128xf32, #tpu.memory_space<vmem>> -> memref<8x128xf32, #tpu.memory_space<vmem>>
      %dma_wait3A_1355 = arith.constant 0 : i32
      %dma_wait3A_1356 = arith.constant 0 : i32
      %dma_wait3A_1357 = tpu.memref_slice %arg5[%dma_wait3A_1355, %dma_wait3A_1356] : memref<16x1000000xf32, #tpu.memory_space<hbm>> -> memref<8x128xf32, #tpu.memory_space<hbm>>
      %dma_wait3A_1358 = arith.constant 0 : i32
      %dma_wait3A_1359 = arith.constant 0 : i32
      %dma_wait3A_1360 = tpu.memref_slice %arg12[%dma_wait3A_1350, %dma_wait3A_1358, %dma_wait3A_1359] : memref<16x8x128xf32, #tpu.memory_space<vmem>> -> memref<1x8x128xf32, #tpu.memory_space<vmem>>
      %dma_wait3A_1361 = tpu.memref_squeeze %dma_wait3A_1360 : memref<1x8x128xf32, #tpu.memory_space<vmem>> -> memref<8x128xf32, #tpu.memory_space<vmem>>
      %dma_wait3A_1362 = arith.constant 0 : i32
      %dma_wait3A_1363 = arith.constant 0 : i32
      %dma_wait3A_1364 = tpu.memref_slice %arg5[%dma_wait3A_1362, %dma_wait3A_1363] : memref<16x1000000xf32, #tpu.memory_space<hbm>> -> memref<8x128xf32, #tpu.memory_space<hbm>>
      tpu.wait_dma2 semaphore(%arg20 : memref<!tpu.dma_semaphore, #tpu.memory_space<semaphore_mem>>) src(%dma_wait3A_1364 : memref<8x128xf32, #tpu.memory_space<hbm>>) dst(%dma_wait3A_1361 : memref<8x128xf32, #tpu.memory_space<vmem>>)
      %dma_wait3A_1365 = arith.constant 9 : i32
      %dma_wait3A_1366 = arith.constant 0 : i32
      %dma_wait3A_1367 = arith.constant 0 : i32
      %dma_wait3A_1368 = tpu.memref_slice %arg13[%dma_wait3A_1365, %dma_wait3A_1366, %dma_wait3A_1367] : memref<16x8x128xf32, #tpu.memory_space<vmem>> -> memref<1x8x128xf32, #tpu.memory_space<vmem>>
      %dma_wait3A_1369 = tpu.memref_squeeze %dma_wait3A_1368 : memref<1x8x128xf32, #tpu.memory_space<vmem>> -> memref<8x128xf32, #tpu.memory_space<vmem>>
      %dma_wait3A_1370 = arith.constant 0 : i32
      %dma_wait3A_1371 = arith.constant 0 : i32
      %dma_wait3A_1372 = tpu.memref_slice %arg6[%dma_wait3A_1370, %dma_wait3A_1371] : memref<16x1000000xf32, #tpu.memory_space<hbm>> -> memref<8x128xf32, #tpu.memory_space<hbm>>
      %dma_wait3A_1373 = arith.constant 0 : i32
      %dma_wait3A_1374 = arith.constant 0 : i32
      %dma_wait3A_1375 = tpu.memref_slice %arg13[%dma_wait3A_1365, %dma_wait3A_1373, %dma_wait3A_1374] : memref<16x8x128xf32, #tpu.memory_space<vmem>> -> memref<1x8x128xf32, #tpu.memory_space<vmem>>
      %dma_wait3A_1376 = tpu.memref_squeeze %dma_wait3A_1375 : memref<1x8x128xf32, #tpu.memory_space<vmem>> -> memref<8x128xf32, #tpu.memory_space<vmem>>
      %dma_wait3A_1377 = arith.constant 0 : i32
      %dma_wait3A_1378 = arith.constant 0 : i32
      %dma_wait3A_1379 = tpu.memref_slice %arg6[%dma_wait3A_1377, %dma_wait3A_1378] : memref<16x1000000xf32, #tpu.memory_space<hbm>> -> memref<8x128xf32, #tpu.memory_space<hbm>>
      tpu.wait_dma2 semaphore(%arg20 : memref<!tpu.dma_semaphore, #tpu.memory_space<semaphore_mem>>) src(%dma_wait3A_1379 : memref<8x128xf32, #tpu.memory_space<hbm>>) dst(%dma_wait3A_1376 : memref<8x128xf32, #tpu.memory_space<vmem>>)
      %dma_wait3A_1380 = arith.constant 10 : i32
      %dma_wait3A_1381 = arith.constant 0 : i32
      %dma_wait3A_1382 = arith.constant 0 : i32
      %dma_wait3A_1383 = tpu.memref_slice %arg12[%dma_wait3A_1380, %dma_wait3A_1381, %dma_wait3A_1382] : memref<16x8x128xf32, #tpu.memory_space<vmem>> -> memref<1x8x128xf32, #tpu.memory_space<vmem>>
      %dma_wait3A_1384 = tpu.memref_squeeze %dma_wait3A_1383 : memref<1x8x128xf32, #tpu.memory_space<vmem>> -> memref<8x128xf32, #tpu.memory_space<vmem>>
      %dma_wait3A_1385 = arith.constant 0 : i32
      %dma_wait3A_1386 = arith.constant 0 : i32
      %dma_wait3A_1387 = tpu.memref_slice %arg5[%dma_wait3A_1385, %dma_wait3A_1386] : memref<16x1000000xf32, #tpu.memory_space<hbm>> -> memref<8x128xf32, #tpu.memory_space<hbm>>
      %dma_wait3A_1388 = arith.constant 0 : i32
      %dma_wait3A_1389 = arith.constant 0 : i32
      %dma_wait3A_1390 = tpu.memref_slice %arg12[%dma_wait3A_1380, %dma_wait3A_1388, %dma_wait3A_1389] : memref<16x8x128xf32, #tpu.memory_space<vmem>> -> memref<1x8x128xf32, #tpu.memory_space<vmem>>
      %dma_wait3A_1391 = tpu.memref_squeeze %dma_wait3A_1390 : memref<1x8x128xf32, #tpu.memory_space<vmem>> -> memref<8x128xf32, #tpu.memory_space<vmem>>
      %dma_wait3A_1392 = arith.constant 0 : i32
      %dma_wait3A_1393 = arith.constant 0 : i32
      %dma_wait3A_1394 = tpu.memref_slice %arg5[%dma_wait3A_1392, %dma_wait3A_1393] : memref<16x1000000xf32, #tpu.memory_space<hbm>> -> memref<8x128xf32, #tpu.memory_space<hbm>>
      tpu.wait_dma2 semaphore(%arg20 : memref<!tpu.dma_semaphore, #tpu.memory_space<semaphore_mem>>) src(%dma_wait3A_1394 : memref<8x128xf32, #tpu.memory_space<hbm>>) dst(%dma_wait3A_1391 : memref<8x128xf32, #tpu.memory_space<vmem>>)
      %dma_wait3A_1395 = arith.constant 10 : i32
      %dma_wait3A_1396 = arith.constant 0 : i32
      %dma_wait3A_1397 = arith.constant 0 : i32
      %dma_wait3A_1398 = tpu.memref_slice %arg13[%dma_wait3A_1395, %dma_wait3A_1396, %dma_wait3A_1397] : memref<16x8x128xf32, #tpu.memory_space<vmem>> -> memref<1x8x128xf32, #tpu.memory_space<vmem>>
      %dma_wait3A_1399 = tpu.memref_squeeze %dma_wait3A_1398 : memref<1x8x128xf32, #tpu.memory_space<vmem>> -> memref<8x128xf32, #tpu.memory_space<vmem>>
      %dma_wait3A_1400 = arith.constant 0 : i32
      %dma_wait3A_1401 = arith.constant 0 : i32
      %dma_wait3A_1402 = tpu.memref_slice %arg6[%dma_wait3A_1400, %dma_wait3A_1401] : memref<16x1000000xf32, #tpu.memory_space<hbm>> -> memref<8x128xf32, #tpu.memory_space<hbm>>
      %dma_wait3A_1403 = arith.constant 0 : i32
      %dma_wait3A_1404 = arith.constant 0 : i32
      %dma_wait3A_1405 = tpu.memref_slice %arg13[%dma_wait3A_1395, %dma_wait3A_1403, %dma_wait3A_1404] : memref<16x8x128xf32, #tpu.memory_space<vmem>> -> memref<1x8x128xf32, #tpu.memory_space<vmem>>
      %dma_wait3A_1406 = tpu.memref_squeeze %dma_wait3A_1405 : memref<1x8x128xf32, #tpu.memory_space<vmem>> -> memref<8x128xf32, #tpu.memory_space<vmem>>
      %dma_wait3A_1407 = arith.constant 0 : i32
      %dma_wait3A_1408 = arith.constant 0 : i32
      %dma_wait3A_1409 = tpu.memref_slice %arg6[%dma_wait3A_1407, %dma_wait3A_1408] : memref<16x1000000xf32, #tpu.memory_space<hbm>> -> memref<8x128xf32, #tpu.memory_space<hbm>>
      tpu.wait_dma2 semaphore(%arg20 : memref<!tpu.dma_semaphore, #tpu.memory_space<semaphore_mem>>) src(%dma_wait3A_1409 : memref<8x128xf32, #tpu.memory_space<hbm>>) dst(%dma_wait3A_1406 : memref<8x128xf32, #tpu.memory_space<vmem>>)
      %dma_wait3A_1410 = arith.constant 11 : i32
      %dma_wait3A_1411 = arith.constant 0 : i32
      %dma_wait3A_1412 = arith.constant 0 : i32
      %dma_wait3A_1413 = tpu.memref_slice %arg12[%dma_wait3A_1410, %dma_wait3A_1411, %dma_wait3A_1412] : memref<16x8x128xf32, #tpu.memory_space<vmem>> -> memref<1x8x128xf32, #tpu.memory_space<vmem>>
      %dma_wait3A_1414 = tpu.memref_squeeze %dma_wait3A_1413 : memref<1x8x128xf32, #tpu.memory_space<vmem>> -> memref<8x128xf32, #tpu.memory_space<vmem>>
      %dma_wait3A_1415 = arith.constant 0 : i32
      %dma_wait3A_1416 = arith.constant 0 : i32
      %dma_wait3A_1417 = tpu.memref_slice %arg5[%dma_wait3A_1415, %dma_wait3A_1416] : memref<16x1000000xf32, #tpu.memory_space<hbm>> -> memref<8x128xf32, #tpu.memory_space<hbm>>
      %dma_wait3A_1418 = arith.constant 0 : i32
      %dma_wait3A_1419 = arith.constant 0 : i32
      %dma_wait3A_1420 = tpu.memref_slice %arg12[%dma_wait3A_1410, %dma_wait3A_1418, %dma_wait3A_1419] : memref<16x8x128xf32, #tpu.memory_space<vmem>> -> memref<1x8x128xf32, #tpu.memory_space<vmem>>
      %dma_wait3A_1421 = tpu.memref_squeeze %dma_wait3A_1420 : memref<1x8x128xf32, #tpu.memory_space<vmem>> -> memref<8x128xf32, #tpu.memory_space<vmem>>
      %dma_wait3A_1422 = arith.constant 0 : i32
      %dma_wait3A_1423 = arith.constant 0 : i32
      %dma_wait3A_1424 = tpu.memref_slice %arg5[%dma_wait3A_1422, %dma_wait3A_1423] : memref<16x1000000xf32, #tpu.memory_space<hbm>> -> memref<8x128xf32, #tpu.memory_space<hbm>>
      tpu.wait_dma2 semaphore(%arg20 : memref<!tpu.dma_semaphore, #tpu.memory_space<semaphore_mem>>) src(%dma_wait3A_1424 : memref<8x128xf32, #tpu.memory_space<hbm>>) dst(%dma_wait3A_1421 : memref<8x128xf32, #tpu.memory_space<vmem>>)
      %dma_wait3A_1425 = arith.constant 11 : i32
      %dma_wait3A_1426 = arith.constant 0 : i32
      %dma_wait3A_1427 = arith.constant 0 : i32
      %dma_wait3A_1428 = tpu.memref_slice %arg13[%dma_wait3A_1425, %dma_wait3A_1426, %dma_wait3A_1427] : memref<16x8x128xf32, #tpu.memory_space<vmem>> -> memref<1x8x128xf32, #tpu.memory_space<vmem>>
      %dma_wait3A_1429 = tpu.memref_squeeze %dma_wait3A_1428 : memref<1x8x128xf32, #tpu.memory_space<vmem>> -> memref<8x128xf32, #tpu.memory_space<vmem>>
      %dma_wait3A_1430 = arith.constant 0 : i32
      %dma_wait3A_1431 = arith.constant 0 : i32
      %dma_wait3A_1432 = tpu.memref_slice %arg6[%dma_wait3A_1430, %dma_wait3A_1431] : memref<16x1000000xf32, #tpu.memory_space<hbm>> -> memref<8x128xf32, #tpu.memory_space<hbm>>
      %dma_wait3A_1433 = arith.constant 0 : i32
      %dma_wait3A_1434 = arith.constant 0 : i32
      %dma_wait3A_1435 = tpu.memref_slice %arg13[%dma_wait3A_1425, %dma_wait3A_1433, %dma_wait3A_1434] : memref<16x8x128xf32, #tpu.memory_space<vmem>> -> memref<1x8x128xf32, #tpu.memory_space<vmem>>
      %dma_wait3A_1436 = tpu.memref_squeeze %dma_wait3A_1435 : memref<1x8x128xf32, #tpu.memory_space<vmem>> -> memref<8x128xf32, #tpu.memory_space<vmem>>
      %dma_wait3A_1437 = arith.constant 0 : i32
      %dma_wait3A_1438 = arith.constant 0 : i32
      %dma_wait3A_1439 = tpu.memref_slice %arg6[%dma_wait3A_1437, %dma_wait3A_1438] : memref<16x1000000xf32, #tpu.memory_space<hbm>> -> memref<8x128xf32, #tpu.memory_space<hbm>>
      tpu.wait_dma2 semaphore(%arg20 : memref<!tpu.dma_semaphore, #tpu.memory_space<semaphore_mem>>) src(%dma_wait3A_1439 : memref<8x128xf32, #tpu.memory_space<hbm>>) dst(%dma_wait3A_1436 : memref<8x128xf32, #tpu.memory_space<vmem>>)
      %dma_wait3A_1440 = arith.constant 12 : i32
      %dma_wait3A_1441 = arith.constant 0 : i32
      %dma_wait3A_1442 = arith.constant 0 : i32
      %dma_wait3A_1443 = tpu.memref_slice %arg12[%dma_wait3A_1440, %dma_wait3A_1441, %dma_wait3A_1442] : memref<16x8x128xf32, #tpu.memory_space<vmem>> -> memref<1x8x128xf32, #tpu.memory_space<vmem>>
      %dma_wait3A_1444 = tpu.memref_squeeze %dma_wait3A_1443 : memref<1x8x128xf32, #tpu.memory_space<vmem>> -> memref<8x128xf32, #tpu.memory_space<vmem>>
      %dma_wait3A_1445 = arith.constant 0 : i32
      %dma_wait3A_1446 = arith.constant 0 : i32
      %dma_wait3A_1447 = tpu.memref_slice %arg5[%dma_wait3A_1445, %dma_wait3A_1446] : memref<16x1000000xf32, #tpu.memory_space<hbm>> -> memref<8x128xf32, #tpu.memory_space<hbm>>
      %dma_wait3A_1448 = arith.constant 0 : i32
      %dma_wait3A_1449 = arith.constant 0 : i32
      %dma_wait3A_1450 = tpu.memref_slice %arg12[%dma_wait3A_1440, %dma_wait3A_1448, %dma_wait3A_1449] : memref<16x8x128xf32, #tpu.memory_space<vmem>> -> memref<1x8x128xf32, #tpu.memory_space<vmem>>
      %dma_wait3A_1451 = tpu.memref_squeeze %dma_wait3A_1450 : memref<1x8x128xf32, #tpu.memory_space<vmem>> -> memref<8x128xf32, #tpu.memory_space<vmem>>
      %dma_wait3A_1452 = arith.constant 0 : i32
      %dma_wait3A_1453 = arith.constant 0 : i32
      %dma_wait3A_1454 = tpu.memref_slice %arg5[%dma_wait3A_1452, %dma_wait3A_1453] : memref<16x1000000xf32, #tpu.memory_space<hbm>> -> memref<8x128xf32, #tpu.memory_space<hbm>>
      tpu.wait_dma2 semaphore(%arg20 : memref<!tpu.dma_semaphore, #tpu.memory_space<semaphore_mem>>) src(%dma_wait3A_1454 : memref<8x128xf32, #tpu.memory_space<hbm>>) dst(%dma_wait3A_1451 : memref<8x128xf32, #tpu.memory_space<vmem>>)
      %dma_wait3A_1455 = arith.constant 12 : i32
      %dma_wait3A_1456 = arith.constant 0 : i32
      %dma_wait3A_1457 = arith.constant 0 : i32
      %dma_wait3A_1458 = tpu.memref_slice %arg13[%dma_wait3A_1455, %dma_wait3A_1456, %dma_wait3A_1457] : memref<16x8x128xf32, #tpu.memory_space<vmem>> -> memref<1x8x128xf32, #tpu.memory_space<vmem>>
      %dma_wait3A_1459 = tpu.memref_squeeze %dma_wait3A_1458 : memref<1x8x128xf32, #tpu.memory_space<vmem>> -> memref<8x128xf32, #tpu.memory_space<vmem>>
      %dma_wait3A_1460 = arith.constant 0 : i32
      %dma_wait3A_1461 = arith.constant 0 : i32
      %dma_wait3A_1462 = tpu.memref_slice %arg6[%dma_wait3A_1460, %dma_wait3A_1461] : memref<16x1000000xf32, #tpu.memory_space<hbm>> -> memref<8x128xf32, #tpu.memory_space<hbm>>
      %dma_wait3A_1463 = arith.constant 0 : i32
      %dma_wait3A_1464 = arith.constant 0 : i32
      %dma_wait3A_1465 = tpu.memref_slice %arg13[%dma_wait3A_1455, %dma_wait3A_1463, %dma_wait3A_1464] : memref<16x8x128xf32, #tpu.memory_space<vmem>> -> memref<1x8x128xf32, #tpu.memory_space<vmem>>
      %dma_wait3A_1466 = tpu.memref_squeeze %dma_wait3A_1465 : memref<1x8x128xf32, #tpu.memory_space<vmem>> -> memref<8x128xf32, #tpu.memory_space<vmem>>
      %dma_wait3A_1467 = arith.constant 0 : i32
      %dma_wait3A_1468 = arith.constant 0 : i32
      %dma_wait3A_1469 = tpu.memref_slice %arg6[%dma_wait3A_1467, %dma_wait3A_1468] : memref<16x1000000xf32, #tpu.memory_space<hbm>> -> memref<8x128xf32, #tpu.memory_space<hbm>>
      tpu.wait_dma2 semaphore(%arg20 : memref<!tpu.dma_semaphore, #tpu.memory_space<semaphore_mem>>) src(%dma_wait3A_1469 : memref<8x128xf32, #tpu.memory_space<hbm>>) dst(%dma_wait3A_1466 : memref<8x128xf32, #tpu.memory_space<vmem>>)
      %dma_wait3A_1470 = arith.constant 13 : i32
      %dma_wait3A_1471 = arith.constant 0 : i32
      %dma_wait3A_1472 = arith.constant 0 : i32
      %dma_wait3A_1473 = tpu.memref_slice %arg12[%dma_wait3A_1470, %dma_wait3A_1471, %dma_wait3A_1472] : memref<16x8x128xf32, #tpu.memory_space<vmem>> -> memref<1x8x128xf32, #tpu.memory_space<vmem>>
      %dma_wait3A_1474 = tpu.memref_squeeze %dma_wait3A_1473 : memref<1x8x128xf32, #tpu.memory_space<vmem>> -> memref<8x128xf32, #tpu.memory_space<vmem>>
      %dma_wait3A_1475 = arith.constant 0 : i32
      %dma_wait3A_1476 = arith.constant 0 : i32
      %dma_wait3A_1477 = tpu.memref_slice %arg5[%dma_wait3A_1475, %dma_wait3A_1476] : memref<16x1000000xf32, #tpu.memory_space<hbm>> -> memref<8x128xf32, #tpu.memory_space<hbm>>
      %dma_wait3A_1478 = arith.constant 0 : i32
      %dma_wait3A_1479 = arith.constant 0 : i32
      %dma_wait3A_1480 = tpu.memref_slice %arg12[%dma_wait3A_1470, %dma_wait3A_1478, %dma_wait3A_1479] : memref<16x8x128xf32, #tpu.memory_space<vmem>> -> memref<1x8x128xf32, #tpu.memory_space<vmem>>
      %dma_wait3A_1481 = tpu.memref_squeeze %dma_wait3A_1480 : memref<1x8x128xf32, #tpu.memory_space<vmem>> -> memref<8x128xf32, #tpu.memory_space<vmem>>
      %dma_wait3A_1482 = arith.constant 0 : i32
      %dma_wait3A_1483 = arith.constant 0 : i32
      %dma_wait3A_1484 = tpu.memref_slice %arg5[%dma_wait3A_1482, %dma_wait3A_1483] : memref<16x1000000xf32, #tpu.memory_space<hbm>> -> memref<8x128xf32, #tpu.memory_space<hbm>>
      tpu.wait_dma2 semaphore(%arg20 : memref<!tpu.dma_semaphore, #tpu.memory_space<semaphore_mem>>) src(%dma_wait3A_1484 : memref<8x128xf32, #tpu.memory_space<hbm>>) dst(%dma_wait3A_1481 : memref<8x128xf32, #tpu.memory_space<vmem>>)
      %dma_wait3A_1485 = arith.constant 13 : i32
      %dma_wait3A_1486 = arith.constant 0 : i32
      %dma_wait3A_1487 = arith.constant 0 : i32
      %dma_wait3A_1488 = tpu.memref_slice %arg13[%dma_wait3A_1485, %dma_wait3A_1486, %dma_wait3A_1487] : memref<16x8x128xf32, #tpu.memory_space<vmem>> -> memref<1x8x128xf32, #tpu.memory_space<vmem>>
      %dma_wait3A_1489 = tpu.memref_squeeze %dma_wait3A_1488 : memref<1x8x128xf32, #tpu.memory_space<vmem>> -> memref<8x128xf32, #tpu.memory_space<vmem>>
      %dma_wait3A_1490 = arith.constant 0 : i32
      %dma_wait3A_1491 = arith.constant 0 : i32
      %dma_wait3A_1492 = tpu.memref_slice %arg6[%dma_wait3A_1490, %dma_wait3A_1491] : memref<16x1000000xf32, #tpu.memory_space<hbm>> -> memref<8x128xf32, #tpu.memory_space<hbm>>
      %dma_wait3A_1493 = arith.constant 0 : i32
      %dma_wait3A_1494 = arith.constant 0 : i32
      %dma_wait3A_1495 = tpu.memref_slice %arg13[%dma_wait3A_1485, %dma_wait3A_1493, %dma_wait3A_1494] : memref<16x8x128xf32, #tpu.memory_space<vmem>> -> memref<1x8x128xf32, #tpu.memory_space<vmem>>
      %dma_wait3A_1496 = tpu.memref_squeeze %dma_wait3A_1495 : memref<1x8x128xf32, #tpu.memory_space<vmem>> -> memref<8x128xf32, #tpu.memory_space<vmem>>
      %dma_wait3A_1497 = arith.constant 0 : i32
      %dma_wait3A_1498 = arith.constant 0 : i32
      %dma_wait3A_1499 = tpu.memref_slice %arg6[%dma_wait3A_1497, %dma_wait3A_1498] : memref<16x1000000xf32, #tpu.memory_space<hbm>> -> memref<8x128xf32, #tpu.memory_space<hbm>>
      tpu.wait_dma2 semaphore(%arg20 : memref<!tpu.dma_semaphore, #tpu.memory_space<semaphore_mem>>) src(%dma_wait3A_1499 : memref<8x128xf32, #tpu.memory_space<hbm>>) dst(%dma_wait3A_1496 : memref<8x128xf32, #tpu.memory_space<vmem>>)
      %dma_wait3A_1500 = arith.constant 14 : i32
      %dma_wait3A_1501 = arith.constant 0 : i32
      %dma_wait3A_1502 = arith.constant 0 : i32
      %dma_wait3A_1503 = tpu.memref_slice %arg12[%dma_wait3A_1500, %dma_wait3A_1501, %dma_wait3A_1502] : memref<16x8x128xf32, #tpu.memory_space<vmem>> -> memref<1x8x128xf32, #tpu.memory_space<vmem>>
      %dma_wait3A_1504 = tpu.memref_squeeze %dma_wait3A_1503 : memref<1x8x128xf32, #tpu.memory_space<vmem>> -> memref<8x128xf32, #tpu.memory_space<vmem>>
      %dma_wait3A_1505 = arith.constant 0 : i32
      %dma_wait3A_1506 = arith.constant 0 : i32
      %dma_wait3A_1507 = tpu.memref_slice %arg5[%dma_wait3A_1505, %dma_wait3A_1506] : memref<16x1000000xf32, #tpu.memory_space<hbm>> -> memref<8x128xf32, #tpu.memory_space<hbm>>
      %dma_wait3A_1508 = arith.constant 0 : i32
      %dma_wait3A_1509 = arith.constant 0 : i32
      %dma_wait3A_1510 = tpu.memref_slice %arg12[%dma_wait3A_1500, %dma_wait3A_1508, %dma_wait3A_1509] : memref<16x8x128xf32, #tpu.memory_space<vmem>> -> memref<1x8x128xf32, #tpu.memory_space<vmem>>
      %dma_wait3A_1511 = tpu.memref_squeeze %dma_wait3A_1510 : memref<1x8x128xf32, #tpu.memory_space<vmem>> -> memref<8x128xf32, #tpu.memory_space<vmem>>
      %dma_wait3A_1512 = arith.constant 0 : i32
      %dma_wait3A_1513 = arith.constant 0 : i32
      %dma_wait3A_1514 = tpu.memref_slice %arg5[%dma_wait3A_1512, %dma_wait3A_1513] : memref<16x1000000xf32, #tpu.memory_space<hbm>> -> memref<8x128xf32, #tpu.memory_space<hbm>>
      tpu.wait_dma2 semaphore(%arg20 : memref<!tpu.dma_semaphore, #tpu.memory_space<semaphore_mem>>) src(%dma_wait3A_1514 : memref<8x128xf32, #tpu.memory_space<hbm>>) dst(%dma_wait3A_1511 : memref<8x128xf32, #tpu.memory_space<vmem>>)
      %dma_wait3A_1515 = arith.constant 14 : i32
      %dma_wait3A_1516 = arith.constant 0 : i32
      %dma_wait3A_1517 = arith.constant 0 : i32
      %dma_wait3A_1518 = tpu.memref_slice %arg13[%dma_wait3A_1515, %dma_wait3A_1516, %dma_wait3A_1517] : memref<16x8x128xf32, #tpu.memory_space<vmem>> -> memref<1x8x128xf32, #tpu.memory_space<vmem>>
      %dma_wait3A_1519 = tpu.memref_squeeze %dma_wait3A_1518 : memref<1x8x128xf32, #tpu.memory_space<vmem>> -> memref<8x128xf32, #tpu.memory_space<vmem>>
      %dma_wait3A_1520 = arith.constant 0 : i32
      %dma_wait3A_1521 = arith.constant 0 : i32
      %dma_wait3A_1522 = tpu.memref_slice %arg6[%dma_wait3A_1520, %dma_wait3A_1521] : memref<16x1000000xf32, #tpu.memory_space<hbm>> -> memref<8x128xf32, #tpu.memory_space<hbm>>
      %dma_wait3A_1523 = arith.constant 0 : i32
      %dma_wait3A_1524 = arith.constant 0 : i32
      %dma_wait3A_1525 = tpu.memref_slice %arg13[%dma_wait3A_1515, %dma_wait3A_1523, %dma_wait3A_1524] : memref<16x8x128xf32, #tpu.memory_space<vmem>> -> memref<1x8x128xf32, #tpu.memory_space<vmem>>
      %dma_wait3A_1526 = tpu.memref_squeeze %dma_wait3A_1525 : memref<1x8x128xf32, #tpu.memory_space<vmem>> -> memref<8x128xf32, #tpu.memory_space<vmem>>
      %dma_wait3A_1527 = arith.constant 0 : i32
      %dma_wait3A_1528 = arith.constant 0 : i32
      %dma_wait3A_1529 = tpu.memref_slice %arg6[%dma_wait3A_1527, %dma_wait3A_1528] : memref<16x1000000xf32, #tpu.memory_space<hbm>> -> memref<8x128xf32, #tpu.memory_space<hbm>>
      tpu.wait_dma2 semaphore(%arg20 : memref<!tpu.dma_semaphore, #tpu.memory_space<semaphore_mem>>) src(%dma_wait3A_1529 : memref<8x128xf32, #tpu.memory_space<hbm>>) dst(%dma_wait3A_1526 : memref<8x128xf32, #tpu.memory_space<vmem>>)
      %dma_wait3A_1530 = arith.constant 15 : i32
      %dma_wait3A_1531 = arith.constant 0 : i32
      %dma_wait3A_1532 = arith.constant 0 : i32
      %dma_wait3A_1533 = tpu.memref_slice %arg12[%dma_wait3A_1530, %dma_wait3A_1531, %dma_wait3A_1532] : memref<16x8x128xf32, #tpu.memory_space<vmem>> -> memref<1x8x128xf32, #tpu.memory_space<vmem>>
      %dma_wait3A_1534 = tpu.memref_squeeze %dma_wait3A_1533 : memref<1x8x128xf32, #tpu.memory_space<vmem>> -> memref<8x128xf32, #tpu.memory_space<vmem>>
      %dma_wait3A_1535 = arith.constant 0 : i32
      %dma_wait3A_1536 = arith.constant 0 : i32
      %dma_wait3A_1537 = tpu.memref_slice %arg5[%dma_wait3A_1535, %dma_wait3A_1536] : memref<16x1000000xf32, #tpu.memory_space<hbm>> -> memref<8x128xf32, #tpu.memory_space<hbm>>
      %dma_wait3A_1538 = arith.constant 0 : i32
      %dma_wait3A_1539 = arith.constant 0 : i32
      %dma_wait3A_1540 = tpu.memref_slice %arg12[%dma_wait3A_1530, %dma_wait3A_1538, %dma_wait3A_1539] : memref<16x8x128xf32, #tpu.memory_space<vmem>> -> memref<1x8x128xf32, #tpu.memory_space<vmem>>
      %dma_wait3A_1541 = tpu.memref_squeeze %dma_wait3A_1540 : memref<1x8x128xf32, #tpu.memory_space<vmem>> -> memref<8x128xf32, #tpu.memory_space<vmem>>
      %dma_wait3A_1542 = arith.constant 0 : i32
      %dma_wait3A_1543 = arith.constant 0 : i32
      %dma_wait3A_1544 = tpu.memref_slice %arg5[%dma_wait3A_1542, %dma_wait3A_1543] : memref<16x1000000xf32, #tpu.memory_space<hbm>> -> memref<8x128xf32, #tpu.memory_space<hbm>>
      tpu.wait_dma2 semaphore(%arg20 : memref<!tpu.dma_semaphore, #tpu.memory_space<semaphore_mem>>) src(%dma_wait3A_1544 : memref<8x128xf32, #tpu.memory_space<hbm>>) dst(%dma_wait3A_1541 : memref<8x128xf32, #tpu.memory_space<vmem>>)
      %dma_wait3A_1545 = arith.constant 15 : i32
      %dma_wait3A_1546 = arith.constant 0 : i32
      %dma_wait3A_1547 = arith.constant 0 : i32
      %dma_wait3A_1548 = tpu.memref_slice %arg13[%dma_wait3A_1545, %dma_wait3A_1546, %dma_wait3A_1547] : memref<16x8x128xf32, #tpu.memory_space<vmem>> -> memref<1x8x128xf32, #tpu.memory_space<vmem>>
      %dma_wait3A_1549 = tpu.memref_squeeze %dma_wait3A_1548 : memref<1x8x128xf32, #tpu.memory_space<vmem>> -> memref<8x128xf32, #tpu.memory_space<vmem>>
      %dma_wait3A_1550 = arith.constant 0 : i32
      %dma_wait3A_1551 = arith.constant 0 : i32
      %dma_wait3A_1552 = tpu.memref_slice %arg6[%dma_wait3A_1550, %dma_wait3A_1551] : memref<16x1000000xf32, #tpu.memory_space<hbm>> -> memref<8x128xf32, #tpu.memory_space<hbm>>
      %dma_wait3A_1553 = arith.constant 0 : i32
      %dma_wait3A_1554 = arith.constant 0 : i32
      %dma_wait3A_1555 = tpu.memref_slice %arg13[%dma_wait3A_1545, %dma_wait3A_1553, %dma_wait3A_1554] : memref<16x8x128xf32, #tpu.memory_space<vmem>> -> memref<1x8x128xf32, #tpu.memory_space<vmem>>
      %dma_wait3A_1556 = tpu.memref_squeeze %dma_wait3A_1555 : memref<1x8x128xf32, #tpu.memory_space<vmem>> -> memref<8x128xf32, #tpu.memory_space<vmem>>
      %dma_wait3A_1557 = arith.constant 0 : i32
      %dma_wait3A_1558 = arith.constant 0 : i32
      %dma_wait3A_1559 = tpu.memref_slice %arg6[%dma_wait3A_1557, %dma_wait3A_1558] : memref<16x1000000xf32, #tpu.memory_space<hbm>> -> memref<8x128xf32, #tpu.memory_space<hbm>>
      tpu.wait_dma2 semaphore(%arg20 : memref<!tpu.dma_semaphore, #tpu.memory_space<semaphore_mem>>) src(%dma_wait3A_1559 : memref<8x128xf32, #tpu.memory_space<hbm>>) dst(%dma_wait3A_1556 : memref<8x128xf32, #tpu.memory_space<vmem>>)
      %mul3A_1560 = arith.constant 16 : i32
      %mul3A_1561 = arith.muli %scan3A_539, %mul3A_1560 : i32
      %get3A_1562 = arith.index_cast %mul3A_1561 : i32 to index
      %get3A_1563 = tpu.vector_load %arg10[%get3A_1562] {strides = array<i32>} : memref<512xi32, #tpu.memory_space<vmem>>, vector<16xi32>,
      %get3A_1564 = arith.index_cast %mul3A_1561 : i32 to index
      %get3A_1565 = tpu.vector_load %arg11[%get3A_1564] {strides = array<i32>} : memref<512xi32, #tpu.memory_space<vmem>>, vector<16xi32>,
      %broadcast_in_dim3A = arith.constant 0 : i32
      %broadcast_in_dim3A_1566 = vector.broadcast %broadcast_in_dim3A : i32 to vector<16xi32>
      %slice3A_1567 = vector.extract_strided_slice %get3A_1563 {offsets = [0], sizes = [1], strides = [1]} : vector<16xi32> to vector<1xi32>
      %squeeze3A_1568 = vector.extract %slice3A_1567[0] : i32 from vector<1xi32>
      %and3A_1569 = arith.constant 127 : i32
      %and3A_1570 = arith.andi %squeeze3A_1568, %and3A_1569 : i32
      %broadcast_in_dim3A_1571 = vector.broadcast %and3A_1570 : i32 to vector<16xi32>
      %slice3A_1572 = vector.extract_strided_slice %get3A_1565 {offsets = [0], sizes = [1], strides = [1]} : vector<16xi32> to vector<1xi32>
      %squeeze3A_1573 = vector.extract %slice3A_1572[0] : i32 from vector<1xi32>
      %and3A_1574 = arith.constant 127 : i32
      %and3A_1575 = arith.andi %squeeze3A_1573, %and3A_1574 : i32
      %broadcast_in_dim3A_1576 = vector.broadcast %and3A_1575 : i32 to vector<16xi32>
      %gather3A = tpu.vector_load_idx %arg12[%broadcast_in_dim3A_1566, %and3A_10, %broadcast_in_dim3A_1571] : memref<16x8x128xf32, #tpu.memory_space<vmem>>[vector<16xi32>, vector<16xi32>, vector<16xi32>], vector<16xf32>,
      %gather3A_1577 = tpu.vector_load_idx %arg13[%broadcast_in_dim3A_1566, %and3A_10, %broadcast_in_dim3A_1576] : memref<16x8x128xf32, #tpu.memory_space<vmem>>[vector<16xi32>, vector<16xi32>, vector<16xi32>], vector<16xf32>,
      %lt3A = arith.constant 8 : i32
      %lt3A_1578 = vector.broadcast %lt3A : i32 to vector<16xi32>
      %lt3A_1579 = arith.cmpi slt, %iota3A, %lt3A_1578 : vector<16xi32>
      %mul3A_1580 = arith.mulf %gather3A, %gather3A_1577 : vector<16xf32>
      %jit3A = arith.constant 0.000000e+00 : f32
      %broadcast_in_dim3A_1581 = vector.broadcast %jit3A : f32 to vector<16xf32>
      %select_n3A = arith.select %lt3A_1579, %mul3A_1580, %broadcast_in_dim3A_1581 : vector<16xi1>, vector<16xf32>
      %reduce_sum3A = arith.constant true
      %reduce_sum3A_1582 = vector.broadcast %reduce_sum3A : i1 to vector<16xi1>
      %reduce_sum3A_1583 = tpu.scan <sum>, %select_n3A masked %reduce_sum3A_1582 : vector<16xf32>, vector<16xi1> -> vector<16xf32>
      %reduce_sum3A_1584 = vector.extract %reduce_sum3A_1583[15] : f32 from vector<16xf32>
      %eq3A = arith.constant 0 : i32
      %eq3A_1585 = vector.broadcast %eq3A : i32 to vector<16xi32>
      %eq3A_1586 = arith.cmpi eq, %iota3A, %eq3A_1585 : vector<16xi32>
      %add3A_1587 = vector.broadcast %reduce_sum3A_1584 : f32 to vector<16xf32>
      %add3A_1588 = arith.addf %add3A_1079, %add3A_1587 : vector<16xf32>
      %select_n3A_1589 = arith.select %eq3A_1586, %add3A_1588, %add3A_1079 : vector<16xi1>, vector<16xf32>
      %broadcast_in_dim3A_1590 = arith.constant 1 : i32
      %broadcast_in_dim3A_1591 = vector.broadcast %broadcast_in_dim3A_1590 : i32 to vector<16xi32>
      %slice3A_1592 = vector.extract_strided_slice %get3A_1563 {offsets = [1], sizes = [1], strides = [1]} : vector<16xi32> to vector<1xi32>
      %squeeze3A_1593 = vector.extract %slice3A_1592[0] : i32 from vector<1xi32>
      %and3A_1594 = arith.constant 127 : i32
      %and3A_1595 = arith.andi %squeeze3A_1593, %and3A_1594 : i32
      %broadcast_in_dim3A_1596 = vector.broadcast %and3A_1595 : i32 to vector<16xi32>
      %slice3A_1597 = vector.extract_strided_slice %get3A_1565 {offsets = [1], sizes = [1], strides = [1]} : vector<16xi32> to vector<1xi32>
      %squeeze3A_1598 = vector.extract %slice3A_1597[0] : i32 from vector<1xi32>
      %and3A_1599 = arith.constant 127 : i32
      %and3A_1600 = arith.andi %squeeze3A_1598, %and3A_1599 : i32
      %broadcast_in_dim3A_1601 = vector.broadcast %and3A_1600 : i32 to vector<16xi32>
      %gather3A_1602 = tpu.vector_load_idx %arg12[%broadcast_in_dim3A_1591, %and3A_10, %broadcast_in_dim3A_1596] : memref<16x8x128xf32, #tpu.memory_space<vmem>>[vector<16xi32>, vector<16xi32>, vector<16xi32>], vector<16xf32>,
      %gather3A_1603 = tpu.vector_load_idx %arg13[%broadcast_in_dim3A_1591, %and3A_10, %broadcast_in_dim3A_1601] : memref<16x8x128xf32, #tpu.memory_space<vmem>>[vector<16xi32>, vector<16xi32>, vector<16xi32>], vector<16xf32>,
      %lt3A_1604 = arith.constant 8 : i32
      %lt3A_1605 = vector.broadcast %lt3A_1604 : i32 to vector<16xi32>
      %lt3A_1606 = arith.cmpi slt, %iota3A, %lt3A_1605 : vector<16xi32>
      %mul3A_1607 = arith.mulf %gather3A_1602, %gather3A_1603 : vector<16xf32>
      %jit3A_1608 = arith.constant 0.000000e+00 : f32
      %broadcast_in_dim3A_1609 = vector.broadcast %jit3A_1608 : f32 to vector<16xf32>
      %select_n3A_1610 = arith.select %lt3A_1606, %mul3A_1607, %broadcast_in_dim3A_1609 : vector<16xi1>, vector<16xf32>
      %reduce_sum3A_1611 = arith.constant true
      %reduce_sum3A_1612 = vector.broadcast %reduce_sum3A_1611 : i1 to vector<16xi1>
      %reduce_sum3A_1613 = tpu.scan <sum>, %select_n3A_1610 masked %reduce_sum3A_1612 : vector<16xf32>, vector<16xi1> -> vector<16xf32>
      %reduce_sum3A_1614 = vector.extract %reduce_sum3A_1613[15] : f32 from vector<16xf32>
      %eq3A_1615 = arith.constant 1 : i32
      %eq3A_1616 = vector.broadcast %eq3A_1615 : i32 to vector<16xi32>
      %eq3A_1617 = arith.cmpi eq, %iota3A, %eq3A_1616 : vector<16xi32>
      %add3A_1618 = vector.broadcast %reduce_sum3A_1614 : f32 to vector<16xf32>
      %add3A_1619 = arith.addf %select_n3A_1589, %add3A_1618 : vector<16xf32>
      %select_n3A_1620 = arith.select %eq3A_1617, %add3A_1619, %select_n3A_1589 : vector<16xi1>, vector<16xf32>
      %broadcast_in_dim3A_1621 = arith.constant 2 : i32
      %broadcast_in_dim3A_1622 = vector.broadcast %broadcast_in_dim3A_1621 : i32 to vector<16xi32>
      %slice3A_1623 = vector.extract_strided_slice %get3A_1563 {offsets = [2], sizes = [1], strides = [1]} : vector<16xi32> to vector<1xi32>
      %squeeze3A_1624 = vector.extract %slice3A_1623[0] : i32 from vector<1xi32>
      %and3A_1625 = arith.constant 127 : i32
      %and3A_1626 = arith.andi %squeeze3A_1624, %and3A_1625 : i32
      %broadcast_in_dim3A_1627 = vector.broadcast %and3A_1626 : i32 to vector<16xi32>
      %slice3A_1628 = vector.extract_strided_slice %get3A_1565 {offsets = [2], sizes = [1], strides = [1]} : vector<16xi32> to vector<1xi32>
      %squeeze3A_1629 = vector.extract %slice3A_1628[0] : i32 from vector<1xi32>
      %and3A_1630 = arith.constant 127 : i32
      %and3A_1631 = arith.andi %squeeze3A_1629, %and3A_1630 : i32
      %broadcast_in_dim3A_1632 = vector.broadcast %and3A_1631 : i32 to vector<16xi32>
      %gather3A_1633 = tpu.vector_load_idx %arg12[%broadcast_in_dim3A_1622, %and3A_10, %broadcast_in_dim3A_1627] : memref<16x8x128xf32, #tpu.memory_space<vmem>>[vector<16xi32>, vector<16xi32>, vector<16xi32>], vector<16xf32>,
      %gather3A_1634 = tpu.vector_load_idx %arg13[%broadcast_in_dim3A_1622, %and3A_10, %broadcast_in_dim3A_1632] : memref<16x8x128xf32, #tpu.memory_space<vmem>>[vector<16xi32>, vector<16xi32>, vector<16xi32>], vector<16xf32>,
      %lt3A_1635 = arith.constant 8 : i32
      %lt3A_1636 = vector.broadcast %lt3A_1635 : i32 to vector<16xi32>
      %lt3A_1637 = arith.cmpi slt, %iota3A, %lt3A_1636 : vector<16xi32>
      %mul3A_1638 = arith.mulf %gather3A_1633, %gather3A_1634 : vector<16xf32>
      %jit3A_1639 = arith.constant 0.000000e+00 : f32
      %broadcast_in_dim3A_1640 = vector.broadcast %jit3A_1639 : f32 to vector<16xf32>
      %select_n3A_1641 = arith.select %lt3A_1637, %mul3A_1638, %broadcast_in_dim3A_1640 : vector<16xi1>, vector<16xf32>
      %reduce_sum3A_1642 = arith.constant true
      %reduce_sum3A_1643 = vector.broadcast %reduce_sum3A_1642 : i1 to vector<16xi1>
      %reduce_sum3A_1644 = tpu.scan <sum>, %select_n3A_1641 masked %reduce_sum3A_1643 : vector<16xf32>, vector<16xi1> -> vector<16xf32>
      %reduce_sum3A_1645 = vector.extract %reduce_sum3A_1644[15] : f32 from vector<16xf32>
      %eq3A_1646 = arith.constant 2 : i32
      %eq3A_1647 = vector.broadcast %eq3A_1646 : i32 to vector<16xi32>
      %eq3A_1648 = arith.cmpi eq, %iota3A, %eq3A_1647 : vector<16xi32>
      %add3A_1649 = vector.broadcast %reduce_sum3A_1645 : f32 to vector<16xf32>
      %add3A_1650 = arith.addf %select_n3A_1620, %add3A_1649 : vector<16xf32>
      %select_n3A_1651 = arith.select %eq3A_1648, %add3A_1650, %select_n3A_1620 : vector<16xi1>, vector<16xf32>
      %broadcast_in_dim3A_1652 = arith.constant 3 : i32
      %broadcast_in_dim3A_1653 = vector.broadcast %broadcast_in_dim3A_1652 : i32 to vector<16xi32>
      %slice3A_1654 = vector.extract_strided_slice %get3A_1563 {offsets = [3], sizes = [1], strides = [1]} : vector<16xi32> to vector<1xi32>
      %squeeze3A_1655 = vector.extract %slice3A_1654[0] : i32 from vector<1xi32>
      %and3A_1656 = arith.constant 127 : i32
      %and3A_1657 = arith.andi %squeeze3A_1655, %and3A_1656 : i32
      %broadcast_in_dim3A_1658 = vector.broadcast %and3A_1657 : i32 to vector<16xi32>
      %slice3A_1659 = vector.extract_strided_slice %get3A_1565 {offsets = [3], sizes = [1], strides = [1]} : vector<16xi32> to vector<1xi32>
      %squeeze3A_1660 = vector.extract %slice3A_1659[0] : i32 from vector<1xi32>
      %and3A_1661 = arith.constant 127 : i32
      %and3A_1662 = arith.andi %squeeze3A_1660, %and3A_1661 : i32
      %broadcast_in_dim3A_1663 = vector.broadcast %and3A_1662 : i32 to vector<16xi32>
      %gather3A_1664 = tpu.vector_load_idx %arg12[%broadcast_in_dim3A_1653, %and3A_10, %broadcast_in_dim3A_1658] : memref<16x8x128xf32, #tpu.memory_space<vmem>>[vector<16xi32>, vector<16xi32>, vector<16xi32>], vector<16xf32>,
      %gather3A_1665 = tpu.vector_load_idx %arg13[%broadcast_in_dim3A_1653, %and3A_10, %broadcast_in_dim3A_1663] : memref<16x8x128xf32, #tpu.memory_space<vmem>>[vector<16xi32>, vector<16xi32>, vector<16xi32>], vector<16xf32>,
      %lt3A_1666 = arith.constant 8 : i32
      %lt3A_1667 = vector.broadcast %lt3A_1666 : i32 to vector<16xi32>
      %lt3A_1668 = arith.cmpi slt, %iota3A, %lt3A_1667 : vector<16xi32>
      %mul3A_1669 = arith.mulf %gather3A_1664, %gather3A_1665 : vector<16xf32>
      %jit3A_1670 = arith.constant 0.000000e+00 : f32
      %broadcast_in_dim3A_1671 = vector.broadcast %jit3A_1670 : f32 to vector<16xf32>
      %select_n3A_1672 = arith.select %lt3A_1668, %mul3A_1669, %broadcast_in_dim3A_1671 : vector<16xi1>, vector<16xf32>
      %reduce_sum3A_1673 = arith.constant true
      %reduce_sum3A_1674 = vector.broadcast %reduce_sum3A_1673 : i1 to vector<16xi1>
      %reduce_sum3A_1675 = tpu.scan <sum>, %select_n3A_1672 masked %reduce_sum3A_1674 : vector<16xf32>, vector<16xi1> -> vector<16xf32>
      %reduce_sum3A_1676 = vector.extract %reduce_sum3A_1675[15] : f32 from vector<16xf32>
      %eq3A_1677 = arith.constant 3 : i32
      %eq3A_1678 = vector.broadcast %eq3A_1677 : i32 to vector<16xi32>
      %eq3A_1679 = arith.cmpi eq, %iota3A, %eq3A_1678 : vector<16xi32>
      %add3A_1680 = vector.broadcast %reduce_sum3A_1676 : f32 to vector<16xf32>
      %add3A_1681 = arith.addf %select_n3A_1651, %add3A_1680 : vector<16xf32>
      %select_n3A_1682 = arith.select %eq3A_1679, %add3A_1681, %select_n3A_1651 : vector<16xi1>, vector<16xf32>
      %broadcast_in_dim3A_1683 = arith.constant 4 : i32
      %broadcast_in_dim3A_1684 = vector.broadcast %broadcast_in_dim3A_1683 : i32 to vector<16xi32>
      %slice3A_1685 = vector.extract_strided_slice %get3A_1563 {offsets = [4], sizes = [1], strides = [1]} : vector<16xi32> to vector<1xi32>
      %squeeze3A_1686 = vector.extract %slice3A_1685[0] : i32 from vector<1xi32>
      %and3A_1687 = arith.constant 127 : i32
      %and3A_1688 = arith.andi %squeeze3A_1686, %and3A_1687 : i32
      %broadcast_in_dim3A_1689 = vector.broadcast %and3A_1688 : i32 to vector<16xi32>
      %slice3A_1690 = vector.extract_strided_slice %get3A_1565 {offsets = [4], sizes = [1], strides = [1]} : vector<16xi32> to vector<1xi32>
      %squeeze3A_1691 = vector.extract %slice3A_1690[0] : i32 from vector<1xi32>
      %and3A_1692 = arith.constant 127 : i32
      %and3A_1693 = arith.andi %squeeze3A_1691, %and3A_1692 : i32
      %broadcast_in_dim3A_1694 = vector.broadcast %and3A_1693 : i32 to vector<16xi32>
      %gather3A_1695 = tpu.vector_load_idx %arg12[%broadcast_in_dim3A_1684, %and3A_10, %broadcast_in_dim3A_1689] : memref<16x8x128xf32, #tpu.memory_space<vmem>>[vector<16xi32>, vector<16xi32>, vector<16xi32>], vector<16xf32>,
      %gather3A_1696 = tpu.vector_load_idx %arg13[%broadcast_in_dim3A_1684, %and3A_10, %broadcast_in_dim3A_1694] : memref<16x8x128xf32, #tpu.memory_space<vmem>>[vector<16xi32>, vector<16xi32>, vector<16xi32>], vector<16xf32>,
      %lt3A_1697 = arith.constant 8 : i32
      %lt3A_1698 = vector.broadcast %lt3A_1697 : i32 to vector<16xi32>
      %lt3A_1699 = arith.cmpi slt, %iota3A, %lt3A_1698 : vector<16xi32>
      %mul3A_1700 = arith.mulf %gather3A_1695, %gather3A_1696 : vector<16xf32>
      %jit3A_1701 = arith.constant 0.000000e+00 : f32
      %broadcast_in_dim3A_1702 = vector.broadcast %jit3A_1701 : f32 to vector<16xf32>
      %select_n3A_1703 = arith.select %lt3A_1699, %mul3A_1700, %broadcast_in_dim3A_1702 : vector<16xi1>, vector<16xf32>
      %reduce_sum3A_1704 = arith.constant true
      %reduce_sum3A_1705 = vector.broadcast %reduce_sum3A_1704 : i1 to vector<16xi1>
      %reduce_sum3A_1706 = tpu.scan <sum>, %select_n3A_1703 masked %reduce_sum3A_1705 : vector<16xf32>, vector<16xi1> -> vector<16xf32>
      %reduce_sum3A_1707 = vector.extract %reduce_sum3A_1706[15] : f32 from vector<16xf32>
      %eq3A_1708 = arith.constant 4 : i32
      %eq3A_1709 = vector.broadcast %eq3A_1708 : i32 to vector<16xi32>
      %eq3A_1710 = arith.cmpi eq, %iota3A, %eq3A_1709 : vector<16xi32>
      %add3A_1711 = vector.broadcast %reduce_sum3A_1707 : f32 to vector<16xf32>
      %add3A_1712 = arith.addf %select_n3A_1682, %add3A_1711 : vector<16xf32>
      %select_n3A_1713 = arith.select %eq3A_1710, %add3A_1712, %select_n3A_1682 : vector<16xi1>, vector<16xf32>
      %broadcast_in_dim3A_1714 = arith.constant 5 : i32
      %broadcast_in_dim3A_1715 = vector.broadcast %broadcast_in_dim3A_1714 : i32 to vector<16xi32>
      %slice3A_1716 = vector.extract_strided_slice %get3A_1563 {offsets = [5], sizes = [1], strides = [1]} : vector<16xi32> to vector<1xi32>
      %squeeze3A_1717 = vector.extract %slice3A_1716[0] : i32 from vector<1xi32>
      %and3A_1718 = arith.constant 127 : i32
      %and3A_1719 = arith.andi %squeeze3A_1717, %and3A_1718 : i32
      %broadcast_in_dim3A_1720 = vector.broadcast %and3A_1719 : i32 to vector<16xi32>
      %slice3A_1721 = vector.extract_strided_slice %get3A_1565 {offsets = [5], sizes = [1], strides = [1]} : vector<16xi32> to vector<1xi32>
      %squeeze3A_1722 = vector.extract %slice3A_1721[0] : i32 from vector<1xi32>
      %and3A_1723 = arith.constant 127 : i32
      %and3A_1724 = arith.andi %squeeze3A_1722, %and3A_1723 : i32
      %broadcast_in_dim3A_1725 = vector.broadcast %and3A_1724 : i32 to vector<16xi32>
      %gather3A_1726 = tpu.vector_load_idx %arg12[%broadcast_in_dim3A_1715, %and3A_10, %broadcast_in_dim3A_1720] : memref<16x8x128xf32, #tpu.memory_space<vmem>>[vector<16xi32>, vector<16xi32>, vector<16xi32>], vector<16xf32>,
      %gather3A_1727 = tpu.vector_load_idx %arg13[%broadcast_in_dim3A_1715, %and3A_10, %broadcast_in_dim3A_1725] : memref<16x8x128xf32, #tpu.memory_space<vmem>>[vector<16xi32>, vector<16xi32>, vector<16xi32>], vector<16xf32>,
      %lt3A_1728 = arith.constant 8 : i32
      %lt3A_1729 = vector.broadcast %lt3A_1728 : i32 to vector<16xi32>
      %lt3A_1730 = arith.cmpi slt, %iota3A, %lt3A_1729 : vector<16xi32>
      %mul3A_1731 = arith.mulf %gather3A_1726, %gather3A_1727 : vector<16xf32>
      %jit3A_1732 = arith.constant 0.000000e+00 : f32
      %broadcast_in_dim3A_1733 = vector.broadcast %jit3A_1732 : f32 to vector<16xf32>
      %select_n3A_1734 = arith.select %lt3A_1730, %mul3A_1731, %broadcast_in_dim3A_1733 : vector<16xi1>, vector<16xf32>
      %reduce_sum3A_1735 = arith.constant true
      %reduce_sum3A_1736 = vector.broadcast %reduce_sum3A_1735 : i1 to vector<16xi1>
      %reduce_sum3A_1737 = tpu.scan <sum>, %select_n3A_1734 masked %reduce_sum3A_1736 : vector<16xf32>, vector<16xi1> -> vector<16xf32>
      %reduce_sum3A_1738 = vector.extract %reduce_sum3A_1737[15] : f32 from vector<16xf32>
      %eq3A_1739 = arith.constant 5 : i32
      %eq3A_1740 = vector.broadcast %eq3A_1739 : i32 to vector<16xi32>
      %eq3A_1741 = arith.cmpi eq, %iota3A, %eq3A_1740 : vector<16xi32>
      %add3A_1742 = vector.broadcast %reduce_sum3A_1738 : f32 to vector<16xf32>
      %add3A_1743 = arith.addf %select_n3A_1713, %add3A_1742 : vector<16xf32>
      %select_n3A_1744 = arith.select %eq3A_1741, %add3A_1743, %select_n3A_1713 : vector<16xi1>, vector<16xf32>
      %broadcast_in_dim3A_1745 = arith.constant 6 : i32
      %broadcast_in_dim3A_1746 = vector.broadcast %broadcast_in_dim3A_1745 : i32 to vector<16xi32>
      %slice3A_1747 = vector.extract_strided_slice %get3A_1563 {offsets = [6], sizes = [1], strides = [1]} : vector<16xi32> to vector<1xi32>
      %squeeze3A_1748 = vector.extract %slice3A_1747[0] : i32 from vector<1xi32>
      %and3A_1749 = arith.constant 127 : i32
      %and3A_1750 = arith.andi %squeeze3A_1748, %and3A_1749 : i32
      %broadcast_in_dim3A_1751 = vector.broadcast %and3A_1750 : i32 to vector<16xi32>
      %slice3A_1752 = vector.extract_strided_slice %get3A_1565 {offsets = [6], sizes = [1], strides = [1]} : vector<16xi32> to vector<1xi32>
      %squeeze3A_1753 = vector.extract %slice3A_1752[0] : i32 from vector<1xi32>
      %and3A_1754 = arith.constant 127 : i32
      %and3A_1755 = arith.andi %squeeze3A_1753, %and3A_1754 : i32
      %broadcast_in_dim3A_1756 = vector.broadcast %and3A_1755 : i32 to vector<16xi32>
      %gather3A_1757 = tpu.vector_load_idx %arg12[%broadcast_in_dim3A_1746, %and3A_10, %broadcast_in_dim3A_1751] : memref<16x8x128xf32, #tpu.memory_space<vmem>>[vector<16xi32>, vector<16xi32>, vector<16xi32>], vector<16xf32>,
      %gather3A_1758 = tpu.vector_load_idx %arg13[%broadcast_in_dim3A_1746, %and3A_10, %broadcast_in_dim3A_1756] : memref<16x8x128xf32, #tpu.memory_space<vmem>>[vector<16xi32>, vector<16xi32>, vector<16xi32>], vector<16xf32>,
      %lt3A_1759 = arith.constant 8 : i32
      %lt3A_1760 = vector.broadcast %lt3A_1759 : i32 to vector<16xi32>
      %lt3A_1761 = arith.cmpi slt, %iota3A, %lt3A_1760 : vector<16xi32>
      %mul3A_1762 = arith.mulf %gather3A_1757, %gather3A_1758 : vector<16xf32>
      %jit3A_1763 = arith.constant 0.000000e+00 : f32
      %broadcast_in_dim3A_1764 = vector.broadcast %jit3A_1763 : f32 to vector<16xf32>
      %select_n3A_1765 = arith.select %lt3A_1761, %mul3A_1762, %broadcast_in_dim3A_1764 : vector<16xi1>, vector<16xf32>
      %reduce_sum3A_1766 = arith.constant true
      %reduce_sum3A_1767 = vector.broadcast %reduce_sum3A_1766 : i1 to vector<16xi1>
      %reduce_sum3A_1768 = tpu.scan <sum>, %select_n3A_1765 masked %reduce_sum3A_1767 : vector<16xf32>, vector<16xi1> -> vector<16xf32>
      %reduce_sum3A_1769 = vector.extract %reduce_sum3A_1768[15] : f32 from vector<16xf32>
      %eq3A_1770 = arith.constant 6 : i32
      %eq3A_1771 = vector.broadcast %eq3A_1770 : i32 to vector<16xi32>
      %eq3A_1772 = arith.cmpi eq, %iota3A, %eq3A_1771 : vector<16xi32>
      %add3A_1773 = vector.broadcast %reduce_sum3A_1769 : f32 to vector<16xf32>
      %add3A_1774 = arith.addf %select_n3A_1744, %add3A_1773 : vector<16xf32>
      %select_n3A_1775 = arith.select %eq3A_1772, %add3A_1774, %select_n3A_1744 : vector<16xi1>, vector<16xf32>
      %broadcast_in_dim3A_1776 = arith.constant 7 : i32
      %broadcast_in_dim3A_1777 = vector.broadcast %broadcast_in_dim3A_1776 : i32 to vector<16xi32>
      %slice3A_1778 = vector.extract_strided_slice %get3A_1563 {offsets = [7], sizes = [1], strides = [1]} : vector<16xi32> to vector<1xi32>
      %squeeze3A_1779 = vector.extract %slice3A_1778[0] : i32 from vector<1xi32>
      %and3A_1780 = arith.constant 127 : i32
      %and3A_1781 = arith.andi %squeeze3A_1779, %and3A_1780 : i32
      %broadcast_in_dim3A_1782 = vector.broadcast %and3A_1781 : i32 to vector<16xi32>
      %slice3A_1783 = vector.extract_strided_slice %get3A_1565 {offsets = [7], sizes = [1], strides = [1]} : vector<16xi32> to vector<1xi32>
      %squeeze3A_1784 = vector.extract %slice3A_1783[0] : i32 from vector<1xi32>
      %and3A_1785 = arith.constant 127 : i32
      %and3A_1786 = arith.andi %squeeze3A_1784, %and3A_1785 : i32
      %broadcast_in_dim3A_1787 = vector.broadcast %and3A_1786 : i32 to vector<16xi32>
      %gather3A_1788 = tpu.vector_load_idx %arg12[%broadcast_in_dim3A_1777, %and3A_10, %broadcast_in_dim3A_1782] : memref<16x8x128xf32, #tpu.memory_space<vmem>>[vector<16xi32>, vector<16xi32>, vector<16xi32>], vector<16xf32>,
      %gather3A_1789 = tpu.vector_load_idx %arg13[%broadcast_in_dim3A_1777, %and3A_10, %broadcast_in_dim3A_1787] : memref<16x8x128xf32, #tpu.memory_space<vmem>>[vector<16xi32>, vector<16xi32>, vector<16xi32>], vector<16xf32>,
      %lt3A_1790 = arith.constant 8 : i32
      %lt3A_1791 = vector.broadcast %lt3A_1790 : i32 to vector<16xi32>
      %lt3A_1792 = arith.cmpi slt, %iota3A, %lt3A_1791 : vector<16xi32>
      %mul3A_1793 = arith.mulf %gather3A_1788, %gather3A_1789 : vector<16xf32>
      %jit3A_1794 = arith.constant 0.000000e+00 : f32
      %broadcast_in_dim3A_1795 = vector.broadcast %jit3A_1794 : f32 to vector<16xf32>
      %select_n3A_1796 = arith.select %lt3A_1792, %mul3A_1793, %broadcast_in_dim3A_1795 : vector<16xi1>, vector<16xf32>
      %reduce_sum3A_1797 = arith.constant true
      %reduce_sum3A_1798 = vector.broadcast %reduce_sum3A_1797 : i1 to vector<16xi1>
      %reduce_sum3A_1799 = tpu.scan <sum>, %select_n3A_1796 masked %reduce_sum3A_1798 : vector<16xf32>, vector<16xi1> -> vector<16xf32>
      %reduce_sum3A_1800 = vector.extract %reduce_sum3A_1799[15] : f32 from vector<16xf32>
      %eq3A_1801 = arith.constant 7 : i32
      %eq3A_1802 = vector.broadcast %eq3A_1801 : i32 to vector<16xi32>
      %eq3A_1803 = arith.cmpi eq, %iota3A, %eq3A_1802 : vector<16xi32>
      %add3A_1804 = vector.broadcast %reduce_sum3A_1800 : f32 to vector<16xf32>
      %add3A_1805 = arith.addf %select_n3A_1775, %add3A_1804 : vector<16xf32>
      %select_n3A_1806 = arith.select %eq3A_1803, %add3A_1805, %select_n3A_1775 : vector<16xi1>, vector<16xf32>
      %broadcast_in_dim3A_1807 = arith.constant 8 : i32
      %broadcast_in_dim3A_1808 = vector.broadcast %broadcast_in_dim3A_1807 : i32 to vector<16xi32>
      %slice3A_1809 = vector.extract_strided_slice %get3A_1563 {offsets = [8], sizes = [1], strides = [1]} : vector<16xi32> to vector<1xi32>
      %squeeze3A_1810 = vector.extract %slice3A_1809[0] : i32 from vector<1xi32>
      %and3A_1811 = arith.constant 127 : i32
      %and3A_1812 = arith.andi %squeeze3A_1810, %and3A_1811 : i32
      %broadcast_in_dim3A_1813 = vector.broadcast %and3A_1812 : i32 to vector<16xi32>
      %slice3A_1814 = vector.extract_strided_slice %get3A_1565 {offsets = [8], sizes = [1], strides = [1]} : vector<16xi32> to vector<1xi32>
      %squeeze3A_1815 = vector.extract %slice3A_1814[0] : i32 from vector<1xi32>
      %and3A_1816 = arith.constant 127 : i32
      %and3A_1817 = arith.andi %squeeze3A_1815, %and3A_1816 : i32
      %broadcast_in_dim3A_1818 = vector.broadcast %and3A_1817 : i32 to vector<16xi32>
      %gather3A_1819 = tpu.vector_load_idx %arg12[%broadcast_in_dim3A_1808, %and3A_10, %broadcast_in_dim3A_1813] : memref<16x8x128xf32, #tpu.memory_space<vmem>>[vector<16xi32>, vector<16xi32>, vector<16xi32>], vector<16xf32>,
      %gather3A_1820 = tpu.vector_load_idx %arg13[%broadcast_in_dim3A_1808, %and3A_10, %broadcast_in_dim3A_1818] : memref<16x8x128xf32, #tpu.memory_space<vmem>>[vector<16xi32>, vector<16xi32>, vector<16xi32>], vector<16xf32>,
      %lt3A_1821 = arith.constant 8 : i32
      %lt3A_1822 = vector.broadcast %lt3A_1821 : i32 to vector<16xi32>
      %lt3A_1823 = arith.cmpi slt, %iota3A, %lt3A_1822 : vector<16xi32>
      %mul3A_1824 = arith.mulf %gather3A_1819, %gather3A_1820 : vector<16xf32>
      %jit3A_1825 = arith.constant 0.000000e+00 : f32
      %broadcast_in_dim3A_1826 = vector.broadcast %jit3A_1825 : f32 to vector<16xf32>
      %select_n3A_1827 = arith.select %lt3A_1823, %mul3A_1824, %broadcast_in_dim3A_1826 : vector<16xi1>, vector<16xf32>
      %reduce_sum3A_1828 = arith.constant true
      %reduce_sum3A_1829 = vector.broadcast %reduce_sum3A_1828 : i1 to vector<16xi1>
      %reduce_sum3A_1830 = tpu.scan <sum>, %select_n3A_1827 masked %reduce_sum3A_1829 : vector<16xf32>, vector<16xi1> -> vector<16xf32>
      %reduce_sum3A_1831 = vector.extract %reduce_sum3A_1830[15] : f32 from vector<16xf32>
      %eq3A_1832 = arith.constant 8 : i32
      %eq3A_1833 = vector.broadcast %eq3A_1832 : i32 to vector<16xi32>
      %eq3A_1834 = arith.cmpi eq, %iota3A, %eq3A_1833 : vector<16xi32>
      %add3A_1835 = vector.broadcast %reduce_sum3A_1831 : f32 to vector<16xf32>
      %add3A_1836 = arith.addf %select_n3A_1806, %add3A_1835 : vector<16xf32>
      %select_n3A_1837 = arith.select %eq3A_1834, %add3A_1836, %select_n3A_1806 : vector<16xi1>, vector<16xf32>
      %broadcast_in_dim3A_1838 = arith.constant 9 : i32
      %broadcast_in_dim3A_1839 = vector.broadcast %broadcast_in_dim3A_1838 : i32 to vector<16xi32>
      %slice3A_1840 = vector.extract_strided_slice %get3A_1563 {offsets = [9], sizes = [1], strides = [1]} : vector<16xi32> to vector<1xi32>
      %squeeze3A_1841 = vector.extract %slice3A_1840[0] : i32 from vector<1xi32>
      %and3A_1842 = arith.constant 127 : i32
      %and3A_1843 = arith.andi %squeeze3A_1841, %and3A_1842 : i32
      %broadcast_in_dim3A_1844 = vector.broadcast %and3A_1843 : i32 to vector<16xi32>
      %slice3A_1845 = vector.extract_strided_slice %get3A_1565 {offsets = [9], sizes = [1], strides = [1]} : vector<16xi32> to vector<1xi32>
      %squeeze3A_1846 = vector.extract %slice3A_1845[0] : i32 from vector<1xi32>
      %and3A_1847 = arith.constant 127 : i32
      %and3A_1848 = arith.andi %squeeze3A_1846, %and3A_1847 : i32
      %broadcast_in_dim3A_1849 = vector.broadcast %and3A_1848 : i32 to vector<16xi32>
      %gather3A_1850 = tpu.vector_load_idx %arg12[%broadcast_in_dim3A_1839, %and3A_10, %broadcast_in_dim3A_1844] : memref<16x8x128xf32, #tpu.memory_space<vmem>>[vector<16xi32>, vector<16xi32>, vector<16xi32>], vector<16xf32>,
      %gather3A_1851 = tpu.vector_load_idx %arg13[%broadcast_in_dim3A_1839, %and3A_10, %broadcast_in_dim3A_1849] : memref<16x8x128xf32, #tpu.memory_space<vmem>>[vector<16xi32>, vector<16xi32>, vector<16xi32>], vector<16xf32>,
      %lt3A_1852 = arith.constant 8 : i32
      %lt3A_1853 = vector.broadcast %lt3A_1852 : i32 to vector<16xi32>
      %lt3A_1854 = arith.cmpi slt, %iota3A, %lt3A_1853 : vector<16xi32>
      %mul3A_1855 = arith.mulf %gather3A_1850, %gather3A_1851 : vector<16xf32>
      %jit3A_1856 = arith.constant 0.000000e+00 : f32
      %broadcast_in_dim3A_1857 = vector.broadcast %jit3A_1856 : f32 to vector<16xf32>
      %select_n3A_1858 = arith.select %lt3A_1854, %mul3A_1855, %broadcast_in_dim3A_1857 : vector<16xi1>, vector<16xf32>
      %reduce_sum3A_1859 = arith.constant true
      %reduce_sum3A_1860 = vector.broadcast %reduce_sum3A_1859 : i1 to vector<16xi1>
      %reduce_sum3A_1861 = tpu.scan <sum>, %select_n3A_1858 masked %reduce_sum3A_1860 : vector<16xf32>, vector<16xi1> -> vector<16xf32>
      %reduce_sum3A_1862 = vector.extract %reduce_sum3A_1861[15] : f32 from vector<16xf32>
      %eq3A_1863 = arith.constant 9 : i32
      %eq3A_1864 = vector.broadcast %eq3A_1863 : i32 to vector<16xi32>
      %eq3A_1865 = arith.cmpi eq, %iota3A, %eq3A_1864 : vector<16xi32>
      %add3A_1866 = vector.broadcast %reduce_sum3A_1862 : f32 to vector<16xf32>
      %add3A_1867 = arith.addf %select_n3A_1837, %add3A_1866 : vector<16xf32>
      %select_n3A_1868 = arith.select %eq3A_1865, %add3A_1867, %select_n3A_1837 : vector<16xi1>, vector<16xf32>
      %broadcast_in_dim3A_1869 = arith.constant 10 : i32
      %broadcast_in_dim3A_1870 = vector.broadcast %broadcast_in_dim3A_1869 : i32 to vector<16xi32>
      %slice3A_1871 = vector.extract_strided_slice %get3A_1563 {offsets = [10], sizes = [1], strides = [1]} : vector<16xi32> to vector<1xi32>
      %squeeze3A_1872 = vector.extract %slice3A_1871[0] : i32 from vector<1xi32>
      %and3A_1873 = arith.constant 127 : i32
      %and3A_1874 = arith.andi %squeeze3A_1872, %and3A_1873 : i32
      %broadcast_in_dim3A_1875 = vector.broadcast %and3A_1874 : i32 to vector<16xi32>
      %slice3A_1876 = vector.extract_strided_slice %get3A_1565 {offsets = [10], sizes = [1], strides = [1]} : vector<16xi32> to vector<1xi32>
      %squeeze3A_1877 = vector.extract %slice3A_1876[0] : i32 from vector<1xi32>
      %and3A_1878 = arith.constant 127 : i32
      %and3A_1879 = arith.andi %squeeze3A_1877, %and3A_1878 : i32
      %broadcast_in_dim3A_1880 = vector.broadcast %and3A_1879 : i32 to vector<16xi32>
      %gather3A_1881 = tpu.vector_load_idx %arg12[%broadcast_in_dim3A_1870, %and3A_10, %broadcast_in_dim3A_1875] : memref<16x8x128xf32, #tpu.memory_space<vmem>>[vector<16xi32>, vector<16xi32>, vector<16xi32>], vector<16xf32>,
      %gather3A_1882 = tpu.vector_load_idx %arg13[%broadcast_in_dim3A_1870, %and3A_10, %broadcast_in_dim3A_1880] : memref<16x8x128xf32, #tpu.memory_space<vmem>>[vector<16xi32>, vector<16xi32>, vector<16xi32>], vector<16xf32>,
      %lt3A_1883 = arith.constant 8 : i32
      %lt3A_1884 = vector.broadcast %lt3A_1883 : i32 to vector<16xi32>
      %lt3A_1885 = arith.cmpi slt, %iota3A, %lt3A_1884 : vector<16xi32>
      %mul3A_1886 = arith.mulf %gather3A_1881, %gather3A_1882 : vector<16xf32>
      %jit3A_1887 = arith.constant 0.000000e+00 : f32
      %broadcast_in_dim3A_1888 = vector.broadcast %jit3A_1887 : f32 to vector<16xf32>
      %select_n3A_1889 = arith.select %lt3A_1885, %mul3A_1886, %broadcast_in_dim3A_1888 : vector<16xi1>, vector<16xf32>
      %reduce_sum3A_1890 = arith.constant true
      %reduce_sum3A_1891 = vector.broadcast %reduce_sum3A_1890 : i1 to vector<16xi1>
      %reduce_sum3A_1892 = tpu.scan <sum>, %select_n3A_1889 masked %reduce_sum3A_1891 : vector<16xf32>, vector<16xi1> -> vector<16xf32>
      %reduce_sum3A_1893 = vector.extract %reduce_sum3A_1892[15] : f32 from vector<16xf32>
      %eq3A_1894 = arith.constant 10 : i32
      %eq3A_1895 = vector.broadcast %eq3A_1894 : i32 to vector<16xi32>
      %eq3A_1896 = arith.cmpi eq, %iota3A, %eq3A_1895 : vector<16xi32>
      %add3A_1897 = vector.broadcast %reduce_sum3A_1893 : f32 to vector<16xf32>
      %add3A_1898 = arith.addf %select_n3A_1868, %add3A_1897 : vector<16xf32>
      %select_n3A_1899 = arith.select %eq3A_1896, %add3A_1898, %select_n3A_1868 : vector<16xi1>, vector<16xf32>
      %broadcast_in_dim3A_1900 = arith.constant 11 : i32
      %broadcast_in_dim3A_1901 = vector.broadcast %broadcast_in_dim3A_1900 : i32 to vector<16xi32>
      %slice3A_1902 = vector.extract_strided_slice %get3A_1563 {offsets = [11], sizes = [1], strides = [1]} : vector<16xi32> to vector<1xi32>
      %squeeze3A_1903 = vector.extract %slice3A_1902[0] : i32 from vector<1xi32>
      %and3A_1904 = arith.constant 127 : i32
      %and3A_1905 = arith.andi %squeeze3A_1903, %and3A_1904 : i32
      %broadcast_in_dim3A_1906 = vector.broadcast %and3A_1905 : i32 to vector<16xi32>
      %slice3A_1907 = vector.extract_strided_slice %get3A_1565 {offsets = [11], sizes = [1], strides = [1]} : vector<16xi32> to vector<1xi32>
      %squeeze3A_1908 = vector.extract %slice3A_1907[0] : i32 from vector<1xi32>
      %and3A_1909 = arith.constant 127 : i32
      %and3A_1910 = arith.andi %squeeze3A_1908, %and3A_1909 : i32
      %broadcast_in_dim3A_1911 = vector.broadcast %and3A_1910 : i32 to vector<16xi32>
      %gather3A_1912 = tpu.vector_load_idx %arg12[%broadcast_in_dim3A_1901, %and3A_10, %broadcast_in_dim3A_1906] : memref<16x8x128xf32, #tpu.memory_space<vmem>>[vector<16xi32>, vector<16xi32>, vector<16xi32>], vector<16xf32>,
      %gather3A_1913 = tpu.vector_load_idx %arg13[%broadcast_in_dim3A_1901, %and3A_10, %broadcast_in_dim3A_1911] : memref<16x8x128xf32, #tpu.memory_space<vmem>>[vector<16xi32>, vector<16xi32>, vector<16xi32>], vector<16xf32>,
      %lt3A_1914 = arith.constant 8 : i32
      %lt3A_1915 = vector.broadcast %lt3A_1914 : i32 to vector<16xi32>
      %lt3A_1916 = arith.cmpi slt, %iota3A, %lt3A_1915 : vector<16xi32>
      %mul3A_1917 = arith.mulf %gather3A_1912, %gather3A_1913 : vector<16xf32>
      %jit3A_1918 = arith.constant 0.000000e+00 : f32
      %broadcast_in_dim3A_1919 = vector.broadcast %jit3A_1918 : f32 to vector<16xf32>
      %select_n3A_1920 = arith.select %lt3A_1916, %mul3A_1917, %broadcast_in_dim3A_1919 : vector<16xi1>, vector<16xf32>
      %reduce_sum3A_1921 = arith.constant true
      %reduce_sum3A_1922 = vector.broadcast %reduce_sum3A_1921 : i1 to vector<16xi1>
      %reduce_sum3A_1923 = tpu.scan <sum>, %select_n3A_1920 masked %reduce_sum3A_1922 : vector<16xf32>, vector<16xi1> -> vector<16xf32>
      %reduce_sum3A_1924 = vector.extract %reduce_sum3A_1923[15] : f32 from vector<16xf32>
      %eq3A_1925 = arith.constant 11 : i32
      %eq3A_1926 = vector.broadcast %eq3A_1925 : i32 to vector<16xi32>
      %eq3A_1927 = arith.cmpi eq, %iota3A, %eq3A_1926 : vector<16xi32>
      %add3A_1928 = vector.broadcast %reduce_sum3A_1924 : f32 to vector<16xf32>
      %add3A_1929 = arith.addf %select_n3A_1899, %add3A_1928 : vector<16xf32>
      %select_n3A_1930 = arith.select %eq3A_1927, %add3A_1929, %select_n3A_1899 : vector<16xi1>, vector<16xf32>
      %broadcast_in_dim3A_1931 = arith.constant 12 : i32
      %broadcast_in_dim3A_1932 = vector.broadcast %broadcast_in_dim3A_1931 : i32 to vector<16xi32>
      %slice3A_1933 = vector.extract_strided_slice %get3A_1563 {offsets = [12], sizes = [1], strides = [1]} : vector<16xi32> to vector<1xi32>
      %squeeze3A_1934 = vector.extract %slice3A_1933[0] : i32 from vector<1xi32>
      %and3A_1935 = arith.constant 127 : i32
      %and3A_1936 = arith.andi %squeeze3A_1934, %and3A_1935 : i32
      %broadcast_in_dim3A_1937 = vector.broadcast %and3A_1936 : i32 to vector<16xi32>
      %slice3A_1938 = vector.extract_strided_slice %get3A_1565 {offsets = [12], sizes = [1], strides = [1]} : vector<16xi32> to vector<1xi32>
      %squeeze3A_1939 = vector.extract %slice3A_1938[0] : i32 from vector<1xi32>
      %and3A_1940 = arith.constant 127 : i32
      %and3A_1941 = arith.andi %squeeze3A_1939, %and3A_1940 : i32
      %broadcast_in_dim3A_1942 = vector.broadcast %and3A_1941 : i32 to vector<16xi32>
      %gather3A_1943 = tpu.vector_load_idx %arg12[%broadcast_in_dim3A_1932, %and3A_10, %broadcast_in_dim3A_1937] : memref<16x8x128xf32, #tpu.memory_space<vmem>>[vector<16xi32>, vector<16xi32>, vector<16xi32>], vector<16xf32>,
      %gather3A_1944 = tpu.vector_load_idx %arg13[%broadcast_in_dim3A_1932, %and3A_10, %broadcast_in_dim3A_1942] : memref<16x8x128xf32, #tpu.memory_space<vmem>>[vector<16xi32>, vector<16xi32>, vector<16xi32>], vector<16xf32>,
      %lt3A_1945 = arith.constant 8 : i32
      %lt3A_1946 = vector.broadcast %lt3A_1945 : i32 to vector<16xi32>
      %lt3A_1947 = arith.cmpi slt, %iota3A, %lt3A_1946 : vector<16xi32>
      %mul3A_1948 = arith.mulf %gather3A_1943, %gather3A_1944 : vector<16xf32>
      %jit3A_1949 = arith.constant 0.000000e+00 : f32
      %broadcast_in_dim3A_1950 = vector.broadcast %jit3A_1949 : f32 to vector<16xf32>
      %select_n3A_1951 = arith.select %lt3A_1947, %mul3A_1948, %broadcast_in_dim3A_1950 : vector<16xi1>, vector<16xf32>
      %reduce_sum3A_1952 = arith.constant true
      %reduce_sum3A_1953 = vector.broadcast %reduce_sum3A_1952 : i1 to vector<16xi1>
      %reduce_sum3A_1954 = tpu.scan <sum>, %select_n3A_1951 masked %reduce_sum3A_1953 : vector<16xf32>, vector<16xi1> -> vector<16xf32>
      %reduce_sum3A_1955 = vector.extract %reduce_sum3A_1954[15] : f32 from vector<16xf32>
      %eq3A_1956 = arith.constant 12 : i32
      %eq3A_1957 = vector.broadcast %eq3A_1956 : i32 to vector<16xi32>
      %eq3A_1958 = arith.cmpi eq, %iota3A, %eq3A_1957 : vector<16xi32>
      %add3A_1959 = vector.broadcast %reduce_sum3A_1955 : f32 to vector<16xf32>
      %add3A_1960 = arith.addf %select_n3A_1930, %add3A_1959 : vector<16xf32>
      %select_n3A_1961 = arith.select %eq3A_1958, %add3A_1960, %select_n3A_1930 : vector<16xi1>, vector<16xf32>
      %broadcast_in_dim3A_1962 = arith.constant 13 : i32
      %broadcast_in_dim3A_1963 = vector.broadcast %broadcast_in_dim3A_1962 : i32 to vector<16xi32>
      %slice3A_1964 = vector.extract_strided_slice %get3A_1563 {offsets = [13], sizes = [1], strides = [1]} : vector<16xi32> to vector<1xi32>
      %squeeze3A_1965 = vector.extract %slice3A_1964[0] : i32 from vector<1xi32>
      %and3A_1966 = arith.constant 127 : i32
      %and3A_1967 = arith.andi %squeeze3A_1965, %and3A_1966 : i32
      %broadcast_in_dim3A_1968 = vector.broadcast %and3A_1967 : i32 to vector<16xi32>
      %slice3A_1969 = vector.extract_strided_slice %get3A_1565 {offsets = [13], sizes = [1], strides = [1]} : vector<16xi32> to vector<1xi32>
      %squeeze3A_1970 = vector.extract %slice3A_1969[0] : i32 from vector<1xi32>
      %and3A_1971 = arith.constant 127 : i32
      %and3A_1972 = arith.andi %squeeze3A_1970, %and3A_1971 : i32
      %broadcast_in_dim3A_1973 = vector.broadcast %and3A_1972 : i32 to vector<16xi32>
      %gather3A_1974 = tpu.vector_load_idx %arg12[%broadcast_in_dim3A_1963, %and3A_10, %broadcast_in_dim3A_1968] : memref<16x8x128xf32, #tpu.memory_space<vmem>>[vector<16xi32>, vector<16xi32>, vector<16xi32>], vector<16xf32>,
      %gather3A_1975 = tpu.vector_load_idx %arg13[%broadcast_in_dim3A_1963, %and3A_10, %broadcast_in_dim3A_1973] : memref<16x8x128xf32, #tpu.memory_space<vmem>>[vector<16xi32>, vector<16xi32>, vector<16xi32>], vector<16xf32>,
      %lt3A_1976 = arith.constant 8 : i32
      %lt3A_1977 = vector.broadcast %lt3A_1976 : i32 to vector<16xi32>
      %lt3A_1978 = arith.cmpi slt, %iota3A, %lt3A_1977 : vector<16xi32>
      %mul3A_1979 = arith.mulf %gather3A_1974, %gather3A_1975 : vector<16xf32>
      %jit3A_1980 = arith.constant 0.000000e+00 : f32
      %broadcast_in_dim3A_1981 = vector.broadcast %jit3A_1980 : f32 to vector<16xf32>
      %select_n3A_1982 = arith.select %lt3A_1978, %mul3A_1979, %broadcast_in_dim3A_1981 : vector<16xi1>, vector<16xf32>
      %reduce_sum3A_1983 = arith.constant true
      %reduce_sum3A_1984 = vector.broadcast %reduce_sum3A_1983 : i1 to vector<16xi1>
      %reduce_sum3A_1985 = tpu.scan <sum>, %select_n3A_1982 masked %reduce_sum3A_1984 : vector<16xf32>, vector<16xi1> -> vector<16xf32>
      %reduce_sum3A_1986 = vector.extract %reduce_sum3A_1985[15] : f32 from vector<16xf32>
      %eq3A_1987 = arith.constant 13 : i32
      %eq3A_1988 = vector.broadcast %eq3A_1987 : i32 to vector<16xi32>
      %eq3A_1989 = arith.cmpi eq, %iota3A, %eq3A_1988 : vector<16xi32>
      %add3A_1990 = vector.broadcast %reduce_sum3A_1986 : f32 to vector<16xf32>
      %add3A_1991 = arith.addf %select_n3A_1961, %add3A_1990 : vector<16xf32>
      %select_n3A_1992 = arith.select %eq3A_1989, %add3A_1991, %select_n3A_1961 : vector<16xi1>, vector<16xf32>
      %broadcast_in_dim3A_1993 = arith.constant 14 : i32
      %broadcast_in_dim3A_1994 = vector.broadcast %broadcast_in_dim3A_1993 : i32 to vector<16xi32>
      %slice3A_1995 = vector.extract_strided_slice %get3A_1563 {offsets = [14], sizes = [1], strides = [1]} : vector<16xi32> to vector<1xi32>
      %squeeze3A_1996 = vector.extract %slice3A_1995[0] : i32 from vector<1xi32>
      %and3A_1997 = arith.constant 127 : i32
      %and3A_1998 = arith.andi %squeeze3A_1996, %and3A_1997 : i32
      %broadcast_in_dim3A_1999 = vector.broadcast %and3A_1998 : i32 to vector<16xi32>
      %slice3A_2000 = vector.extract_strided_slice %get3A_1565 {offsets = [14], sizes = [1], strides = [1]} : vector<16xi32> to vector<1xi32>
      %squeeze3A_2001 = vector.extract %slice3A_2000[0] : i32 from vector<1xi32>
      %and3A_2002 = arith.constant 127 : i32
      %and3A_2003 = arith.andi %squeeze3A_2001, %and3A_2002 : i32
      %broadcast_in_dim3A_2004 = vector.broadcast %and3A_2003 : i32 to vector<16xi32>
      %gather3A_2005 = tpu.vector_load_idx %arg12[%broadcast_in_dim3A_1994, %and3A_10, %broadcast_in_dim3A_1999] : memref<16x8x128xf32, #tpu.memory_space<vmem>>[vector<16xi32>, vector<16xi32>, vector<16xi32>], vector<16xf32>,
      %gather3A_2006 = tpu.vector_load_idx %arg13[%broadcast_in_dim3A_1994, %and3A_10, %broadcast_in_dim3A_2004] : memref<16x8x128xf32, #tpu.memory_space<vmem>>[vector<16xi32>, vector<16xi32>, vector<16xi32>], vector<16xf32>,
      %lt3A_2007 = arith.constant 8 : i32
      %lt3A_2008 = vector.broadcast %lt3A_2007 : i32 to vector<16xi32>
      %lt3A_2009 = arith.cmpi slt, %iota3A, %lt3A_2008 : vector<16xi32>
      %mul3A_2010 = arith.mulf %gather3A_2005, %gather3A_2006 : vector<16xf32>
      %jit3A_2011 = arith.constant 0.000000e+00 : f32
      %broadcast_in_dim3A_2012 = vector.broadcast %jit3A_2011 : f32 to vector<16xf32>
      %select_n3A_2013 = arith.select %lt3A_2009, %mul3A_2010, %broadcast_in_dim3A_2012 : vector<16xi1>, vector<16xf32>
      %reduce_sum3A_2014 = arith.constant true
      %reduce_sum3A_2015 = vector.broadcast %reduce_sum3A_2014 : i1 to vector<16xi1>
      %reduce_sum3A_2016 = tpu.scan <sum>, %select_n3A_2013 masked %reduce_sum3A_2015 : vector<16xf32>, vector<16xi1> -> vector<16xf32>
      %reduce_sum3A_2017 = vector.extract %reduce_sum3A_2016[15] : f32 from vector<16xf32>
      %eq3A_2018 = arith.constant 14 : i32
      %eq3A_2019 = vector.broadcast %eq3A_2018 : i32 to vector<16xi32>
      %eq3A_2020 = arith.cmpi eq, %iota3A, %eq3A_2019 : vector<16xi32>
      %add3A_2021 = vector.broadcast %reduce_sum3A_2017 : f32 to vector<16xf32>
      %add3A_2022 = arith.addf %select_n3A_1992, %add3A_2021 : vector<16xf32>
      %select_n3A_2023 = arith.select %eq3A_2020, %add3A_2022, %select_n3A_1992 : vector<16xi1>, vector<16xf32>
      %broadcast_in_dim3A_2024 = arith.constant 15 : i32
      %broadcast_in_dim3A_2025 = vector.broadcast %broadcast_in_dim3A_2024 : i32 to vector<16xi32>
      %slice3A_2026 = vector.extract_strided_slice %get3A_1563 {offsets = [15], sizes = [1], strides = [1]} : vector<16xi32> to vector<1xi32>
      %squeeze3A_2027 = vector.extract %slice3A_2026[0] : i32 from vector<1xi32>
      %and3A_2028 = arith.constant 127 : i32
      %and3A_2029 = arith.andi %squeeze3A_2027, %and3A_2028 : i32
      %broadcast_in_dim3A_2030 = vector.broadcast %and3A_2029 : i32 to vector<16xi32>
      %slice3A_2031 = vector.extract_strided_slice %get3A_1565 {offsets = [15], sizes = [1], strides = [1]} : vector<16xi32> to vector<1xi32>
      %squeeze3A_2032 = vector.extract %slice3A_2031[0] : i32 from vector<1xi32>
      %and3A_2033 = arith.constant 127 : i32
      %and3A_2034 = arith.andi %squeeze3A_2032, %and3A_2033 : i32
      %broadcast_in_dim3A_2035 = vector.broadcast %and3A_2034 : i32 to vector<16xi32>
      %gather3A_2036 = tpu.vector_load_idx %arg12[%broadcast_in_dim3A_2025, %and3A_10, %broadcast_in_dim3A_2030] : memref<16x8x128xf32, #tpu.memory_space<vmem>>[vector<16xi32>, vector<16xi32>, vector<16xi32>], vector<16xf32>,
      %gather3A_2037 = tpu.vector_load_idx %arg13[%broadcast_in_dim3A_2025, %and3A_10, %broadcast_in_dim3A_2035] : memref<16x8x128xf32, #tpu.memory_space<vmem>>[vector<16xi32>, vector<16xi32>, vector<16xi32>], vector<16xf32>,
      %lt3A_2038 = arith.constant 8 : i32
      %lt3A_2039 = vector.broadcast %lt3A_2038 : i32 to vector<16xi32>
      %lt3A_2040 = arith.cmpi slt, %iota3A, %lt3A_2039 : vector<16xi32>
      %mul3A_2041 = arith.mulf %gather3A_2036, %gather3A_2037 : vector<16xf32>
      %jit3A_2042 = arith.constant 0.000000e+00 : f32
      %broadcast_in_dim3A_2043 = vector.broadcast %jit3A_2042 : f32 to vector<16xf32>
      %select_n3A_2044 = arith.select %lt3A_2040, %mul3A_2041, %broadcast_in_dim3A_2043 : vector<16xi1>, vector<16xf32>
      %reduce_sum3A_2045 = arith.constant true
      %reduce_sum3A_2046 = vector.broadcast %reduce_sum3A_2045 : i1 to vector<16xi1>
      %reduce_sum3A_2047 = tpu.scan <sum>, %select_n3A_2044 masked %reduce_sum3A_2046 : vector<16xf32>, vector<16xi1> -> vector<16xf32>
      %reduce_sum3A_2048 = vector.extract %reduce_sum3A_2047[15] : f32 from vector<16xf32>
      %eq3A_2049 = arith.constant 15 : i32
      %eq3A_2050 = vector.broadcast %eq3A_2049 : i32 to vector<16xi32>
      %eq3A_2051 = arith.cmpi eq, %iota3A, %eq3A_2050 : vector<16xi32>
      %add3A_2052 = vector.broadcast %reduce_sum3A_2048 : f32 to vector<16xf32>
      %add3A_2053 = arith.addf %select_n3A_2023, %add3A_2052 : vector<16xf32>
      %select_n3A_2054 = arith.select %eq3A_2051, %add3A_2053, %select_n3A_2023 : vector<16xi1>, vector<16xf32>
      %add3A_2055 = arith.constant 1 : i32
      %add3A_2056 = arith.addi %scan3A_539, %add3A_2055 : i32
      %lt3A_2057 = arith.constant 32 : i32
      %lt3A_2058 = arith.cmpi slt, %add3A_2056, %lt3A_2057 : i32
      %convert_element_type3A = arith.extui %lt3A_2058 : i1 to i32
      %cond3A = arith.constant 0 : i32
      %cond3A_2059 = arith.cmpi ne, %convert_element_type3A, %cond3A : i32
      scf.if %cond3A_2059 {
        %add3A_3043 = arith.constant 1 : i32
        %add3A_3044 = arith.addi %scan3A_539, %add3A_3043 : i32
        %mul3A_3045 = arith.constant 16 : i32
        %mul3A_3046 = arith.muli %add3A_3044, %mul3A_3045 : i32
        %get3A_3047 = arith.index_cast %mul3A_3046 : i32 to index
        %get3A_3048 = tpu.vector_load %arg10[%get3A_3047] {strides = array<i32>} : memref<512xi32, #tpu.memory_space<vmem>>, vector<16xi32>,
        %get3A_3049 = arith.index_cast %mul3A_3046 : i32 to index
        %get3A_3050 = tpu.vector_load %arg11[%get3A_3049] {strides = array<i32>} : memref<512xi32, #tpu.memory_space<vmem>>, vector<16xi32>,
        %shift_right_arithmetic3A_3051 = arith.constant 7 : i32
        %shift_right_arithmetic3A_3052 = vector.broadcast %shift_right_arithmetic3A_3051 : i32 to vector<16xi32>
        %shift_right_arithmetic3A_3053 = arith.shrsi %get3A_3048, %shift_right_arithmetic3A_3052 : vector<16xi32>
        %mul3A_3054 = arith.constant 128 : i32
        %mul3A_3055 = vector.broadcast %mul3A_3054 : i32 to vector<16xi32>
        %mul3A_3056 = arith.muli %shift_right_arithmetic3A_3053, %mul3A_3055 : vector<16xi32>
        %shift_right_arithmetic3A_3057 = arith.constant 7 : i32
        %shift_right_arithmetic3A_3058 = vector.broadcast %shift_right_arithmetic3A_3057 : i32 to vector<16xi32>
        %shift_right_arithmetic3A_3059 = arith.shrsi %get3A_3050, %shift_right_arithmetic3A_3058 : vector<16xi32>
        %mul3A_3060 = arith.constant 128 : i32
        %mul3A_3061 = vector.broadcast %mul3A_3060 : i32 to vector<16xi32>
        %mul3A_3062 = arith.muli %shift_right_arithmetic3A_3059, %mul3A_3061 : vector<16xi32>
        %slice3A_3063 = vector.extract_strided_slice %mul3A_3056 {offsets = [0], sizes = [1], strides = [1]} : vector<16xi32> to vector<1xi32>
        %squeeze3A_3064 = vector.extract %slice3A_3063[0] : i32 from vector<1xi32>
        %multiple_of3A_3065 = tpu.assume_multiple %squeeze3A_3064, 128 : i32
        %slice3A_3066 = vector.extract_strided_slice %mul3A_3062 {offsets = [0], sizes = [1], strides = [1]} : vector<16xi32> to vector<1xi32>
        %squeeze3A_3067 = vector.extract %slice3A_3066[0] : i32 from vector<1xi32>
        %multiple_of3A_3068 = tpu.assume_multiple %squeeze3A_3067, 128 : i32
        %dma_start3A_3069 = arith.constant 0 : i32
        %dma_start3A_3070 = arith.constant 0 : i32
        %dma_start3A_3071 = arith.constant 0 : i32
        %dma_start3A_3072 = tpu.memref_slice %arg12[%dma_start3A_3069, %dma_start3A_3070, %dma_start3A_3071] : memref<16x8x128xf32, #tpu.memory_space<vmem>> -> memref<1x8x128xf32, #tpu.memory_space<vmem>>
        %dma_start3A_3073 = tpu.memref_squeeze %dma_start3A_3072 : memref<1x8x128xf32, #tpu.memory_space<vmem>> -> memref<8x128xf32, #tpu.memory_space<vmem>>
        %dma_start3A_3074 = arith.constant 0 : i32
        %dma_start3A_3075 = tpu.memref_slice %arg5[%dma_start3A_3074, %multiple_of3A_3065] : memref<16x1000000xf32, #tpu.memory_space<hbm>> -> memref<8x128xf32, #tpu.memory_space<hbm>>
        %dma_start3A_3076 = arith.constant 0 : i32
        %dma_start3A_3077 = arith.constant 0 : i32
        %dma_start3A_3078 = tpu.memref_slice %arg12[%dma_start3A_3069, %dma_start3A_3076, %dma_start3A_3077] : memref<16x8x128xf32, #tpu.memory_space<vmem>> -> memref<1x8x128xf32, #tpu.memory_space<vmem>>
        %dma_start3A_3079 = tpu.memref_squeeze %dma_start3A_3078 : memref<1x8x128xf32, #tpu.memory_space<vmem>> -> memref<8x128xf32, #tpu.memory_space<vmem>>
        %dma_start3A_3080 = arith.constant 0 : i32
        %dma_start3A_3081 = tpu.memref_slice %arg5[%dma_start3A_3080, %multiple_of3A_3065] : memref<16x1000000xf32, #tpu.memory_space<hbm>> -> memref<8x128xf32, #tpu.memory_space<hbm>>
        tpu.enqueue_dma source(%dma_start3A_3081 : memref<8x128xf32, #tpu.memory_space<hbm>>) target(%dma_start3A_3079 : memref<8x128xf32, #tpu.memory_space<vmem>>) target_semaphore(%arg20 : memref<!tpu.dma_semaphore, #tpu.memory_space<semaphore_mem>>)
        %dma_start3A_3082 = arith.constant 0 : i32
        %dma_start3A_3083 = arith.constant 0 : i32
        %dma_start3A_3084 = arith.constant 0 : i32
        %dma_start3A_3085 = tpu.memref_slice %arg13[%dma_start3A_3082, %dma_start3A_3083, %dma_start3A_3084] : memref<16x8x128xf32, #tpu.memory_space<vmem>> -> memref<1x8x128xf32, #tpu.memory_space<vmem>>
        %dma_start3A_3086 = tpu.memref_squeeze %dma_start3A_3085 : memref<1x8x128xf32, #tpu.memory_space<vmem>> -> memref<8x128xf32, #tpu.memory_space<vmem>>
        %dma_start3A_3087 = arith.constant 0 : i32
        %dma_start3A_3088 = tpu.memref_slice %arg6[%dma_start3A_3087, %multiple_of3A_3068] : memref<16x1000000xf32, #tpu.memory_space<hbm>> -> memref<8x128xf32, #tpu.memory_space<hbm>>
        %dma_start3A_3089 = arith.constant 0 : i32
        %dma_start3A_3090 = arith.constant 0 : i32
        %dma_start3A_3091 = tpu.memref_slice %arg13[%dma_start3A_3082, %dma_start3A_3089, %dma_start3A_3090] : memref<16x8x128xf32, #tpu.memory_space<vmem>> -> memref<1x8x128xf32, #tpu.memory_space<vmem>>
        %dma_start3A_3092 = tpu.memref_squeeze %dma_start3A_3091 : memref<1x8x128xf32, #tpu.memory_space<vmem>> -> memref<8x128xf32, #tpu.memory_space<vmem>>
        %dma_start3A_3093 = arith.constant 0 : i32
        %dma_start3A_3094 = tpu.memref_slice %arg6[%dma_start3A_3093, %multiple_of3A_3068] : memref<16x1000000xf32, #tpu.memory_space<hbm>> -> memref<8x128xf32, #tpu.memory_space<hbm>>
        tpu.enqueue_dma source(%dma_start3A_3094 : memref<8x128xf32, #tpu.memory_space<hbm>>) target(%dma_start3A_3092 : memref<8x128xf32, #tpu.memory_space<vmem>>) target_semaphore(%arg20 : memref<!tpu.dma_semaphore, #tpu.memory_space<semaphore_mem>>)
        %slice3A_3095 = vector.extract_strided_slice %mul3A_3056 {offsets = [1], sizes = [1], strides = [1]} : vector<16xi32> to vector<1xi32>
        %squeeze3A_3096 = vector.extract %slice3A_3095[0] : i32 from vector<1xi32>
        %multiple_of3A_3097 = tpu.assume_multiple %squeeze3A_3096, 128 : i32
        %slice3A_3098 = vector.extract_strided_slice %mul3A_3062 {offsets = [1], sizes = [1], strides = [1]} : vector<16xi32> to vector<1xi32>
        %squeeze3A_3099 = vector.extract %slice3A_3098[0] : i32 from vector<1xi32>
        %multiple_of3A_3100 = tpu.assume_multiple %squeeze3A_3099, 128 : i32
        %dma_start3A_3101 = arith.constant 1 : i32
        %dma_start3A_3102 = arith.constant 0 : i32
        %dma_start3A_3103 = arith.constant 0 : i32
        %dma_start3A_3104 = tpu.memref_slice %arg12[%dma_start3A_3101, %dma_start3A_3102, %dma_start3A_3103] : memref<16x8x128xf32, #tpu.memory_space<vmem>> -> memref<1x8x128xf32, #tpu.memory_space<vmem>>
        %dma_start3A_3105 = tpu.memref_squeeze %dma_start3A_3104 : memref<1x8x128xf32, #tpu.memory_space<vmem>> -> memref<8x128xf32, #tpu.memory_space<vmem>>
        %dma_start3A_3106 = arith.constant 0 : i32
        %dma_start3A_3107 = tpu.memref_slice %arg5[%dma_start3A_3106, %multiple_of3A_3097] : memref<16x1000000xf32, #tpu.memory_space<hbm>> -> memref<8x128xf32, #tpu.memory_space<hbm>>
        %dma_start3A_3108 = arith.constant 0 : i32
        %dma_start3A_3109 = arith.constant 0 : i32
        %dma_start3A_3110 = tpu.memref_slice %arg12[%dma_start3A_3101, %dma_start3A_3108, %dma_start3A_3109] : memref<16x8x128xf32, #tpu.memory_space<vmem>> -> memref<1x8x128xf32, #tpu.memory_space<vmem>>
        %dma_start3A_3111 = tpu.memref_squeeze %dma_start3A_3110 : memref<1x8x128xf32, #tpu.memory_space<vmem>> -> memref<8x128xf32, #tpu.memory_space<vmem>>
        %dma_start3A_3112 = arith.constant 0 : i32
        %dma_start3A_3113 = tpu.memref_slice %arg5[%dma_start3A_3112, %multiple_of3A_3097] : memref<16x1000000xf32, #tpu.memory_space<hbm>> -> memref<8x128xf32, #tpu.memory_space<hbm>>
        tpu.enqueue_dma source(%dma_start3A_3113 : memref<8x128xf32, #tpu.memory_space<hbm>>) target(%dma_start3A_3111 : memref<8x128xf32, #tpu.memory_space<vmem>>) target_semaphore(%arg20 : memref<!tpu.dma_semaphore, #tpu.memory_space<semaphore_mem>>)
        %dma_start3A_3114 = arith.constant 1 : i32
        %dma_start3A_3115 = arith.constant 0 : i32
        %dma_start3A_3116 = arith.constant 0 : i32
        %dma_start3A_3117 = tpu.memref_slice %arg13[%dma_start3A_3114, %dma_start3A_3115, %dma_start3A_3116] : memref<16x8x128xf32, #tpu.memory_space<vmem>> -> memref<1x8x128xf32, #tpu.memory_space<vmem>>
        %dma_start3A_3118 = tpu.memref_squeeze %dma_start3A_3117 : memref<1x8x128xf32, #tpu.memory_space<vmem>> -> memref<8x128xf32, #tpu.memory_space<vmem>>
        %dma_start3A_3119 = arith.constant 0 : i32
        %dma_start3A_3120 = tpu.memref_slice %arg6[%dma_start3A_3119, %multiple_of3A_3100] : memref<16x1000000xf32, #tpu.memory_space<hbm>> -> memref<8x128xf32, #tpu.memory_space<hbm>>
        %dma_start3A_3121 = arith.constant 0 : i32
        %dma_start3A_3122 = arith.constant 0 : i32
        %dma_start3A_3123 = tpu.memref_slice %arg13[%dma_start3A_3114, %dma_start3A_3121, %dma_start3A_3122] : memref<16x8x128xf32, #tpu.memory_space<vmem>> -> memref<1x8x128xf32, #tpu.memory_space<vmem>>
        %dma_start3A_3124 = tpu.memref_squeeze %dma_start3A_3123 : memref<1x8x128xf32, #tpu.memory_space<vmem>> -> memref<8x128xf32, #tpu.memory_space<vmem>>
        %dma_start3A_3125 = arith.constant 0 : i32
        %dma_start3A_3126 = tpu.memref_slice %arg6[%dma_start3A_3125, %multiple_of3A_3100] : memref<16x1000000xf32, #tpu.memory_space<hbm>> -> memref<8x128xf32, #tpu.memory_space<hbm>>
        tpu.enqueue_dma source(%dma_start3A_3126 : memref<8x128xf32, #tpu.memory_space<hbm>>) target(%dma_start3A_3124 : memref<8x128xf32, #tpu.memory_space<vmem>>) target_semaphore(%arg20 : memref<!tpu.dma_semaphore, #tpu.memory_space<semaphore_mem>>)
        %slice3A_3127 = vector.extract_strided_slice %mul3A_3056 {offsets = [2], sizes = [1], strides = [1]} : vector<16xi32> to vector<1xi32>
        %squeeze3A_3128 = vector.extract %slice3A_3127[0] : i32 from vector<1xi32>
        %multiple_of3A_3129 = tpu.assume_multiple %squeeze3A_3128, 128 : i32
        %slice3A_3130 = vector.extract_strided_slice %mul3A_3062 {offsets = [2], sizes = [1], strides = [1]} : vector<16xi32> to vector<1xi32>
        %squeeze3A_3131 = vector.extract %slice3A_3130[0] : i32 from vector<1xi32>
        %multiple_of3A_3132 = tpu.assume_multiple %squeeze3A_3131, 128 : i32
        %dma_start3A_3133 = arith.constant 2 : i32
        %dma_start3A_3134 = arith.constant 0 : i32
        %dma_start3A_3135 = arith.constant 0 : i32
        %dma_start3A_3136 = tpu.memref_slice %arg12[%dma_start3A_3133, %dma_start3A_3134, %dma_start3A_3135] : memref<16x8x128xf32, #tpu.memory_space<vmem>> -> memref<1x8x128xf32, #tpu.memory_space<vmem>>
        %dma_start3A_3137 = tpu.memref_squeeze %dma_start3A_3136 : memref<1x8x128xf32, #tpu.memory_space<vmem>> -> memref<8x128xf32, #tpu.memory_space<vmem>>
        %dma_start3A_3138 = arith.constant 0 : i32
        %dma_start3A_3139 = tpu.memref_slice %arg5[%dma_start3A_3138, %multiple_of3A_3129] : memref<16x1000000xf32, #tpu.memory_space<hbm>> -> memref<8x128xf32, #tpu.memory_space<hbm>>
        %dma_start3A_3140 = arith.constant 0 : i32
        %dma_start3A_3141 = arith.constant 0 : i32
        %dma_start3A_3142 = tpu.memref_slice %arg12[%dma_start3A_3133, %dma_start3A_3140, %dma_start3A_3141] : memref<16x8x128xf32, #tpu.memory_space<vmem>> -> memref<1x8x128xf32, #tpu.memory_space<vmem>>
        %dma_start3A_3143 = tpu.memref_squeeze %dma_start3A_3142 : memref<1x8x128xf32, #tpu.memory_space<vmem>> -> memref<8x128xf32, #tpu.memory_space<vmem>>
        %dma_start3A_3144 = arith.constant 0 : i32
        %dma_start3A_3145 = tpu.memref_slice %arg5[%dma_start3A_3144, %multiple_of3A_3129] : memref<16x1000000xf32, #tpu.memory_space<hbm>> -> memref<8x128xf32, #tpu.memory_space<hbm>>
        tpu.enqueue_dma source(%dma_start3A_3145 : memref<8x128xf32, #tpu.memory_space<hbm>>) target(%dma_start3A_3143 : memref<8x128xf32, #tpu.memory_space<vmem>>) target_semaphore(%arg20 : memref<!tpu.dma_semaphore, #tpu.memory_space<semaphore_mem>>)
        %dma_start3A_3146 = arith.constant 2 : i32
        %dma_start3A_3147 = arith.constant 0 : i32
        %dma_start3A_3148 = arith.constant 0 : i32
        %dma_start3A_3149 = tpu.memref_slice %arg13[%dma_start3A_3146, %dma_start3A_3147, %dma_start3A_3148] : memref<16x8x128xf32, #tpu.memory_space<vmem>> -> memref<1x8x128xf32, #tpu.memory_space<vmem>>
        %dma_start3A_3150 = tpu.memref_squeeze %dma_start3A_3149 : memref<1x8x128xf32, #tpu.memory_space<vmem>> -> memref<8x128xf32, #tpu.memory_space<vmem>>
        %dma_start3A_3151 = arith.constant 0 : i32
        %dma_start3A_3152 = tpu.memref_slice %arg6[%dma_start3A_3151, %multiple_of3A_3132] : memref<16x1000000xf32, #tpu.memory_space<hbm>> -> memref<8x128xf32, #tpu.memory_space<hbm>>
        %dma_start3A_3153 = arith.constant 0 : i32
        %dma_start3A_3154 = arith.constant 0 : i32
        %dma_start3A_3155 = tpu.memref_slice %arg13[%dma_start3A_3146, %dma_start3A_3153, %dma_start3A_3154] : memref<16x8x128xf32, #tpu.memory_space<vmem>> -> memref<1x8x128xf32, #tpu.memory_space<vmem>>
        %dma_start3A_3156 = tpu.memref_squeeze %dma_start3A_3155 : memref<1x8x128xf32, #tpu.memory_space<vmem>> -> memref<8x128xf32, #tpu.memory_space<vmem>>
        %dma_start3A_3157 = arith.constant 0 : i32
        %dma_start3A_3158 = tpu.memref_slice %arg6[%dma_start3A_3157, %multiple_of3A_3132] : memref<16x1000000xf32, #tpu.memory_space<hbm>> -> memref<8x128xf32, #tpu.memory_space<hbm>>
        tpu.enqueue_dma source(%dma_start3A_3158 : memref<8x128xf32, #tpu.memory_space<hbm>>) target(%dma_start3A_3156 : memref<8x128xf32, #tpu.memory_space<vmem>>) target_semaphore(%arg20 : memref<!tpu.dma_semaphore, #tpu.memory_space<semaphore_mem>>)
        %slice3A_3159 = vector.extract_strided_slice %mul3A_3056 {offsets = [3], sizes = [1], strides = [1]} : vector<16xi32> to vector<1xi32>
        %squeeze3A_3160 = vector.extract %slice3A_3159[0] : i32 from vector<1xi32>
        %multiple_of3A_3161 = tpu.assume_multiple %squeeze3A_3160, 128 : i32
        %slice3A_3162 = vector.extract_strided_slice %mul3A_3062 {offsets = [3], sizes = [1], strides = [1]} : vector<16xi32> to vector<1xi32>
        %squeeze3A_3163 = vector.extract %slice3A_3162[0] : i32 from vector<1xi32>
        %multiple_of3A_3164 = tpu.assume_multiple %squeeze3A_3163, 128 : i32
        %dma_start3A_3165 = arith.constant 3 : i32
        %dma_start3A_3166 = arith.constant 0 : i32
        %dma_start3A_3167 = arith.constant 0 : i32
        %dma_start3A_3168 = tpu.memref_slice %arg12[%dma_start3A_3165, %dma_start3A_3166, %dma_start3A_3167] : memref<16x8x128xf32, #tpu.memory_space<vmem>> -> memref<1x8x128xf32, #tpu.memory_space<vmem>>
        %dma_start3A_3169 = tpu.memref_squeeze %dma_start3A_3168 : memref<1x8x128xf32, #tpu.memory_space<vmem>> -> memref<8x128xf32, #tpu.memory_space<vmem>>
        %dma_start3A_3170 = arith.constant 0 : i32
        %dma_start3A_3171 = tpu.memref_slice %arg5[%dma_start3A_3170, %multiple_of3A_3161] : memref<16x1000000xf32, #tpu.memory_space<hbm>> -> memref<8x128xf32, #tpu.memory_space<hbm>>
        %dma_start3A_3172 = arith.constant 0 : i32
        %dma_start3A_3173 = arith.constant 0 : i32
        %dma_start3A_3174 = tpu.memref_slice %arg12[%dma_start3A_3165, %dma_start3A_3172, %dma_start3A_3173] : memref<16x8x128xf32, #tpu.memory_space<vmem>> -> memref<1x8x128xf32, #tpu.memory_space<vmem>>
        %dma_start3A_3175 = tpu.memref_squeeze %dma_start3A_3174 : memref<1x8x128xf32, #tpu.memory_space<vmem>> -> memref<8x128xf32, #tpu.memory_space<vmem>>
        %dma_start3A_3176 = arith.constant 0 : i32
        %dma_start3A_3177 = tpu.memref_slice %arg5[%dma_start3A_3176, %multiple_of3A_3161] : memref<16x1000000xf32, #tpu.memory_space<hbm>> -> memref<8x128xf32, #tpu.memory_space<hbm>>
        tpu.enqueue_dma source(%dma_start3A_3177 : memref<8x128xf32, #tpu.memory_space<hbm>>) target(%dma_start3A_3175 : memref<8x128xf32, #tpu.memory_space<vmem>>) target_semaphore(%arg20 : memref<!tpu.dma_semaphore, #tpu.memory_space<semaphore_mem>>)
        %dma_start3A_3178 = arith.constant 3 : i32
        %dma_start3A_3179 = arith.constant 0 : i32
        %dma_start3A_3180 = arith.constant 0 : i32
        %dma_start3A_3181 = tpu.memref_slice %arg13[%dma_start3A_3178, %dma_start3A_3179, %dma_start3A_3180] : memref<16x8x128xf32, #tpu.memory_space<vmem>> -> memref<1x8x128xf32, #tpu.memory_space<vmem>>
        %dma_start3A_3182 = tpu.memref_squeeze %dma_start3A_3181 : memref<1x8x128xf32, #tpu.memory_space<vmem>> -> memref<8x128xf32, #tpu.memory_space<vmem>>
        %dma_start3A_3183 = arith.constant 0 : i32
        %dma_start3A_3184 = tpu.memref_slice %arg6[%dma_start3A_3183, %multiple_of3A_3164] : memref<16x1000000xf32, #tpu.memory_space<hbm>> -> memref<8x128xf32, #tpu.memory_space<hbm>>
        %dma_start3A_3185 = arith.constant 0 : i32
        %dma_start3A_3186 = arith.constant 0 : i32
        %dma_start3A_3187 = tpu.memref_slice %arg13[%dma_start3A_3178, %dma_start3A_3185, %dma_start3A_3186] : memref<16x8x128xf32, #tpu.memory_space<vmem>> -> memref<1x8x128xf32, #tpu.memory_space<vmem>>
        %dma_start3A_3188 = tpu.memref_squeeze %dma_start3A_3187 : memref<1x8x128xf32, #tpu.memory_space<vmem>> -> memref<8x128xf32, #tpu.memory_space<vmem>>
        %dma_start3A_3189 = arith.constant 0 : i32
        %dma_start3A_3190 = tpu.memref_slice %arg6[%dma_start3A_3189, %multiple_of3A_3164] : memref<16x1000000xf32, #tpu.memory_space<hbm>> -> memref<8x128xf32, #tpu.memory_space<hbm>>
        tpu.enqueue_dma source(%dma_start3A_3190 : memref<8x128xf32, #tpu.memory_space<hbm>>) target(%dma_start3A_3188 : memref<8x128xf32, #tpu.memory_space<vmem>>) target_semaphore(%arg20 : memref<!tpu.dma_semaphore, #tpu.memory_space<semaphore_mem>>)
        %slice3A_3191 = vector.extract_strided_slice %mul3A_3056 {offsets = [4], sizes = [1], strides = [1]} : vector<16xi32> to vector<1xi32>
        %squeeze3A_3192 = vector.extract %slice3A_3191[0] : i32 from vector<1xi32>
        %multiple_of3A_3193 = tpu.assume_multiple %squeeze3A_3192, 128 : i32
        %slice3A_3194 = vector.extract_strided_slice %mul3A_3062 {offsets = [4], sizes = [1], strides = [1]} : vector<16xi32> to vector<1xi32>
        %squeeze3A_3195 = vector.extract %slice3A_3194[0] : i32 from vector<1xi32>
        %multiple_of3A_3196 = tpu.assume_multiple %squeeze3A_3195, 128 : i32
        %dma_start3A_3197 = arith.constant 4 : i32
        %dma_start3A_3198 = arith.constant 0 : i32
        %dma_start3A_3199 = arith.constant 0 : i32
        %dma_start3A_3200 = tpu.memref_slice %arg12[%dma_start3A_3197, %dma_start3A_3198, %dma_start3A_3199] : memref<16x8x128xf32, #tpu.memory_space<vmem>> -> memref<1x8x128xf32, #tpu.memory_space<vmem>>
        %dma_start3A_3201 = tpu.memref_squeeze %dma_start3A_3200 : memref<1x8x128xf32, #tpu.memory_space<vmem>> -> memref<8x128xf32, #tpu.memory_space<vmem>>
        %dma_start3A_3202 = arith.constant 0 : i32
        %dma_start3A_3203 = tpu.memref_slice %arg5[%dma_start3A_3202, %multiple_of3A_3193] : memref<16x1000000xf32, #tpu.memory_space<hbm>> -> memref<8x128xf32, #tpu.memory_space<hbm>>
        %dma_start3A_3204 = arith.constant 0 : i32
        %dma_start3A_3205 = arith.constant 0 : i32
        %dma_start3A_3206 = tpu.memref_slice %arg12[%dma_start3A_3197, %dma_start3A_3204, %dma_start3A_3205] : memref<16x8x128xf32, #tpu.memory_space<vmem>> -> memref<1x8x128xf32, #tpu.memory_space<vmem>>
        %dma_start3A_3207 = tpu.memref_squeeze %dma_start3A_3206 : memref<1x8x128xf32, #tpu.memory_space<vmem>> -> memref<8x128xf32, #tpu.memory_space<vmem>>
        %dma_start3A_3208 = arith.constant 0 : i32
        %dma_start3A_3209 = tpu.memref_slice %arg5[%dma_start3A_3208, %multiple_of3A_3193] : memref<16x1000000xf32, #tpu.memory_space<hbm>> -> memref<8x128xf32, #tpu.memory_space<hbm>>
        tpu.enqueue_dma source(%dma_start3A_3209 : memref<8x128xf32, #tpu.memory_space<hbm>>) target(%dma_start3A_3207 : memref<8x128xf32, #tpu.memory_space<vmem>>) target_semaphore(%arg20 : memref<!tpu.dma_semaphore, #tpu.memory_space<semaphore_mem>>)
        %dma_start3A_3210 = arith.constant 4 : i32
        %dma_start3A_3211 = arith.constant 0 : i32
        %dma_start3A_3212 = arith.constant 0 : i32
        %dma_start3A_3213 = tpu.memref_slice %arg13[%dma_start3A_3210, %dma_start3A_3211, %dma_start3A_3212] : memref<16x8x128xf32, #tpu.memory_space<vmem>> -> memref<1x8x128xf32, #tpu.memory_space<vmem>>
        %dma_start3A_3214 = tpu.memref_squeeze %dma_start3A_3213 : memref<1x8x128xf32, #tpu.memory_space<vmem>> -> memref<8x128xf32, #tpu.memory_space<vmem>>
        %dma_start3A_3215 = arith.constant 0 : i32
        %dma_start3A_3216 = tpu.memref_slice %arg6[%dma_start3A_3215, %multiple_of3A_3196] : memref<16x1000000xf32, #tpu.memory_space<hbm>> -> memref<8x128xf32, #tpu.memory_space<hbm>>
        %dma_start3A_3217 = arith.constant 0 : i32
        %dma_start3A_3218 = arith.constant 0 : i32
        %dma_start3A_3219 = tpu.memref_slice %arg13[%dma_start3A_3210, %dma_start3A_3217, %dma_start3A_3218] : memref<16x8x128xf32, #tpu.memory_space<vmem>> -> memref<1x8x128xf32, #tpu.memory_space<vmem>>
        %dma_start3A_3220 = tpu.memref_squeeze %dma_start3A_3219 : memref<1x8x128xf32, #tpu.memory_space<vmem>> -> memref<8x128xf32, #tpu.memory_space<vmem>>
        %dma_start3A_3221 = arith.constant 0 : i32
        %dma_start3A_3222 = tpu.memref_slice %arg6[%dma_start3A_3221, %multiple_of3A_3196] : memref<16x1000000xf32, #tpu.memory_space<hbm>> -> memref<8x128xf32, #tpu.memory_space<hbm>>
        tpu.enqueue_dma source(%dma_start3A_3222 : memref<8x128xf32, #tpu.memory_space<hbm>>) target(%dma_start3A_3220 : memref<8x128xf32, #tpu.memory_space<vmem>>) target_semaphore(%arg20 : memref<!tpu.dma_semaphore, #tpu.memory_space<semaphore_mem>>)
        %slice3A_3223 = vector.extract_strided_slice %mul3A_3056 {offsets = [5], sizes = [1], strides = [1]} : vector<16xi32> to vector<1xi32>
        %squeeze3A_3224 = vector.extract %slice3A_3223[0] : i32 from vector<1xi32>
        %multiple_of3A_3225 = tpu.assume_multiple %squeeze3A_3224, 128 : i32
        %slice3A_3226 = vector.extract_strided_slice %mul3A_3062 {offsets = [5], sizes = [1], strides = [1]} : vector<16xi32> to vector<1xi32>
        %squeeze3A_3227 = vector.extract %slice3A_3226[0] : i32 from vector<1xi32>
        %multiple_of3A_3228 = tpu.assume_multiple %squeeze3A_3227, 128 : i32
        %dma_start3A_3229 = arith.constant 5 : i32
        %dma_start3A_3230 = arith.constant 0 : i32
        %dma_start3A_3231 = arith.constant 0 : i32
        %dma_start3A_3232 = tpu.memref_slice %arg12[%dma_start3A_3229, %dma_start3A_3230, %dma_start3A_3231] : memref<16x8x128xf32, #tpu.memory_space<vmem>> -> memref<1x8x128xf32, #tpu.memory_space<vmem>>
        %dma_start3A_3233 = tpu.memref_squeeze %dma_start3A_3232 : memref<1x8x128xf32, #tpu.memory_space<vmem>> -> memref<8x128xf32, #tpu.memory_space<vmem>>
        %dma_start3A_3234 = arith.constant 0 : i32
        %dma_start3A_3235 = tpu.memref_slice %arg5[%dma_start3A_3234, %multiple_of3A_3225] : memref<16x1000000xf32, #tpu.memory_space<hbm>> -> memref<8x128xf32, #tpu.memory_space<hbm>>
        %dma_start3A_3236 = arith.constant 0 : i32
        %dma_start3A_3237 = arith.constant 0 : i32
        %dma_start3A_3238 = tpu.memref_slice %arg12[%dma_start3A_3229, %dma_start3A_3236, %dma_start3A_3237] : memref<16x8x128xf32, #tpu.memory_space<vmem>> -> memref<1x8x128xf32, #tpu.memory_space<vmem>>
        %dma_start3A_3239 = tpu.memref_squeeze %dma_start3A_3238 : memref<1x8x128xf32, #tpu.memory_space<vmem>> -> memref<8x128xf32, #tpu.memory_space<vmem>>
        %dma_start3A_3240 = arith.constant 0 : i32
        %dma_start3A_3241 = tpu.memref_slice %arg5[%dma_start3A_3240, %multiple_of3A_3225] : memref<16x1000000xf32, #tpu.memory_space<hbm>> -> memref<8x128xf32, #tpu.memory_space<hbm>>
        tpu.enqueue_dma source(%dma_start3A_3241 : memref<8x128xf32, #tpu.memory_space<hbm>>) target(%dma_start3A_3239 : memref<8x128xf32, #tpu.memory_space<vmem>>) target_semaphore(%arg20 : memref<!tpu.dma_semaphore, #tpu.memory_space<semaphore_mem>>)
        %dma_start3A_3242 = arith.constant 5 : i32
        %dma_start3A_3243 = arith.constant 0 : i32
        %dma_start3A_3244 = arith.constant 0 : i32
        %dma_start3A_3245 = tpu.memref_slice %arg13[%dma_start3A_3242, %dma_start3A_3243, %dma_start3A_3244] : memref<16x8x128xf32, #tpu.memory_space<vmem>> -> memref<1x8x128xf32, #tpu.memory_space<vmem>>
        %dma_start3A_3246 = tpu.memref_squeeze %dma_start3A_3245 : memref<1x8x128xf32, #tpu.memory_space<vmem>> -> memref<8x128xf32, #tpu.memory_space<vmem>>
        %dma_start3A_3247 = arith.constant 0 : i32
        %dma_start3A_3248 = tpu.memref_slice %arg6[%dma_start3A_3247, %multiple_of3A_3228] : memref<16x1000000xf32, #tpu.memory_space<hbm>> -> memref<8x128xf32, #tpu.memory_space<hbm>>
        %dma_start3A_3249 = arith.constant 0 : i32
        %dma_start3A_3250 = arith.constant 0 : i32
        %dma_start3A_3251 = tpu.memref_slice %arg13[%dma_start3A_3242, %dma_start3A_3249, %dma_start3A_3250] : memref<16x8x128xf32, #tpu.memory_space<vmem>> -> memref<1x8x128xf32, #tpu.memory_space<vmem>>
        %dma_start3A_3252 = tpu.memref_squeeze %dma_start3A_3251 : memref<1x8x128xf32, #tpu.memory_space<vmem>> -> memref<8x128xf32, #tpu.memory_space<vmem>>
        %dma_start3A_3253 = arith.constant 0 : i32
        %dma_start3A_3254 = tpu.memref_slice %arg6[%dma_start3A_3253, %multiple_of3A_3228] : memref<16x1000000xf32, #tpu.memory_space<hbm>> -> memref<8x128xf32, #tpu.memory_space<hbm>>
        tpu.enqueue_dma source(%dma_start3A_3254 : memref<8x128xf32, #tpu.memory_space<hbm>>) target(%dma_start3A_3252 : memref<8x128xf32, #tpu.memory_space<vmem>>) target_semaphore(%arg20 : memref<!tpu.dma_semaphore, #tpu.memory_space<semaphore_mem>>)
        %slice3A_3255 = vector.extract_strided_slice %mul3A_3056 {offsets = [6], sizes = [1], strides = [1]} : vector<16xi32> to vector<1xi32>
        %squeeze3A_3256 = vector.extract %slice3A_3255[0] : i32 from vector<1xi32>
        %multiple_of3A_3257 = tpu.assume_multiple %squeeze3A_3256, 128 : i32
        %slice3A_3258 = vector.extract_strided_slice %mul3A_3062 {offsets = [6], sizes = [1], strides = [1]} : vector<16xi32> to vector<1xi32>
        %squeeze3A_3259 = vector.extract %slice3A_3258[0] : i32 from vector<1xi32>
        %multiple_of3A_3260 = tpu.assume_multiple %squeeze3A_3259, 128 : i32
        %dma_start3A_3261 = arith.constant 6 : i32
        %dma_start3A_3262 = arith.constant 0 : i32
        %dma_start3A_3263 = arith.constant 0 : i32
        %dma_start3A_3264 = tpu.memref_slice %arg12[%dma_start3A_3261, %dma_start3A_3262, %dma_start3A_3263] : memref<16x8x128xf32, #tpu.memory_space<vmem>> -> memref<1x8x128xf32, #tpu.memory_space<vmem>>
        %dma_start3A_3265 = tpu.memref_squeeze %dma_start3A_3264 : memref<1x8x128xf32, #tpu.memory_space<vmem>> -> memref<8x128xf32, #tpu.memory_space<vmem>>
        %dma_start3A_3266 = arith.constant 0 : i32
        %dma_start3A_3267 = tpu.memref_slice %arg5[%dma_start3A_3266, %multiple_of3A_3257] : memref<16x1000000xf32, #tpu.memory_space<hbm>> -> memref<8x128xf32, #tpu.memory_space<hbm>>
        %dma_start3A_3268 = arith.constant 0 : i32
        %dma_start3A_3269 = arith.constant 0 : i32
        %dma_start3A_3270 = tpu.memref_slice %arg12[%dma_start3A_3261, %dma_start3A_3268, %dma_start3A_3269] : memref<16x8x128xf32, #tpu.memory_space<vmem>> -> memref<1x8x128xf32, #tpu.memory_space<vmem>>
        %dma_start3A_3271 = tpu.memref_squeeze %dma_start3A_3270 : memref<1x8x128xf32, #tpu.memory_space<vmem>> -> memref<8x128xf32, #tpu.memory_space<vmem>>
        %dma_start3A_3272 = arith.constant 0 : i32
        %dma_start3A_3273 = tpu.memref_slice %arg5[%dma_start3A_3272, %multiple_of3A_3257] : memref<16x1000000xf32, #tpu.memory_space<hbm>> -> memref<8x128xf32, #tpu.memory_space<hbm>>
        tpu.enqueue_dma source(%dma_start3A_3273 : memref<8x128xf32, #tpu.memory_space<hbm>>) target(%dma_start3A_3271 : memref<8x128xf32, #tpu.memory_space<vmem>>) target_semaphore(%arg20 : memref<!tpu.dma_semaphore, #tpu.memory_space<semaphore_mem>>)
        %dma_start3A_3274 = arith.constant 6 : i32
        %dma_start3A_3275 = arith.constant 0 : i32
        %dma_start3A_3276 = arith.constant 0 : i32
        %dma_start3A_3277 = tpu.memref_slice %arg13[%dma_start3A_3274, %dma_start3A_3275, %dma_start3A_3276] : memref<16x8x128xf32, #tpu.memory_space<vmem>> -> memref<1x8x128xf32, #tpu.memory_space<vmem>>
        %dma_start3A_3278 = tpu.memref_squeeze %dma_start3A_3277 : memref<1x8x128xf32, #tpu.memory_space<vmem>> -> memref<8x128xf32, #tpu.memory_space<vmem>>
        %dma_start3A_3279 = arith.constant 0 : i32
        %dma_start3A_3280 = tpu.memref_slice %arg6[%dma_start3A_3279, %multiple_of3A_3260] : memref<16x1000000xf32, #tpu.memory_space<hbm>> -> memref<8x128xf32, #tpu.memory_space<hbm>>
        %dma_start3A_3281 = arith.constant 0 : i32
        %dma_start3A_3282 = arith.constant 0 : i32
        %dma_start3A_3283 = tpu.memref_slice %arg13[%dma_start3A_3274, %dma_start3A_3281, %dma_start3A_3282] : memref<16x8x128xf32, #tpu.memory_space<vmem>> -> memref<1x8x128xf32, #tpu.memory_space<vmem>>
        %dma_start3A_3284 = tpu.memref_squeeze %dma_start3A_3283 : memref<1x8x128xf32, #tpu.memory_space<vmem>> -> memref<8x128xf32, #tpu.memory_space<vmem>>
        %dma_start3A_3285 = arith.constant 0 : i32
        %dma_start3A_3286 = tpu.memref_slice %arg6[%dma_start3A_3285, %multiple_of3A_3260] : memref<16x1000000xf32, #tpu.memory_space<hbm>> -> memref<8x128xf32, #tpu.memory_space<hbm>>
        tpu.enqueue_dma source(%dma_start3A_3286 : memref<8x128xf32, #tpu.memory_space<hbm>>) target(%dma_start3A_3284 : memref<8x128xf32, #tpu.memory_space<vmem>>) target_semaphore(%arg20 : memref<!tpu.dma_semaphore, #tpu.memory_space<semaphore_mem>>)
        %slice3A_3287 = vector.extract_strided_slice %mul3A_3056 {offsets = [7], sizes = [1], strides = [1]} : vector<16xi32> to vector<1xi32>
        %squeeze3A_3288 = vector.extract %slice3A_3287[0] : i32 from vector<1xi32>
        %multiple_of3A_3289 = tpu.assume_multiple %squeeze3A_3288, 128 : i32
        %slice3A_3290 = vector.extract_strided_slice %mul3A_3062 {offsets = [7], sizes = [1], strides = [1]} : vector<16xi32> to vector<1xi32>
        %squeeze3A_3291 = vector.extract %slice3A_3290[0] : i32 from vector<1xi32>
        %multiple_of3A_3292 = tpu.assume_multiple %squeeze3A_3291, 128 : i32
        %dma_start3A_3293 = arith.constant 7 : i32
        %dma_start3A_3294 = arith.constant 0 : i32
        %dma_start3A_3295 = arith.constant 0 : i32
        %dma_start3A_3296 = tpu.memref_slice %arg12[%dma_start3A_3293, %dma_start3A_3294, %dma_start3A_3295] : memref<16x8x128xf32, #tpu.memory_space<vmem>> -> memref<1x8x128xf32, #tpu.memory_space<vmem>>
        %dma_start3A_3297 = tpu.memref_squeeze %dma_start3A_3296 : memref<1x8x128xf32, #tpu.memory_space<vmem>> -> memref<8x128xf32, #tpu.memory_space<vmem>>
        %dma_start3A_3298 = arith.constant 0 : i32
        %dma_start3A_3299 = tpu.memref_slice %arg5[%dma_start3A_3298, %multiple_of3A_3289] : memref<16x1000000xf32, #tpu.memory_space<hbm>> -> memref<8x128xf32, #tpu.memory_space<hbm>>
        %dma_start3A_3300 = arith.constant 0 : i32
        %dma_start3A_3301 = arith.constant 0 : i32
        %dma_start3A_3302 = tpu.memref_slice %arg12[%dma_start3A_3293, %dma_start3A_3300, %dma_start3A_3301] : memref<16x8x128xf32, #tpu.memory_space<vmem>> -> memref<1x8x128xf32, #tpu.memory_space<vmem>>
        %dma_start3A_3303 = tpu.memref_squeeze %dma_start3A_3302 : memref<1x8x128xf32, #tpu.memory_space<vmem>> -> memref<8x128xf32, #tpu.memory_space<vmem>>
        %dma_start3A_3304 = arith.constant 0 : i32
        %dma_start3A_3305 = tpu.memref_slice %arg5[%dma_start3A_3304, %multiple_of3A_3289] : memref<16x1000000xf32, #tpu.memory_space<hbm>> -> memref<8x128xf32, #tpu.memory_space<hbm>>
        tpu.enqueue_dma source(%dma_start3A_3305 : memref<8x128xf32, #tpu.memory_space<hbm>>) target(%dma_start3A_3303 : memref<8x128xf32, #tpu.memory_space<vmem>>) target_semaphore(%arg20 : memref<!tpu.dma_semaphore, #tpu.memory_space<semaphore_mem>>)
        %dma_start3A_3306 = arith.constant 7 : i32
        %dma_start3A_3307 = arith.constant 0 : i32
        %dma_start3A_3308 = arith.constant 0 : i32
        %dma_start3A_3309 = tpu.memref_slice %arg13[%dma_start3A_3306, %dma_start3A_3307, %dma_start3A_3308] : memref<16x8x128xf32, #tpu.memory_space<vmem>> -> memref<1x8x128xf32, #tpu.memory_space<vmem>>
        %dma_start3A_3310 = tpu.memref_squeeze %dma_start3A_3309 : memref<1x8x128xf32, #tpu.memory_space<vmem>> -> memref<8x128xf32, #tpu.memory_space<vmem>>
        %dma_start3A_3311 = arith.constant 0 : i32
        %dma_start3A_3312 = tpu.memref_slice %arg6[%dma_start3A_3311, %multiple_of3A_3292] : memref<16x1000000xf32, #tpu.memory_space<hbm>> -> memref<8x128xf32, #tpu.memory_space<hbm>>
        %dma_start3A_3313 = arith.constant 0 : i32
        %dma_start3A_3314 = arith.constant 0 : i32
        %dma_start3A_3315 = tpu.memref_slice %arg13[%dma_start3A_3306, %dma_start3A_3313, %dma_start3A_3314] : memref<16x8x128xf32, #tpu.memory_space<vmem>> -> memref<1x8x128xf32, #tpu.memory_space<vmem>>
        %dma_start3A_3316 = tpu.memref_squeeze %dma_start3A_3315 : memref<1x8x128xf32, #tpu.memory_space<vmem>> -> memref<8x128xf32, #tpu.memory_space<vmem>>
        %dma_start3A_3317 = arith.constant 0 : i32
        %dma_start3A_3318 = tpu.memref_slice %arg6[%dma_start3A_3317, %multiple_of3A_3292] : memref<16x1000000xf32, #tpu.memory_space<hbm>> -> memref<8x128xf32, #tpu.memory_space<hbm>>
        tpu.enqueue_dma source(%dma_start3A_3318 : memref<8x128xf32, #tpu.memory_space<hbm>>) target(%dma_start3A_3316 : memref<8x128xf32, #tpu.memory_space<vmem>>) target_semaphore(%arg20 : memref<!tpu.dma_semaphore, #tpu.memory_space<semaphore_mem>>)
        %slice3A_3319 = vector.extract_strided_slice %mul3A_3056 {offsets = [8], sizes = [1], strides = [1]} : vector<16xi32> to vector<1xi32>
        %squeeze3A_3320 = vector.extract %slice3A_3319[0] : i32 from vector<1xi32>
        %multiple_of3A_3321 = tpu.assume_multiple %squeeze3A_3320, 128 : i32
        %slice3A_3322 = vector.extract_strided_slice %mul3A_3062 {offsets = [8], sizes = [1], strides = [1]} : vector<16xi32> to vector<1xi32>
        %squeeze3A_3323 = vector.extract %slice3A_3322[0] : i32 from vector<1xi32>
        %multiple_of3A_3324 = tpu.assume_multiple %squeeze3A_3323, 128 : i32
        %dma_start3A_3325 = arith.constant 8 : i32
        %dma_start3A_3326 = arith.constant 0 : i32
        %dma_start3A_3327 = arith.constant 0 : i32
        %dma_start3A_3328 = tpu.memref_slice %arg12[%dma_start3A_3325, %dma_start3A_3326, %dma_start3A_3327] : memref<16x8x128xf32, #tpu.memory_space<vmem>> -> memref<1x8x128xf32, #tpu.memory_space<vmem>>
        %dma_start3A_3329 = tpu.memref_squeeze %dma_start3A_3328 : memref<1x8x128xf32, #tpu.memory_space<vmem>> -> memref<8x128xf32, #tpu.memory_space<vmem>>
        %dma_start3A_3330 = arith.constant 0 : i32
        %dma_start3A_3331 = tpu.memref_slice %arg5[%dma_start3A_3330, %multiple_of3A_3321] : memref<16x1000000xf32, #tpu.memory_space<hbm>> -> memref<8x128xf32, #tpu.memory_space<hbm>>
        %dma_start3A_3332 = arith.constant 0 : i32
        %dma_start3A_3333 = arith.constant 0 : i32
        %dma_start3A_3334 = tpu.memref_slice %arg12[%dma_start3A_3325, %dma_start3A_3332, %dma_start3A_3333] : memref<16x8x128xf32, #tpu.memory_space<vmem>> -> memref<1x8x128xf32, #tpu.memory_space<vmem>>
        %dma_start3A_3335 = tpu.memref_squeeze %dma_start3A_3334 : memref<1x8x128xf32, #tpu.memory_space<vmem>> -> memref<8x128xf32, #tpu.memory_space<vmem>>
        %dma_start3A_3336 = arith.constant 0 : i32
        %dma_start3A_3337 = tpu.memref_slice %arg5[%dma_start3A_3336, %multiple_of3A_3321] : memref<16x1000000xf32, #tpu.memory_space<hbm>> -> memref<8x128xf32, #tpu.memory_space<hbm>>
        tpu.enqueue_dma source(%dma_start3A_3337 : memref<8x128xf32, #tpu.memory_space<hbm>>) target(%dma_start3A_3335 : memref<8x128xf32, #tpu.memory_space<vmem>>) target_semaphore(%arg20 : memref<!tpu.dma_semaphore, #tpu.memory_space<semaphore_mem>>)
        %dma_start3A_3338 = arith.constant 8 : i32
        %dma_start3A_3339 = arith.constant 0 : i32
        %dma_start3A_3340 = arith.constant 0 : i32
        %dma_start3A_3341 = tpu.memref_slice %arg13[%dma_start3A_3338, %dma_start3A_3339, %dma_start3A_3340] : memref<16x8x128xf32, #tpu.memory_space<vmem>> -> memref<1x8x128xf32, #tpu.memory_space<vmem>>
        %dma_start3A_3342 = tpu.memref_squeeze %dma_start3A_3341 : memref<1x8x128xf32, #tpu.memory_space<vmem>> -> memref<8x128xf32, #tpu.memory_space<vmem>>
        %dma_start3A_3343 = arith.constant 0 : i32
        %dma_start3A_3344 = tpu.memref_slice %arg6[%dma_start3A_3343, %multiple_of3A_3324] : memref<16x1000000xf32, #tpu.memory_space<hbm>> -> memref<8x128xf32, #tpu.memory_space<hbm>>
        %dma_start3A_3345 = arith.constant 0 : i32
        %dma_start3A_3346 = arith.constant 0 : i32
        %dma_start3A_3347 = tpu.memref_slice %arg13[%dma_start3A_3338, %dma_start3A_3345, %dma_start3A_3346] : memref<16x8x128xf32, #tpu.memory_space<vmem>> -> memref<1x8x128xf32, #tpu.memory_space<vmem>>
        %dma_start3A_3348 = tpu.memref_squeeze %dma_start3A_3347 : memref<1x8x128xf32, #tpu.memory_space<vmem>> -> memref<8x128xf32, #tpu.memory_space<vmem>>
        %dma_start3A_3349 = arith.constant 0 : i32
        %dma_start3A_3350 = tpu.memref_slice %arg6[%dma_start3A_3349, %multiple_of3A_3324] : memref<16x1000000xf32, #tpu.memory_space<hbm>> -> memref<8x128xf32, #tpu.memory_space<hbm>>
        tpu.enqueue_dma source(%dma_start3A_3350 : memref<8x128xf32, #tpu.memory_space<hbm>>) target(%dma_start3A_3348 : memref<8x128xf32, #tpu.memory_space<vmem>>) target_semaphore(%arg20 : memref<!tpu.dma_semaphore, #tpu.memory_space<semaphore_mem>>)
        %slice3A_3351 = vector.extract_strided_slice %mul3A_3056 {offsets = [9], sizes = [1], strides = [1]} : vector<16xi32> to vector<1xi32>
        %squeeze3A_3352 = vector.extract %slice3A_3351[0] : i32 from vector<1xi32>
        %multiple_of3A_3353 = tpu.assume_multiple %squeeze3A_3352, 128 : i32
        %slice3A_3354 = vector.extract_strided_slice %mul3A_3062 {offsets = [9], sizes = [1], strides = [1]} : vector<16xi32> to vector<1xi32>
        %squeeze3A_3355 = vector.extract %slice3A_3354[0] : i32 from vector<1xi32>
        %multiple_of3A_3356 = tpu.assume_multiple %squeeze3A_3355, 128 : i32
        %dma_start3A_3357 = arith.constant 9 : i32
        %dma_start3A_3358 = arith.constant 0 : i32
        %dma_start3A_3359 = arith.constant 0 : i32
        %dma_start3A_3360 = tpu.memref_slice %arg12[%dma_start3A_3357, %dma_start3A_3358, %dma_start3A_3359] : memref<16x8x128xf32, #tpu.memory_space<vmem>> -> memref<1x8x128xf32, #tpu.memory_space<vmem>>
        %dma_start3A_3361 = tpu.memref_squeeze %dma_start3A_3360 : memref<1x8x128xf32, #tpu.memory_space<vmem>> -> memref<8x128xf32, #tpu.memory_space<vmem>>
        %dma_start3A_3362 = arith.constant 0 : i32
        %dma_start3A_3363 = tpu.memref_slice %arg5[%dma_start3A_3362, %multiple_of3A_3353] : memref<16x1000000xf32, #tpu.memory_space<hbm>> -> memref<8x128xf32, #tpu.memory_space<hbm>>
        %dma_start3A_3364 = arith.constant 0 : i32
        %dma_start3A_3365 = arith.constant 0 : i32
        %dma_start3A_3366 = tpu.memref_slice %arg12[%dma_start3A_3357, %dma_start3A_3364, %dma_start3A_3365] : memref<16x8x128xf32, #tpu.memory_space<vmem>> -> memref<1x8x128xf32, #tpu.memory_space<vmem>>
        %dma_start3A_3367 = tpu.memref_squeeze %dma_start3A_3366 : memref<1x8x128xf32, #tpu.memory_space<vmem>> -> memref<8x128xf32, #tpu.memory_space<vmem>>
        %dma_start3A_3368 = arith.constant 0 : i32
        %dma_start3A_3369 = tpu.memref_slice %arg5[%dma_start3A_3368, %multiple_of3A_3353] : memref<16x1000000xf32, #tpu.memory_space<hbm>> -> memref<8x128xf32, #tpu.memory_space<hbm>>
        tpu.enqueue_dma source(%dma_start3A_3369 : memref<8x128xf32, #tpu.memory_space<hbm>>) target(%dma_start3A_3367 : memref<8x128xf32, #tpu.memory_space<vmem>>) target_semaphore(%arg20 : memref<!tpu.dma_semaphore, #tpu.memory_space<semaphore_mem>>)
        %dma_start3A_3370 = arith.constant 9 : i32
        %dma_start3A_3371 = arith.constant 0 : i32
        %dma_start3A_3372 = arith.constant 0 : i32
        %dma_start3A_3373 = tpu.memref_slice %arg13[%dma_start3A_3370, %dma_start3A_3371, %dma_start3A_3372] : memref<16x8x128xf32, #tpu.memory_space<vmem>> -> memref<1x8x128xf32, #tpu.memory_space<vmem>>
        %dma_start3A_3374 = tpu.memref_squeeze %dma_start3A_3373 : memref<1x8x128xf32, #tpu.memory_space<vmem>> -> memref<8x128xf32, #tpu.memory_space<vmem>>
        %dma_start3A_3375 = arith.constant 0 : i32
        %dma_start3A_3376 = tpu.memref_slice %arg6[%dma_start3A_3375, %multiple_of3A_3356] : memref<16x1000000xf32, #tpu.memory_space<hbm>> -> memref<8x128xf32, #tpu.memory_space<hbm>>
        %dma_start3A_3377 = arith.constant 0 : i32
        %dma_start3A_3378 = arith.constant 0 : i32
        %dma_start3A_3379 = tpu.memref_slice %arg13[%dma_start3A_3370, %dma_start3A_3377, %dma_start3A_3378] : memref<16x8x128xf32, #tpu.memory_space<vmem>> -> memref<1x8x128xf32, #tpu.memory_space<vmem>>
        %dma_start3A_3380 = tpu.memref_squeeze %dma_start3A_3379 : memref<1x8x128xf32, #tpu.memory_space<vmem>> -> memref<8x128xf32, #tpu.memory_space<vmem>>
        %dma_start3A_3381 = arith.constant 0 : i32
        %dma_start3A_3382 = tpu.memref_slice %arg6[%dma_start3A_3381, %multiple_of3A_3356] : memref<16x1000000xf32, #tpu.memory_space<hbm>> -> memref<8x128xf32, #tpu.memory_space<hbm>>
        tpu.enqueue_dma source(%dma_start3A_3382 : memref<8x128xf32, #tpu.memory_space<hbm>>) target(%dma_start3A_3380 : memref<8x128xf32, #tpu.memory_space<vmem>>) target_semaphore(%arg20 : memref<!tpu.dma_semaphore, #tpu.memory_space<semaphore_mem>>)
        %slice3A_3383 = vector.extract_strided_slice %mul3A_3056 {offsets = [10], sizes = [1], strides = [1]} : vector<16xi32> to vector<1xi32>
        %squeeze3A_3384 = vector.extract %slice3A_3383[0] : i32 from vector<1xi32>
        %multiple_of3A_3385 = tpu.assume_multiple %squeeze3A_3384, 128 : i32
        %slice3A_3386 = vector.extract_strided_slice %mul3A_3062 {offsets = [10], sizes = [1], strides = [1]} : vector<16xi32> to vector<1xi32>
        %squeeze3A_3387 = vector.extract %slice3A_3386[0] : i32 from vector<1xi32>
        %multiple_of3A_3388 = tpu.assume_multiple %squeeze3A_3387, 128 : i32
        %dma_start3A_3389 = arith.constant 10 : i32
        %dma_start3A_3390 = arith.constant 0 : i32
        %dma_start3A_3391 = arith.constant 0 : i32
        %dma_start3A_3392 = tpu.memref_slice %arg12[%dma_start3A_3389, %dma_start3A_3390, %dma_start3A_3391] : memref<16x8x128xf32, #tpu.memory_space<vmem>> -> memref<1x8x128xf32, #tpu.memory_space<vmem>>
        %dma_start3A_3393 = tpu.memref_squeeze %dma_start3A_3392 : memref<1x8x128xf32, #tpu.memory_space<vmem>> -> memref<8x128xf32, #tpu.memory_space<vmem>>
        %dma_start3A_3394 = arith.constant 0 : i32
        %dma_start3A_3395 = tpu.memref_slice %arg5[%dma_start3A_3394, %multiple_of3A_3385] : memref<16x1000000xf32, #tpu.memory_space<hbm>> -> memref<8x128xf32, #tpu.memory_space<hbm>>
        %dma_start3A_3396 = arith.constant 0 : i32
        %dma_start3A_3397 = arith.constant 0 : i32
        %dma_start3A_3398 = tpu.memref_slice %arg12[%dma_start3A_3389, %dma_start3A_3396, %dma_start3A_3397] : memref<16x8x128xf32, #tpu.memory_space<vmem>> -> memref<1x8x128xf32, #tpu.memory_space<vmem>>
        %dma_start3A_3399 = tpu.memref_squeeze %dma_start3A_3398 : memref<1x8x128xf32, #tpu.memory_space<vmem>> -> memref<8x128xf32, #tpu.memory_space<vmem>>
        %dma_start3A_3400 = arith.constant 0 : i32
        %dma_start3A_3401 = tpu.memref_slice %arg5[%dma_start3A_3400, %multiple_of3A_3385] : memref<16x1000000xf32, #tpu.memory_space<hbm>> -> memref<8x128xf32, #tpu.memory_space<hbm>>
        tpu.enqueue_dma source(%dma_start3A_3401 : memref<8x128xf32, #tpu.memory_space<hbm>>) target(%dma_start3A_3399 : memref<8x128xf32, #tpu.memory_space<vmem>>) target_semaphore(%arg20 : memref<!tpu.dma_semaphore, #tpu.memory_space<semaphore_mem>>)
        %dma_start3A_3402 = arith.constant 10 : i32
        %dma_start3A_3403 = arith.constant 0 : i32
        %dma_start3A_3404 = arith.constant 0 : i32
        %dma_start3A_3405 = tpu.memref_slice %arg13[%dma_start3A_3402, %dma_start3A_3403, %dma_start3A_3404] : memref<16x8x128xf32, #tpu.memory_space<vmem>> -> memref<1x8x128xf32, #tpu.memory_space<vmem>>
        %dma_start3A_3406 = tpu.memref_squeeze %dma_start3A_3405 : memref<1x8x128xf32, #tpu.memory_space<vmem>> -> memref<8x128xf32, #tpu.memory_space<vmem>>
        %dma_start3A_3407 = arith.constant 0 : i32
        %dma_start3A_3408 = tpu.memref_slice %arg6[%dma_start3A_3407, %multiple_of3A_3388] : memref<16x1000000xf32, #tpu.memory_space<hbm>> -> memref<8x128xf32, #tpu.memory_space<hbm>>
        %dma_start3A_3409 = arith.constant 0 : i32
        %dma_start3A_3410 = arith.constant 0 : i32
        %dma_start3A_3411 = tpu.memref_slice %arg13[%dma_start3A_3402, %dma_start3A_3409, %dma_start3A_3410] : memref<16x8x128xf32, #tpu.memory_space<vmem>> -> memref<1x8x128xf32, #tpu.memory_space<vmem>>
        %dma_start3A_3412 = tpu.memref_squeeze %dma_start3A_3411 : memref<1x8x128xf32, #tpu.memory_space<vmem>> -> memref<8x128xf32, #tpu.memory_space<vmem>>
        %dma_start3A_3413 = arith.constant 0 : i32
        %dma_start3A_3414 = tpu.memref_slice %arg6[%dma_start3A_3413, %multiple_of3A_3388] : memref<16x1000000xf32, #tpu.memory_space<hbm>> -> memref<8x128xf32, #tpu.memory_space<hbm>>
        tpu.enqueue_dma source(%dma_start3A_3414 : memref<8x128xf32, #tpu.memory_space<hbm>>) target(%dma_start3A_3412 : memref<8x128xf32, #tpu.memory_space<vmem>>) target_semaphore(%arg20 : memref<!tpu.dma_semaphore, #tpu.memory_space<semaphore_mem>>)
        %slice3A_3415 = vector.extract_strided_slice %mul3A_3056 {offsets = [11], sizes = [1], strides = [1]} : vector<16xi32> to vector<1xi32>
        %squeeze3A_3416 = vector.extract %slice3A_3415[0] : i32 from vector<1xi32>
        %multiple_of3A_3417 = tpu.assume_multiple %squeeze3A_3416, 128 : i32
        %slice3A_3418 = vector.extract_strided_slice %mul3A_3062 {offsets = [11], sizes = [1], strides = [1]} : vector<16xi32> to vector<1xi32>
        %squeeze3A_3419 = vector.extract %slice3A_3418[0] : i32 from vector<1xi32>
        %multiple_of3A_3420 = tpu.assume_multiple %squeeze3A_3419, 128 : i32
        %dma_start3A_3421 = arith.constant 11 : i32
        %dma_start3A_3422 = arith.constant 0 : i32
        %dma_start3A_3423 = arith.constant 0 : i32
        %dma_start3A_3424 = tpu.memref_slice %arg12[%dma_start3A_3421, %dma_start3A_3422, %dma_start3A_3423] : memref<16x8x128xf32, #tpu.memory_space<vmem>> -> memref<1x8x128xf32, #tpu.memory_space<vmem>>
        %dma_start3A_3425 = tpu.memref_squeeze %dma_start3A_3424 : memref<1x8x128xf32, #tpu.memory_space<vmem>> -> memref<8x128xf32, #tpu.memory_space<vmem>>
        %dma_start3A_3426 = arith.constant 0 : i32
        %dma_start3A_3427 = tpu.memref_slice %arg5[%dma_start3A_3426, %multiple_of3A_3417] : memref<16x1000000xf32, #tpu.memory_space<hbm>> -> memref<8x128xf32, #tpu.memory_space<hbm>>
        %dma_start3A_3428 = arith.constant 0 : i32
        %dma_start3A_3429 = arith.constant 0 : i32
        %dma_start3A_3430 = tpu.memref_slice %arg12[%dma_start3A_3421, %dma_start3A_3428, %dma_start3A_3429] : memref<16x8x128xf32, #tpu.memory_space<vmem>> -> memref<1x8x128xf32, #tpu.memory_space<vmem>>
        %dma_start3A_3431 = tpu.memref_squeeze %dma_start3A_3430 : memref<1x8x128xf32, #tpu.memory_space<vmem>> -> memref<8x128xf32, #tpu.memory_space<vmem>>
        %dma_start3A_3432 = arith.constant 0 : i32
        %dma_start3A_3433 = tpu.memref_slice %arg5[%dma_start3A_3432, %multiple_of3A_3417] : memref<16x1000000xf32, #tpu.memory_space<hbm>> -> memref<8x128xf32, #tpu.memory_space<hbm>>
        tpu.enqueue_dma source(%dma_start3A_3433 : memref<8x128xf32, #tpu.memory_space<hbm>>) target(%dma_start3A_3431 : memref<8x128xf32, #tpu.memory_space<vmem>>) target_semaphore(%arg20 : memref<!tpu.dma_semaphore, #tpu.memory_space<semaphore_mem>>)
        %dma_start3A_3434 = arith.constant 11 : i32
        %dma_start3A_3435 = arith.constant 0 : i32
        %dma_start3A_3436 = arith.constant 0 : i32
        %dma_start3A_3437 = tpu.memref_slice %arg13[%dma_start3A_3434, %dma_start3A_3435, %dma_start3A_3436] : memref<16x8x128xf32, #tpu.memory_space<vmem>> -> memref<1x8x128xf32, #tpu.memory_space<vmem>>
        %dma_start3A_3438 = tpu.memref_squeeze %dma_start3A_3437 : memref<1x8x128xf32, #tpu.memory_space<vmem>> -> memref<8x128xf32, #tpu.memory_space<vmem>>
        %dma_start3A_3439 = arith.constant 0 : i32
        %dma_start3A_3440 = tpu.memref_slice %arg6[%dma_start3A_3439, %multiple_of3A_3420] : memref<16x1000000xf32, #tpu.memory_space<hbm>> -> memref<8x128xf32, #tpu.memory_space<hbm>>
        %dma_start3A_3441 = arith.constant 0 : i32
        %dma_start3A_3442 = arith.constant 0 : i32
        %dma_start3A_3443 = tpu.memref_slice %arg13[%dma_start3A_3434, %dma_start3A_3441, %dma_start3A_3442] : memref<16x8x128xf32, #tpu.memory_space<vmem>> -> memref<1x8x128xf32, #tpu.memory_space<vmem>>
        %dma_start3A_3444 = tpu.memref_squeeze %dma_start3A_3443 : memref<1x8x128xf32, #tpu.memory_space<vmem>> -> memref<8x128xf32, #tpu.memory_space<vmem>>
        %dma_start3A_3445 = arith.constant 0 : i32
        %dma_start3A_3446 = tpu.memref_slice %arg6[%dma_start3A_3445, %multiple_of3A_3420] : memref<16x1000000xf32, #tpu.memory_space<hbm>> -> memref<8x128xf32, #tpu.memory_space<hbm>>
        tpu.enqueue_dma source(%dma_start3A_3446 : memref<8x128xf32, #tpu.memory_space<hbm>>) target(%dma_start3A_3444 : memref<8x128xf32, #tpu.memory_space<vmem>>) target_semaphore(%arg20 : memref<!tpu.dma_semaphore, #tpu.memory_space<semaphore_mem>>)
        %slice3A_3447 = vector.extract_strided_slice %mul3A_3056 {offsets = [12], sizes = [1], strides = [1]} : vector<16xi32> to vector<1xi32>
        %squeeze3A_3448 = vector.extract %slice3A_3447[0] : i32 from vector<1xi32>
        %multiple_of3A_3449 = tpu.assume_multiple %squeeze3A_3448, 128 : i32
        %slice3A_3450 = vector.extract_strided_slice %mul3A_3062 {offsets = [12], sizes = [1], strides = [1]} : vector<16xi32> to vector<1xi32>
        %squeeze3A_3451 = vector.extract %slice3A_3450[0] : i32 from vector<1xi32>
        %multiple_of3A_3452 = tpu.assume_multiple %squeeze3A_3451, 128 : i32
        %dma_start3A_3453 = arith.constant 12 : i32
        %dma_start3A_3454 = arith.constant 0 : i32
        %dma_start3A_3455 = arith.constant 0 : i32
        %dma_start3A_3456 = tpu.memref_slice %arg12[%dma_start3A_3453, %dma_start3A_3454, %dma_start3A_3455] : memref<16x8x128xf32, #tpu.memory_space<vmem>> -> memref<1x8x128xf32, #tpu.memory_space<vmem>>
        %dma_start3A_3457 = tpu.memref_squeeze %dma_start3A_3456 : memref<1x8x128xf32, #tpu.memory_space<vmem>> -> memref<8x128xf32, #tpu.memory_space<vmem>>
        %dma_start3A_3458 = arith.constant 0 : i32
        %dma_start3A_3459 = tpu.memref_slice %arg5[%dma_start3A_3458, %multiple_of3A_3449] : memref<16x1000000xf32, #tpu.memory_space<hbm>> -> memref<8x128xf32, #tpu.memory_space<hbm>>
        %dma_start3A_3460 = arith.constant 0 : i32
        %dma_start3A_3461 = arith.constant 0 : i32
        %dma_start3A_3462 = tpu.memref_slice %arg12[%dma_start3A_3453, %dma_start3A_3460, %dma_start3A_3461] : memref<16x8x128xf32, #tpu.memory_space<vmem>> -> memref<1x8x128xf32, #tpu.memory_space<vmem>>
        %dma_start3A_3463 = tpu.memref_squeeze %dma_start3A_3462 : memref<1x8x128xf32, #tpu.memory_space<vmem>> -> memref<8x128xf32, #tpu.memory_space<vmem>>
        %dma_start3A_3464 = arith.constant 0 : i32
        %dma_start3A_3465 = tpu.memref_slice %arg5[%dma_start3A_3464, %multiple_of3A_3449] : memref<16x1000000xf32, #tpu.memory_space<hbm>> -> memref<8x128xf32, #tpu.memory_space<hbm>>
        tpu.enqueue_dma source(%dma_start3A_3465 : memref<8x128xf32, #tpu.memory_space<hbm>>) target(%dma_start3A_3463 : memref<8x128xf32, #tpu.memory_space<vmem>>) target_semaphore(%arg20 : memref<!tpu.dma_semaphore, #tpu.memory_space<semaphore_mem>>)
        %dma_start3A_3466 = arith.constant 12 : i32
        %dma_start3A_3467 = arith.constant 0 : i32
        %dma_start3A_3468 = arith.constant 0 : i32
        %dma_start3A_3469 = tpu.memref_slice %arg13[%dma_start3A_3466, %dma_start3A_3467, %dma_start3A_3468] : memref<16x8x128xf32, #tpu.memory_space<vmem>> -> memref<1x8x128xf32, #tpu.memory_space<vmem>>
        %dma_start3A_3470 = tpu.memref_squeeze %dma_start3A_3469 : memref<1x8x128xf32, #tpu.memory_space<vmem>> -> memref<8x128xf32, #tpu.memory_space<vmem>>
        %dma_start3A_3471 = arith.constant 0 : i32
        %dma_start3A_3472 = tpu.memref_slice %arg6[%dma_start3A_3471, %multiple_of3A_3452] : memref<16x1000000xf32, #tpu.memory_space<hbm>> -> memref<8x128xf32, #tpu.memory_space<hbm>>
        %dma_start3A_3473 = arith.constant 0 : i32
        %dma_start3A_3474 = arith.constant 0 : i32
        %dma_start3A_3475 = tpu.memref_slice %arg13[%dma_start3A_3466, %dma_start3A_3473, %dma_start3A_3474] : memref<16x8x128xf32, #tpu.memory_space<vmem>> -> memref<1x8x128xf32, #tpu.memory_space<vmem>>
        %dma_start3A_3476 = tpu.memref_squeeze %dma_start3A_3475 : memref<1x8x128xf32, #tpu.memory_space<vmem>> -> memref<8x128xf32, #tpu.memory_space<vmem>>
        %dma_start3A_3477 = arith.constant 0 : i32
        %dma_start3A_3478 = tpu.memref_slice %arg6[%dma_start3A_3477, %multiple_of3A_3452] : memref<16x1000000xf32, #tpu.memory_space<hbm>> -> memref<8x128xf32, #tpu.memory_space<hbm>>
        tpu.enqueue_dma source(%dma_start3A_3478 : memref<8x128xf32, #tpu.memory_space<hbm>>) target(%dma_start3A_3476 : memref<8x128xf32, #tpu.memory_space<vmem>>) target_semaphore(%arg20 : memref<!tpu.dma_semaphore, #tpu.memory_space<semaphore_mem>>)
        %slice3A_3479 = vector.extract_strided_slice %mul3A_3056 {offsets = [13], sizes = [1], strides = [1]} : vector<16xi32> to vector<1xi32>
        %squeeze3A_3480 = vector.extract %slice3A_3479[0] : i32 from vector<1xi32>
        %multiple_of3A_3481 = tpu.assume_multiple %squeeze3A_3480, 128 : i32
        %slice3A_3482 = vector.extract_strided_slice %mul3A_3062 {offsets = [13], sizes = [1], strides = [1]} : vector<16xi32> to vector<1xi32>
        %squeeze3A_3483 = vector.extract %slice3A_3482[0] : i32 from vector<1xi32>
        %multiple_of3A_3484 = tpu.assume_multiple %squeeze3A_3483, 128 : i32
        %dma_start3A_3485 = arith.constant 13 : i32
        %dma_start3A_3486 = arith.constant 0 : i32
        %dma_start3A_3487 = arith.constant 0 : i32
        %dma_start3A_3488 = tpu.memref_slice %arg12[%dma_start3A_3485, %dma_start3A_3486, %dma_start3A_3487] : memref<16x8x128xf32, #tpu.memory_space<vmem>> -> memref<1x8x128xf32, #tpu.memory_space<vmem>>
        %dma_start3A_3489 = tpu.memref_squeeze %dma_start3A_3488 : memref<1x8x128xf32, #tpu.memory_space<vmem>> -> memref<8x128xf32, #tpu.memory_space<vmem>>
        %dma_start3A_3490 = arith.constant 0 : i32
        %dma_start3A_3491 = tpu.memref_slice %arg5[%dma_start3A_3490, %multiple_of3A_3481] : memref<16x1000000xf32, #tpu.memory_space<hbm>> -> memref<8x128xf32, #tpu.memory_space<hbm>>
        %dma_start3A_3492 = arith.constant 0 : i32
        %dma_start3A_3493 = arith.constant 0 : i32
        %dma_start3A_3494 = tpu.memref_slice %arg12[%dma_start3A_3485, %dma_start3A_3492, %dma_start3A_3493] : memref<16x8x128xf32, #tpu.memory_space<vmem>> -> memref<1x8x128xf32, #tpu.memory_space<vmem>>
        %dma_start3A_3495 = tpu.memref_squeeze %dma_start3A_3494 : memref<1x8x128xf32, #tpu.memory_space<vmem>> -> memref<8x128xf32, #tpu.memory_space<vmem>>
        %dma_start3A_3496 = arith.constant 0 : i32
        %dma_start3A_3497 = tpu.memref_slice %arg5[%dma_start3A_3496, %multiple_of3A_3481] : memref<16x1000000xf32, #tpu.memory_space<hbm>> -> memref<8x128xf32, #tpu.memory_space<hbm>>
        tpu.enqueue_dma source(%dma_start3A_3497 : memref<8x128xf32, #tpu.memory_space<hbm>>) target(%dma_start3A_3495 : memref<8x128xf32, #tpu.memory_space<vmem>>) target_semaphore(%arg20 : memref<!tpu.dma_semaphore, #tpu.memory_space<semaphore_mem>>)
        %dma_start3A_3498 = arith.constant 13 : i32
        %dma_start3A_3499 = arith.constant 0 : i32
        %dma_start3A_3500 = arith.constant 0 : i32
        %dma_start3A_3501 = tpu.memref_slice %arg13[%dma_start3A_3498, %dma_start3A_3499, %dma_start3A_3500] : memref<16x8x128xf32, #tpu.memory_space<vmem>> -> memref<1x8x128xf32, #tpu.memory_space<vmem>>
        %dma_start3A_3502 = tpu.memref_squeeze %dma_start3A_3501 : memref<1x8x128xf32, #tpu.memory_space<vmem>> -> memref<8x128xf32, #tpu.memory_space<vmem>>
        %dma_start3A_3503 = arith.constant 0 : i32
        %dma_start3A_3504 = tpu.memref_slice %arg6[%dma_start3A_3503, %multiple_of3A_3484] : memref<16x1000000xf32, #tpu.memory_space<hbm>> -> memref<8x128xf32, #tpu.memory_space<hbm>>
        %dma_start3A_3505 = arith.constant 0 : i32
        %dma_start3A_3506 = arith.constant 0 : i32
        %dma_start3A_3507 = tpu.memref_slice %arg13[%dma_start3A_3498, %dma_start3A_3505, %dma_start3A_3506] : memref<16x8x128xf32, #tpu.memory_space<vmem>> -> memref<1x8x128xf32, #tpu.memory_space<vmem>>
        %dma_start3A_3508 = tpu.memref_squeeze %dma_start3A_3507 : memref<1x8x128xf32, #tpu.memory_space<vmem>> -> memref<8x128xf32, #tpu.memory_space<vmem>>
        %dma_start3A_3509 = arith.constant 0 : i32
        %dma_start3A_3510 = tpu.memref_slice %arg6[%dma_start3A_3509, %multiple_of3A_3484] : memref<16x1000000xf32, #tpu.memory_space<hbm>> -> memref<8x128xf32, #tpu.memory_space<hbm>>
        tpu.enqueue_dma source(%dma_start3A_3510 : memref<8x128xf32, #tpu.memory_space<hbm>>) target(%dma_start3A_3508 : memref<8x128xf32, #tpu.memory_space<vmem>>) target_semaphore(%arg20 : memref<!tpu.dma_semaphore, #tpu.memory_space<semaphore_mem>>)
        %slice3A_3511 = vector.extract_strided_slice %mul3A_3056 {offsets = [14], sizes = [1], strides = [1]} : vector<16xi32> to vector<1xi32>
        %squeeze3A_3512 = vector.extract %slice3A_3511[0] : i32 from vector<1xi32>
        %multiple_of3A_3513 = tpu.assume_multiple %squeeze3A_3512, 128 : i32
        %slice3A_3514 = vector.extract_strided_slice %mul3A_3062 {offsets = [14], sizes = [1], strides = [1]} : vector<16xi32> to vector<1xi32>
        %squeeze3A_3515 = vector.extract %slice3A_3514[0] : i32 from vector<1xi32>
        %multiple_of3A_3516 = tpu.assume_multiple %squeeze3A_3515, 128 : i32
        %dma_start3A_3517 = arith.constant 14 : i32
        %dma_start3A_3518 = arith.constant 0 : i32
        %dma_start3A_3519 = arith.constant 0 : i32
        %dma_start3A_3520 = tpu.memref_slice %arg12[%dma_start3A_3517, %dma_start3A_3518, %dma_start3A_3519] : memref<16x8x128xf32, #tpu.memory_space<vmem>> -> memref<1x8x128xf32, #tpu.memory_space<vmem>>
        %dma_start3A_3521 = tpu.memref_squeeze %dma_start3A_3520 : memref<1x8x128xf32, #tpu.memory_space<vmem>> -> memref<8x128xf32, #tpu.memory_space<vmem>>
        %dma_start3A_3522 = arith.constant 0 : i32
        %dma_start3A_3523 = tpu.memref_slice %arg5[%dma_start3A_3522, %multiple_of3A_3513] : memref<16x1000000xf32, #tpu.memory_space<hbm>> -> memref<8x128xf32, #tpu.memory_space<hbm>>
        %dma_start3A_3524 = arith.constant 0 : i32
        %dma_start3A_3525 = arith.constant 0 : i32
        %dma_start3A_3526 = tpu.memref_slice %arg12[%dma_start3A_3517, %dma_start3A_3524, %dma_start3A_3525] : memref<16x8x128xf32, #tpu.memory_space<vmem>> -> memref<1x8x128xf32, #tpu.memory_space<vmem>>
        %dma_start3A_3527 = tpu.memref_squeeze %dma_start3A_3526 : memref<1x8x128xf32, #tpu.memory_space<vmem>> -> memref<8x128xf32, #tpu.memory_space<vmem>>
        %dma_start3A_3528 = arith.constant 0 : i32
        %dma_start3A_3529 = tpu.memref_slice %arg5[%dma_start3A_3528, %multiple_of3A_3513] : memref<16x1000000xf32, #tpu.memory_space<hbm>> -> memref<8x128xf32, #tpu.memory_space<hbm>>
        tpu.enqueue_dma source(%dma_start3A_3529 : memref<8x128xf32, #tpu.memory_space<hbm>>) target(%dma_start3A_3527 : memref<8x128xf32, #tpu.memory_space<vmem>>) target_semaphore(%arg20 : memref<!tpu.dma_semaphore, #tpu.memory_space<semaphore_mem>>)
        %dma_start3A_3530 = arith.constant 14 : i32
        %dma_start3A_3531 = arith.constant 0 : i32
        %dma_start3A_3532 = arith.constant 0 : i32
        %dma_start3A_3533 = tpu.memref_slice %arg13[%dma_start3A_3530, %dma_start3A_3531, %dma_start3A_3532] : memref<16x8x128xf32, #tpu.memory_space<vmem>> -> memref<1x8x128xf32, #tpu.memory_space<vmem>>
        %dma_start3A_3534 = tpu.memref_squeeze %dma_start3A_3533 : memref<1x8x128xf32, #tpu.memory_space<vmem>> -> memref<8x128xf32, #tpu.memory_space<vmem>>
        %dma_start3A_3535 = arith.constant 0 : i32
        %dma_start3A_3536 = tpu.memref_slice %arg6[%dma_start3A_3535, %multiple_of3A_3516] : memref<16x1000000xf32, #tpu.memory_space<hbm>> -> memref<8x128xf32, #tpu.memory_space<hbm>>
        %dma_start3A_3537 = arith.constant 0 : i32
        %dma_start3A_3538 = arith.constant 0 : i32
        %dma_start3A_3539 = tpu.memref_slice %arg13[%dma_start3A_3530, %dma_start3A_3537, %dma_start3A_3538] : memref<16x8x128xf32, #tpu.memory_space<vmem>> -> memref<1x8x128xf32, #tpu.memory_space<vmem>>
        %dma_start3A_3540 = tpu.memref_squeeze %dma_start3A_3539 : memref<1x8x128xf32, #tpu.memory_space<vmem>> -> memref<8x128xf32, #tpu.memory_space<vmem>>
        %dma_start3A_3541 = arith.constant 0 : i32
        %dma_start3A_3542 = tpu.memref_slice %arg6[%dma_start3A_3541, %multiple_of3A_3516] : memref<16x1000000xf32, #tpu.memory_space<hbm>> -> memref<8x128xf32, #tpu.memory_space<hbm>>
        tpu.enqueue_dma source(%dma_start3A_3542 : memref<8x128xf32, #tpu.memory_space<hbm>>) target(%dma_start3A_3540 : memref<8x128xf32, #tpu.memory_space<vmem>>) target_semaphore(%arg20 : memref<!tpu.dma_semaphore, #tpu.memory_space<semaphore_mem>>)
        %slice3A_3543 = vector.extract_strided_slice %mul3A_3056 {offsets = [15], sizes = [1], strides = [1]} : vector<16xi32> to vector<1xi32>
        %squeeze3A_3544 = vector.extract %slice3A_3543[0] : i32 from vector<1xi32>
        %multiple_of3A_3545 = tpu.assume_multiple %squeeze3A_3544, 128 : i32
        %slice3A_3546 = vector.extract_strided_slice %mul3A_3062 {offsets = [15], sizes = [1], strides = [1]} : vector<16xi32> to vector<1xi32>
        %squeeze3A_3547 = vector.extract %slice3A_3546[0] : i32 from vector<1xi32>
        %multiple_of3A_3548 = tpu.assume_multiple %squeeze3A_3547, 128 : i32
        %dma_start3A_3549 = arith.constant 15 : i32
        %dma_start3A_3550 = arith.constant 0 : i32
        %dma_start3A_3551 = arith.constant 0 : i32
        %dma_start3A_3552 = tpu.memref_slice %arg12[%dma_start3A_3549, %dma_start3A_3550, %dma_start3A_3551] : memref<16x8x128xf32, #tpu.memory_space<vmem>> -> memref<1x8x128xf32, #tpu.memory_space<vmem>>
        %dma_start3A_3553 = tpu.memref_squeeze %dma_start3A_3552 : memref<1x8x128xf32, #tpu.memory_space<vmem>> -> memref<8x128xf32, #tpu.memory_space<vmem>>
        %dma_start3A_3554 = arith.constant 0 : i32
        %dma_start3A_3555 = tpu.memref_slice %arg5[%dma_start3A_3554, %multiple_of3A_3545] : memref<16x1000000xf32, #tpu.memory_space<hbm>> -> memref<8x128xf32, #tpu.memory_space<hbm>>
        %dma_start3A_3556 = arith.constant 0 : i32
        %dma_start3A_3557 = arith.constant 0 : i32
        %dma_start3A_3558 = tpu.memref_slice %arg12[%dma_start3A_3549, %dma_start3A_3556, %dma_start3A_3557] : memref<16x8x128xf32, #tpu.memory_space<vmem>> -> memref<1x8x128xf32, #tpu.memory_space<vmem>>
        %dma_start3A_3559 = tpu.memref_squeeze %dma_start3A_3558 : memref<1x8x128xf32, #tpu.memory_space<vmem>> -> memref<8x128xf32, #tpu.memory_space<vmem>>
        %dma_start3A_3560 = arith.constant 0 : i32
        %dma_start3A_3561 = tpu.memref_slice %arg5[%dma_start3A_3560, %multiple_of3A_3545] : memref<16x1000000xf32, #tpu.memory_space<hbm>> -> memref<8x128xf32, #tpu.memory_space<hbm>>
        tpu.enqueue_dma source(%dma_start3A_3561 : memref<8x128xf32, #tpu.memory_space<hbm>>) target(%dma_start3A_3559 : memref<8x128xf32, #tpu.memory_space<vmem>>) target_semaphore(%arg20 : memref<!tpu.dma_semaphore, #tpu.memory_space<semaphore_mem>>)
        %dma_start3A_3562 = arith.constant 15 : i32
        %dma_start3A_3563 = arith.constant 0 : i32
        %dma_start3A_3564 = arith.constant 0 : i32
        %dma_start3A_3565 = tpu.memref_slice %arg13[%dma_start3A_3562, %dma_start3A_3563, %dma_start3A_3564] : memref<16x8x128xf32, #tpu.memory_space<vmem>> -> memref<1x8x128xf32, #tpu.memory_space<vmem>>
        %dma_start3A_3566 = tpu.memref_squeeze %dma_start3A_3565 : memref<1x8x128xf32, #tpu.memory_space<vmem>> -> memref<8x128xf32, #tpu.memory_space<vmem>>
        %dma_start3A_3567 = arith.constant 0 : i32
        %dma_start3A_3568 = tpu.memref_slice %arg6[%dma_start3A_3567, %multiple_of3A_3548] : memref<16x1000000xf32, #tpu.memory_space<hbm>> -> memref<8x128xf32, #tpu.memory_space<hbm>>
        %dma_start3A_3569 = arith.constant 0 : i32
        %dma_start3A_3570 = arith.constant 0 : i32
        %dma_start3A_3571 = tpu.memref_slice %arg13[%dma_start3A_3562, %dma_start3A_3569, %dma_start3A_3570] : memref<16x8x128xf32, #tpu.memory_space<vmem>> -> memref<1x8x128xf32, #tpu.memory_space<vmem>>
        %dma_start3A_3572 = tpu.memref_squeeze %dma_start3A_3571 : memref<1x8x128xf32, #tpu.memory_space<vmem>> -> memref<8x128xf32, #tpu.memory_space<vmem>>
        %dma_start3A_3573 = arith.constant 0 : i32
        %dma_start3A_3574 = tpu.memref_slice %arg6[%dma_start3A_3573, %multiple_of3A_3548] : memref<16x1000000xf32, #tpu.memory_space<hbm>> -> memref<8x128xf32, #tpu.memory_space<hbm>>
        tpu.enqueue_dma source(%dma_start3A_3574 : memref<8x128xf32, #tpu.memory_space<hbm>>) target(%dma_start3A_3572 : memref<8x128xf32, #tpu.memory_space<vmem>>) target_semaphore(%arg20 : memref<!tpu.dma_semaphore, #tpu.memory_space<semaphore_mem>>)
      } else {
      }
      %dma_wait3A_2060 = arith.constant 0 : i32
      %dma_wait3A_2061 = arith.constant 0 : i32
      %dma_wait3A_2062 = arith.constant 0 : i32
      %dma_wait3A_2063 = tpu.memref_slice %arg14[%dma_wait3A_2060, %dma_wait3A_2061, %dma_wait3A_2062] : memref<16x8x128xf32, #tpu.memory_space<vmem>> -> memref<1x8x128xf32, #tpu.memory_space<vmem>>
      %dma_wait3A_2064 = tpu.memref_squeeze %dma_wait3A_2063 : memref<1x8x128xf32, #tpu.memory_space<vmem>> -> memref<8x128xf32, #tpu.memory_space<vmem>>
      %dma_wait3A_2065 = arith.constant 0 : i32
      %dma_wait3A_2066 = arith.constant 0 : i32
      %dma_wait3A_2067 = tpu.memref_slice %arg5[%dma_wait3A_2065, %dma_wait3A_2066] : memref<16x1000000xf32, #tpu.memory_space<hbm>> -> memref<8x128xf32, #tpu.memory_space<hbm>>
      %dma_wait3A_2068 = arith.constant 0 : i32
      %dma_wait3A_2069 = arith.constant 0 : i32
      %dma_wait3A_2070 = tpu.memref_slice %arg14[%dma_wait3A_2060, %dma_wait3A_2068, %dma_wait3A_2069] : memref<16x8x128xf32, #tpu.memory_space<vmem>> -> memref<1x8x128xf32, #tpu.memory_space<vmem>>
      %dma_wait3A_2071 = tpu.memref_squeeze %dma_wait3A_2070 : memref<1x8x128xf32, #tpu.memory_space<vmem>> -> memref<8x128xf32, #tpu.memory_space<vmem>>
      %dma_wait3A_2072 = arith.constant 0 : i32
      %dma_wait3A_2073 = arith.constant 0 : i32
      %dma_wait3A_2074 = tpu.memref_slice %arg5[%dma_wait3A_2072, %dma_wait3A_2073] : memref<16x1000000xf32, #tpu.memory_space<hbm>> -> memref<8x128xf32, #tpu.memory_space<hbm>>
      tpu.wait_dma2 semaphore(%arg21 : memref<!tpu.dma_semaphore, #tpu.memory_space<semaphore_mem>>) src(%dma_wait3A_2074 : memref<8x128xf32, #tpu.memory_space<hbm>>) dst(%dma_wait3A_2071 : memref<8x128xf32, #tpu.memory_space<vmem>>)
      %dma_wait3A_2075 = arith.constant 0 : i32
      %dma_wait3A_2076 = arith.constant 0 : i32
      %dma_wait3A_2077 = arith.constant 0 : i32
      %dma_wait3A_2078 = tpu.memref_slice %arg15[%dma_wait3A_2075, %dma_wait3A_2076, %dma_wait3A_2077] : memref<16x8x128xf32, #tpu.memory_space<vmem>> -> memref<1x8x128xf32, #tpu.memory_space<vmem>>
      %dma_wait3A_2079 = tpu.memref_squeeze %dma_wait3A_2078 : memref<1x8x128xf32, #tpu.memory_space<vmem>> -> memref<8x128xf32, #tpu.memory_space<vmem>>
      %dma_wait3A_2080 = arith.constant 0 : i32
      %dma_wait3A_2081 = arith.constant 0 : i32
      %dma_wait3A_2082 = tpu.memref_slice %arg6[%dma_wait3A_2080, %dma_wait3A_2081] : memref<16x1000000xf32, #tpu.memory_space<hbm>> -> memref<8x128xf32, #tpu.memory_space<hbm>>
      %dma_wait3A_2083 = arith.constant 0 : i32
      %dma_wait3A_2084 = arith.constant 0 : i32
      %dma_wait3A_2085 = tpu.memref_slice %arg15[%dma_wait3A_2075, %dma_wait3A_2083, %dma_wait3A_2084] : memref<16x8x128xf32, #tpu.memory_space<vmem>> -> memref<1x8x128xf32, #tpu.memory_space<vmem>>
      %dma_wait3A_2086 = tpu.memref_squeeze %dma_wait3A_2085 : memref<1x8x128xf32, #tpu.memory_space<vmem>> -> memref<8x128xf32, #tpu.memory_space<vmem>>
      %dma_wait3A_2087 = arith.constant 0 : i32
      %dma_wait3A_2088 = arith.constant 0 : i32
      %dma_wait3A_2089 = tpu.memref_slice %arg6[%dma_wait3A_2087, %dma_wait3A_2088] : memref<16x1000000xf32, #tpu.memory_space<hbm>> -> memref<8x128xf32, #tpu.memory_space<hbm>>
      tpu.wait_dma2 semaphore(%arg21 : memref<!tpu.dma_semaphore, #tpu.memory_space<semaphore_mem>>) src(%dma_wait3A_2089 : memref<8x128xf32, #tpu.memory_space<hbm>>) dst(%dma_wait3A_2086 : memref<8x128xf32, #tpu.memory_space<vmem>>)
      %dma_wait3A_2090 = arith.constant 1 : i32
      %dma_wait3A_2091 = arith.constant 0 : i32
      %dma_wait3A_2092 = arith.constant 0 : i32
      %dma_wait3A_2093 = tpu.memref_slice %arg14[%dma_wait3A_2090, %dma_wait3A_2091, %dma_wait3A_2092] : memref<16x8x128xf32, #tpu.memory_space<vmem>> -> memref<1x8x128xf32, #tpu.memory_space<vmem>>
      %dma_wait3A_2094 = tpu.memref_squeeze %dma_wait3A_2093 : memref<1x8x128xf32, #tpu.memory_space<vmem>> -> memref<8x128xf32, #tpu.memory_space<vmem>>
      %dma_wait3A_2095 = arith.constant 0 : i32
      %dma_wait3A_2096 = arith.constant 0 : i32
      %dma_wait3A_2097 = tpu.memref_slice %arg5[%dma_wait3A_2095, %dma_wait3A_2096] : memref<16x1000000xf32, #tpu.memory_space<hbm>> -> memref<8x128xf32, #tpu.memory_space<hbm>>
      %dma_wait3A_2098 = arith.constant 0 : i32
      %dma_wait3A_2099 = arith.constant 0 : i32
      %dma_wait3A_2100 = tpu.memref_slice %arg14[%dma_wait3A_2090, %dma_wait3A_2098, %dma_wait3A_2099] : memref<16x8x128xf32, #tpu.memory_space<vmem>> -> memref<1x8x128xf32, #tpu.memory_space<vmem>>
      %dma_wait3A_2101 = tpu.memref_squeeze %dma_wait3A_2100 : memref<1x8x128xf32, #tpu.memory_space<vmem>> -> memref<8x128xf32, #tpu.memory_space<vmem>>
      %dma_wait3A_2102 = arith.constant 0 : i32
      %dma_wait3A_2103 = arith.constant 0 : i32
      %dma_wait3A_2104 = tpu.memref_slice %arg5[%dma_wait3A_2102, %dma_wait3A_2103] : memref<16x1000000xf32, #tpu.memory_space<hbm>> -> memref<8x128xf32, #tpu.memory_space<hbm>>
      tpu.wait_dma2 semaphore(%arg21 : memref<!tpu.dma_semaphore, #tpu.memory_space<semaphore_mem>>) src(%dma_wait3A_2104 : memref<8x128xf32, #tpu.memory_space<hbm>>) dst(%dma_wait3A_2101 : memref<8x128xf32, #tpu.memory_space<vmem>>)
      %dma_wait3A_2105 = arith.constant 1 : i32
      %dma_wait3A_2106 = arith.constant 0 : i32
      %dma_wait3A_2107 = arith.constant 0 : i32
      %dma_wait3A_2108 = tpu.memref_slice %arg15[%dma_wait3A_2105, %dma_wait3A_2106, %dma_wait3A_2107] : memref<16x8x128xf32, #tpu.memory_space<vmem>> -> memref<1x8x128xf32, #tpu.memory_space<vmem>>
      %dma_wait3A_2109 = tpu.memref_squeeze %dma_wait3A_2108 : memref<1x8x128xf32, #tpu.memory_space<vmem>> -> memref<8x128xf32, #tpu.memory_space<vmem>>
      %dma_wait3A_2110 = arith.constant 0 : i32
      %dma_wait3A_2111 = arith.constant 0 : i32
      %dma_wait3A_2112 = tpu.memref_slice %arg6[%dma_wait3A_2110, %dma_wait3A_2111] : memref<16x1000000xf32, #tpu.memory_space<hbm>> -> memref<8x128xf32, #tpu.memory_space<hbm>>
      %dma_wait3A_2113 = arith.constant 0 : i32
      %dma_wait3A_2114 = arith.constant 0 : i32
      %dma_wait3A_2115 = tpu.memref_slice %arg15[%dma_wait3A_2105, %dma_wait3A_2113, %dma_wait3A_2114] : memref<16x8x128xf32, #tpu.memory_space<vmem>> -> memref<1x8x128xf32, #tpu.memory_space<vmem>>
      %dma_wait3A_2116 = tpu.memref_squeeze %dma_wait3A_2115 : memref<1x8x128xf32, #tpu.memory_space<vmem>> -> memref<8x128xf32, #tpu.memory_space<vmem>>
      %dma_wait3A_2117 = arith.constant 0 : i32
      %dma_wait3A_2118 = arith.constant 0 : i32
      %dma_wait3A_2119 = tpu.memref_slice %arg6[%dma_wait3A_2117, %dma_wait3A_2118] : memref<16x1000000xf32, #tpu.memory_space<hbm>> -> memref<8x128xf32, #tpu.memory_space<hbm>>
      tpu.wait_dma2 semaphore(%arg21 : memref<!tpu.dma_semaphore, #tpu.memory_space<semaphore_mem>>) src(%dma_wait3A_2119 : memref<8x128xf32, #tpu.memory_space<hbm>>) dst(%dma_wait3A_2116 : memref<8x128xf32, #tpu.memory_space<vmem>>)
      %dma_wait3A_2120 = arith.constant 2 : i32
      %dma_wait3A_2121 = arith.constant 0 : i32
      %dma_wait3A_2122 = arith.constant 0 : i32
      %dma_wait3A_2123 = tpu.memref_slice %arg14[%dma_wait3A_2120, %dma_wait3A_2121, %dma_wait3A_2122] : memref<16x8x128xf32, #tpu.memory_space<vmem>> -> memref<1x8x128xf32, #tpu.memory_space<vmem>>
      %dma_wait3A_2124 = tpu.memref_squeeze %dma_wait3A_2123 : memref<1x8x128xf32, #tpu.memory_space<vmem>> -> memref<8x128xf32, #tpu.memory_space<vmem>>
      %dma_wait3A_2125 = arith.constant 0 : i32
      %dma_wait3A_2126 = arith.constant 0 : i32
      %dma_wait3A_2127 = tpu.memref_slice %arg5[%dma_wait3A_2125, %dma_wait3A_2126] : memref<16x1000000xf32, #tpu.memory_space<hbm>> -> memref<8x128xf32, #tpu.memory_space<hbm>>
      %dma_wait3A_2128 = arith.constant 0 : i32
      %dma_wait3A_2129 = arith.constant 0 : i32
      %dma_wait3A_2130 = tpu.memref_slice %arg14[%dma_wait3A_2120, %dma_wait3A_2128, %dma_wait3A_2129] : memref<16x8x128xf32, #tpu.memory_space<vmem>> -> memref<1x8x128xf32, #tpu.memory_space<vmem>>
      %dma_wait3A_2131 = tpu.memref_squeeze %dma_wait3A_2130 : memref<1x8x128xf32, #tpu.memory_space<vmem>> -> memref<8x128xf32, #tpu.memory_space<vmem>>
      %dma_wait3A_2132 = arith.constant 0 : i32
      %dma_wait3A_2133 = arith.constant 0 : i32
      %dma_wait3A_2134 = tpu.memref_slice %arg5[%dma_wait3A_2132, %dma_wait3A_2133] : memref<16x1000000xf32, #tpu.memory_space<hbm>> -> memref<8x128xf32, #tpu.memory_space<hbm>>
      tpu.wait_dma2 semaphore(%arg21 : memref<!tpu.dma_semaphore, #tpu.memory_space<semaphore_mem>>) src(%dma_wait3A_2134 : memref<8x128xf32, #tpu.memory_space<hbm>>) dst(%dma_wait3A_2131 : memref<8x128xf32, #tpu.memory_space<vmem>>)
      %dma_wait3A_2135 = arith.constant 2 : i32
      %dma_wait3A_2136 = arith.constant 0 : i32
      %dma_wait3A_2137 = arith.constant 0 : i32
      %dma_wait3A_2138 = tpu.memref_slice %arg15[%dma_wait3A_2135, %dma_wait3A_2136, %dma_wait3A_2137] : memref<16x8x128xf32, #tpu.memory_space<vmem>> -> memref<1x8x128xf32, #tpu.memory_space<vmem>>
      %dma_wait3A_2139 = tpu.memref_squeeze %dma_wait3A_2138 : memref<1x8x128xf32, #tpu.memory_space<vmem>> -> memref<8x128xf32, #tpu.memory_space<vmem>>
      %dma_wait3A_2140 = arith.constant 0 : i32
      %dma_wait3A_2141 = arith.constant 0 : i32
      %dma_wait3A_2142 = tpu.memref_slice %arg6[%dma_wait3A_2140, %dma_wait3A_2141] : memref<16x1000000xf32, #tpu.memory_space<hbm>> -> memref<8x128xf32, #tpu.memory_space<hbm>>
      %dma_wait3A_2143 = arith.constant 0 : i32
      %dma_wait3A_2144 = arith.constant 0 : i32
      %dma_wait3A_2145 = tpu.memref_slice %arg15[%dma_wait3A_2135, %dma_wait3A_2143, %dma_wait3A_2144] : memref<16x8x128xf32, #tpu.memory_space<vmem>> -> memref<1x8x128xf32, #tpu.memory_space<vmem>>
      %dma_wait3A_2146 = tpu.memref_squeeze %dma_wait3A_2145 : memref<1x8x128xf32, #tpu.memory_space<vmem>> -> memref<8x128xf32, #tpu.memory_space<vmem>>
      %dma_wait3A_2147 = arith.constant 0 : i32
      %dma_wait3A_2148 = arith.constant 0 : i32
      %dma_wait3A_2149 = tpu.memref_slice %arg6[%dma_wait3A_2147, %dma_wait3A_2148] : memref<16x1000000xf32, #tpu.memory_space<hbm>> -> memref<8x128xf32, #tpu.memory_space<hbm>>
      tpu.wait_dma2 semaphore(%arg21 : memref<!tpu.dma_semaphore, #tpu.memory_space<semaphore_mem>>) src(%dma_wait3A_2149 : memref<8x128xf32, #tpu.memory_space<hbm>>) dst(%dma_wait3A_2146 : memref<8x128xf32, #tpu.memory_space<vmem>>)
      %dma_wait3A_2150 = arith.constant 3 : i32
      %dma_wait3A_2151 = arith.constant 0 : i32
      %dma_wait3A_2152 = arith.constant 0 : i32
      %dma_wait3A_2153 = tpu.memref_slice %arg14[%dma_wait3A_2150, %dma_wait3A_2151, %dma_wait3A_2152] : memref<16x8x128xf32, #tpu.memory_space<vmem>> -> memref<1x8x128xf32, #tpu.memory_space<vmem>>
      %dma_wait3A_2154 = tpu.memref_squeeze %dma_wait3A_2153 : memref<1x8x128xf32, #tpu.memory_space<vmem>> -> memref<8x128xf32, #tpu.memory_space<vmem>>
      %dma_wait3A_2155 = arith.constant 0 : i32
      %dma_wait3A_2156 = arith.constant 0 : i32
      %dma_wait3A_2157 = tpu.memref_slice %arg5[%dma_wait3A_2155, %dma_wait3A_2156] : memref<16x1000000xf32, #tpu.memory_space<hbm>> -> memref<8x128xf32, #tpu.memory_space<hbm>>
      %dma_wait3A_2158 = arith.constant 0 : i32
      %dma_wait3A_2159 = arith.constant 0 : i32
      %dma_wait3A_2160 = tpu.memref_slice %arg14[%dma_wait3A_2150, %dma_wait3A_2158, %dma_wait3A_2159] : memref<16x8x128xf32, #tpu.memory_space<vmem>> -> memref<1x8x128xf32, #tpu.memory_space<vmem>>
      %dma_wait3A_2161 = tpu.memref_squeeze %dma_wait3A_2160 : memref<1x8x128xf32, #tpu.memory_space<vmem>> -> memref<8x128xf32, #tpu.memory_space<vmem>>
      %dma_wait3A_2162 = arith.constant 0 : i32
      %dma_wait3A_2163 = arith.constant 0 : i32
      %dma_wait3A_2164 = tpu.memref_slice %arg5[%dma_wait3A_2162, %dma_wait3A_2163] : memref<16x1000000xf32, #tpu.memory_space<hbm>> -> memref<8x128xf32, #tpu.memory_space<hbm>>
      tpu.wait_dma2 semaphore(%arg21 : memref<!tpu.dma_semaphore, #tpu.memory_space<semaphore_mem>>) src(%dma_wait3A_2164 : memref<8x128xf32, #tpu.memory_space<hbm>>) dst(%dma_wait3A_2161 : memref<8x128xf32, #tpu.memory_space<vmem>>)
      %dma_wait3A_2165 = arith.constant 3 : i32
      %dma_wait3A_2166 = arith.constant 0 : i32
      %dma_wait3A_2167 = arith.constant 0 : i32
      %dma_wait3A_2168 = tpu.memref_slice %arg15[%dma_wait3A_2165, %dma_wait3A_2166, %dma_wait3A_2167] : memref<16x8x128xf32, #tpu.memory_space<vmem>> -> memref<1x8x128xf32, #tpu.memory_space<vmem>>
      %dma_wait3A_2169 = tpu.memref_squeeze %dma_wait3A_2168 : memref<1x8x128xf32, #tpu.memory_space<vmem>> -> memref<8x128xf32, #tpu.memory_space<vmem>>
      %dma_wait3A_2170 = arith.constant 0 : i32
      %dma_wait3A_2171 = arith.constant 0 : i32
      %dma_wait3A_2172 = tpu.memref_slice %arg6[%dma_wait3A_2170, %dma_wait3A_2171] : memref<16x1000000xf32, #tpu.memory_space<hbm>> -> memref<8x128xf32, #tpu.memory_space<hbm>>
      %dma_wait3A_2173 = arith.constant 0 : i32
      %dma_wait3A_2174 = arith.constant 0 : i32
      %dma_wait3A_2175 = tpu.memref_slice %arg15[%dma_wait3A_2165, %dma_wait3A_2173, %dma_wait3A_2174] : memref<16x8x128xf32, #tpu.memory_space<vmem>> -> memref<1x8x128xf32, #tpu.memory_space<vmem>>
      %dma_wait3A_2176 = tpu.memref_squeeze %dma_wait3A_2175 : memref<1x8x128xf32, #tpu.memory_space<vmem>> -> memref<8x128xf32, #tpu.memory_space<vmem>>
      %dma_wait3A_2177 = arith.constant 0 : i32
      %dma_wait3A_2178 = arith.constant 0 : i32
      %dma_wait3A_2179 = tpu.memref_slice %arg6[%dma_wait3A_2177, %dma_wait3A_2178] : memref<16x1000000xf32, #tpu.memory_space<hbm>> -> memref<8x128xf32, #tpu.memory_space<hbm>>
      tpu.wait_dma2 semaphore(%arg21 : memref<!tpu.dma_semaphore, #tpu.memory_space<semaphore_mem>>) src(%dma_wait3A_2179 : memref<8x128xf32, #tpu.memory_space<hbm>>) dst(%dma_wait3A_2176 : memref<8x128xf32, #tpu.memory_space<vmem>>)
      %dma_wait3A_2180 = arith.constant 4 : i32
      %dma_wait3A_2181 = arith.constant 0 : i32
      %dma_wait3A_2182 = arith.constant 0 : i32
      %dma_wait3A_2183 = tpu.memref_slice %arg14[%dma_wait3A_2180, %dma_wait3A_2181, %dma_wait3A_2182] : memref<16x8x128xf32, #tpu.memory_space<vmem>> -> memref<1x8x128xf32, #tpu.memory_space<vmem>>
      %dma_wait3A_2184 = tpu.memref_squeeze %dma_wait3A_2183 : memref<1x8x128xf32, #tpu.memory_space<vmem>> -> memref<8x128xf32, #tpu.memory_space<vmem>>
      %dma_wait3A_2185 = arith.constant 0 : i32
      %dma_wait3A_2186 = arith.constant 0 : i32
      %dma_wait3A_2187 = tpu.memref_slice %arg5[%dma_wait3A_2185, %dma_wait3A_2186] : memref<16x1000000xf32, #tpu.memory_space<hbm>> -> memref<8x128xf32, #tpu.memory_space<hbm>>
      %dma_wait3A_2188 = arith.constant 0 : i32
      %dma_wait3A_2189 = arith.constant 0 : i32
      %dma_wait3A_2190 = tpu.memref_slice %arg14[%dma_wait3A_2180, %dma_wait3A_2188, %dma_wait3A_2189] : memref<16x8x128xf32, #tpu.memory_space<vmem>> -> memref<1x8x128xf32, #tpu.memory_space<vmem>>
      %dma_wait3A_2191 = tpu.memref_squeeze %dma_wait3A_2190 : memref<1x8x128xf32, #tpu.memory_space<vmem>> -> memref<8x128xf32, #tpu.memory_space<vmem>>
      %dma_wait3A_2192 = arith.constant 0 : i32
      %dma_wait3A_2193 = arith.constant 0 : i32
      %dma_wait3A_2194 = tpu.memref_slice %arg5[%dma_wait3A_2192, %dma_wait3A_2193] : memref<16x1000000xf32, #tpu.memory_space<hbm>> -> memref<8x128xf32, #tpu.memory_space<hbm>>
      tpu.wait_dma2 semaphore(%arg21 : memref<!tpu.dma_semaphore, #tpu.memory_space<semaphore_mem>>) src(%dma_wait3A_2194 : memref<8x128xf32, #tpu.memory_space<hbm>>) dst(%dma_wait3A_2191 : memref<8x128xf32, #tpu.memory_space<vmem>>)
      %dma_wait3A_2195 = arith.constant 4 : i32
      %dma_wait3A_2196 = arith.constant 0 : i32
      %dma_wait3A_2197 = arith.constant 0 : i32
      %dma_wait3A_2198 = tpu.memref_slice %arg15[%dma_wait3A_2195, %dma_wait3A_2196, %dma_wait3A_2197] : memref<16x8x128xf32, #tpu.memory_space<vmem>> -> memref<1x8x128xf32, #tpu.memory_space<vmem>>
      %dma_wait3A_2199 = tpu.memref_squeeze %dma_wait3A_2198 : memref<1x8x128xf32, #tpu.memory_space<vmem>> -> memref<8x128xf32, #tpu.memory_space<vmem>>
      %dma_wait3A_2200 = arith.constant 0 : i32
      %dma_wait3A_2201 = arith.constant 0 : i32
      %dma_wait3A_2202 = tpu.memref_slice %arg6[%dma_wait3A_2200, %dma_wait3A_2201] : memref<16x1000000xf32, #tpu.memory_space<hbm>> -> memref<8x128xf32, #tpu.memory_space<hbm>>
      %dma_wait3A_2203 = arith.constant 0 : i32
      %dma_wait3A_2204 = arith.constant 0 : i32
      %dma_wait3A_2205 = tpu.memref_slice %arg15[%dma_wait3A_2195, %dma_wait3A_2203, %dma_wait3A_2204] : memref<16x8x128xf32, #tpu.memory_space<vmem>> -> memref<1x8x128xf32, #tpu.memory_space<vmem>>
      %dma_wait3A_2206 = tpu.memref_squeeze %dma_wait3A_2205 : memref<1x8x128xf32, #tpu.memory_space<vmem>> -> memref<8x128xf32, #tpu.memory_space<vmem>>
      %dma_wait3A_2207 = arith.constant 0 : i32
      %dma_wait3A_2208 = arith.constant 0 : i32
      %dma_wait3A_2209 = tpu.memref_slice %arg6[%dma_wait3A_2207, %dma_wait3A_2208] : memref<16x1000000xf32, #tpu.memory_space<hbm>> -> memref<8x128xf32, #tpu.memory_space<hbm>>
      tpu.wait_dma2 semaphore(%arg21 : memref<!tpu.dma_semaphore, #tpu.memory_space<semaphore_mem>>) src(%dma_wait3A_2209 : memref<8x128xf32, #tpu.memory_space<hbm>>) dst(%dma_wait3A_2206 : memref<8x128xf32, #tpu.memory_space<vmem>>)
      %dma_wait3A_2210 = arith.constant 5 : i32
      %dma_wait3A_2211 = arith.constant 0 : i32
      %dma_wait3A_2212 = arith.constant 0 : i32
      %dma_wait3A_2213 = tpu.memref_slice %arg14[%dma_wait3A_2210, %dma_wait3A_2211, %dma_wait3A_2212] : memref<16x8x128xf32, #tpu.memory_space<vmem>> -> memref<1x8x128xf32, #tpu.memory_space<vmem>>
      %dma_wait3A_2214 = tpu.memref_squeeze %dma_wait3A_2213 : memref<1x8x128xf32, #tpu.memory_space<vmem>> -> memref<8x128xf32, #tpu.memory_space<vmem>>
      %dma_wait3A_2215 = arith.constant 0 : i32
      %dma_wait3A_2216 = arith.constant 0 : i32
      %dma_wait3A_2217 = tpu.memref_slice %arg5[%dma_wait3A_2215, %dma_wait3A_2216] : memref<16x1000000xf32, #tpu.memory_space<hbm>> -> memref<8x128xf32, #tpu.memory_space<hbm>>
      %dma_wait3A_2218 = arith.constant 0 : i32
      %dma_wait3A_2219 = arith.constant 0 : i32
      %dma_wait3A_2220 = tpu.memref_slice %arg14[%dma_wait3A_2210, %dma_wait3A_2218, %dma_wait3A_2219] : memref<16x8x128xf32, #tpu.memory_space<vmem>> -> memref<1x8x128xf32, #tpu.memory_space<vmem>>
      %dma_wait3A_2221 = tpu.memref_squeeze %dma_wait3A_2220 : memref<1x8x128xf32, #tpu.memory_space<vmem>> -> memref<8x128xf32, #tpu.memory_space<vmem>>
      %dma_wait3A_2222 = arith.constant 0 : i32
      %dma_wait3A_2223 = arith.constant 0 : i32
      %dma_wait3A_2224 = tpu.memref_slice %arg5[%dma_wait3A_2222, %dma_wait3A_2223] : memref<16x1000000xf32, #tpu.memory_space<hbm>> -> memref<8x128xf32, #tpu.memory_space<hbm>>
      tpu.wait_dma2 semaphore(%arg21 : memref<!tpu.dma_semaphore, #tpu.memory_space<semaphore_mem>>) src(%dma_wait3A_2224 : memref<8x128xf32, #tpu.memory_space<hbm>>) dst(%dma_wait3A_2221 : memref<8x128xf32, #tpu.memory_space<vmem>>)
      %dma_wait3A_2225 = arith.constant 5 : i32
      %dma_wait3A_2226 = arith.constant 0 : i32
      %dma_wait3A_2227 = arith.constant 0 : i32
      %dma_wait3A_2228 = tpu.memref_slice %arg15[%dma_wait3A_2225, %dma_wait3A_2226, %dma_wait3A_2227] : memref<16x8x128xf32, #tpu.memory_space<vmem>> -> memref<1x8x128xf32, #tpu.memory_space<vmem>>
      %dma_wait3A_2229 = tpu.memref_squeeze %dma_wait3A_2228 : memref<1x8x128xf32, #tpu.memory_space<vmem>> -> memref<8x128xf32, #tpu.memory_space<vmem>>
      %dma_wait3A_2230 = arith.constant 0 : i32
      %dma_wait3A_2231 = arith.constant 0 : i32
      %dma_wait3A_2232 = tpu.memref_slice %arg6[%dma_wait3A_2230, %dma_wait3A_2231] : memref<16x1000000xf32, #tpu.memory_space<hbm>> -> memref<8x128xf32, #tpu.memory_space<hbm>>
      %dma_wait3A_2233 = arith.constant 0 : i32
      %dma_wait3A_2234 = arith.constant 0 : i32
      %dma_wait3A_2235 = tpu.memref_slice %arg15[%dma_wait3A_2225, %dma_wait3A_2233, %dma_wait3A_2234] : memref<16x8x128xf32, #tpu.memory_space<vmem>> -> memref<1x8x128xf32, #tpu.memory_space<vmem>>
      %dma_wait3A_2236 = tpu.memref_squeeze %dma_wait3A_2235 : memref<1x8x128xf32, #tpu.memory_space<vmem>> -> memref<8x128xf32, #tpu.memory_space<vmem>>
      %dma_wait3A_2237 = arith.constant 0 : i32
      %dma_wait3A_2238 = arith.constant 0 : i32
      %dma_wait3A_2239 = tpu.memref_slice %arg6[%dma_wait3A_2237, %dma_wait3A_2238] : memref<16x1000000xf32, #tpu.memory_space<hbm>> -> memref<8x128xf32, #tpu.memory_space<hbm>>
      tpu.wait_dma2 semaphore(%arg21 : memref<!tpu.dma_semaphore, #tpu.memory_space<semaphore_mem>>) src(%dma_wait3A_2239 : memref<8x128xf32, #tpu.memory_space<hbm>>) dst(%dma_wait3A_2236 : memref<8x128xf32, #tpu.memory_space<vmem>>)
      %dma_wait3A_2240 = arith.constant 6 : i32
      %dma_wait3A_2241 = arith.constant 0 : i32
      %dma_wait3A_2242 = arith.constant 0 : i32
      %dma_wait3A_2243 = tpu.memref_slice %arg14[%dma_wait3A_2240, %dma_wait3A_2241, %dma_wait3A_2242] : memref<16x8x128xf32, #tpu.memory_space<vmem>> -> memref<1x8x128xf32, #tpu.memory_space<vmem>>
      %dma_wait3A_2244 = tpu.memref_squeeze %dma_wait3A_2243 : memref<1x8x128xf32, #tpu.memory_space<vmem>> -> memref<8x128xf32, #tpu.memory_space<vmem>>
      %dma_wait3A_2245 = arith.constant 0 : i32
      %dma_wait3A_2246 = arith.constant 0 : i32
      %dma_wait3A_2247 = tpu.memref_slice %arg5[%dma_wait3A_2245, %dma_wait3A_2246] : memref<16x1000000xf32, #tpu.memory_space<hbm>> -> memref<8x128xf32, #tpu.memory_space<hbm>>
      %dma_wait3A_2248 = arith.constant 0 : i32
      %dma_wait3A_2249 = arith.constant 0 : i32
      %dma_wait3A_2250 = tpu.memref_slice %arg14[%dma_wait3A_2240, %dma_wait3A_2248, %dma_wait3A_2249] : memref<16x8x128xf32, #tpu.memory_space<vmem>> -> memref<1x8x128xf32, #tpu.memory_space<vmem>>
      %dma_wait3A_2251 = tpu.memref_squeeze %dma_wait3A_2250 : memref<1x8x128xf32, #tpu.memory_space<vmem>> -> memref<8x128xf32, #tpu.memory_space<vmem>>
      %dma_wait3A_2252 = arith.constant 0 : i32
      %dma_wait3A_2253 = arith.constant 0 : i32
      %dma_wait3A_2254 = tpu.memref_slice %arg5[%dma_wait3A_2252, %dma_wait3A_2253] : memref<16x1000000xf32, #tpu.memory_space<hbm>> -> memref<8x128xf32, #tpu.memory_space<hbm>>
      tpu.wait_dma2 semaphore(%arg21 : memref<!tpu.dma_semaphore, #tpu.memory_space<semaphore_mem>>) src(%dma_wait3A_2254 : memref<8x128xf32, #tpu.memory_space<hbm>>) dst(%dma_wait3A_2251 : memref<8x128xf32, #tpu.memory_space<vmem>>)
      %dma_wait3A_2255 = arith.constant 6 : i32
      %dma_wait3A_2256 = arith.constant 0 : i32
      %dma_wait3A_2257 = arith.constant 0 : i32
      %dma_wait3A_2258 = tpu.memref_slice %arg15[%dma_wait3A_2255, %dma_wait3A_2256, %dma_wait3A_2257] : memref<16x8x128xf32, #tpu.memory_space<vmem>> -> memref<1x8x128xf32, #tpu.memory_space<vmem>>
      %dma_wait3A_2259 = tpu.memref_squeeze %dma_wait3A_2258 : memref<1x8x128xf32, #tpu.memory_space<vmem>> -> memref<8x128xf32, #tpu.memory_space<vmem>>
      %dma_wait3A_2260 = arith.constant 0 : i32
      %dma_wait3A_2261 = arith.constant 0 : i32
      %dma_wait3A_2262 = tpu.memref_slice %arg6[%dma_wait3A_2260, %dma_wait3A_2261] : memref<16x1000000xf32, #tpu.memory_space<hbm>> -> memref<8x128xf32, #tpu.memory_space<hbm>>
      %dma_wait3A_2263 = arith.constant 0 : i32
      %dma_wait3A_2264 = arith.constant 0 : i32
      %dma_wait3A_2265 = tpu.memref_slice %arg15[%dma_wait3A_2255, %dma_wait3A_2263, %dma_wait3A_2264] : memref<16x8x128xf32, #tpu.memory_space<vmem>> -> memref<1x8x128xf32, #tpu.memory_space<vmem>>
      %dma_wait3A_2266 = tpu.memref_squeeze %dma_wait3A_2265 : memref<1x8x128xf32, #tpu.memory_space<vmem>> -> memref<8x128xf32, #tpu.memory_space<vmem>>
      %dma_wait3A_2267 = arith.constant 0 : i32
      %dma_wait3A_2268 = arith.constant 0 : i32
      %dma_wait3A_2269 = tpu.memref_slice %arg6[%dma_wait3A_2267, %dma_wait3A_2268] : memref<16x1000000xf32, #tpu.memory_space<hbm>> -> memref<8x128xf32, #tpu.memory_space<hbm>>
      tpu.wait_dma2 semaphore(%arg21 : memref<!tpu.dma_semaphore, #tpu.memory_space<semaphore_mem>>) src(%dma_wait3A_2269 : memref<8x128xf32, #tpu.memory_space<hbm>>) dst(%dma_wait3A_2266 : memref<8x128xf32, #tpu.memory_space<vmem>>)
      %dma_wait3A_2270 = arith.constant 7 : i32
      %dma_wait3A_2271 = arith.constant 0 : i32
      %dma_wait3A_2272 = arith.constant 0 : i32
      %dma_wait3A_2273 = tpu.memref_slice %arg14[%dma_wait3A_2270, %dma_wait3A_2271, %dma_wait3A_2272] : memref<16x8x128xf32, #tpu.memory_space<vmem>> -> memref<1x8x128xf32, #tpu.memory_space<vmem>>
      %dma_wait3A_2274 = tpu.memref_squeeze %dma_wait3A_2273 : memref<1x8x128xf32, #tpu.memory_space<vmem>> -> memref<8x128xf32, #tpu.memory_space<vmem>>
      %dma_wait3A_2275 = arith.constant 0 : i32
      %dma_wait3A_2276 = arith.constant 0 : i32
      %dma_wait3A_2277 = tpu.memref_slice %arg5[%dma_wait3A_2275, %dma_wait3A_2276] : memref<16x1000000xf32, #tpu.memory_space<hbm>> -> memref<8x128xf32, #tpu.memory_space<hbm>>
      %dma_wait3A_2278 = arith.constant 0 : i32
      %dma_wait3A_2279 = arith.constant 0 : i32
      %dma_wait3A_2280 = tpu.memref_slice %arg14[%dma_wait3A_2270, %dma_wait3A_2278, %dma_wait3A_2279] : memref<16x8x128xf32, #tpu.memory_space<vmem>> -> memref<1x8x128xf32, #tpu.memory_space<vmem>>
      %dma_wait3A_2281 = tpu.memref_squeeze %dma_wait3A_2280 : memref<1x8x128xf32, #tpu.memory_space<vmem>> -> memref<8x128xf32, #tpu.memory_space<vmem>>
      %dma_wait3A_2282 = arith.constant 0 : i32
      %dma_wait3A_2283 = arith.constant 0 : i32
      %dma_wait3A_2284 = tpu.memref_slice %arg5[%dma_wait3A_2282, %dma_wait3A_2283] : memref<16x1000000xf32, #tpu.memory_space<hbm>> -> memref<8x128xf32, #tpu.memory_space<hbm>>
      tpu.wait_dma2 semaphore(%arg21 : memref<!tpu.dma_semaphore, #tpu.memory_space<semaphore_mem>>) src(%dma_wait3A_2284 : memref<8x128xf32, #tpu.memory_space<hbm>>) dst(%dma_wait3A_2281 : memref<8x128xf32, #tpu.memory_space<vmem>>)
      %dma_wait3A_2285 = arith.constant 7 : i32
      %dma_wait3A_2286 = arith.constant 0 : i32
      %dma_wait3A_2287 = arith.constant 0 : i32
      %dma_wait3A_2288 = tpu.memref_slice %arg15[%dma_wait3A_2285, %dma_wait3A_2286, %dma_wait3A_2287] : memref<16x8x128xf32, #tpu.memory_space<vmem>> -> memref<1x8x128xf32, #tpu.memory_space<vmem>>
      %dma_wait3A_2289 = tpu.memref_squeeze %dma_wait3A_2288 : memref<1x8x128xf32, #tpu.memory_space<vmem>> -> memref<8x128xf32, #tpu.memory_space<vmem>>
      %dma_wait3A_2290 = arith.constant 0 : i32
      %dma_wait3A_2291 = arith.constant 0 : i32
      %dma_wait3A_2292 = tpu.memref_slice %arg6[%dma_wait3A_2290, %dma_wait3A_2291] : memref<16x1000000xf32, #tpu.memory_space<hbm>> -> memref<8x128xf32, #tpu.memory_space<hbm>>
      %dma_wait3A_2293 = arith.constant 0 : i32
      %dma_wait3A_2294 = arith.constant 0 : i32
      %dma_wait3A_2295 = tpu.memref_slice %arg15[%dma_wait3A_2285, %dma_wait3A_2293, %dma_wait3A_2294] : memref<16x8x128xf32, #tpu.memory_space<vmem>> -> memref<1x8x128xf32, #tpu.memory_space<vmem>>
      %dma_wait3A_2296 = tpu.memref_squeeze %dma_wait3A_2295 : memref<1x8x128xf32, #tpu.memory_space<vmem>> -> memref<8x128xf32, #tpu.memory_space<vmem>>
      %dma_wait3A_2297 = arith.constant 0 : i32
      %dma_wait3A_2298 = arith.constant 0 : i32
      %dma_wait3A_2299 = tpu.memref_slice %arg6[%dma_wait3A_2297, %dma_wait3A_2298] : memref<16x1000000xf32, #tpu.memory_space<hbm>> -> memref<8x128xf32, #tpu.memory_space<hbm>>
      tpu.wait_dma2 semaphore(%arg21 : memref<!tpu.dma_semaphore, #tpu.memory_space<semaphore_mem>>) src(%dma_wait3A_2299 : memref<8x128xf32, #tpu.memory_space<hbm>>) dst(%dma_wait3A_2296 : memref<8x128xf32, #tpu.memory_space<vmem>>)
      %dma_wait3A_2300 = arith.constant 8 : i32
      %dma_wait3A_2301 = arith.constant 0 : i32
      %dma_wait3A_2302 = arith.constant 0 : i32
      %dma_wait3A_2303 = tpu.memref_slice %arg14[%dma_wait3A_2300, %dma_wait3A_2301, %dma_wait3A_2302] : memref<16x8x128xf32, #tpu.memory_space<vmem>> -> memref<1x8x128xf32, #tpu.memory_space<vmem>>
      %dma_wait3A_2304 = tpu.memref_squeeze %dma_wait3A_2303 : memref<1x8x128xf32, #tpu.memory_space<vmem>> -> memref<8x128xf32, #tpu.memory_space<vmem>>
      %dma_wait3A_2305 = arith.constant 0 : i32
      %dma_wait3A_2306 = arith.constant 0 : i32
      %dma_wait3A_2307 = tpu.memref_slice %arg5[%dma_wait3A_2305, %dma_wait3A_2306] : memref<16x1000000xf32, #tpu.memory_space<hbm>> -> memref<8x128xf32, #tpu.memory_space<hbm>>
      %dma_wait3A_2308 = arith.constant 0 : i32
      %dma_wait3A_2309 = arith.constant 0 : i32
      %dma_wait3A_2310 = tpu.memref_slice %arg14[%dma_wait3A_2300, %dma_wait3A_2308, %dma_wait3A_2309] : memref<16x8x128xf32, #tpu.memory_space<vmem>> -> memref<1x8x128xf32, #tpu.memory_space<vmem>>
      %dma_wait3A_2311 = tpu.memref_squeeze %dma_wait3A_2310 : memref<1x8x128xf32, #tpu.memory_space<vmem>> -> memref<8x128xf32, #tpu.memory_space<vmem>>
      %dma_wait3A_2312 = arith.constant 0 : i32
      %dma_wait3A_2313 = arith.constant 0 : i32
      %dma_wait3A_2314 = tpu.memref_slice %arg5[%dma_wait3A_2312, %dma_wait3A_2313] : memref<16x1000000xf32, #tpu.memory_space<hbm>> -> memref<8x128xf32, #tpu.memory_space<hbm>>
      tpu.wait_dma2 semaphore(%arg21 : memref<!tpu.dma_semaphore, #tpu.memory_space<semaphore_mem>>) src(%dma_wait3A_2314 : memref<8x128xf32, #tpu.memory_space<hbm>>) dst(%dma_wait3A_2311 : memref<8x128xf32, #tpu.memory_space<vmem>>)
      %dma_wait3A_2315 = arith.constant 8 : i32
      %dma_wait3A_2316 = arith.constant 0 : i32
      %dma_wait3A_2317 = arith.constant 0 : i32
      %dma_wait3A_2318 = tpu.memref_slice %arg15[%dma_wait3A_2315, %dma_wait3A_2316, %dma_wait3A_2317] : memref<16x8x128xf32, #tpu.memory_space<vmem>> -> memref<1x8x128xf32, #tpu.memory_space<vmem>>
      %dma_wait3A_2319 = tpu.memref_squeeze %dma_wait3A_2318 : memref<1x8x128xf32, #tpu.memory_space<vmem>> -> memref<8x128xf32, #tpu.memory_space<vmem>>
      %dma_wait3A_2320 = arith.constant 0 : i32
      %dma_wait3A_2321 = arith.constant 0 : i32
      %dma_wait3A_2322 = tpu.memref_slice %arg6[%dma_wait3A_2320, %dma_wait3A_2321] : memref<16x1000000xf32, #tpu.memory_space<hbm>> -> memref<8x128xf32, #tpu.memory_space<hbm>>
      %dma_wait3A_2323 = arith.constant 0 : i32
      %dma_wait3A_2324 = arith.constant 0 : i32
      %dma_wait3A_2325 = tpu.memref_slice %arg15[%dma_wait3A_2315, %dma_wait3A_2323, %dma_wait3A_2324] : memref<16x8x128xf32, #tpu.memory_space<vmem>> -> memref<1x8x128xf32, #tpu.memory_space<vmem>>
      %dma_wait3A_2326 = tpu.memref_squeeze %dma_wait3A_2325 : memref<1x8x128xf32, #tpu.memory_space<vmem>> -> memref<8x128xf32, #tpu.memory_space<vmem>>
      %dma_wait3A_2327 = arith.constant 0 : i32
      %dma_wait3A_2328 = arith.constant 0 : i32
      %dma_wait3A_2329 = tpu.memref_slice %arg6[%dma_wait3A_2327, %dma_wait3A_2328] : memref<16x1000000xf32, #tpu.memory_space<hbm>> -> memref<8x128xf32, #tpu.memory_space<hbm>>
      tpu.wait_dma2 semaphore(%arg21 : memref<!tpu.dma_semaphore, #tpu.memory_space<semaphore_mem>>) src(%dma_wait3A_2329 : memref<8x128xf32, #tpu.memory_space<hbm>>) dst(%dma_wait3A_2326 : memref<8x128xf32, #tpu.memory_space<vmem>>)
      %dma_wait3A_2330 = arith.constant 9 : i32
      %dma_wait3A_2331 = arith.constant 0 : i32
      %dma_wait3A_2332 = arith.constant 0 : i32
      %dma_wait3A_2333 = tpu.memref_slice %arg14[%dma_wait3A_2330, %dma_wait3A_2331, %dma_wait3A_2332] : memref<16x8x128xf32, #tpu.memory_space<vmem>> -> memref<1x8x128xf32, #tpu.memory_space<vmem>>
      %dma_wait3A_2334 = tpu.memref_squeeze %dma_wait3A_2333 : memref<1x8x128xf32, #tpu.memory_space<vmem>> -> memref<8x128xf32, #tpu.memory_space<vmem>>
      %dma_wait3A_2335 = arith.constant 0 : i32
      %dma_wait3A_2336 = arith.constant 0 : i32
      %dma_wait3A_2337 = tpu.memref_slice %arg5[%dma_wait3A_2335, %dma_wait3A_2336] : memref<16x1000000xf32, #tpu.memory_space<hbm>> -> memref<8x128xf32, #tpu.memory_space<hbm>>
      %dma_wait3A_2338 = arith.constant 0 : i32
      %dma_wait3A_2339 = arith.constant 0 : i32
      %dma_wait3A_2340 = tpu.memref_slice %arg14[%dma_wait3A_2330, %dma_wait3A_2338, %dma_wait3A_2339] : memref<16x8x128xf32, #tpu.memory_space<vmem>> -> memref<1x8x128xf32, #tpu.memory_space<vmem>>
      %dma_wait3A_2341 = tpu.memref_squeeze %dma_wait3A_2340 : memref<1x8x128xf32, #tpu.memory_space<vmem>> -> memref<8x128xf32, #tpu.memory_space<vmem>>
      %dma_wait3A_2342 = arith.constant 0 : i32
      %dma_wait3A_2343 = arith.constant 0 : i32
      %dma_wait3A_2344 = tpu.memref_slice %arg5[%dma_wait3A_2342, %dma_wait3A_2343] : memref<16x1000000xf32, #tpu.memory_space<hbm>> -> memref<8x128xf32, #tpu.memory_space<hbm>>
      tpu.wait_dma2 semaphore(%arg21 : memref<!tpu.dma_semaphore, #tpu.memory_space<semaphore_mem>>) src(%dma_wait3A_2344 : memref<8x128xf32, #tpu.memory_space<hbm>>) dst(%dma_wait3A_2341 : memref<8x128xf32, #tpu.memory_space<vmem>>)
      %dma_wait3A_2345 = arith.constant 9 : i32
      %dma_wait3A_2346 = arith.constant 0 : i32
      %dma_wait3A_2347 = arith.constant 0 : i32
      %dma_wait3A_2348 = tpu.memref_slice %arg15[%dma_wait3A_2345, %dma_wait3A_2346, %dma_wait3A_2347] : memref<16x8x128xf32, #tpu.memory_space<vmem>> -> memref<1x8x128xf32, #tpu.memory_space<vmem>>
      %dma_wait3A_2349 = tpu.memref_squeeze %dma_wait3A_2348 : memref<1x8x128xf32, #tpu.memory_space<vmem>> -> memref<8x128xf32, #tpu.memory_space<vmem>>
      %dma_wait3A_2350 = arith.constant 0 : i32
      %dma_wait3A_2351 = arith.constant 0 : i32
      %dma_wait3A_2352 = tpu.memref_slice %arg6[%dma_wait3A_2350, %dma_wait3A_2351] : memref<16x1000000xf32, #tpu.memory_space<hbm>> -> memref<8x128xf32, #tpu.memory_space<hbm>>
      %dma_wait3A_2353 = arith.constant 0 : i32
      %dma_wait3A_2354 = arith.constant 0 : i32
      %dma_wait3A_2355 = tpu.memref_slice %arg15[%dma_wait3A_2345, %dma_wait3A_2353, %dma_wait3A_2354] : memref<16x8x128xf32, #tpu.memory_space<vmem>> -> memref<1x8x128xf32, #tpu.memory_space<vmem>>
      %dma_wait3A_2356 = tpu.memref_squeeze %dma_wait3A_2355 : memref<1x8x128xf32, #tpu.memory_space<vmem>> -> memref<8x128xf32, #tpu.memory_space<vmem>>
      %dma_wait3A_2357 = arith.constant 0 : i32
      %dma_wait3A_2358 = arith.constant 0 : i32
      %dma_wait3A_2359 = tpu.memref_slice %arg6[%dma_wait3A_2357, %dma_wait3A_2358] : memref<16x1000000xf32, #tpu.memory_space<hbm>> -> memref<8x128xf32, #tpu.memory_space<hbm>>
      tpu.wait_dma2 semaphore(%arg21 : memref<!tpu.dma_semaphore, #tpu.memory_space<semaphore_mem>>) src(%dma_wait3A_2359 : memref<8x128xf32, #tpu.memory_space<hbm>>) dst(%dma_wait3A_2356 : memref<8x128xf32, #tpu.memory_space<vmem>>)
      %dma_wait3A_2360 = arith.constant 10 : i32
      %dma_wait3A_2361 = arith.constant 0 : i32
      %dma_wait3A_2362 = arith.constant 0 : i32
      %dma_wait3A_2363 = tpu.memref_slice %arg14[%dma_wait3A_2360, %dma_wait3A_2361, %dma_wait3A_2362] : memref<16x8x128xf32, #tpu.memory_space<vmem>> -> memref<1x8x128xf32, #tpu.memory_space<vmem>>
      %dma_wait3A_2364 = tpu.memref_squeeze %dma_wait3A_2363 : memref<1x8x128xf32, #tpu.memory_space<vmem>> -> memref<8x128xf32, #tpu.memory_space<vmem>>
      %dma_wait3A_2365 = arith.constant 0 : i32
      %dma_wait3A_2366 = arith.constant 0 : i32
      %dma_wait3A_2367 = tpu.memref_slice %arg5[%dma_wait3A_2365, %dma_wait3A_2366] : memref<16x1000000xf32, #tpu.memory_space<hbm>> -> memref<8x128xf32, #tpu.memory_space<hbm>>
      %dma_wait3A_2368 = arith.constant 0 : i32
      %dma_wait3A_2369 = arith.constant 0 : i32
      %dma_wait3A_2370 = tpu.memref_slice %arg14[%dma_wait3A_2360, %dma_wait3A_2368, %dma_wait3A_2369] : memref<16x8x128xf32, #tpu.memory_space<vmem>> -> memref<1x8x128xf32, #tpu.memory_space<vmem>>
      %dma_wait3A_2371 = tpu.memref_squeeze %dma_wait3A_2370 : memref<1x8x128xf32, #tpu.memory_space<vmem>> -> memref<8x128xf32, #tpu.memory_space<vmem>>
      %dma_wait3A_2372 = arith.constant 0 : i32
      %dma_wait3A_2373 = arith.constant 0 : i32
      %dma_wait3A_2374 = tpu.memref_slice %arg5[%dma_wait3A_2372, %dma_wait3A_2373] : memref<16x1000000xf32, #tpu.memory_space<hbm>> -> memref<8x128xf32, #tpu.memory_space<hbm>>
      tpu.wait_dma2 semaphore(%arg21 : memref<!tpu.dma_semaphore, #tpu.memory_space<semaphore_mem>>) src(%dma_wait3A_2374 : memref<8x128xf32, #tpu.memory_space<hbm>>) dst(%dma_wait3A_2371 : memref<8x128xf32, #tpu.memory_space<vmem>>)
      %dma_wait3A_2375 = arith.constant 10 : i32
      %dma_wait3A_2376 = arith.constant 0 : i32
      %dma_wait3A_2377 = arith.constant 0 : i32
      %dma_wait3A_2378 = tpu.memref_slice %arg15[%dma_wait3A_2375, %dma_wait3A_2376, %dma_wait3A_2377] : memref<16x8x128xf32, #tpu.memory_space<vmem>> -> memref<1x8x128xf32, #tpu.memory_space<vmem>>
      %dma_wait3A_2379 = tpu.memref_squeeze %dma_wait3A_2378 : memref<1x8x128xf32, #tpu.memory_space<vmem>> -> memref<8x128xf32, #tpu.memory_space<vmem>>
      %dma_wait3A_2380 = arith.constant 0 : i32
      %dma_wait3A_2381 = arith.constant 0 : i32
      %dma_wait3A_2382 = tpu.memref_slice %arg6[%dma_wait3A_2380, %dma_wait3A_2381] : memref<16x1000000xf32, #tpu.memory_space<hbm>> -> memref<8x128xf32, #tpu.memory_space<hbm>>
      %dma_wait3A_2383 = arith.constant 0 : i32
      %dma_wait3A_2384 = arith.constant 0 : i32
      %dma_wait3A_2385 = tpu.memref_slice %arg15[%dma_wait3A_2375, %dma_wait3A_2383, %dma_wait3A_2384] : memref<16x8x128xf32, #tpu.memory_space<vmem>> -> memref<1x8x128xf32, #tpu.memory_space<vmem>>
      %dma_wait3A_2386 = tpu.memref_squeeze %dma_wait3A_2385 : memref<1x8x128xf32, #tpu.memory_space<vmem>> -> memref<8x128xf32, #tpu.memory_space<vmem>>
      %dma_wait3A_2387 = arith.constant 0 : i32
      %dma_wait3A_2388 = arith.constant 0 : i32
      %dma_wait3A_2389 = tpu.memref_slice %arg6[%dma_wait3A_2387, %dma_wait3A_2388] : memref<16x1000000xf32, #tpu.memory_space<hbm>> -> memref<8x128xf32, #tpu.memory_space<hbm>>
      tpu.wait_dma2 semaphore(%arg21 : memref<!tpu.dma_semaphore, #tpu.memory_space<semaphore_mem>>) src(%dma_wait3A_2389 : memref<8x128xf32, #tpu.memory_space<hbm>>) dst(%dma_wait3A_2386 : memref<8x128xf32, #tpu.memory_space<vmem>>)
      %dma_wait3A_2390 = arith.constant 11 : i32
      %dma_wait3A_2391 = arith.constant 0 : i32
      %dma_wait3A_2392 = arith.constant 0 : i32
      %dma_wait3A_2393 = tpu.memref_slice %arg14[%dma_wait3A_2390, %dma_wait3A_2391, %dma_wait3A_2392] : memref<16x8x128xf32, #tpu.memory_space<vmem>> -> memref<1x8x128xf32, #tpu.memory_space<vmem>>
      %dma_wait3A_2394 = tpu.memref_squeeze %dma_wait3A_2393 : memref<1x8x128xf32, #tpu.memory_space<vmem>> -> memref<8x128xf32, #tpu.memory_space<vmem>>
      %dma_wait3A_2395 = arith.constant 0 : i32
      %dma_wait3A_2396 = arith.constant 0 : i32
      %dma_wait3A_2397 = tpu.memref_slice %arg5[%dma_wait3A_2395, %dma_wait3A_2396] : memref<16x1000000xf32, #tpu.memory_space<hbm>> -> memref<8x128xf32, #tpu.memory_space<hbm>>
      %dma_wait3A_2398 = arith.constant 0 : i32
      %dma_wait3A_2399 = arith.constant 0 : i32
      %dma_wait3A_2400 = tpu.memref_slice %arg14[%dma_wait3A_2390, %dma_wait3A_2398, %dma_wait3A_2399] : memref<16x8x128xf32, #tpu.memory_space<vmem>> -> memref<1x8x128xf32, #tpu.memory_space<vmem>>
      %dma_wait3A_2401 = tpu.memref_squeeze %dma_wait3A_2400 : memref<1x8x128xf32, #tpu.memory_space<vmem>> -> memref<8x128xf32, #tpu.memory_space<vmem>>
      %dma_wait3A_2402 = arith.constant 0 : i32
      %dma_wait3A_2403 = arith.constant 0 : i32
      %dma_wait3A_2404 = tpu.memref_slice %arg5[%dma_wait3A_2402, %dma_wait3A_2403] : memref<16x1000000xf32, #tpu.memory_space<hbm>> -> memref<8x128xf32, #tpu.memory_space<hbm>>
      tpu.wait_dma2 semaphore(%arg21 : memref<!tpu.dma_semaphore, #tpu.memory_space<semaphore_mem>>) src(%dma_wait3A_2404 : memref<8x128xf32, #tpu.memory_space<hbm>>) dst(%dma_wait3A_2401 : memref<8x128xf32, #tpu.memory_space<vmem>>)
      %dma_wait3A_2405 = arith.constant 11 : i32
      %dma_wait3A_2406 = arith.constant 0 : i32
      %dma_wait3A_2407 = arith.constant 0 : i32
      %dma_wait3A_2408 = tpu.memref_slice %arg15[%dma_wait3A_2405, %dma_wait3A_2406, %dma_wait3A_2407] : memref<16x8x128xf32, #tpu.memory_space<vmem>> -> memref<1x8x128xf32, #tpu.memory_space<vmem>>
      %dma_wait3A_2409 = tpu.memref_squeeze %dma_wait3A_2408 : memref<1x8x128xf32, #tpu.memory_space<vmem>> -> memref<8x128xf32, #tpu.memory_space<vmem>>
      %dma_wait3A_2410 = arith.constant 0 : i32
      %dma_wait3A_2411 = arith.constant 0 : i32
      %dma_wait3A_2412 = tpu.memref_slice %arg6[%dma_wait3A_2410, %dma_wait3A_2411] : memref<16x1000000xf32, #tpu.memory_space<hbm>> -> memref<8x128xf32, #tpu.memory_space<hbm>>
      %dma_wait3A_2413 = arith.constant 0 : i32
      %dma_wait3A_2414 = arith.constant 0 : i32
      %dma_wait3A_2415 = tpu.memref_slice %arg15[%dma_wait3A_2405, %dma_wait3A_2413, %dma_wait3A_2414] : memref<16x8x128xf32, #tpu.memory_space<vmem>> -> memref<1x8x128xf32, #tpu.memory_space<vmem>>
      %dma_wait3A_2416 = tpu.memref_squeeze %dma_wait3A_2415 : memref<1x8x128xf32, #tpu.memory_space<vmem>> -> memref<8x128xf32, #tpu.memory_space<vmem>>
      %dma_wait3A_2417 = arith.constant 0 : i32
      %dma_wait3A_2418 = arith.constant 0 : i32
      %dma_wait3A_2419 = tpu.memref_slice %arg6[%dma_wait3A_2417, %dma_wait3A_2418] : memref<16x1000000xf32, #tpu.memory_space<hbm>> -> memref<8x128xf32, #tpu.memory_space<hbm>>
      tpu.wait_dma2 semaphore(%arg21 : memref<!tpu.dma_semaphore, #tpu.memory_space<semaphore_mem>>) src(%dma_wait3A_2419 : memref<8x128xf32, #tpu.memory_space<hbm>>) dst(%dma_wait3A_2416 : memref<8x128xf32, #tpu.memory_space<vmem>>)
      %dma_wait3A_2420 = arith.constant 12 : i32
      %dma_wait3A_2421 = arith.constant 0 : i32
      %dma_wait3A_2422 = arith.constant 0 : i32
      %dma_wait3A_2423 = tpu.memref_slice %arg14[%dma_wait3A_2420, %dma_wait3A_2421, %dma_wait3A_2422] : memref<16x8x128xf32, #tpu.memory_space<vmem>> -> memref<1x8x128xf32, #tpu.memory_space<vmem>>
      %dma_wait3A_2424 = tpu.memref_squeeze %dma_wait3A_2423 : memref<1x8x128xf32, #tpu.memory_space<vmem>> -> memref<8x128xf32, #tpu.memory_space<vmem>>
      %dma_wait3A_2425 = arith.constant 0 : i32
      %dma_wait3A_2426 = arith.constant 0 : i32
      %dma_wait3A_2427 = tpu.memref_slice %arg5[%dma_wait3A_2425, %dma_wait3A_2426] : memref<16x1000000xf32, #tpu.memory_space<hbm>> -> memref<8x128xf32, #tpu.memory_space<hbm>>
      %dma_wait3A_2428 = arith.constant 0 : i32
      %dma_wait3A_2429 = arith.constant 0 : i32
      %dma_wait3A_2430 = tpu.memref_slice %arg14[%dma_wait3A_2420, %dma_wait3A_2428, %dma_wait3A_2429] : memref<16x8x128xf32, #tpu.memory_space<vmem>> -> memref<1x8x128xf32, #tpu.memory_space<vmem>>
      %dma_wait3A_2431 = tpu.memref_squeeze %dma_wait3A_2430 : memref<1x8x128xf32, #tpu.memory_space<vmem>> -> memref<8x128xf32, #tpu.memory_space<vmem>>
      %dma_wait3A_2432 = arith.constant 0 : i32
      %dma_wait3A_2433 = arith.constant 0 : i32
      %dma_wait3A_2434 = tpu.memref_slice %arg5[%dma_wait3A_2432, %dma_wait3A_2433] : memref<16x1000000xf32, #tpu.memory_space<hbm>> -> memref<8x128xf32, #tpu.memory_space<hbm>>
      tpu.wait_dma2 semaphore(%arg21 : memref<!tpu.dma_semaphore, #tpu.memory_space<semaphore_mem>>) src(%dma_wait3A_2434 : memref<8x128xf32, #tpu.memory_space<hbm>>) dst(%dma_wait3A_2431 : memref<8x128xf32, #tpu.memory_space<vmem>>)
      %dma_wait3A_2435 = arith.constant 12 : i32
      %dma_wait3A_2436 = arith.constant 0 : i32
      %dma_wait3A_2437 = arith.constant 0 : i32
      %dma_wait3A_2438 = tpu.memref_slice %arg15[%dma_wait3A_2435, %dma_wait3A_2436, %dma_wait3A_2437] : memref<16x8x128xf32, #tpu.memory_space<vmem>> -> memref<1x8x128xf32, #tpu.memory_space<vmem>>
      %dma_wait3A_2439 = tpu.memref_squeeze %dma_wait3A_2438 : memref<1x8x128xf32, #tpu.memory_space<vmem>> -> memref<8x128xf32, #tpu.memory_space<vmem>>
      %dma_wait3A_2440 = arith.constant 0 : i32
      %dma_wait3A_2441 = arith.constant 0 : i32
      %dma_wait3A_2442 = tpu.memref_slice %arg6[%dma_wait3A_2440, %dma_wait3A_2441] : memref<16x1000000xf32, #tpu.memory_space<hbm>> -> memref<8x128xf32, #tpu.memory_space<hbm>>
      %dma_wait3A_2443 = arith.constant 0 : i32
      %dma_wait3A_2444 = arith.constant 0 : i32
      %dma_wait3A_2445 = tpu.memref_slice %arg15[%dma_wait3A_2435, %dma_wait3A_2443, %dma_wait3A_2444] : memref<16x8x128xf32, #tpu.memory_space<vmem>> -> memref<1x8x128xf32, #tpu.memory_space<vmem>>
      %dma_wait3A_2446 = tpu.memref_squeeze %dma_wait3A_2445 : memref<1x8x128xf32, #tpu.memory_space<vmem>> -> memref<8x128xf32, #tpu.memory_space<vmem>>
      %dma_wait3A_2447 = arith.constant 0 : i32
      %dma_wait3A_2448 = arith.constant 0 : i32
      %dma_wait3A_2449 = tpu.memref_slice %arg6[%dma_wait3A_2447, %dma_wait3A_2448] : memref<16x1000000xf32, #tpu.memory_space<hbm>> -> memref<8x128xf32, #tpu.memory_space<hbm>>
      tpu.wait_dma2 semaphore(%arg21 : memref<!tpu.dma_semaphore, #tpu.memory_space<semaphore_mem>>) src(%dma_wait3A_2449 : memref<8x128xf32, #tpu.memory_space<hbm>>) dst(%dma_wait3A_2446 : memref<8x128xf32, #tpu.memory_space<vmem>>)
      %dma_wait3A_2450 = arith.constant 13 : i32
      %dma_wait3A_2451 = arith.constant 0 : i32
      %dma_wait3A_2452 = arith.constant 0 : i32
      %dma_wait3A_2453 = tpu.memref_slice %arg14[%dma_wait3A_2450, %dma_wait3A_2451, %dma_wait3A_2452] : memref<16x8x128xf32, #tpu.memory_space<vmem>> -> memref<1x8x128xf32, #tpu.memory_space<vmem>>
      %dma_wait3A_2454 = tpu.memref_squeeze %dma_wait3A_2453 : memref<1x8x128xf32, #tpu.memory_space<vmem>> -> memref<8x128xf32, #tpu.memory_space<vmem>>
      %dma_wait3A_2455 = arith.constant 0 : i32
      %dma_wait3A_2456 = arith.constant 0 : i32
      %dma_wait3A_2457 = tpu.memref_slice %arg5[%dma_wait3A_2455, %dma_wait3A_2456] : memref<16x1000000xf32, #tpu.memory_space<hbm>> -> memref<8x128xf32, #tpu.memory_space<hbm>>
      %dma_wait3A_2458 = arith.constant 0 : i32
      %dma_wait3A_2459 = arith.constant 0 : i32
      %dma_wait3A_2460 = tpu.memref_slice %arg14[%dma_wait3A_2450, %dma_wait3A_2458, %dma_wait3A_2459] : memref<16x8x128xf32, #tpu.memory_space<vmem>> -> memref<1x8x128xf32, #tpu.memory_space<vmem>>
      %dma_wait3A_2461 = tpu.memref_squeeze %dma_wait3A_2460 : memref<1x8x128xf32, #tpu.memory_space<vmem>> -> memref<8x128xf32, #tpu.memory_space<vmem>>
      %dma_wait3A_2462 = arith.constant 0 : i32
      %dma_wait3A_2463 = arith.constant 0 : i32
      %dma_wait3A_2464 = tpu.memref_slice %arg5[%dma_wait3A_2462, %dma_wait3A_2463] : memref<16x1000000xf32, #tpu.memory_space<hbm>> -> memref<8x128xf32, #tpu.memory_space<hbm>>
      tpu.wait_dma2 semaphore(%arg21 : memref<!tpu.dma_semaphore, #tpu.memory_space<semaphore_mem>>) src(%dma_wait3A_2464 : memref<8x128xf32, #tpu.memory_space<hbm>>) dst(%dma_wait3A_2461 : memref<8x128xf32, #tpu.memory_space<vmem>>)
      %dma_wait3A_2465 = arith.constant 13 : i32
      %dma_wait3A_2466 = arith.constant 0 : i32
      %dma_wait3A_2467 = arith.constant 0 : i32
      %dma_wait3A_2468 = tpu.memref_slice %arg15[%dma_wait3A_2465, %dma_wait3A_2466, %dma_wait3A_2467] : memref<16x8x128xf32, #tpu.memory_space<vmem>> -> memref<1x8x128xf32, #tpu.memory_space<vmem>>
      %dma_wait3A_2469 = tpu.memref_squeeze %dma_wait3A_2468 : memref<1x8x128xf32, #tpu.memory_space<vmem>> -> memref<8x128xf32, #tpu.memory_space<vmem>>
      %dma_wait3A_2470 = arith.constant 0 : i32
      %dma_wait3A_2471 = arith.constant 0 : i32
      %dma_wait3A_2472 = tpu.memref_slice %arg6[%dma_wait3A_2470, %dma_wait3A_2471] : memref<16x1000000xf32, #tpu.memory_space<hbm>> -> memref<8x128xf32, #tpu.memory_space<hbm>>
      %dma_wait3A_2473 = arith.constant 0 : i32
      %dma_wait3A_2474 = arith.constant 0 : i32
      %dma_wait3A_2475 = tpu.memref_slice %arg15[%dma_wait3A_2465, %dma_wait3A_2473, %dma_wait3A_2474] : memref<16x8x128xf32, #tpu.memory_space<vmem>> -> memref<1x8x128xf32, #tpu.memory_space<vmem>>
      %dma_wait3A_2476 = tpu.memref_squeeze %dma_wait3A_2475 : memref<1x8x128xf32, #tpu.memory_space<vmem>> -> memref<8x128xf32, #tpu.memory_space<vmem>>
      %dma_wait3A_2477 = arith.constant 0 : i32
      %dma_wait3A_2478 = arith.constant 0 : i32
      %dma_wait3A_2479 = tpu.memref_slice %arg6[%dma_wait3A_2477, %dma_wait3A_2478] : memref<16x1000000xf32, #tpu.memory_space<hbm>> -> memref<8x128xf32, #tpu.memory_space<hbm>>
      tpu.wait_dma2 semaphore(%arg21 : memref<!tpu.dma_semaphore, #tpu.memory_space<semaphore_mem>>) src(%dma_wait3A_2479 : memref<8x128xf32, #tpu.memory_space<hbm>>) dst(%dma_wait3A_2476 : memref<8x128xf32, #tpu.memory_space<vmem>>)
      %dma_wait3A_2480 = arith.constant 14 : i32
      %dma_wait3A_2481 = arith.constant 0 : i32
      %dma_wait3A_2482 = arith.constant 0 : i32
      %dma_wait3A_2483 = tpu.memref_slice %arg14[%dma_wait3A_2480, %dma_wait3A_2481, %dma_wait3A_2482] : memref<16x8x128xf32, #tpu.memory_space<vmem>> -> memref<1x8x128xf32, #tpu.memory_space<vmem>>
      %dma_wait3A_2484 = tpu.memref_squeeze %dma_wait3A_2483 : memref<1x8x128xf32, #tpu.memory_space<vmem>> -> memref<8x128xf32, #tpu.memory_space<vmem>>
      %dma_wait3A_2485 = arith.constant 0 : i32
      %dma_wait3A_2486 = arith.constant 0 : i32
      %dma_wait3A_2487 = tpu.memref_slice %arg5[%dma_wait3A_2485, %dma_wait3A_2486] : memref<16x1000000xf32, #tpu.memory_space<hbm>> -> memref<8x128xf32, #tpu.memory_space<hbm>>
      %dma_wait3A_2488 = arith.constant 0 : i32
      %dma_wait3A_2489 = arith.constant 0 : i32
      %dma_wait3A_2490 = tpu.memref_slice %arg14[%dma_wait3A_2480, %dma_wait3A_2488, %dma_wait3A_2489] : memref<16x8x128xf32, #tpu.memory_space<vmem>> -> memref<1x8x128xf32, #tpu.memory_space<vmem>>
      %dma_wait3A_2491 = tpu.memref_squeeze %dma_wait3A_2490 : memref<1x8x128xf32, #tpu.memory_space<vmem>> -> memref<8x128xf32, #tpu.memory_space<vmem>>
      %dma_wait3A_2492 = arith.constant 0 : i32
      %dma_wait3A_2493 = arith.constant 0 : i32
      %dma_wait3A_2494 = tpu.memref_slice %arg5[%dma_wait3A_2492, %dma_wait3A_2493] : memref<16x1000000xf32, #tpu.memory_space<hbm>> -> memref<8x128xf32, #tpu.memory_space<hbm>>
      tpu.wait_dma2 semaphore(%arg21 : memref<!tpu.dma_semaphore, #tpu.memory_space<semaphore_mem>>) src(%dma_wait3A_2494 : memref<8x128xf32, #tpu.memory_space<hbm>>) dst(%dma_wait3A_2491 : memref<8x128xf32, #tpu.memory_space<vmem>>)
      %dma_wait3A_2495 = arith.constant 14 : i32
      %dma_wait3A_2496 = arith.constant 0 : i32
      %dma_wait3A_2497 = arith.constant 0 : i32
      %dma_wait3A_2498 = tpu.memref_slice %arg15[%dma_wait3A_2495, %dma_wait3A_2496, %dma_wait3A_2497] : memref<16x8x128xf32, #tpu.memory_space<vmem>> -> memref<1x8x128xf32, #tpu.memory_space<vmem>>
      %dma_wait3A_2499 = tpu.memref_squeeze %dma_wait3A_2498 : memref<1x8x128xf32, #tpu.memory_space<vmem>> -> memref<8x128xf32, #tpu.memory_space<vmem>>
      %dma_wait3A_2500 = arith.constant 0 : i32
      %dma_wait3A_2501 = arith.constant 0 : i32
      %dma_wait3A_2502 = tpu.memref_slice %arg6[%dma_wait3A_2500, %dma_wait3A_2501] : memref<16x1000000xf32, #tpu.memory_space<hbm>> -> memref<8x128xf32, #tpu.memory_space<hbm>>
      %dma_wait3A_2503 = arith.constant 0 : i32
      %dma_wait3A_2504 = arith.constant 0 : i32
      %dma_wait3A_2505 = tpu.memref_slice %arg15[%dma_wait3A_2495, %dma_wait3A_2503, %dma_wait3A_2504] : memref<16x8x128xf32, #tpu.memory_space<vmem>> -> memref<1x8x128xf32, #tpu.memory_space<vmem>>
      %dma_wait3A_2506 = tpu.memref_squeeze %dma_wait3A_2505 : memref<1x8x128xf32, #tpu.memory_space<vmem>> -> memref<8x128xf32, #tpu.memory_space<vmem>>
      %dma_wait3A_2507 = arith.constant 0 : i32
      %dma_wait3A_2508 = arith.constant 0 : i32
      %dma_wait3A_2509 = tpu.memref_slice %arg6[%dma_wait3A_2507, %dma_wait3A_2508] : memref<16x1000000xf32, #tpu.memory_space<hbm>> -> memref<8x128xf32, #tpu.memory_space<hbm>>
      tpu.wait_dma2 semaphore(%arg21 : memref<!tpu.dma_semaphore, #tpu.memory_space<semaphore_mem>>) src(%dma_wait3A_2509 : memref<8x128xf32, #tpu.memory_space<hbm>>) dst(%dma_wait3A_2506 : memref<8x128xf32, #tpu.memory_space<vmem>>)
      %dma_wait3A_2510 = arith.constant 15 : i32
      %dma_wait3A_2511 = arith.constant 0 : i32
      %dma_wait3A_2512 = arith.constant 0 : i32
      %dma_wait3A_2513 = tpu.memref_slice %arg14[%dma_wait3A_2510, %dma_wait3A_2511, %dma_wait3A_2512] : memref<16x8x128xf32, #tpu.memory_space<vmem>> -> memref<1x8x128xf32, #tpu.memory_space<vmem>>
      %dma_wait3A_2514 = tpu.memref_squeeze %dma_wait3A_2513 : memref<1x8x128xf32, #tpu.memory_space<vmem>> -> memref<8x128xf32, #tpu.memory_space<vmem>>
      %dma_wait3A_2515 = arith.constant 0 : i32
      %dma_wait3A_2516 = arith.constant 0 : i32
      %dma_wait3A_2517 = tpu.memref_slice %arg5[%dma_wait3A_2515, %dma_wait3A_2516] : memref<16x1000000xf32, #tpu.memory_space<hbm>> -> memref<8x128xf32, #tpu.memory_space<hbm>>
      %dma_wait3A_2518 = arith.constant 0 : i32
      %dma_wait3A_2519 = arith.constant 0 : i32
      %dma_wait3A_2520 = tpu.memref_slice %arg14[%dma_wait3A_2510, %dma_wait3A_2518, %dma_wait3A_2519] : memref<16x8x128xf32, #tpu.memory_space<vmem>> -> memref<1x8x128xf32, #tpu.memory_space<vmem>>
      %dma_wait3A_2521 = tpu.memref_squeeze %dma_wait3A_2520 : memref<1x8x128xf32, #tpu.memory_space<vmem>> -> memref<8x128xf32, #tpu.memory_space<vmem>>
      %dma_wait3A_2522 = arith.constant 0 : i32
      %dma_wait3A_2523 = arith.constant 0 : i32
      %dma_wait3A_2524 = tpu.memref_slice %arg5[%dma_wait3A_2522, %dma_wait3A_2523] : memref<16x1000000xf32, #tpu.memory_space<hbm>> -> memref<8x128xf32, #tpu.memory_space<hbm>>
      tpu.wait_dma2 semaphore(%arg21 : memref<!tpu.dma_semaphore, #tpu.memory_space<semaphore_mem>>) src(%dma_wait3A_2524 : memref<8x128xf32, #tpu.memory_space<hbm>>) dst(%dma_wait3A_2521 : memref<8x128xf32, #tpu.memory_space<vmem>>)
      %dma_wait3A_2525 = arith.constant 15 : i32
      %dma_wait3A_2526 = arith.constant 0 : i32
      %dma_wait3A_2527 = arith.constant 0 : i32
      %dma_wait3A_2528 = tpu.memref_slice %arg15[%dma_wait3A_2525, %dma_wait3A_2526, %dma_wait3A_2527] : memref<16x8x128xf32, #tpu.memory_space<vmem>> -> memref<1x8x128xf32, #tpu.memory_space<vmem>>
      %dma_wait3A_2529 = tpu.memref_squeeze %dma_wait3A_2528 : memref<1x8x128xf32, #tpu.memory_space<vmem>> -> memref<8x128xf32, #tpu.memory_space<vmem>>
      %dma_wait3A_2530 = arith.constant 0 : i32
      %dma_wait3A_2531 = arith.constant 0 : i32
      %dma_wait3A_2532 = tpu.memref_slice %arg6[%dma_wait3A_2530, %dma_wait3A_2531] : memref<16x1000000xf32, #tpu.memory_space<hbm>> -> memref<8x128xf32, #tpu.memory_space<hbm>>
      %dma_wait3A_2533 = arith.constant 0 : i32
      %dma_wait3A_2534 = arith.constant 0 : i32
      %dma_wait3A_2535 = tpu.memref_slice %arg15[%dma_wait3A_2525, %dma_wait3A_2533, %dma_wait3A_2534] : memref<16x8x128xf32, #tpu.memory_space<vmem>> -> memref<1x8x128xf32, #tpu.memory_space<vmem>>
      %dma_wait3A_2536 = tpu.memref_squeeze %dma_wait3A_2535 : memref<1x8x128xf32, #tpu.memory_space<vmem>> -> memref<8x128xf32, #tpu.memory_space<vmem>>
      %dma_wait3A_2537 = arith.constant 0 : i32
      %dma_wait3A_2538 = arith.constant 0 : i32
      %dma_wait3A_2539 = tpu.memref_slice %arg6[%dma_wait3A_2537, %dma_wait3A_2538] : memref<16x1000000xf32, #tpu.memory_space<hbm>> -> memref<8x128xf32, #tpu.memory_space<hbm>>
      tpu.wait_dma2 semaphore(%arg21 : memref<!tpu.dma_semaphore, #tpu.memory_space<semaphore_mem>>) src(%dma_wait3A_2539 : memref<8x128xf32, #tpu.memory_space<hbm>>) dst(%dma_wait3A_2536 : memref<8x128xf32, #tpu.memory_space<vmem>>)
      %mul3A_2540 = arith.constant 16 : i32
      %mul3A_2541 = arith.muli %scan3A_539, %mul3A_2540 : i32
      %get3A_2542 = arith.index_cast %mul3A_2541 : i32 to index
      %get3A_2543 = tpu.vector_load %arg10[%get3A_2542] {strides = array<i32>} : memref<512xi32, #tpu.memory_space<vmem>>, vector<16xi32>,
      %get3A_2544 = arith.index_cast %mul3A_2541 : i32 to index
      %get3A_2545 = tpu.vector_load %arg11[%get3A_2544] {strides = array<i32>} : memref<512xi32, #tpu.memory_space<vmem>>, vector<16xi32>,
      %broadcast_in_dim3A_2546 = arith.constant 0 : i32
      %broadcast_in_dim3A_2547 = vector.broadcast %broadcast_in_dim3A_2546 : i32 to vector<16xi32>
      %slice3A_2548 = vector.extract_strided_slice %get3A_2543 {offsets = [0], sizes = [1], strides = [1]} : vector<16xi32> to vector<1xi32>
      %squeeze3A_2549 = vector.extract %slice3A_2548[0] : i32 from vector<1xi32>
      %and3A_2550 = arith.constant 127 : i32
      %and3A_2551 = arith.andi %squeeze3A_2549, %and3A_2550 : i32
      %broadcast_in_dim3A_2552 = vector.broadcast %and3A_2551 : i32 to vector<16xi32>
      %slice3A_2553 = vector.extract_strided_slice %get3A_2545 {offsets = [0], sizes = [1], strides = [1]} : vector<16xi32> to vector<1xi32>
      %squeeze3A_2554 = vector.extract %slice3A_2553[0] : i32 from vector<1xi32>
      %and3A_2555 = arith.constant 127 : i32
      %and3A_2556 = arith.andi %squeeze3A_2554, %and3A_2555 : i32
      %broadcast_in_dim3A_2557 = vector.broadcast %and3A_2556 : i32 to vector<16xi32>
      %gather3A_2558 = tpu.vector_load_idx %arg14[%broadcast_in_dim3A_2547, %and3A_10, %broadcast_in_dim3A_2552] : memref<16x8x128xf32, #tpu.memory_space<vmem>>[vector<16xi32>, vector<16xi32>, vector<16xi32>], vector<16xf32>,
      %gather3A_2559 = tpu.vector_load_idx %arg15[%broadcast_in_dim3A_2547, %and3A_10, %broadcast_in_dim3A_2557] : memref<16x8x128xf32, #tpu.memory_space<vmem>>[vector<16xi32>, vector<16xi32>, vector<16xi32>], vector<16xf32>,
      %lt3A_2560 = arith.constant 8 : i32
      %lt3A_2561 = vector.broadcast %lt3A_2560 : i32 to vector<16xi32>
      %lt3A_2562 = arith.cmpi slt, %iota3A, %lt3A_2561 : vector<16xi32>
      %mul3A_2563 = arith.mulf %gather3A_2558, %gather3A_2559 : vector<16xf32>
      %jit3A_2564 = arith.constant 0.000000e+00 : f32
      %broadcast_in_dim3A_2565 = vector.broadcast %jit3A_2564 : f32 to vector<16xf32>
      %select_n3A_2566 = arith.select %lt3A_2562, %mul3A_2563, %broadcast_in_dim3A_2565 : vector<16xi1>, vector<16xf32>
      %reduce_sum3A_2567 = arith.constant true
      %reduce_sum3A_2568 = vector.broadcast %reduce_sum3A_2567 : i1 to vector<16xi1>
      %reduce_sum3A_2569 = tpu.scan <sum>, %select_n3A_2566 masked %reduce_sum3A_2568 : vector<16xf32>, vector<16xi1> -> vector<16xf32>
      %reduce_sum3A_2570 = vector.extract %reduce_sum3A_2569[15] : f32 from vector<16xf32>
      %eq3A_2571 = arith.constant 0 : i32
      %eq3A_2572 = vector.broadcast %eq3A_2571 : i32 to vector<16xi32>
      %eq3A_2573 = arith.cmpi eq, %iota3A, %eq3A_2572 : vector<16xi32>
      %add3A_2574 = vector.broadcast %reduce_sum3A_2570 : f32 to vector<16xf32>
      %add3A_2575 = arith.addf %select_n3A_2054, %add3A_2574 : vector<16xf32>
      %select_n3A_2576 = arith.select %eq3A_2573, %add3A_2575, %select_n3A_2054 : vector<16xi1>, vector<16xf32>
      %broadcast_in_dim3A_2577 = arith.constant 1 : i32
      %broadcast_in_dim3A_2578 = vector.broadcast %broadcast_in_dim3A_2577 : i32 to vector<16xi32>
      %slice3A_2579 = vector.extract_strided_slice %get3A_2543 {offsets = [1], sizes = [1], strides = [1]} : vector<16xi32> to vector<1xi32>
      %squeeze3A_2580 = vector.extract %slice3A_2579[0] : i32 from vector<1xi32>
      %and3A_2581 = arith.constant 127 : i32
      %and3A_2582 = arith.andi %squeeze3A_2580, %and3A_2581 : i32
      %broadcast_in_dim3A_2583 = vector.broadcast %and3A_2582 : i32 to vector<16xi32>
      %slice3A_2584 = vector.extract_strided_slice %get3A_2545 {offsets = [1], sizes = [1], strides = [1]} : vector<16xi32> to vector<1xi32>
      %squeeze3A_2585 = vector.extract %slice3A_2584[0] : i32 from vector<1xi32>
      %and3A_2586 = arith.constant 127 : i32
      %and3A_2587 = arith.andi %squeeze3A_2585, %and3A_2586 : i32
      %broadcast_in_dim3A_2588 = vector.broadcast %and3A_2587 : i32 to vector<16xi32>
      %gather3A_2589 = tpu.vector_load_idx %arg14[%broadcast_in_dim3A_2578, %and3A_10, %broadcast_in_dim3A_2583] : memref<16x8x128xf32, #tpu.memory_space<vmem>>[vector<16xi32>, vector<16xi32>, vector<16xi32>], vector<16xf32>,
      %gather3A_2590 = tpu.vector_load_idx %arg15[%broadcast_in_dim3A_2578, %and3A_10, %broadcast_in_dim3A_2588] : memref<16x8x128xf32, #tpu.memory_space<vmem>>[vector<16xi32>, vector<16xi32>, vector<16xi32>], vector<16xf32>,
      %lt3A_2591 = arith.constant 8 : i32
      %lt3A_2592 = vector.broadcast %lt3A_2591 : i32 to vector<16xi32>
      %lt3A_2593 = arith.cmpi slt, %iota3A, %lt3A_2592 : vector<16xi32>
      %mul3A_2594 = arith.mulf %gather3A_2589, %gather3A_2590 : vector<16xf32>
      %jit3A_2595 = arith.constant 0.000000e+00 : f32
      %broadcast_in_dim3A_2596 = vector.broadcast %jit3A_2595 : f32 to vector<16xf32>
      %select_n3A_2597 = arith.select %lt3A_2593, %mul3A_2594, %broadcast_in_dim3A_2596 : vector<16xi1>, vector<16xf32>
      %reduce_sum3A_2598 = arith.constant true
      %reduce_sum3A_2599 = vector.broadcast %reduce_sum3A_2598 : i1 to vector<16xi1>
      %reduce_sum3A_2600 = tpu.scan <sum>, %select_n3A_2597 masked %reduce_sum3A_2599 : vector<16xf32>, vector<16xi1> -> vector<16xf32>
      %reduce_sum3A_2601 = vector.extract %reduce_sum3A_2600[15] : f32 from vector<16xf32>
      %eq3A_2602 = arith.constant 1 : i32
      %eq3A_2603 = vector.broadcast %eq3A_2602 : i32 to vector<16xi32>
      %eq3A_2604 = arith.cmpi eq, %iota3A, %eq3A_2603 : vector<16xi32>
      %add3A_2605 = vector.broadcast %reduce_sum3A_2601 : f32 to vector<16xf32>
      %add3A_2606 = arith.addf %select_n3A_2576, %add3A_2605 : vector<16xf32>
      %select_n3A_2607 = arith.select %eq3A_2604, %add3A_2606, %select_n3A_2576 : vector<16xi1>, vector<16xf32>
      %broadcast_in_dim3A_2608 = arith.constant 2 : i32
      %broadcast_in_dim3A_2609 = vector.broadcast %broadcast_in_dim3A_2608 : i32 to vector<16xi32>
      %slice3A_2610 = vector.extract_strided_slice %get3A_2543 {offsets = [2], sizes = [1], strides = [1]} : vector<16xi32> to vector<1xi32>
      %squeeze3A_2611 = vector.extract %slice3A_2610[0] : i32 from vector<1xi32>
      %and3A_2612 = arith.constant 127 : i32
      %and3A_2613 = arith.andi %squeeze3A_2611, %and3A_2612 : i32
      %broadcast_in_dim3A_2614 = vector.broadcast %and3A_2613 : i32 to vector<16xi32>
      %slice3A_2615 = vector.extract_strided_slice %get3A_2545 {offsets = [2], sizes = [1], strides = [1]} : vector<16xi32> to vector<1xi32>
      %squeeze3A_2616 = vector.extract %slice3A_2615[0] : i32 from vector<1xi32>
      %and3A_2617 = arith.constant 127 : i32
      %and3A_2618 = arith.andi %squeeze3A_2616, %and3A_2617 : i32
      %broadcast_in_dim3A_2619 = vector.broadcast %and3A_2618 : i32 to vector<16xi32>
      %gather3A_2620 = tpu.vector_load_idx %arg14[%broadcast_in_dim3A_2609, %and3A_10, %broadcast_in_dim3A_2614] : memref<16x8x128xf32, #tpu.memory_space<vmem>>[vector<16xi32>, vector<16xi32>, vector<16xi32>], vector<16xf32>,
      %gather3A_2621 = tpu.vector_load_idx %arg15[%broadcast_in_dim3A_2609, %and3A_10, %broadcast_in_dim3A_2619] : memref<16x8x128xf32, #tpu.memory_space<vmem>>[vector<16xi32>, vector<16xi32>, vector<16xi32>], vector<16xf32>,
      %lt3A_2622 = arith.constant 8 : i32
      %lt3A_2623 = vector.broadcast %lt3A_2622 : i32 to vector<16xi32>
      %lt3A_2624 = arith.cmpi slt, %iota3A, %lt3A_2623 : vector<16xi32>
      %mul3A_2625 = arith.mulf %gather3A_2620, %gather3A_2621 : vector<16xf32>
      %jit3A_2626 = arith.constant 0.000000e+00 : f32
      %broadcast_in_dim3A_2627 = vector.broadcast %jit3A_2626 : f32 to vector<16xf32>
      %select_n3A_2628 = arith.select %lt3A_2624, %mul3A_2625, %broadcast_in_dim3A_2627 : vector<16xi1>, vector<16xf32>
      %reduce_sum3A_2629 = arith.constant true
      %reduce_sum3A_2630 = vector.broadcast %reduce_sum3A_2629 : i1 to vector<16xi1>
      %reduce_sum3A_2631 = tpu.scan <sum>, %select_n3A_2628 masked %reduce_sum3A_2630 : vector<16xf32>, vector<16xi1> -> vector<16xf32>
      %reduce_sum3A_2632 = vector.extract %reduce_sum3A_2631[15] : f32 from vector<16xf32>
      %eq3A_2633 = arith.constant 2 : i32
      %eq3A_2634 = vector.broadcast %eq3A_2633 : i32 to vector<16xi32>
      %eq3A_2635 = arith.cmpi eq, %iota3A, %eq3A_2634 : vector<16xi32>
      %add3A_2636 = vector.broadcast %reduce_sum3A_2632 : f32 to vector<16xf32>
      %add3A_2637 = arith.addf %select_n3A_2607, %add3A_2636 : vector<16xf32>
      %select_n3A_2638 = arith.select %eq3A_2635, %add3A_2637, %select_n3A_2607 : vector<16xi1>, vector<16xf32>
      %broadcast_in_dim3A_2639 = arith.constant 3 : i32
      %broadcast_in_dim3A_2640 = vector.broadcast %broadcast_in_dim3A_2639 : i32 to vector<16xi32>
      %slice3A_2641 = vector.extract_strided_slice %get3A_2543 {offsets = [3], sizes = [1], strides = [1]} : vector<16xi32> to vector<1xi32>
      %squeeze3A_2642 = vector.extract %slice3A_2641[0] : i32 from vector<1xi32>
      %and3A_2643 = arith.constant 127 : i32
      %and3A_2644 = arith.andi %squeeze3A_2642, %and3A_2643 : i32
      %broadcast_in_dim3A_2645 = vector.broadcast %and3A_2644 : i32 to vector<16xi32>
      %slice3A_2646 = vector.extract_strided_slice %get3A_2545 {offsets = [3], sizes = [1], strides = [1]} : vector<16xi32> to vector<1xi32>
      %squeeze3A_2647 = vector.extract %slice3A_2646[0] : i32 from vector<1xi32>
      %and3A_2648 = arith.constant 127 : i32
      %and3A_2649 = arith.andi %squeeze3A_2647, %and3A_2648 : i32
      %broadcast_in_dim3A_2650 = vector.broadcast %and3A_2649 : i32 to vector<16xi32>
      %gather3A_2651 = tpu.vector_load_idx %arg14[%broadcast_in_dim3A_2640, %and3A_10, %broadcast_in_dim3A_2645] : memref<16x8x128xf32, #tpu.memory_space<vmem>>[vector<16xi32>, vector<16xi32>, vector<16xi32>], vector<16xf32>,
      %gather3A_2652 = tpu.vector_load_idx %arg15[%broadcast_in_dim3A_2640, %and3A_10, %broadcast_in_dim3A_2650] : memref<16x8x128xf32, #tpu.memory_space<vmem>>[vector<16xi32>, vector<16xi32>, vector<16xi32>], vector<16xf32>,
      %lt3A_2653 = arith.constant 8 : i32
      %lt3A_2654 = vector.broadcast %lt3A_2653 : i32 to vector<16xi32>
      %lt3A_2655 = arith.cmpi slt, %iota3A, %lt3A_2654 : vector<16xi32>
      %mul3A_2656 = arith.mulf %gather3A_2651, %gather3A_2652 : vector<16xf32>
      %jit3A_2657 = arith.constant 0.000000e+00 : f32
      %broadcast_in_dim3A_2658 = vector.broadcast %jit3A_2657 : f32 to vector<16xf32>
      %select_n3A_2659 = arith.select %lt3A_2655, %mul3A_2656, %broadcast_in_dim3A_2658 : vector<16xi1>, vector<16xf32>
      %reduce_sum3A_2660 = arith.constant true
      %reduce_sum3A_2661 = vector.broadcast %reduce_sum3A_2660 : i1 to vector<16xi1>
      %reduce_sum3A_2662 = tpu.scan <sum>, %select_n3A_2659 masked %reduce_sum3A_2661 : vector<16xf32>, vector<16xi1> -> vector<16xf32>
      %reduce_sum3A_2663 = vector.extract %reduce_sum3A_2662[15] : f32 from vector<16xf32>
      %eq3A_2664 = arith.constant 3 : i32
      %eq3A_2665 = vector.broadcast %eq3A_2664 : i32 to vector<16xi32>
      %eq3A_2666 = arith.cmpi eq, %iota3A, %eq3A_2665 : vector<16xi32>
      %add3A_2667 = vector.broadcast %reduce_sum3A_2663 : f32 to vector<16xf32>
      %add3A_2668 = arith.addf %select_n3A_2638, %add3A_2667 : vector<16xf32>
      %select_n3A_2669 = arith.select %eq3A_2666, %add3A_2668, %select_n3A_2638 : vector<16xi1>, vector<16xf32>
      %broadcast_in_dim3A_2670 = arith.constant 4 : i32
      %broadcast_in_dim3A_2671 = vector.broadcast %broadcast_in_dim3A_2670 : i32 to vector<16xi32>
      %slice3A_2672 = vector.extract_strided_slice %get3A_2543 {offsets = [4], sizes = [1], strides = [1]} : vector<16xi32> to vector<1xi32>
      %squeeze3A_2673 = vector.extract %slice3A_2672[0] : i32 from vector<1xi32>
      %and3A_2674 = arith.constant 127 : i32
      %and3A_2675 = arith.andi %squeeze3A_2673, %and3A_2674 : i32
      %broadcast_in_dim3A_2676 = vector.broadcast %and3A_2675 : i32 to vector<16xi32>
      %slice3A_2677 = vector.extract_strided_slice %get3A_2545 {offsets = [4], sizes = [1], strides = [1]} : vector<16xi32> to vector<1xi32>
      %squeeze3A_2678 = vector.extract %slice3A_2677[0] : i32 from vector<1xi32>
      %and3A_2679 = arith.constant 127 : i32
      %and3A_2680 = arith.andi %squeeze3A_2678, %and3A_2679 : i32
      %broadcast_in_dim3A_2681 = vector.broadcast %and3A_2680 : i32 to vector<16xi32>
      %gather3A_2682 = tpu.vector_load_idx %arg14[%broadcast_in_dim3A_2671, %and3A_10, %broadcast_in_dim3A_2676] : memref<16x8x128xf32, #tpu.memory_space<vmem>>[vector<16xi32>, vector<16xi32>, vector<16xi32>], vector<16xf32>,
      %gather3A_2683 = tpu.vector_load_idx %arg15[%broadcast_in_dim3A_2671, %and3A_10, %broadcast_in_dim3A_2681] : memref<16x8x128xf32, #tpu.memory_space<vmem>>[vector<16xi32>, vector<16xi32>, vector<16xi32>], vector<16xf32>,
      %lt3A_2684 = arith.constant 8 : i32
      %lt3A_2685 = vector.broadcast %lt3A_2684 : i32 to vector<16xi32>
      %lt3A_2686 = arith.cmpi slt, %iota3A, %lt3A_2685 : vector<16xi32>
      %mul3A_2687 = arith.mulf %gather3A_2682, %gather3A_2683 : vector<16xf32>
      %jit3A_2688 = arith.constant 0.000000e+00 : f32
      %broadcast_in_dim3A_2689 = vector.broadcast %jit3A_2688 : f32 to vector<16xf32>
      %select_n3A_2690 = arith.select %lt3A_2686, %mul3A_2687, %broadcast_in_dim3A_2689 : vector<16xi1>, vector<16xf32>
      %reduce_sum3A_2691 = arith.constant true
      %reduce_sum3A_2692 = vector.broadcast %reduce_sum3A_2691 : i1 to vector<16xi1>
      %reduce_sum3A_2693 = tpu.scan <sum>, %select_n3A_2690 masked %reduce_sum3A_2692 : vector<16xf32>, vector<16xi1> -> vector<16xf32>
      %reduce_sum3A_2694 = vector.extract %reduce_sum3A_2693[15] : f32 from vector<16xf32>
      %eq3A_2695 = arith.constant 4 : i32
      %eq3A_2696 = vector.broadcast %eq3A_2695 : i32 to vector<16xi32>
      %eq3A_2697 = arith.cmpi eq, %iota3A, %eq3A_2696 : vector<16xi32>
      %add3A_2698 = vector.broadcast %reduce_sum3A_2694 : f32 to vector<16xf32>
      %add3A_2699 = arith.addf %select_n3A_2669, %add3A_2698 : vector<16xf32>
      %select_n3A_2700 = arith.select %eq3A_2697, %add3A_2699, %select_n3A_2669 : vector<16xi1>, vector<16xf32>
      %broadcast_in_dim3A_2701 = arith.constant 5 : i32
      %broadcast_in_dim3A_2702 = vector.broadcast %broadcast_in_dim3A_2701 : i32 to vector<16xi32>
      %slice3A_2703 = vector.extract_strided_slice %get3A_2543 {offsets = [5], sizes = [1], strides = [1]} : vector<16xi32> to vector<1xi32>
      %squeeze3A_2704 = vector.extract %slice3A_2703[0] : i32 from vector<1xi32>
      %and3A_2705 = arith.constant 127 : i32
      %and3A_2706 = arith.andi %squeeze3A_2704, %and3A_2705 : i32
      %broadcast_in_dim3A_2707 = vector.broadcast %and3A_2706 : i32 to vector<16xi32>
      %slice3A_2708 = vector.extract_strided_slice %get3A_2545 {offsets = [5], sizes = [1], strides = [1]} : vector<16xi32> to vector<1xi32>
      %squeeze3A_2709 = vector.extract %slice3A_2708[0] : i32 from vector<1xi32>
      %and3A_2710 = arith.constant 127 : i32
      %and3A_2711 = arith.andi %squeeze3A_2709, %and3A_2710 : i32
      %broadcast_in_dim3A_2712 = vector.broadcast %and3A_2711 : i32 to vector<16xi32>
      %gather3A_2713 = tpu.vector_load_idx %arg14[%broadcast_in_dim3A_2702, %and3A_10, %broadcast_in_dim3A_2707] : memref<16x8x128xf32, #tpu.memory_space<vmem>>[vector<16xi32>, vector<16xi32>, vector<16xi32>], vector<16xf32>,
      %gather3A_2714 = tpu.vector_load_idx %arg15[%broadcast_in_dim3A_2702, %and3A_10, %broadcast_in_dim3A_2712] : memref<16x8x128xf32, #tpu.memory_space<vmem>>[vector<16xi32>, vector<16xi32>, vector<16xi32>], vector<16xf32>,
      %lt3A_2715 = arith.constant 8 : i32
      %lt3A_2716 = vector.broadcast %lt3A_2715 : i32 to vector<16xi32>
      %lt3A_2717 = arith.cmpi slt, %iota3A, %lt3A_2716 : vector<16xi32>
      %mul3A_2718 = arith.mulf %gather3A_2713, %gather3A_2714 : vector<16xf32>
      %jit3A_2719 = arith.constant 0.000000e+00 : f32
      %broadcast_in_dim3A_2720 = vector.broadcast %jit3A_2719 : f32 to vector<16xf32>
      %select_n3A_2721 = arith.select %lt3A_2717, %mul3A_2718, %broadcast_in_dim3A_2720 : vector<16xi1>, vector<16xf32>
      %reduce_sum3A_2722 = arith.constant true
      %reduce_sum3A_2723 = vector.broadcast %reduce_sum3A_2722 : i1 to vector<16xi1>
      %reduce_sum3A_2724 = tpu.scan <sum>, %select_n3A_2721 masked %reduce_sum3A_2723 : vector<16xf32>, vector<16xi1> -> vector<16xf32>
      %reduce_sum3A_2725 = vector.extract %reduce_sum3A_2724[15] : f32 from vector<16xf32>
      %eq3A_2726 = arith.constant 5 : i32
      %eq3A_2727 = vector.broadcast %eq3A_2726 : i32 to vector<16xi32>
      %eq3A_2728 = arith.cmpi eq, %iota3A, %eq3A_2727 : vector<16xi32>
      %add3A_2729 = vector.broadcast %reduce_sum3A_2725 : f32 to vector<16xf32>
      %add3A_2730 = arith.addf %select_n3A_2700, %add3A_2729 : vector<16xf32>
      %select_n3A_2731 = arith.select %eq3A_2728, %add3A_2730, %select_n3A_2700 : vector<16xi1>, vector<16xf32>
      %broadcast_in_dim3A_2732 = arith.constant 6 : i32
      %broadcast_in_dim3A_2733 = vector.broadcast %broadcast_in_dim3A_2732 : i32 to vector<16xi32>
      %slice3A_2734 = vector.extract_strided_slice %get3A_2543 {offsets = [6], sizes = [1], strides = [1]} : vector<16xi32> to vector<1xi32>
      %squeeze3A_2735 = vector.extract %slice3A_2734[0] : i32 from vector<1xi32>
      %and3A_2736 = arith.constant 127 : i32
      %and3A_2737 = arith.andi %squeeze3A_2735, %and3A_2736 : i32
      %broadcast_in_dim3A_2738 = vector.broadcast %and3A_2737 : i32 to vector<16xi32>
      %slice3A_2739 = vector.extract_strided_slice %get3A_2545 {offsets = [6], sizes = [1], strides = [1]} : vector<16xi32> to vector<1xi32>
      %squeeze3A_2740 = vector.extract %slice3A_2739[0] : i32 from vector<1xi32>
      %and3A_2741 = arith.constant 127 : i32
      %and3A_2742 = arith.andi %squeeze3A_2740, %and3A_2741 : i32
      %broadcast_in_dim3A_2743 = vector.broadcast %and3A_2742 : i32 to vector<16xi32>
      %gather3A_2744 = tpu.vector_load_idx %arg14[%broadcast_in_dim3A_2733, %and3A_10, %broadcast_in_dim3A_2738] : memref<16x8x128xf32, #tpu.memory_space<vmem>>[vector<16xi32>, vector<16xi32>, vector<16xi32>], vector<16xf32>,
      %gather3A_2745 = tpu.vector_load_idx %arg15[%broadcast_in_dim3A_2733, %and3A_10, %broadcast_in_dim3A_2743] : memref<16x8x128xf32, #tpu.memory_space<vmem>>[vector<16xi32>, vector<16xi32>, vector<16xi32>], vector<16xf32>,
      %lt3A_2746 = arith.constant 8 : i32
      %lt3A_2747 = vector.broadcast %lt3A_2746 : i32 to vector<16xi32>
      %lt3A_2748 = arith.cmpi slt, %iota3A, %lt3A_2747 : vector<16xi32>
      %mul3A_2749 = arith.mulf %gather3A_2744, %gather3A_2745 : vector<16xf32>
      %jit3A_2750 = arith.constant 0.000000e+00 : f32
      %broadcast_in_dim3A_2751 = vector.broadcast %jit3A_2750 : f32 to vector<16xf32>
      %select_n3A_2752 = arith.select %lt3A_2748, %mul3A_2749, %broadcast_in_dim3A_2751 : vector<16xi1>, vector<16xf32>
      %reduce_sum3A_2753 = arith.constant true
      %reduce_sum3A_2754 = vector.broadcast %reduce_sum3A_2753 : i1 to vector<16xi1>
      %reduce_sum3A_2755 = tpu.scan <sum>, %select_n3A_2752 masked %reduce_sum3A_2754 : vector<16xf32>, vector<16xi1> -> vector<16xf32>
      %reduce_sum3A_2756 = vector.extract %reduce_sum3A_2755[15] : f32 from vector<16xf32>
      %eq3A_2757 = arith.constant 6 : i32
      %eq3A_2758 = vector.broadcast %eq3A_2757 : i32 to vector<16xi32>
      %eq3A_2759 = arith.cmpi eq, %iota3A, %eq3A_2758 : vector<16xi32>
      %add3A_2760 = vector.broadcast %reduce_sum3A_2756 : f32 to vector<16xf32>
      %add3A_2761 = arith.addf %select_n3A_2731, %add3A_2760 : vector<16xf32>
      %select_n3A_2762 = arith.select %eq3A_2759, %add3A_2761, %select_n3A_2731 : vector<16xi1>, vector<16xf32>
      %broadcast_in_dim3A_2763 = arith.constant 7 : i32
      %broadcast_in_dim3A_2764 = vector.broadcast %broadcast_in_dim3A_2763 : i32 to vector<16xi32>
      %slice3A_2765 = vector.extract_strided_slice %get3A_2543 {offsets = [7], sizes = [1], strides = [1]} : vector<16xi32> to vector<1xi32>
      %squeeze3A_2766 = vector.extract %slice3A_2765[0] : i32 from vector<1xi32>
      %and3A_2767 = arith.constant 127 : i32
      %and3A_2768 = arith.andi %squeeze3A_2766, %and3A_2767 : i32
      %broadcast_in_dim3A_2769 = vector.broadcast %and3A_2768 : i32 to vector<16xi32>
      %slice3A_2770 = vector.extract_strided_slice %get3A_2545 {offsets = [7], sizes = [1], strides = [1]} : vector<16xi32> to vector<1xi32>
      %squeeze3A_2771 = vector.extract %slice3A_2770[0] : i32 from vector<1xi32>
      %and3A_2772 = arith.constant 127 : i32
      %and3A_2773 = arith.andi %squeeze3A_2771, %and3A_2772 : i32
      %broadcast_in_dim3A_2774 = vector.broadcast %and3A_2773 : i32 to vector<16xi32>
      %gather3A_2775 = tpu.vector_load_idx %arg14[%broadcast_in_dim3A_2764, %and3A_10, %broadcast_in_dim3A_2769] : memref<16x8x128xf32, #tpu.memory_space<vmem>>[vector<16xi32>, vector<16xi32>, vector<16xi32>], vector<16xf32>,
      %gather3A_2776 = tpu.vector_load_idx %arg15[%broadcast_in_dim3A_2764, %and3A_10, %broadcast_in_dim3A_2774] : memref<16x8x128xf32, #tpu.memory_space<vmem>>[vector<16xi32>, vector<16xi32>, vector<16xi32>], vector<16xf32>,
      %lt3A_2777 = arith.constant 8 : i32
      %lt3A_2778 = vector.broadcast %lt3A_2777 : i32 to vector<16xi32>
      %lt3A_2779 = arith.cmpi slt, %iota3A, %lt3A_2778 : vector<16xi32>
      %mul3A_2780 = arith.mulf %gather3A_2775, %gather3A_2776 : vector<16xf32>
      %jit3A_2781 = arith.constant 0.000000e+00 : f32
      %broadcast_in_dim3A_2782 = vector.broadcast %jit3A_2781 : f32 to vector<16xf32>
      %select_n3A_2783 = arith.select %lt3A_2779, %mul3A_2780, %broadcast_in_dim3A_2782 : vector<16xi1>, vector<16xf32>
      %reduce_sum3A_2784 = arith.constant true
      %reduce_sum3A_2785 = vector.broadcast %reduce_sum3A_2784 : i1 to vector<16xi1>
      %reduce_sum3A_2786 = tpu.scan <sum>, %select_n3A_2783 masked %reduce_sum3A_2785 : vector<16xf32>, vector<16xi1> -> vector<16xf32>
      %reduce_sum3A_2787 = vector.extract %reduce_sum3A_2786[15] : f32 from vector<16xf32>
      %eq3A_2788 = arith.constant 7 : i32
      %eq3A_2789 = vector.broadcast %eq3A_2788 : i32 to vector<16xi32>
      %eq3A_2790 = arith.cmpi eq, %iota3A, %eq3A_2789 : vector<16xi32>
      %add3A_2791 = vector.broadcast %reduce_sum3A_2787 : f32 to vector<16xf32>
      %add3A_2792 = arith.addf %select_n3A_2762, %add3A_2791 : vector<16xf32>
      %select_n3A_2793 = arith.select %eq3A_2790, %add3A_2792, %select_n3A_2762 : vector<16xi1>, vector<16xf32>
      %broadcast_in_dim3A_2794 = arith.constant 8 : i32
      %broadcast_in_dim3A_2795 = vector.broadcast %broadcast_in_dim3A_2794 : i32 to vector<16xi32>
      %slice3A_2796 = vector.extract_strided_slice %get3A_2543 {offsets = [8], sizes = [1], strides = [1]} : vector<16xi32> to vector<1xi32>
      %squeeze3A_2797 = vector.extract %slice3A_2796[0] : i32 from vector<1xi32>
      %and3A_2798 = arith.constant 127 : i32
      %and3A_2799 = arith.andi %squeeze3A_2797, %and3A_2798 : i32
      %broadcast_in_dim3A_2800 = vector.broadcast %and3A_2799 : i32 to vector<16xi32>
      %slice3A_2801 = vector.extract_strided_slice %get3A_2545 {offsets = [8], sizes = [1], strides = [1]} : vector<16xi32> to vector<1xi32>
      %squeeze3A_2802 = vector.extract %slice3A_2801[0] : i32 from vector<1xi32>
      %and3A_2803 = arith.constant 127 : i32
      %and3A_2804 = arith.andi %squeeze3A_2802, %and3A_2803 : i32
      %broadcast_in_dim3A_2805 = vector.broadcast %and3A_2804 : i32 to vector<16xi32>
      %gather3A_2806 = tpu.vector_load_idx %arg14[%broadcast_in_dim3A_2795, %and3A_10, %broadcast_in_dim3A_2800] : memref<16x8x128xf32, #tpu.memory_space<vmem>>[vector<16xi32>, vector<16xi32>, vector<16xi32>], vector<16xf32>,
      %gather3A_2807 = tpu.vector_load_idx %arg15[%broadcast_in_dim3A_2795, %and3A_10, %broadcast_in_dim3A_2805] : memref<16x8x128xf32, #tpu.memory_space<vmem>>[vector<16xi32>, vector<16xi32>, vector<16xi32>], vector<16xf32>,
      %lt3A_2808 = arith.constant 8 : i32
      %lt3A_2809 = vector.broadcast %lt3A_2808 : i32 to vector<16xi32>
      %lt3A_2810 = arith.cmpi slt, %iota3A, %lt3A_2809 : vector<16xi32>
      %mul3A_2811 = arith.mulf %gather3A_2806, %gather3A_2807 : vector<16xf32>
      %jit3A_2812 = arith.constant 0.000000e+00 : f32
      %broadcast_in_dim3A_2813 = vector.broadcast %jit3A_2812 : f32 to vector<16xf32>
      %select_n3A_2814 = arith.select %lt3A_2810, %mul3A_2811, %broadcast_in_dim3A_2813 : vector<16xi1>, vector<16xf32>
      %reduce_sum3A_2815 = arith.constant true
      %reduce_sum3A_2816 = vector.broadcast %reduce_sum3A_2815 : i1 to vector<16xi1>
      %reduce_sum3A_2817 = tpu.scan <sum>, %select_n3A_2814 masked %reduce_sum3A_2816 : vector<16xf32>, vector<16xi1> -> vector<16xf32>
      %reduce_sum3A_2818 = vector.extract %reduce_sum3A_2817[15] : f32 from vector<16xf32>
      %eq3A_2819 = arith.constant 8 : i32
      %eq3A_2820 = vector.broadcast %eq3A_2819 : i32 to vector<16xi32>
      %eq3A_2821 = arith.cmpi eq, %iota3A, %eq3A_2820 : vector<16xi32>
      %add3A_2822 = vector.broadcast %reduce_sum3A_2818 : f32 to vector<16xf32>
      %add3A_2823 = arith.addf %select_n3A_2793, %add3A_2822 : vector<16xf32>
      %select_n3A_2824 = arith.select %eq3A_2821, %add3A_2823, %select_n3A_2793 : vector<16xi1>, vector<16xf32>
      %broadcast_in_dim3A_2825 = arith.constant 9 : i32
      %broadcast_in_dim3A_2826 = vector.broadcast %broadcast_in_dim3A_2825 : i32 to vector<16xi32>
      %slice3A_2827 = vector.extract_strided_slice %get3A_2543 {offsets = [9], sizes = [1], strides = [1]} : vector<16xi32> to vector<1xi32>
      %squeeze3A_2828 = vector.extract %slice3A_2827[0] : i32 from vector<1xi32>
      %and3A_2829 = arith.constant 127 : i32
      %and3A_2830 = arith.andi %squeeze3A_2828, %and3A_2829 : i32
      %broadcast_in_dim3A_2831 = vector.broadcast %and3A_2830 : i32 to vector<16xi32>
      %slice3A_2832 = vector.extract_strided_slice %get3A_2545 {offsets = [9], sizes = [1], strides = [1]} : vector<16xi32> to vector<1xi32>
      %squeeze3A_2833 = vector.extract %slice3A_2832[0] : i32 from vector<1xi32>
      %and3A_2834 = arith.constant 127 : i32
      %and3A_2835 = arith.andi %squeeze3A_2833, %and3A_2834 : i32
      %broadcast_in_dim3A_2836 = vector.broadcast %and3A_2835 : i32 to vector<16xi32>
      %gather3A_2837 = tpu.vector_load_idx %arg14[%broadcast_in_dim3A_2826, %and3A_10, %broadcast_in_dim3A_2831] : memref<16x8x128xf32, #tpu.memory_space<vmem>>[vector<16xi32>, vector<16xi32>, vector<16xi32>], vector<16xf32>,
      %gather3A_2838 = tpu.vector_load_idx %arg15[%broadcast_in_dim3A_2826, %and3A_10, %broadcast_in_dim3A_2836] : memref<16x8x128xf32, #tpu.memory_space<vmem>>[vector<16xi32>, vector<16xi32>, vector<16xi32>], vector<16xf32>,
      %lt3A_2839 = arith.constant 8 : i32
      %lt3A_2840 = vector.broadcast %lt3A_2839 : i32 to vector<16xi32>
      %lt3A_2841 = arith.cmpi slt, %iota3A, %lt3A_2840 : vector<16xi32>
      %mul3A_2842 = arith.mulf %gather3A_2837, %gather3A_2838 : vector<16xf32>
      %jit3A_2843 = arith.constant 0.000000e+00 : f32
      %broadcast_in_dim3A_2844 = vector.broadcast %jit3A_2843 : f32 to vector<16xf32>
      %select_n3A_2845 = arith.select %lt3A_2841, %mul3A_2842, %broadcast_in_dim3A_2844 : vector<16xi1>, vector<16xf32>
      %reduce_sum3A_2846 = arith.constant true
      %reduce_sum3A_2847 = vector.broadcast %reduce_sum3A_2846 : i1 to vector<16xi1>
      %reduce_sum3A_2848 = tpu.scan <sum>, %select_n3A_2845 masked %reduce_sum3A_2847 : vector<16xf32>, vector<16xi1> -> vector<16xf32>
      %reduce_sum3A_2849 = vector.extract %reduce_sum3A_2848[15] : f32 from vector<16xf32>
      %eq3A_2850 = arith.constant 9 : i32
      %eq3A_2851 = vector.broadcast %eq3A_2850 : i32 to vector<16xi32>
      %eq3A_2852 = arith.cmpi eq, %iota3A, %eq3A_2851 : vector<16xi32>
      %add3A_2853 = vector.broadcast %reduce_sum3A_2849 : f32 to vector<16xf32>
      %add3A_2854 = arith.addf %select_n3A_2824, %add3A_2853 : vector<16xf32>
      %select_n3A_2855 = arith.select %eq3A_2852, %add3A_2854, %select_n3A_2824 : vector<16xi1>, vector<16xf32>
      %broadcast_in_dim3A_2856 = arith.constant 10 : i32
      %broadcast_in_dim3A_2857 = vector.broadcast %broadcast_in_dim3A_2856 : i32 to vector<16xi32>
      %slice3A_2858 = vector.extract_strided_slice %get3A_2543 {offsets = [10], sizes = [1], strides = [1]} : vector<16xi32> to vector<1xi32>
      %squeeze3A_2859 = vector.extract %slice3A_2858[0] : i32 from vector<1xi32>
      %and3A_2860 = arith.constant 127 : i32
      %and3A_2861 = arith.andi %squeeze3A_2859, %and3A_2860 : i32
      %broadcast_in_dim3A_2862 = vector.broadcast %and3A_2861 : i32 to vector<16xi32>
      %slice3A_2863 = vector.extract_strided_slice %get3A_2545 {offsets = [10], sizes = [1], strides = [1]} : vector<16xi32> to vector<1xi32>
      %squeeze3A_2864 = vector.extract %slice3A_2863[0] : i32 from vector<1xi32>
      %and3A_2865 = arith.constant 127 : i32
      %and3A_2866 = arith.andi %squeeze3A_2864, %and3A_2865 : i32
      %broadcast_in_dim3A_2867 = vector.broadcast %and3A_2866 : i32 to vector<16xi32>
      %gather3A_2868 = tpu.vector_load_idx %arg14[%broadcast_in_dim3A_2857, %and3A_10, %broadcast_in_dim3A_2862] : memref<16x8x128xf32, #tpu.memory_space<vmem>>[vector<16xi32>, vector<16xi32>, vector<16xi32>], vector<16xf32>,
      %gather3A_2869 = tpu.vector_load_idx %arg15[%broadcast_in_dim3A_2857, %and3A_10, %broadcast_in_dim3A_2867] : memref<16x8x128xf32, #tpu.memory_space<vmem>>[vector<16xi32>, vector<16xi32>, vector<16xi32>], vector<16xf32>,
      %lt3A_2870 = arith.constant 8 : i32
      %lt3A_2871 = vector.broadcast %lt3A_2870 : i32 to vector<16xi32>
      %lt3A_2872 = arith.cmpi slt, %iota3A, %lt3A_2871 : vector<16xi32>
      %mul3A_2873 = arith.mulf %gather3A_2868, %gather3A_2869 : vector<16xf32>
      %jit3A_2874 = arith.constant 0.000000e+00 : f32
      %broadcast_in_dim3A_2875 = vector.broadcast %jit3A_2874 : f32 to vector<16xf32>
      %select_n3A_2876 = arith.select %lt3A_2872, %mul3A_2873, %broadcast_in_dim3A_2875 : vector<16xi1>, vector<16xf32>
      %reduce_sum3A_2877 = arith.constant true
      %reduce_sum3A_2878 = vector.broadcast %reduce_sum3A_2877 : i1 to vector<16xi1>
      %reduce_sum3A_2879 = tpu.scan <sum>, %select_n3A_2876 masked %reduce_sum3A_2878 : vector<16xf32>, vector<16xi1> -> vector<16xf32>
      %reduce_sum3A_2880 = vector.extract %reduce_sum3A_2879[15] : f32 from vector<16xf32>
      %eq3A_2881 = arith.constant 10 : i32
      %eq3A_2882 = vector.broadcast %eq3A_2881 : i32 to vector<16xi32>
      %eq3A_2883 = arith.cmpi eq, %iota3A, %eq3A_2882 : vector<16xi32>
      %add3A_2884 = vector.broadcast %reduce_sum3A_2880 : f32 to vector<16xf32>
      %add3A_2885 = arith.addf %select_n3A_2855, %add3A_2884 : vector<16xf32>
      %select_n3A_2886 = arith.select %eq3A_2883, %add3A_2885, %select_n3A_2855 : vector<16xi1>, vector<16xf32>
      %broadcast_in_dim3A_2887 = arith.constant 11 : i32
      %broadcast_in_dim3A_2888 = vector.broadcast %broadcast_in_dim3A_2887 : i32 to vector<16xi32>
      %slice3A_2889 = vector.extract_strided_slice %get3A_2543 {offsets = [11], sizes = [1], strides = [1]} : vector<16xi32> to vector<1xi32>
      %squeeze3A_2890 = vector.extract %slice3A_2889[0] : i32 from vector<1xi32>
      %and3A_2891 = arith.constant 127 : i32
      %and3A_2892 = arith.andi %squeeze3A_2890, %and3A_2891 : i32
      %broadcast_in_dim3A_2893 = vector.broadcast %and3A_2892 : i32 to vector<16xi32>
      %slice3A_2894 = vector.extract_strided_slice %get3A_2545 {offsets = [11], sizes = [1], strides = [1]} : vector<16xi32> to vector<1xi32>
      %squeeze3A_2895 = vector.extract %slice3A_2894[0] : i32 from vector<1xi32>
      %and3A_2896 = arith.constant 127 : i32
      %and3A_2897 = arith.andi %squeeze3A_2895, %and3A_2896 : i32
      %broadcast_in_dim3A_2898 = vector.broadcast %and3A_2897 : i32 to vector<16xi32>
      %gather3A_2899 = tpu.vector_load_idx %arg14[%broadcast_in_dim3A_2888, %and3A_10, %broadcast_in_dim3A_2893] : memref<16x8x128xf32, #tpu.memory_space<vmem>>[vector<16xi32>, vector<16xi32>, vector<16xi32>], vector<16xf32>,
      %gather3A_2900 = tpu.vector_load_idx %arg15[%broadcast_in_dim3A_2888, %and3A_10, %broadcast_in_dim3A_2898] : memref<16x8x128xf32, #tpu.memory_space<vmem>>[vector<16xi32>, vector<16xi32>, vector<16xi32>], vector<16xf32>,
      %lt3A_2901 = arith.constant 8 : i32
      %lt3A_2902 = vector.broadcast %lt3A_2901 : i32 to vector<16xi32>
      %lt3A_2903 = arith.cmpi slt, %iota3A, %lt3A_2902 : vector<16xi32>
      %mul3A_2904 = arith.mulf %gather3A_2899, %gather3A_2900 : vector<16xf32>
      %jit3A_2905 = arith.constant 0.000000e+00 : f32
      %broadcast_in_dim3A_2906 = vector.broadcast %jit3A_2905 : f32 to vector<16xf32>
      %select_n3A_2907 = arith.select %lt3A_2903, %mul3A_2904, %broadcast_in_dim3A_2906 : vector<16xi1>, vector<16xf32>
      %reduce_sum3A_2908 = arith.constant true
      %reduce_sum3A_2909 = vector.broadcast %reduce_sum3A_2908 : i1 to vector<16xi1>
      %reduce_sum3A_2910 = tpu.scan <sum>, %select_n3A_2907 masked %reduce_sum3A_2909 : vector<16xf32>, vector<16xi1> -> vector<16xf32>
      %reduce_sum3A_2911 = vector.extract %reduce_sum3A_2910[15] : f32 from vector<16xf32>
      %eq3A_2912 = arith.constant 11 : i32
      %eq3A_2913 = vector.broadcast %eq3A_2912 : i32 to vector<16xi32>
      %eq3A_2914 = arith.cmpi eq, %iota3A, %eq3A_2913 : vector<16xi32>
      %add3A_2915 = vector.broadcast %reduce_sum3A_2911 : f32 to vector<16xf32>
      %add3A_2916 = arith.addf %select_n3A_2886, %add3A_2915 : vector<16xf32>
      %select_n3A_2917 = arith.select %eq3A_2914, %add3A_2916, %select_n3A_2886 : vector<16xi1>, vector<16xf32>
      %broadcast_in_dim3A_2918 = arith.constant 12 : i32
      %broadcast_in_dim3A_2919 = vector.broadcast %broadcast_in_dim3A_2918 : i32 to vector<16xi32>
      %slice3A_2920 = vector.extract_strided_slice %get3A_2543 {offsets = [12], sizes = [1], strides = [1]} : vector<16xi32> to vector<1xi32>
      %squeeze3A_2921 = vector.extract %slice3A_2920[0] : i32 from vector<1xi32>
      %and3A_2922 = arith.constant 127 : i32
      %and3A_2923 = arith.andi %squeeze3A_2921, %and3A_2922 : i32
      %broadcast_in_dim3A_2924 = vector.broadcast %and3A_2923 : i32 to vector<16xi32>
      %slice3A_2925 = vector.extract_strided_slice %get3A_2545 {offsets = [12], sizes = [1], strides = [1]} : vector<16xi32> to vector<1xi32>
      %squeeze3A_2926 = vector.extract %slice3A_2925[0] : i32 from vector<1xi32>
      %and3A_2927 = arith.constant 127 : i32
      %and3A_2928 = arith.andi %squeeze3A_2926, %and3A_2927 : i32
      %broadcast_in_dim3A_2929 = vector.broadcast %and3A_2928 : i32 to vector<16xi32>
      %gather3A_2930 = tpu.vector_load_idx %arg14[%broadcast_in_dim3A_2919, %and3A_10, %broadcast_in_dim3A_2924] : memref<16x8x128xf32, #tpu.memory_space<vmem>>[vector<16xi32>, vector<16xi32>, vector<16xi32>], vector<16xf32>,
      %gather3A_2931 = tpu.vector_load_idx %arg15[%broadcast_in_dim3A_2919, %and3A_10, %broadcast_in_dim3A_2929] : memref<16x8x128xf32, #tpu.memory_space<vmem>>[vector<16xi32>, vector<16xi32>, vector<16xi32>], vector<16xf32>,
      %lt3A_2932 = arith.constant 8 : i32
      %lt3A_2933 = vector.broadcast %lt3A_2932 : i32 to vector<16xi32>
      %lt3A_2934 = arith.cmpi slt, %iota3A, %lt3A_2933 : vector<16xi32>
      %mul3A_2935 = arith.mulf %gather3A_2930, %gather3A_2931 : vector<16xf32>
      %jit3A_2936 = arith.constant 0.000000e+00 : f32
      %broadcast_in_dim3A_2937 = vector.broadcast %jit3A_2936 : f32 to vector<16xf32>
      %select_n3A_2938 = arith.select %lt3A_2934, %mul3A_2935, %broadcast_in_dim3A_2937 : vector<16xi1>, vector<16xf32>
      %reduce_sum3A_2939 = arith.constant true
      %reduce_sum3A_2940 = vector.broadcast %reduce_sum3A_2939 : i1 to vector<16xi1>
      %reduce_sum3A_2941 = tpu.scan <sum>, %select_n3A_2938 masked %reduce_sum3A_2940 : vector<16xf32>, vector<16xi1> -> vector<16xf32>
      %reduce_sum3A_2942 = vector.extract %reduce_sum3A_2941[15] : f32 from vector<16xf32>
      %eq3A_2943 = arith.constant 12 : i32
      %eq3A_2944 = vector.broadcast %eq3A_2943 : i32 to vector<16xi32>
      %eq3A_2945 = arith.cmpi eq, %iota3A, %eq3A_2944 : vector<16xi32>
      %add3A_2946 = vector.broadcast %reduce_sum3A_2942 : f32 to vector<16xf32>
      %add3A_2947 = arith.addf %select_n3A_2917, %add3A_2946 : vector<16xf32>
      %select_n3A_2948 = arith.select %eq3A_2945, %add3A_2947, %select_n3A_2917 : vector<16xi1>, vector<16xf32>
      %broadcast_in_dim3A_2949 = arith.constant 13 : i32
      %broadcast_in_dim3A_2950 = vector.broadcast %broadcast_in_dim3A_2949 : i32 to vector<16xi32>
      %slice3A_2951 = vector.extract_strided_slice %get3A_2543 {offsets = [13], sizes = [1], strides = [1]} : vector<16xi32> to vector<1xi32>
      %squeeze3A_2952 = vector.extract %slice3A_2951[0] : i32 from vector<1xi32>
      %and3A_2953 = arith.constant 127 : i32
      %and3A_2954 = arith.andi %squeeze3A_2952, %and3A_2953 : i32
      %broadcast_in_dim3A_2955 = vector.broadcast %and3A_2954 : i32 to vector<16xi32>
      %slice3A_2956 = vector.extract_strided_slice %get3A_2545 {offsets = [13], sizes = [1], strides = [1]} : vector<16xi32> to vector<1xi32>
      %squeeze3A_2957 = vector.extract %slice3A_2956[0] : i32 from vector<1xi32>
      %and3A_2958 = arith.constant 127 : i32
      %and3A_2959 = arith.andi %squeeze3A_2957, %and3A_2958 : i32
      %broadcast_in_dim3A_2960 = vector.broadcast %and3A_2959 : i32 to vector<16xi32>
      %gather3A_2961 = tpu.vector_load_idx %arg14[%broadcast_in_dim3A_2950, %and3A_10, %broadcast_in_dim3A_2955] : memref<16x8x128xf32, #tpu.memory_space<vmem>>[vector<16xi32>, vector<16xi32>, vector<16xi32>], vector<16xf32>,
      %gather3A_2962 = tpu.vector_load_idx %arg15[%broadcast_in_dim3A_2950, %and3A_10, %broadcast_in_dim3A_2960] : memref<16x8x128xf32, #tpu.memory_space<vmem>>[vector<16xi32>, vector<16xi32>, vector<16xi32>], vector<16xf32>,
      %lt3A_2963 = arith.constant 8 : i32
      %lt3A_2964 = vector.broadcast %lt3A_2963 : i32 to vector<16xi32>
      %lt3A_2965 = arith.cmpi slt, %iota3A, %lt3A_2964 : vector<16xi32>
      %mul3A_2966 = arith.mulf %gather3A_2961, %gather3A_2962 : vector<16xf32>
      %jit3A_2967 = arith.constant 0.000000e+00 : f32
      %broadcast_in_dim3A_2968 = vector.broadcast %jit3A_2967 : f32 to vector<16xf32>
      %select_n3A_2969 = arith.select %lt3A_2965, %mul3A_2966, %broadcast_in_dim3A_2968 : vector<16xi1>, vector<16xf32>
      %reduce_sum3A_2970 = arith.constant true
      %reduce_sum3A_2971 = vector.broadcast %reduce_sum3A_2970 : i1 to vector<16xi1>
      %reduce_sum3A_2972 = tpu.scan <sum>, %select_n3A_2969 masked %reduce_sum3A_2971 : vector<16xf32>, vector<16xi1> -> vector<16xf32>
      %reduce_sum3A_2973 = vector.extract %reduce_sum3A_2972[15] : f32 from vector<16xf32>
      %eq3A_2974 = arith.constant 13 : i32
      %eq3A_2975 = vector.broadcast %eq3A_2974 : i32 to vector<16xi32>
      %eq3A_2976 = arith.cmpi eq, %iota3A, %eq3A_2975 : vector<16xi32>
      %add3A_2977 = vector.broadcast %reduce_sum3A_2973 : f32 to vector<16xf32>
      %add3A_2978 = arith.addf %select_n3A_2948, %add3A_2977 : vector<16xf32>
      %select_n3A_2979 = arith.select %eq3A_2976, %add3A_2978, %select_n3A_2948 : vector<16xi1>, vector<16xf32>
      %broadcast_in_dim3A_2980 = arith.constant 14 : i32
      %broadcast_in_dim3A_2981 = vector.broadcast %broadcast_in_dim3A_2980 : i32 to vector<16xi32>
      %slice3A_2982 = vector.extract_strided_slice %get3A_2543 {offsets = [14], sizes = [1], strides = [1]} : vector<16xi32> to vector<1xi32>
      %squeeze3A_2983 = vector.extract %slice3A_2982[0] : i32 from vector<1xi32>
      %and3A_2984 = arith.constant 127 : i32
      %and3A_2985 = arith.andi %squeeze3A_2983, %and3A_2984 : i32
      %broadcast_in_dim3A_2986 = vector.broadcast %and3A_2985 : i32 to vector<16xi32>
      %slice3A_2987 = vector.extract_strided_slice %get3A_2545 {offsets = [14], sizes = [1], strides = [1]} : vector<16xi32> to vector<1xi32>
      %squeeze3A_2988 = vector.extract %slice3A_2987[0] : i32 from vector<1xi32>
      %and3A_2989 = arith.constant 127 : i32
      %and3A_2990 = arith.andi %squeeze3A_2988, %and3A_2989 : i32
      %broadcast_in_dim3A_2991 = vector.broadcast %and3A_2990 : i32 to vector<16xi32>
      %gather3A_2992 = tpu.vector_load_idx %arg14[%broadcast_in_dim3A_2981, %and3A_10, %broadcast_in_dim3A_2986] : memref<16x8x128xf32, #tpu.memory_space<vmem>>[vector<16xi32>, vector<16xi32>, vector<16xi32>], vector<16xf32>,
      %gather3A_2993 = tpu.vector_load_idx %arg15[%broadcast_in_dim3A_2981, %and3A_10, %broadcast_in_dim3A_2991] : memref<16x8x128xf32, #tpu.memory_space<vmem>>[vector<16xi32>, vector<16xi32>, vector<16xi32>], vector<16xf32>,
      %lt3A_2994 = arith.constant 8 : i32
      %lt3A_2995 = vector.broadcast %lt3A_2994 : i32 to vector<16xi32>
      %lt3A_2996 = arith.cmpi slt, %iota3A, %lt3A_2995 : vector<16xi32>
      %mul3A_2997 = arith.mulf %gather3A_2992, %gather3A_2993 : vector<16xf32>
      %jit3A_2998 = arith.constant 0.000000e+00 : f32
      %broadcast_in_dim3A_2999 = vector.broadcast %jit3A_2998 : f32 to vector<16xf32>
      %select_n3A_3000 = arith.select %lt3A_2996, %mul3A_2997, %broadcast_in_dim3A_2999 : vector<16xi1>, vector<16xf32>
      %reduce_sum3A_3001 = arith.constant true
      %reduce_sum3A_3002 = vector.broadcast %reduce_sum3A_3001 : i1 to vector<16xi1>
      %reduce_sum3A_3003 = tpu.scan <sum>, %select_n3A_3000 masked %reduce_sum3A_3002 : vector<16xf32>, vector<16xi1> -> vector<16xf32>
      %reduce_sum3A_3004 = vector.extract %reduce_sum3A_3003[15] : f32 from vector<16xf32>
      %eq3A_3005 = arith.constant 14 : i32
      %eq3A_3006 = vector.broadcast %eq3A_3005 : i32 to vector<16xi32>
      %eq3A_3007 = arith.cmpi eq, %iota3A, %eq3A_3006 : vector<16xi32>
      %add3A_3008 = vector.broadcast %reduce_sum3A_3004 : f32 to vector<16xf32>
      %add3A_3009 = arith.addf %select_n3A_2979, %add3A_3008 : vector<16xf32>
      %select_n3A_3010 = arith.select %eq3A_3007, %add3A_3009, %select_n3A_2979 : vector<16xi1>, vector<16xf32>
      %broadcast_in_dim3A_3011 = arith.constant 15 : i32
      %broadcast_in_dim3A_3012 = vector.broadcast %broadcast_in_dim3A_3011 : i32 to vector<16xi32>
      %slice3A_3013 = vector.extract_strided_slice %get3A_2543 {offsets = [15], sizes = [1], strides = [1]} : vector<16xi32> to vector<1xi32>
      %squeeze3A_3014 = vector.extract %slice3A_3013[0] : i32 from vector<1xi32>
      %and3A_3015 = arith.constant 127 : i32
      %and3A_3016 = arith.andi %squeeze3A_3014, %and3A_3015 : i32
      %broadcast_in_dim3A_3017 = vector.broadcast %and3A_3016 : i32 to vector<16xi32>
      %slice3A_3018 = vector.extract_strided_slice %get3A_2545 {offsets = [15], sizes = [1], strides = [1]} : vector<16xi32> to vector<1xi32>
      %squeeze3A_3019 = vector.extract %slice3A_3018[0] : i32 from vector<1xi32>
      %and3A_3020 = arith.constant 127 : i32
      %and3A_3021 = arith.andi %squeeze3A_3019, %and3A_3020 : i32
      %broadcast_in_dim3A_3022 = vector.broadcast %and3A_3021 : i32 to vector<16xi32>
      %gather3A_3023 = tpu.vector_load_idx %arg14[%broadcast_in_dim3A_3012, %and3A_10, %broadcast_in_dim3A_3017] : memref<16x8x128xf32, #tpu.memory_space<vmem>>[vector<16xi32>, vector<16xi32>, vector<16xi32>], vector<16xf32>,
      %gather3A_3024 = tpu.vector_load_idx %arg15[%broadcast_in_dim3A_3012, %and3A_10, %broadcast_in_dim3A_3022] : memref<16x8x128xf32, #tpu.memory_space<vmem>>[vector<16xi32>, vector<16xi32>, vector<16xi32>], vector<16xf32>,
      %lt3A_3025 = arith.constant 8 : i32
      %lt3A_3026 = vector.broadcast %lt3A_3025 : i32 to vector<16xi32>
      %lt3A_3027 = arith.cmpi slt, %iota3A, %lt3A_3026 : vector<16xi32>
      %mul3A_3028 = arith.mulf %gather3A_3023, %gather3A_3024 : vector<16xf32>
      %jit3A_3029 = arith.constant 0.000000e+00 : f32
      %broadcast_in_dim3A_3030 = vector.broadcast %jit3A_3029 : f32 to vector<16xf32>
      %select_n3A_3031 = arith.select %lt3A_3027, %mul3A_3028, %broadcast_in_dim3A_3030 : vector<16xi1>, vector<16xf32>
      %reduce_sum3A_3032 = arith.constant true
      %reduce_sum3A_3033 = vector.broadcast %reduce_sum3A_3032 : i1 to vector<16xi1>
      %reduce_sum3A_3034 = tpu.scan <sum>, %select_n3A_3031 masked %reduce_sum3A_3033 : vector<16xf32>, vector<16xi1> -> vector<16xf32>
      %reduce_sum3A_3035 = vector.extract %reduce_sum3A_3034[15] : f32 from vector<16xf32>
      %eq3A_3036 = arith.constant 15 : i32
      %eq3A_3037 = vector.broadcast %eq3A_3036 : i32 to vector<16xi32>
      %eq3A_3038 = arith.cmpi eq, %iota3A, %eq3A_3037 : vector<16xi32>
      %add3A_3039 = vector.broadcast %reduce_sum3A_3035 : f32 to vector<16xf32>
      %add3A_3040 = arith.addf %select_n3A_3010, %add3A_3039 : vector<16xf32>
      %select_n3A_3041 = arith.select %eq3A_3038, %add3A_3040, %select_n3A_3010 : vector<16xi1>, vector<16xf32>
      %swap3A = arith.index_cast %mul3A_541 : i32 to index
      %swap3A_3042 = tpu.vector_load %arg19[%swap3A] {strides = array<i32>} : memref<512xf32, #tpu.memory_space<vmem>>, vector<16xf32>,
      tpu.vector_store %arg19[%swap3A], %select_n3A_3041 {strides = array<i32>} : memref<512xf32, #tpu.memory_space<vmem>>, vector<16xf32>,
    }
    %scan3A_538 = arith.constant 32 : i32
    "tpu.region"() ({
      %run_scoped3A = tpu.sem_alloc : memref<!tpu.dma_semaphore, #tpu.memory_space<semaphore_mem>>
      %dma_start3A_539 = tpu.memref_slice %arg9[%mul3A_2] : memref<16384xf32, #tpu.memory_space<hbm>> -> memref<512xf32, #tpu.memory_space<hbm>>
      %dma_start3A_540 = tpu.memref_slice %arg9[%mul3A_2] : memref<16384xf32, #tpu.memory_space<hbm>> -> memref<512xf32, #tpu.memory_space<hbm>>
      tpu.enqueue_dma source(%arg19 : memref<512xf32, #tpu.memory_space<vmem>>) target(%dma_start3A_540 : memref<512xf32, #tpu.memory_space<hbm>>) target_semaphore(%run_scoped3A : memref<!tpu.dma_semaphore, #tpu.memory_space<semaphore_mem>>)
      %dma_wait3A_541 = tpu.memref_slice %arg9[%mul3A_2] : memref<16384xf32, #tpu.memory_space<hbm>> -> memref<512xf32, #tpu.memory_space<hbm>>
      %dma_wait3A_542 = tpu.memref_slice %arg9[%mul3A_2] : memref<16384xf32, #tpu.memory_space<hbm>> -> memref<512xf32, #tpu.memory_space<hbm>>
      tpu.wait_dma2 semaphore(%run_scoped3A : memref<!tpu.dma_semaphore, #tpu.memory_space<semaphore_mem>>) src(%arg19 : memref<512xf32, #tpu.memory_space<vmem>>) dst(%dma_wait3A_542 : memref<512xf32, #tpu.memory_space<hbm>>)
      tpu.yield
    }) : () -> ()
    return
  }
}

</mosaic_0001>

<sc_bundles>
// kernel: kernel.3.cloned.1.call-start
scs
__scs_entry_jumppad:
0x0: {  	(pc) =	sbr.rel $0x88, $3  }
0x1: {  	(tag) =	ssettag $0x0;
	lr =	simm.s32 $0x1  }
0x2: {  	[smem:$0x3F9A] =	sst lr;
	_ =	strace $0xD0000000  }
0x3: {  	_ = 	snop  }
0x4: {  	_ = 	snop  }
0x5: {  	_ = 	snop  }
0x6: {  	_ = 	snop  }
0x7: {  	_ = 	snop  }
__scs_overlays_trampoline_lowered:
0x8: {  	[smem:$0x3FA9] =	sst s0  }
0x9: {  	[smem:$0x3FAA] =	sst s1  }
0xa: {  	[smem:$0x3FAB] =	sst s2  }
0xb: {  	[smem:$0x3FAC] =	sst s3  }
0xc: {  	[smem:$0x3FAD] =	sst s4  }
0xd: {  	[smem:$0x3FAE] =	sst s5  }
0xe: {  	[smem:$0x3FAF] =	sst s6  }
0xf: {  	[smem:$0x3FB0] =	sst s7  }
0x10: {  	[smem:$0x3FB1] =	sst s8  }
0x11: {  	[smem:$0x3FB2] =	sst s9;
	s0 =	simm.s32 @!p0 $0x0  }
0x12: {  	s1 =	sld [smem:$0x3F98];
	s0 =	simm.s32 @p0 $0x1  }
0x13: {  	[smem:$0x3FB3] =	sst s0;
	s0 =	simm.s32 @!p1 $0x0  }
0x14: {  	s2 =	sld [smem:$0x3F97];
	s0 =	simm.s32 @p1 $0x1  }
0x15: {  	[smem:$0x3FB4] =	sst s0;
	s0 =	simm.s32 @!p2 $0x0  }
0x16: {  	s3 =	sld [smem:$0x3FDB];
	s0 =	simm.s32 @p2 $0x1  }
0x17: {  	s4 =	simm.s32 $0x1BF5;
	[smem:$0x3FB6] =	sst s0  }
0x18: {  	s0 =	sld [smem:$0x3F99];
	_ =	swait.ge [sflag:s4], $0x0  }
0x19: {  	s7 =	sld [smem:$0x3F9A]  }
0x1a: {  	s8 =	sadd.s32 $0xFFFFE003, lr  }
0x1b: {  	s9 =	sadd.s32 $0xFFFFFEF7, lr;
	s5 =	simm.s32 $0xFFFFFFFF;
	p2 =	slt.u32 s8, $0xFFFFF086  }
0x1c: {  	p1 =	slt.u32 s9, $0xF7A;
	s5 =	simm.s32 @!p2 $0x0  }
0x1d: {  	s5 =	simm.s32 @p1 $0x1;
	p0 =	seq.s32 s7, s2  }
0x1e: {  	s7 =	smul.u32 @!p0 $0xF7A, s2;
	p2 =	seq.s32 @!p0 s5, $0x0  }
0x1f: {  	s9 =	smul.u32 $0xF7A, s1;
	s8 =	simm.s32 @!p0 $0x1BF5;
	p2 =	por !p2, p0  }
0x20: {  	[sflag:s8] =	ssyncset.s32 @!p0 $0xFFFFF086;
	s6 =	sadd.s32 @!p0 s3, s7;
	s7 =	simm.s32 @!p0 $0x108  }
0x21: {  	s3 =	sadd.s32 s3, s9;
	s6 =	sadd.s32 @!p0 $0x88, s6;
	s7 =	simm.s32 @p2 $0x1082  }
0x22: {  	[simem:s7], [sflag:s8] =	dma.local @!p0 [hbm:s6], $0xF7A  }
0x23: {  	s9 =	sor.u32 $0xD0000000, s2;
	s6 =	simm.s32 $0x108;
	_ =	swait.ge @!p0 [sflag:s8], $0x0  }
0x24: {  	s3 =	sadd.s32 $0x88, s3;
	s6 =	simm.s32 @!p1 $0x1082;
	[sflag:s4] =	ssyncset.s32 $0xFFFFF086  }
0x25: {  	[simem:s6], [sflag:s4] =	dma.local [hbm:s3], $0xF7A  }
0x26: {  	[smem:$0x3F9A] =	sst s1;
	(tag) =	ssettag s2;
	_ =	strace s9  }
0x27: {  	s1 =	sld [smem:$0x3FAA]  }
0x28: {  	s2 =	sld [smem:$0x3FAB]  }
0x29: {  	s4 =	sld [smem:$0x3FAD]  }
0x2a: {  	p0 =	seq.s32 s5, $0x0;
	s5 =	sld [smem:$0x3FAE]  }
0x2b: {  	s6 =	sld [smem:$0x3FAF]  }
0x2c: {  	s7 =	sld [smem:$0x3FB0]  }
0x2d: {  	s3 =	simm.s32 $0x108;
	s8 =	sld [smem:$0x3FB1]  }
0x2e: {  	s3 =	simm.s32 @!p0 $0x1082;
	s9 =	sld [smem:$0x3FB2]  }
0x2f: {  	lr =	sadd.s32 s0, s3;
	s0 =	sld [smem:$0x3FA9]  }
0x30: {  	s3 =	sld [smem:$0x3FAC]  }
0x31: {  	[smem:$0x3FB5] =	sst s10  }
0x32: {  	s10 =	sld [smem:$0x3FB3];
	_ =	sdelay $0x3  }
0x33: {  	p0 =	seq.s32 s10, $0x1;
	s10 =	sld [smem:$0x3FB5];
	_ =	sdelay $0x3  }
0x34: {  	[smem:$0x3FB5] =	sst s10  }
0x35: {  	s10 =	sld [smem:$0x3FB4];
	_ =	sdelay $0x3  }
0x36: {  	p1 =	seq.s32 s10, $0x1;
	s10 =	sld [smem:$0x3FB5];
	_ =	sdelay $0x3  }
0x37: {  	[smem:$0x3FB5] =	sst s10  }
0x38: {  	s10 =	sld [smem:$0x3FB6]  }
0x39: {  	_ = 	snop;
	(pc) =	sbr.ind lr, $3  }
0x3a: {  	_ = 	snop  }
0x3b: {  	_ = 	snop  }
0x3c: {  	p2 =	seq.s32 s10, $0x1;
	s10 =	sld [smem:$0x3FB5]  }
0x3d: {  	_ =	shalt  }
0x3e: {  	_ =	shalt  }
0x3f: {  	_ =	shalt  }
0x40: {  	_ =	shalt  }
0x41: {  	_ =	shalt  }
0x42: {  	_ =	shalt  }
0x43: {  	_ =	shalt  }
0x44: {  	_ =	shalt  }
0x45: {  	_ =	shalt  }
0x46: {  	_ =	shalt  }
0x47: {  	_ =	shalt  }
0x48: {  	_ =	shalt  }
0x49: {  	_ =	shalt  }
0x4a: {  	_ =	shalt  }
0x4b: {  	_ =	shalt  }
0x4c: {  	_ =	shalt  }
0x4d: {  	_ =	shalt  }
0x4e: {  	_ =	shalt  }
0x4f: {  	_ =	shalt  }
0x50: {  	_ =	shalt  }
0x51: {  	_ =	shalt  }
0x52: {  	_ =	shalt  }
0x53: {  	_ =	shalt  }
0x54: {  	_ =	shalt  }
0x55: {  	_ =	shalt  }
0x56: {  	_ =	shalt  }
0x57: {  	_ =	shalt  }
0x58: {  	_ =	shalt  }
0x59: {  	_ =	shalt  }
0x5a: {  	_ =	shalt  }
0x5b: {  	_ =	shalt  }
0x5c: {  	_ =	shalt  }
0x5d: {  	_ =	shalt  }
0x5e: {  	_ =	shalt  }
0x5f: {  	_ =	shalt  }
0x60: {  	_ =	shalt  }
0x61: {  	_ =	shalt  }
0x62: {  	_ =	shalt  }
0x63: {  	_ =	shalt  }
0x64: {  	_ =	shalt  }
0x65: {  	_ =	shalt  }
0x66: {  	_ =	shalt  }
0x67: {  	_ =	shalt  }
0x68: {  	_ =	shalt  }
0x69: {  	_ =	shalt  }
0x6a: {  	_ =	shalt  }
0x6b: {  	_ =	shalt  }
0x6c: {  	_ =	shalt  }
0x6d: {  	_ =	shalt  }
0x6e: {  	_ =	shalt  }
0x6f: {  	_ =	shalt  }
0x70: {  	_ =	shalt  }
0x71: {  	_ =	shalt  }
0x72: {  	_ =	shalt  }
0x73: {  	_ =	shalt  }
0x74: {  	_ =	shalt  }
0x75: {  	_ =	shalt  }
0x76: {  	_ =	shalt  }
0x77: {  	_ =	shalt  }
0x78: {  	_ =	shalt  }
0x79: {  	_ =	shalt  }
0x7a: {  	_ =	shalt  }
0x7b: {  	_ =	shalt  }
0x7c: {  	_ =	shalt  }
0x7d: {  	_ =	shalt  }
0x7e: {  	_ =	shalt  }
0x7f: {  	_ =	shalt  }
0x80: {  	_ =	shalt  }
0x81: {  	_ =	shalt  }
0x82: {  	_ =	shalt  }
0x83: {  	_ =	shalt  }
0x84: {  	_ =	shalt  }
0x85: {  	_ =	shalt  }
0x86: {  	_ =	shalt  }
0x87: {  	_ =	shalt  }
.Lfunc_end0:
.L_simem_size_0:
called_computation_lowered:
.L_overlay_start_0:
0x88: {  	s2 =	sld [smem:$0x3FD9]  }
0x89: {  	s3 =	sld [smem:$0x3FFE];
	_ =	sdelay $0x1  }
0x8a: {  	s1 =	srdreg.scid  }
0x8b: {  	s0 =	sand.u32 $0x1, s1  }
0x8c: {  	s18 =	sshll.u32 s0, $0xA;
	s2 =	sadd.s32 s3, s2  }
0x8d: {  	s2 =	sadd.s32 s2, s18  }
0x8e: {  	[smem:$0x3FC1] =	sst s2  }
0x8f: {  	_ = 	snop  }
0x90: {  	s2 =	sld [smem:$0x3FC9]  }
0x91: {  	s19 =	sld [smem:$0x3FC8]  }
0x92: {  	s4 =	sld [smem:$0x3FC7]  }
0x93: {  	s5 =	sld [smem:$0x3FC6]  }
0x94: {  	s6 =	sld [smem:$0x3FC5]  }
0x95: {  	s7 =	sld [smem:$0x3FC4]  }
0x96: {  	s8 =	sld [smem:$0x3FC3]  }
0x97: {  	s9 =	sld [smem:$0x3FD0];
	(tm) =	ssettm $0x1  }
0x98: {  	s10 =	sld [smem:$0x3FFB];
	_ =	sdelay $0x3  }
0x99: {  	_ =	strace s10  }
0x9a: {  	s10 =	sld [smem:$0x3FFC];
	_ =	sdelay $0x3  }
0x9b: {  	_ =	strace s10  }
0x9c: {  	s10 =	sld [smem:$0x3FFD];
	_ =	sdelay $0x3  }
0x9d: {  	_ =	strace s10  }
0x9e: {  	_ =	strace $0x8FFFFFFF  }
0x9f: {  	s20 =	sld [smem:$0x3FDB];
	_ =	sdelay $0x1  }
0xa0: {  	s11 =	simm.s32 $_scs_section_size  }
0xa1: {  	s12 =	simm.s32 $_size__tile_overlayer_lowered;
	s13 =	simm.s32 $_tile_overlayer_lowered  }
0xa2: {  	s23 =	simm.s32 $0x1BFF;
	s22 =	sshll.u32 s13, $0x1;
	s10 =	sadd.s32 s11, s20  }
0xa3: {  	s14 =	simm.s32 $0x0;
	s21 =	sshll.u32 s12, $0x1;
	s12 =	sadd.s32 s22, s10  }
0xa4: {  	[timem:s14], [sflag:s23] =	dma.local [hbm:s12], s21  }
0xa5: {  	_ =	swait.ge [sflag:s23], s21  }
0xa6: {  	s11 =	ssub.s32 $0x0, s21;
	[sflag:s23] =	ssyncset.done $0x0  }
0xa7: {  	[sflag:s23] =	ssyncadd.s32 s11;
	_ =	sdelay $0x1  }
0xa8: {  	s24 =	simm.s32 $0x1B8B  }
0xa9: {  	_ =	swait.ge [sflag:s24], $0x1  }
0xaa: {  	[sflag:s24] =	ssyncset.done $0x0  }
0xab: {  	s25 =	simm.s32 $0x1B8E;
	[sflag:s24] =	ssyncadd.s32 $0xFFFFFFFF  }
0xac: {  	s26 =	simm.s32 $execute0_lowered;
	[smem:$0x3FD2] =	sst s25  }
0xad: {  	s11 =	sshll.u32 s26, $0x1;
	_ =	strace $0x80000046;
	[dreg:$0x1] =	wrdreg $0xFFFFFFFF  }
0xae: {  	s28 =	simm.s32 $_size_execute0_lowered;
	s10 =	sadd.s32 s10, s11;
	[dreg:$0x0] =	wrdreg $0x0  }
0xaf: {  	s11 =	sshll.u32 s28, $0x1;
	[dreg:$0x2] =	wrdreg s10  }
0xb0: {  	[dreg:$0x3] =	wrdreg s11  }
0xb1: {  	[dreg:$0x4] =	wrdreg $0xC0  }
0xb2: {  	_ =	task [dreg:s14], $0x5FFFF  }
0xb3: {  	[dreg:$0x1] =	wrdreg $0xFFFFFFFF  }
0xb4: {  	[dreg:$0x0] =	wrdreg $0x60  }
0xb5: {  	[dreg:$0x2] =	wrdreg s2  }
0xb6: {  	[dreg:$0x3] =	wrdreg s19  }
0xb7: {  	[dreg:$0x4] =	wrdreg s4  }
0xb8: {  	[dreg:$0x5] =	wrdreg s5  }
0xb9: {  	[dreg:$0x6] =	wrdreg s6  }
0xba: {  	[dreg:$0x7] =	wrdreg s7  }
0xbb: {  	[dreg:$0x8] =	wrdreg s8  }
0xbc: {  	[dreg:$0x9] =	wrdreg s9  }
0xbd: {  	[dreg:$0xa] =	wrdreg $0x9  }
0xbe: {  	_ =	task.clear_ibuf [dreg:s14], $0xBFFFF;
	_ =	strace $0x90000046  }
0xbf: {  	s29 =	simm.s32 $0x9;
	_ =	strace $0x80000048  }
0xc0: {  	_ =	swait.ge [sflag:s29], $0x1  }
0xc1: {  	[sflag:s29] =	ssyncadd.s32 $0xFFFFFFFF  }
0xc2: {  	_ =	strace $0x90000048  }
0xc3: {  	_ =	sfence  }
0xc4: {  	s30 =	sld [smem:$0x0];
	_ =	sdelay $0x2  }
0xc5: {  	s31 =	sshll.u32 s1, $0xD;
	s1 =	sshrl.u32 s1, $0x2  }
0xc6: {  	s3 =	sand.u32 $0x4000, s31;
	s1 =	sadd.s32 s1, s30  }
0xc7: {  	s0 =	sor.u32 s3, s0;
	s1 =	sshll.u32 s1, $0x11  }
0xc8: {  	s0 =	sor.u32 s1, s0  }
0xc9: {  	s0 =	sadd.s32 $0x8F2B, s0  }
0xca: {  	[sflag:s0] =	ssyncadd.remote.s32 $0x1  }
0xcb: {  	_ =	sfence.sel $0xFFFF  }
0xcc: {  	[dreg:$0x0] =	wrdreg $0xFFFFFFFF;
	(pc) =	sbr.abs _section_cstart, $3  }
0xcd: {  	[dreg:$0x1] =	wrdreg $0xFFFFFFFF  }
0xce: {  	_ =	task.clear_ibuf [dreg:s14], $0x2FFFF;
	_ =	strace $0x9FFFFFFF  }
0xcf: {  	(tm) =	ssettm $0x7FFFFFFF  }
tec
execute0_lowered:
.L_overlay_start_1:
0x0: {  	(tag) =	ssettag $0x1  }
0x1: {  	s0 =	rddreg [dreg:$0x0]  }
0x2: {  	s1 =	rddreg [dreg:$0x1]  }
0x3: {  	s2 =	rddreg [dreg:$0x2]  }
0x4: {  	s9 =	rddreg [dreg:$0x3]  }
0x5: {  	s11 =	rddreg [dreg:$0x4]  }
0x6: {  	s3 =	rddreg [dreg:$0x7]  }
0x7: {  	s4 =	srdreg.scid;
	s6 =	simm.s32 $0x0;
	s8 =	stileid.u32;
	v0 =	vlaneseq.u32;
	vm0 =	vmmov $0xff;
	vm1 =	vmmov $0x1  }
0x8: {  	s20 =	simm.s32 $0x400;
	s21 =	simm.s32 $0x4400;
	v1 =	vimm.s32 $0x0;
	vm2 =	vcmask $0xF0C;
	vm3 =	vcmask $0x714;
	s28 =	simm.s32 $0xC400  }
0x9: {  	v3 =	vimm.s32 $0x0;
	vm7 =	vcmask $0x1724;
	v7 =	vimm.s32 $0x0;
	s12 =	simm.s32 $0xE000;
	s13 =	simm.s32 $0xA400;
	s15 =	simm.s32 $0xE400  }
0xa: {  	s19 =	simm.s32 $0xA800;
	s14 =	simm.s32 $0xE800;
	vm11 =	vcmask $0x2734;
	s22 =	simm.s32 $0xB000;
	v11 =	vimm.s32 $0x0;
	v15 =	vimm.s32 $0x0  }
0xb: {  	s29 =	simm.s32 $0xB800;
	s30 =	simm.s32 $0xF800;
	s31 =	simm.s32 $0xBC00;
	v16 =	vimm.s32 $0x0;
	vm5 =	vcmask $0xB14;
	vm6 =	vcmask $0xF18  }
0xc: {  	s16 =	simm.s32 $0x2;
	s17 =	simm.s32 $0x0;
	vm8 =	vcmask $0x131C;
	vm9 =	vcmask $0x1B24;
	vm10 =	vcmask $0x1F28;
	s4 =	sand.u32 $0x1, s4  }
0xd: {  	vm12 =	vcmask $0x232C;
	vm13 =	vcmask $0x2B34;
	[smem:$0x7FF] =	sst s6;
	s8 =	sshll.u32 s8, $0x7;
	s10 =	sadd.s32 $0xF4280, s9;
	v0 =	vand.u32 $0x7, v0  }
0xe: {  	s11 =	sadd.s32 $0xF4280, s11;
	v1 =	vsel vm1, $0xFFFFFFFF, v1;
	vm1 =	vmor vm3, vm2;
	vm2 =	vcmask $0x1F1C;
	s9 =	simm.s32 $0xA000;
	s5 =	ssub.s32 $0x2, s4  }
0xf: {  	s4 =	sshll.u32 s4, $0x6;
	_ =	strace $0x80000047;
	v0 =	vmul.u32 $0x80, v0;
	v3 =	vsel vm1, $0xFFFFFFFF, v3;
	vm1 =	vmor vm7, vm2;
	s7 =	sshrl.u32 s5, $0x1  }
0x10: {  	vm14 =	vcmask $0x2F38;
	vm2 =	vcmask $0x2F2C;
	s4 =	sor.u32 s4, s8;
	s8 =	simm.s32 $0x4;
	v7 =	vsel vm1, $0xFFFFFFFF, v7;
	s5 =	ssub.s32 s5, s7  }
0x11: {  	[tilespmem:$0x1FFA0] =	vst v1;
	vm1 =	vmor vm11, vm2;
	s0 =	sadd.s32 s0, s4;
	s23 =	sadd.s32 s1, s4;
	s24 =	sadd.s32 s2, s4;
	v1 =	vor.u32 $0x400, v0;
	v2 =	vor.u32 $0x800, v0  }
0x12: {  	[tilespmem:$0x1FFB0] =	vst v3;
	s25 =	sadd.s32 s3, s4;
	v3 =	vor.u32 $0xC00, v0;
	v4 =	vor.u32 $0x1000, v0;
	v5 =	vor.u32 $0x1400, v0;
	s1 =	simm.s32 $0xAC00;
	[dreg:$0x9] =	wrdreg s0  }
.Ltmp0:
0x13: {  	v6 =	vor.u32 $0x1800, v0;
	[tilespmem:$0x1FFC0] =	vst v7;
	v7 =	vor.u32 $0x1C00, v0;
	v8 =	vor.u32 $0x2000, v0;
	s2 =	simm.s32 $0xEC00;
	[dreg:$0xa] =	wrdreg s23;
	(pc) =	sbr.rel .LBB2_1-.Ltmp0, $4  }
0x14: {  	v9 =	vor.u32 $0x2400, v0;
	v11 =	vsel vm1, $0xFFFFFFFF, v11;
	s3 =	simm.s32 $0x10000;
	s4 =	simm.s32 $0x1;
	vm1 =	vmmov $0x3fff;
	[dreg:$0xb] =	wrdreg s24  }
0x15: {  	v10 =	vor.u32 $0x2800, v0;
	[dreg:$0xc] =	wrdreg s25;
	s26 =	smax.u32 s5, $0x1;
	s23 =	simm.s32 $0xF000;
	[tilespmem:$0x1FFD0] =	vst v11;
	v15 =	vsel vm1, $0xFFFFFFFF, v15;
	vm1 =	vmmov $0x7fff  }
0x16: {  	v12 =	vor.u32 $0x3000, v0;
	v13 =	vor.u32 $0x3400, v0;
	s24 =	simm.s32 $0xB400;
	s25 =	simm.s32 $0xF400;
	s0 =	simm.s32 $0xFC00;
	[tilespmem:$0x1FFE0] =	vst v15;
	v16 =	vsel vm1, $0xFFFFFFFF, v16  }
0x17: {  	v14 =	vor.u32 $0x3800, v0;
	v11 =	vor.u32 $0x2C00, v0;
	s5 =	simm.s32 $0xC000;
	[dreg:$0xd] =	wrdreg s26;
	s26 =	simm.s32 $0x8400;
	v15 =	vor.u32 $0x3C00, v0;
	[tilespmem:$0x1FFF0] =	vst v16  }
.LBB2_5:
0x18: {  	s7 =	rddreg [dreg:$0xc];
	s8 =	simm.s32 $0x10A00  }
0x19: {  	[hbm4b:s7+s6] =	stream.linear.scatter [tilespmem:s8], [sflag:$0x4], $0x200, $0x38;
	[tilespmem:$0x10C00] =	vst v63  }
0x1a: {  	s8 =	simm.s32 $0x4  }
0x1b: {  	_ =	swait.ge [sflag:s8], $0x200  }
0x1c: {  	s17 =	rddreg [dreg:$0xe]  }
0x1d: {  	s18 =	rddreg [dreg:$0xd];
	s17 =	sadd.s32 $0x1, s17  }
0x1e: {  	p0 =	sne.s32 s17, s18  }
.Ltmp1:
0x1f: {  	_ = 	snop;
	(pc) =	sbr.rel @!p0 .LBB2_6-.Ltmp1, $3  }
0x20: {  	_ =	sdelay $0x1  }
0x21: {  	[sflag:s8] =	ssyncset.done $0x0  }
0x22: {  	[sflag:s8] =	ssyncadd.s32 $0xFFFFFE00  }
.LBB2_1:
0x23: {  	[dreg:$0xe] =	wrdreg s17  }
0x24: {  	s7 =	rddreg [dreg:$0x9]  }
0x25: {  	[tilespmem:s6], [sflag:$0x4] =	stream.linear.gather [hbm4b:s7+s6], $0x200, $0x38;
	[tilespmem:$0x10C00] =	vst v63  }
0x26: {  	_ =	swait.ge [sflag:s8], $0x200  }
0x27: {  	[sflag:s8] =	ssyncset.done $0x0  }
0x28: {  	s17 =	simm.s32 $0x200;
	s18 =	rddreg [dreg:$0xa];
	[sflag:s8] =	ssyncadd.s32 $0xFFFFFE00  }
0x29: {  	[tilespmem:s17], [sflag:$0x4] =	stream.linear.gather [hbm4b:s18+s6], $0x200, $0x38;
	[tilespmem:$0x10C00] =	vst v63  }
0x2a: {  	_ =	swait.ge [sflag:s8], $0x200  }
0x2b: {  	[sflag:s8] =	ssyncset.done $0x0  }
0x2c: {  	[sflag:s8] =	ssyncadd.s32 $0xFFFFFE00  }
0x2d: {  	s18 =	simm.s32 $0x10400;
	s7 =	rddreg [dreg:$0x5]  }
0x2e: {  	[tilespmem:s18], [sflag:$0x3] =	stream.indirect.gather [hbm4b:s7+s17], $0x1, s6, s17, $0xb8;
	[tilespmem:$0x10C00] =	vst v63  }
0x2f: {  	s7 =	rddreg [dreg:$0x6];
	s18 =	simm.s32 $0x10600  }
0x30: {  	[tilespmem:s18], [sflag:$0x3] =	stream.indirect.gather [hbm4b:s7+s17], $0x1, s17, s17, $0xb8;
	[tilespmem:$0x10C00] =	vst v63  }
0x31: {  	s17 =	rddreg [dreg:$0xb];
	s18 =	simm.s32 $0x10800  }
0x32: {  	[tilespmem:s18], [sflag:$0x4] =	stream.linear.gather [hbm4b:s17+s6], $0x200, $0x38;
	[tilespmem:$0x10C00] =	vst v63  }
0x33: {  	_ =	swait.ge [sflag:s8], $0x200  }
0x34: {  	[sflag:s8] =	ssyncset.done $0x0  }
0x35: {  	[sflag:s8] =	ssyncadd.s32 $0xFFFFFE00;
	s8 =	simm.s32 $0x3  }
0x36: {  	_ =	swait.ge [sflag:s8], $0x200  }
0x37: {  	[sflag:s8] =	ssyncset.done $0x0  }
0x38: {  	[sflag:s8] =	ssyncadd.s32 $0xFFFFFE00  }
0x39: {  	_ =	swait.ge [sflag:s8], $0x200  }
0x3a: {  	[sflag:s8] =	ssyncset.done $0x0  }
0x3b: {  	[sflag:s8] =	ssyncadd.s32 $0xFFFFFE00  }
0x3c: {  	v16 =	vld [tilespmem:$0x0];
	_ =	sdelay $0x1  }
0x3d: {  	v17 =	vld [tilespmem:$0x200];
	_ =	sdelay $0x2  }
0x3e: {  	s7 =	rddreg [dreg:$0x3];
	v16 =	vand.u32 $0xFFFFFF80, v16  }
0x3f: {  	v16 =	vadd.s32 s7, v16  }
0x40: {  	s17 =	rddreg [dreg:$0x4];
	v17 =	vand.u32 $0xFFFFFF80, v17;
	(v2sf) =	vpush v16, $0x0  }
0x41: {  	v17 =	vadd.s32 s17, v17  }
0x42: {  	(v2sf) =	vpush v17, $0x0;
	_ =	sdelay $0x1  }
0x43: {  	(v2sf) =	vpush v16, $0x1;
	_ =	sdelay $0x1  }
0x44: {  	(v2sf) =	vpush v17, $0x1;
	_ =	sdelay $0x1  }
0x45: {  	(v2sf) =	vpush v16, $0x2;
	_ =	sdelay $0x1  }
0x46: {  	(v2sf) =	vpush v17, $0x2;
	_ =	sdelay $0x1  }
0x47: {  	(v2sf) =	vpush v16, $0x3;
	_ =	sdelay $0x1  }
0x48: {  	(v2sf) =	vpush v17, $0x3  }
0x49: {  	s18 =	spop (v2sf)  }
0x4a: {  	(v2sf) =	vpush v16, $0x4;
	[tilespmem:s20], [sflag:$0x1] =	stream.linear.gather [hbm4b:s18+s6], $0x400, $0x38;
	[tilespmem:$0x10C00] =	vst v63  }
0x4b: {  	s7 =	spop (v2sf)  }
0x4c: {  	(v2sf) =	vpush v17, $0x4;
	[tilespmem:s21], [sflag:$0x1] =	stream.linear.gather [hbm4b:s7+s6], $0x400, $0x38;
	[tilespmem:$0x10C00] =	vst v63  }
0x4d: {  	s18 =	simm.s32 $0x800;
	s8 =	spop (v2sf)  }
0x4e: {  	(v2sf) =	vpush v16, $0x5;
	[tilespmem:s18], [sflag:$0x1] =	stream.linear.gather [hbm4b:s8+s6], $0x400, $0x38;
	[tilespmem:$0x10C00] =	vst v63  }
0x4f: {  	s8 =	spop (v2sf);
	s18 =	simm.s32 $0x4800  }
0x50: {  	(v2sf) =	vpush v17, $0x5;
	[tilespmem:s18], [sflag:$0x1] =	stream.linear.gather [hbm4b:s8+s6], $0x400, $0x38;
	[tilespmem:$0x10C00] =	vst v63  }
0x51: {  	s8 =	spop (v2sf);
	s18 =	simm.s32 $0xC00  }
0x52: {  	(v2sf) =	vpush v16, $0x6;
	[tilespmem:s18], [sflag:$0x1] =	stream.linear.gather [hbm4b:s8+s6], $0x400, $0x38;
	[tilespmem:$0x10C00] =	vst v63  }
0x53: {  	s8 =	spop (v2sf);
	s18 =	simm.s32 $0x4C00  }
0x54: {  	(v2sf) =	vpush v17, $0x6;
	[tilespmem:s18], [sflag:$0x1] =	stream.linear.gather [hbm4b:s8+s6], $0x400, $0x38;
	[tilespmem:$0x10C00] =	vst v63  }
0x55: {  	s8 =	spop (v2sf);
	s18 =	simm.s32 $0x1000  }
0x56: {  	(v2sf) =	vpush v16, $0x7;
	[tilespmem:s18], [sflag:$0x1] =	stream.linear.gather [hbm4b:s8+s6], $0x400, $0x38;
	[tilespmem:$0x10C00] =	vst v63  }
0x57: {  	s8 =	spop (v2sf);
	s18 =	simm.s32 $0x5000  }
0x58: {  	(v2sf) =	vpush v17, $0x7;
	[tilespmem:s18], [sflag:$0x1] =	stream.linear.gather [hbm4b:s8+s6], $0x400, $0x38;
	[tilespmem:$0x10C00] =	vst v63  }
0x59: {  	s8 =	spop (v2sf);
	s18 =	simm.s32 $0x1400  }
0x5a: {  	(v2sf) =	vpush v16, $0x8;
	[tilespmem:s18], [sflag:$0x1] =	stream.linear.gather [hbm4b:s8+s6], $0x400, $0x38;
	[tilespmem:$0x10C00] =	vst v63  }
0x5b: {  	s8 =	spop (v2sf);
	s18 =	simm.s32 $0x5400  }
0x5c: {  	(v2sf) =	vpush v17, $0x8;
	[tilespmem:s18], [sflag:$0x1] =	stream.linear.gather [hbm4b:s8+s6], $0x400, $0x38;
	[tilespmem:$0x10C00] =	vst v63  }
0x5d: {  	s8 =	spop (v2sf);
	s18 =	simm.s32 $0x1800  }
0x5e: {  	(v2sf) =	vpush v16, $0x9;
	[tilespmem:s18], [sflag:$0x1] =	stream.linear.gather [hbm4b:s8+s6], $0x400, $0x38;
	[tilespmem:$0x10C00] =	vst v63  }
0x5f: {  	s8 =	spop (v2sf);
	s18 =	simm.s32 $0x5800  }
0x60: {  	(v2sf) =	vpush v17, $0x9;
	[tilespmem:s18], [sflag:$0x1] =	stream.linear.gather [hbm4b:s8+s6], $0x400, $0x38;
	[tilespmem:$0x10C00] =	vst v63  }
0x61: {  	s8 =	spop (v2sf);
	s18 =	simm.s32 $0x1C00  }
0x62: {  	(v2sf) =	vpush v16, $0xA;
	[tilespmem:s18], [sflag:$0x1] =	stream.linear.gather [hbm4b:s8+s6], $0x400, $0x38;
	[tilespmem:$0x10C00] =	vst v63  }
0x63: {  	s8 =	spop (v2sf);
	s18 =	simm.s32 $0x5C00  }
0x64: {  	(v2sf) =	vpush v17, $0xA;
	[tilespmem:s18], [sflag:$0x1] =	stream.linear.gather [hbm4b:s8+s6], $0x400, $0x38;
	[tilespmem:$0x10C00] =	vst v63  }
0x65: {  	s8 =	spop (v2sf);
	s18 =	simm.s32 $0x2000  }
0x66: {  	(v2sf) =	vpush v16, $0xB;
	[tilespmem:s18], [sflag:$0x1] =	stream.linear.gather [hbm4b:s8+s6], $0x400, $0x38;
	[tilespmem:$0x10C00] =	vst v63  }
0x67: {  	s8 =	spop (v2sf);
	s18 =	simm.s32 $0x6000  }
0x68: {  	(v2sf) =	vpush v17, $0xB;
	[tilespmem:s18], [sflag:$0x1] =	stream.linear.gather [hbm4b:s8+s6], $0x400, $0x38;
	[tilespmem:$0x10C00] =	vst v63  }
0x69: {  	s8 =	spop (v2sf);
	s18 =	simm.s32 $0x2400  }
0x6a: {  	(v2sf) =	vpush v16, $0xC;
	[tilespmem:s18], [sflag:$0x1] =	stream.linear.gather [hbm4b:s8+s6], $0x400, $0x38;
	[tilespmem:$0x10C00] =	vst v63  }
0x6b: {  	s8 =	spop (v2sf);
	s18 =	simm.s32 $0x6400  }
0x6c: {  	(v2sf) =	vpush v17, $0xC;
	[tilespmem:s18], [sflag:$0x1] =	stream.linear.gather [hbm4b:s8+s6], $0x400, $0x38;
	[tilespmem:$0x10C00] =	vst v63  }
0x6d: {  	s8 =	spop (v2sf);
	s18 =	simm.s32 $0x2800  }
0x6e: {  	(v2sf) =	vpush v16, $0xD;
	[tilespmem:s18], [sflag:$0x1] =	stream.linear.gather [hbm4b:s8+s6], $0x400, $0x38;
	[tilespmem:$0x10C00] =	vst v63  }
0x6f: {  	s8 =	spop (v2sf);
	s18 =	simm.s32 $0x6800  }
0x70: {  	(v2sf) =	vpush v17, $0xD;
	[tilespmem:s18], [sflag:$0x1] =	stream.linear.gather [hbm4b:s8+s6], $0x400, $0x38;
	[tilespmem:$0x10C00] =	vst v63  }
0x71: {  	s8 =	spop (v2sf);
	s18 =	simm.s32 $0x2C00  }
0x72: {  	(v2sf) =	vpush v16, $0xE;
	[tilespmem:s18], [sflag:$0x1] =	stream.linear.gather [hbm4b:s8+s6], $0x400, $0x38;
	[tilespmem:$0x10C00] =	vst v63  }
0x73: {  	s8 =	spop (v2sf);
	s18 =	simm.s32 $0x6C00  }
0x74: {  	(v2sf) =	vpush v17, $0xE;
	[tilespmem:s18], [sflag:$0x1] =	stream.linear.gather [hbm4b:s8+s6], $0x400, $0x38;
	[tilespmem:$0x10C00] =	vst v63  }
0x75: {  	s8 =	spop (v2sf);
	s18 =	simm.s32 $0x3000  }
0x76: {  	[tilespmem:s18], [sflag:$0x1] =	stream.linear.gather [hbm4b:s8+s6], $0x400, $0x38;
	[tilespmem:$0x10C00] =	vst v63  }
0x77: {  	(v2sf) =	vpush v16, $0xF;
	s8 =	spop (v2sf);
	s18 =	simm.s32 $0x7000  }
0x78: {  	[tilespmem:s18], [sflag:$0x1] =	stream.linear.gather [hbm4b:s8+s6], $0x400, $0x38;
	[tilespmem:$0x10C00] =	vst v63  }
0x79: {  	(v2sf) =	vpush v17, $0xF;
	s8 =	spop (v2sf);
	s18 =	simm.s32 $0x3400  }
0x7a: {  	[tilespmem:s18], [sflag:$0x1] =	stream.linear.gather [hbm4b:s8+s6], $0x400, $0x38;
	[tilespmem:$0x10C00] =	vst v63  }
0x7b: {  	s8 =	spop (v2sf);
	s18 =	simm.s32 $0x7400  }
0x7c: {  	[tilespmem:s18], [sflag:$0x1] =	stream.linear.gather [hbm4b:s8+s6], $0x400, $0x38;
	[tilespmem:$0x10C00] =	vst v63  }
0x7d: {  	s8 =	spop (v2sf);
	s18 =	simm.s32 $0x3800  }
0x7e: {  	[tilespmem:s18], [sflag:$0x1] =	stream.linear.gather [hbm4b:s8+s6], $0x400, $0x38;
	[tilespmem:$0x10C00] =	vst v63  }
0x7f: {  	s8 =	spop (v2sf);
	s18 =	simm.s32 $0x7800  }
0x80: {  	[tilespmem:s18], [sflag:$0x1] =	stream.linear.gather [hbm4b:s8+s6], $0x400, $0x38;
	[tilespmem:$0x10C00] =	vst v63  }
0x81: {  	s8 =	spop (v2sf);
	s18 =	simm.s32 $0x3C00  }
0x82: {  	[tilespmem:s18], [sflag:$0x1] =	stream.linear.gather [hbm4b:s8+s6], $0x400, $0x38;
	[tilespmem:$0x10C00] =	vst v63  }
0x83: {  	s8 =	spop (v2sf);
	s18 =	simm.s32 $0x7C00  }
0x84: {  	[tilespmem:s18], [sflag:$0x1] =	stream.linear.gather [hbm4b:s8+s6], $0x400, $0x38;
	[tilespmem:$0x10C00] =	vst v63  }
.Ltmp2:
0x85: {  	_ = 	snop;
	(pc) =	sbr.rel .LBB2_2-.Ltmp2, $4  }
0x86: {  	s8 =	spop (v2sf);
	s18 =	simm.s32 $0x4000  }
0x87: {  	[tilespmem:s18], [sflag:$0x1] =	stream.linear.gather [hbm4b:s8+s6], $0x400, $0x38;
	[tilespmem:$0x10C00] =	vst v63  }
0x88: {  	s17 =	simm.s32 $0x0;
	s8 =	spop (v2sf);
	s18 =	simm.s32 $0x8000  }
0x89: {  	[tilespmem:s18], [sflag:$0x1] =	stream.linear.gather [hbm4b:s8+s6], $0x400, $0x38;
	[tilespmem:$0x10C00] =	vst v63  }
.LBB2_4:
0x8a: {  	_ =	swait.ge [sflag:s16], $0x400  }
0x8b: {  	[sflag:s16] =	ssyncset.done $0x0  }
0x8c: {  	[sflag:s16] =	ssyncadd.s32 $0xFFFFFC00  }
0x8d: {  	_ =	swait.ge [sflag:s16], $0x400  }
0x8e: {  	[sflag:s16] =	ssyncset.done $0x0  }
0x8f: {  	[sflag:s16] =	ssyncadd.s32 $0xFFFFFC00  }
0x90: {  	_ =	swait.ge [sflag:s16], $0x400  }
0x91: {  	[sflag:s16] =	ssyncset.done $0x0  }
0x92: {  	[sflag:s16] =	ssyncadd.s32 $0xFFFFFC00  }
0x93: {  	_ =	swait.ge [sflag:s16], $0x400  }
0x94: {  	[sflag:s16] =	ssyncset.done $0x0  }
0x95: {  	[sflag:s16] =	ssyncadd.s32 $0xFFFFFC00  }
0x96: {  	_ =	swait.ge [sflag:s16], $0x400  }
0x97: {  	[sflag:s16] =	ssyncset.done $0x0  }
0x98: {  	[sflag:s16] =	ssyncadd.s32 $0xFFFFFC00  }
0x99: {  	_ =	swait.ge [sflag:s16], $0x400  }
0x9a: {  	[sflag:s16] =	ssyncset.done $0x0  }
0x9b: {  	[sflag:s16] =	ssyncadd.s32 $0xFFFFFC00  }
0x9c: {  	_ =	swait.ge [sflag:s16], $0x400  }
0x9d: {  	[sflag:s16] =	ssyncset.done $0x0  }
0x9e: {  	[sflag:s16] =	ssyncadd.s32 $0xFFFFFC00  }
0x9f: {  	_ =	swait.ge [sflag:s16], $0x400  }
0xa0: {  	[sflag:s16] =	ssyncset.done $0x0  }
0xa1: {  	[sflag:s16] =	ssyncadd.s32 $0xFFFFFC00  }
0xa2: {  	_ =	swait.ge [sflag:s16], $0x400  }
0xa3: {  	[sflag:s16] =	ssyncset.done $0x0  }
0xa4: {  	[sflag:s16] =	ssyncadd.s32 $0xFFFFFC00  }
0xa5: {  	_ =	swait.ge [sflag:s16], $0x400  }
0xa6: {  	[sflag:s16] =	ssyncset.done $0x0  }
0xa7: {  	[sflag:s16] =	ssyncadd.s32 $0xFFFFFC00  }
0xa8: {  	_ =	swait.ge [sflag:s16], $0x400  }
0xa9: {  	[sflag:s16] =	ssyncset.done $0x0  }
0xaa: {  	[sflag:s16] =	ssyncadd.s32 $0xFFFFFC00  }
0xab: {  	_ =	swait.ge [sflag:s16], $0x400  }
0xac: {  	[sflag:s16] =	ssyncset.done $0x0  }
0xad: {  	[sflag:s16] =	ssyncadd.s32 $0xFFFFFC00  }
0xae: {  	_ =	swait.ge [sflag:s16], $0x400  }
0xaf: {  	[sflag:s16] =	ssyncset.done $0x0  }
0xb0: {  	[sflag:s16] =	ssyncadd.s32 $0xFFFFFC00  }
0xb1: {  	_ =	swait.ge [sflag:s16], $0x400  }
0xb2: {  	[sflag:s16] =	ssyncset.done $0x0  }
0xb3: {  	[sflag:s16] =	ssyncadd.s32 $0xFFFFFC00  }
0xb4: {  	_ =	swait.ge [sflag:s16], $0x400  }
0xb5: {  	[sflag:s16] =	ssyncset.done $0x0  }
0xb6: {  	[sflag:s16] =	ssyncadd.s32 $0xFFFFFC00  }
0xb7: {  	_ =	swait.ge [sflag:s16], $0x400  }
0xb8: {  	[sflag:s16] =	ssyncset.done $0x0  }
0xb9: {  	[sflag:s16] =	ssyncadd.s32 $0xFFFFFC00  }
0xba: {  	_ =	swait.ge [sflag:s16], $0x400  }
0xbb: {  	[sflag:s16] =	ssyncset.done $0x0  }
0xbc: {  	[sflag:s16] =	ssyncadd.s32 $0xFFFFFC00  }
0xbd: {  	_ =	swait.ge [sflag:s16], $0x400  }
0xbe: {  	[sflag:s16] =	ssyncset.done $0x0  }
0xbf: {  	[sflag:s16] =	ssyncadd.s32 $0xFFFFFC00  }
0xc0: {  	_ =	swait.ge [sflag:s16], $0x400  }
0xc1: {  	[sflag:s16] =	ssyncset.done $0x0  }
0xc2: {  	[sflag:s16] =	ssyncadd.s32 $0xFFFFFC00  }
0xc3: {  	_ =	swait.ge [sflag:s16], $0x400  }
0xc4: {  	[sflag:s16] =	ssyncset.done $0x0  }
0xc5: {  	[sflag:s16] =	ssyncadd.s32 $0xFFFFFC00  }
0xc6: {  	_ =	swait.ge [sflag:s16], $0x400  }
0xc7: {  	[sflag:s16] =	ssyncset.done $0x0  }
0xc8: {  	[sflag:s16] =	ssyncadd.s32 $0xFFFFFC00  }
0xc9: {  	_ =	swait.ge [sflag:s16], $0x400  }
0xca: {  	[sflag:s16] =	ssyncset.done $0x0  }
0xcb: {  	[sflag:s16] =	ssyncadd.s32 $0xFFFFFC00  }
0xcc: {  	_ =	swait.ge [sflag:s16], $0x400  }
0xcd: {  	[sflag:s16] =	ssyncset.done $0x0  }
0xce: {  	[sflag:s16] =	ssyncadd.s32 $0xFFFFFC00  }
0xcf: {  	_ =	swait.ge [sflag:s16], $0x400  }
0xd0: {  	[sflag:s16] =	ssyncset.done $0x0  }
0xd1: {  	[sflag:s16] =	ssyncadd.s32 $0xFFFFFC00  }
0xd2: {  	_ =	swait.ge [sflag:s16], $0x400  }
0xd3: {  	[sflag:s16] =	ssyncset.done $0x0  }
0xd4: {  	[sflag:s16] =	ssyncadd.s32 $0xFFFFFC00  }
0xd5: {  	_ =	swait.ge [sflag:s16], $0x400  }
0xd6: {  	[sflag:s16] =	ssyncset.done $0x0  }
0xd7: {  	[sflag:s16] =	ssyncadd.s32 $0xFFFFFC00  }
0xd8: {  	_ =	swait.ge [sflag:s16], $0x400  }
0xd9: {  	[sflag:s16] =	ssyncset.done $0x0  }
0xda: {  	[sflag:s16] =	ssyncadd.s32 $0xFFFFFC00  }
0xdb: {  	_ =	swait.ge [sflag:s16], $0x400  }
0xdc: {  	[sflag:s16] =	ssyncset.done $0x0  }
0xdd: {  	[sflag:s16] =	ssyncadd.s32 $0xFFFFFC00  }
0xde: {  	_ =	swait.ge [sflag:s16], $0x400  }
0xdf: {  	[sflag:s16] =	ssyncset.done $0x0  }
0xe0: {  	[sflag:s16] =	ssyncadd.s32 $0xFFFFFC00  }
0xe1: {  	_ =	swait.ge [sflag:s16], $0x400  }
0xe2: {  	[sflag:s16] =	ssyncset.done $0x0  }
0xe3: {  	[sflag:s16] =	ssyncadd.s32 $0xFFFFFC00  }
0xe4: {  	_ =	swait.ge [sflag:s16], $0x400  }
0xe5: {  	[sflag:s16] =	ssyncset.done $0x0  }
0xe6: {  	[sflag:s16] =	ssyncadd.s32 $0xFFFFFC00  }
0xe7: {  	_ =	swait.ge [sflag:s16], $0x400  }
0xe8: {  	[sflag:s16] =	ssyncset.done $0x0  }
0xe9: {  	[sflag:s16] =	ssyncadd.s32 $0xFFFFFC00  }
0xea: {  	v36 =	vld [tilespmem:s18+$0x0]  }
0xeb: {  	v35 =	vld [tilespmem:s18+$0x200];
	_ =	sdelay $0x3  }
0xec: {  	(v2sf) =	vpush v36, $0x0  }
0xed: {  	(v2sf) =	vpush v35, $0x0  }
0xee: {  	(v2sf) =	vpush v36, $0x1  }
0xef: {  	(v2sf) =	vpush v35, $0x1  }
0xf0: {  	(v2sf) =	vpush v36, $0x2  }
0xf1: {  	(v2sf) =	vpush v35, $0x2  }
0xf2: {  	(v2sf) =	vpush v36, $0x3  }
0xf3: {  	v17 =	vadd.f32 v18, v17;
	v60 =	vld [tilespmem:$0x1FFA0];
	(v2sf) =	vpush v35, $0x3  }
0xf4: {  	v58 =	vbroadcast v33, $0xF;
	v59 =	vbroadcast v32, $0xF;
	(v2sf) =	vpush v36, $0x4  }
0xf5: {  	v16 =	vadd.f32 v16, v17;
	v17 =	vbroadcast v31, $0xF;
	(v2sf) =	vpush v35, $0x4  }
0xf6: {  	vm4 =	vcmask $0x30C;
	v30 =	vbroadcast v30, $0xF;
	v29 =	vbroadcast v29, $0xF;
	v61 =	vld [tilespmem:$0x1FFB0]  }
0xf7: {  	v28 =	vbroadcast v28, $0xF;
	v17 =	vadd.f32 v17, v16;
	(v2sf) =	vpush v36, $0x5  }
0xf8: {  	v18 =	vadd.f32 v58, v16;
	vm3 =	vnez.u8 v60;
	(v2sf) =	vpush v35, $0x5  }
0xf9: {  	v16 =	vsel vm3, v17, v16;
	v17 =	vbroadcast v34, $0xF;
	(v2sf) =	vpush v36, $0x6  }
0xfa: {  	v45 =	vld [tilespmem:$0x1FFC0];
	v18 =	vsel vm4, v16, v18;
	v16 =	vadd.f32 v59, v16;
	(v2sf) =	vpush v35, $0x6  }
0xfb: {  	vm7 =	vnez.u8 v61;
	v17 =	vadd.f32 v17, v18;
	(v2sf) =	vpush v36, $0x7;
	s7 =	spop (v2sf)  }
0xfc: {  	v43 =	vbroadcast v27, $0xF;
	v26 =	vbroadcast v26, $0xF;
	v16 =	vsel vm7, v18, v16;
	s7 =	sand.u32 $0x7F, s7;
	s8 =	spop (v2sf)  }
0xfd: {  	v16 =	vsel vm5, v16, v17;
	(v2sf) =	vpush v35, $0x7;
	s8 =	sand.u32 $0x7F, s8;
	v17 =	vor.u32 s7, v0;
	s7 =	spop (v2sf)  }
0xfe: {  	v18 =	vadd.f32 v30, v18;
	(v2sf) =	vpush v36, $0x8;
	v62 =	vor.u32 s8, v0;
	s7 =	sand.u32 $0x7F, s7;
	s8 =	spop (v2sf)  }
0xff: {  	vm11 =	vnez.u8 v45;
	(v2sf) =	vpush v35, $0x8;
	s8 =	sand.u32 $0x7F, s8;
	v63 =	vor.u32 s7, v1;
	s7 =	spop (v2sf)  }
0x100: {  	v18 =	vsel vm6, v16, v18;
	(v2sf) =	vpush v36, $0x9;
	v40 =	vor.u32 s8, v1;
	s8 =	spop (v2sf);
	s7 =	sand.u32 $0x7F, s7  }
0x101: {  	v16 =	vadd.f32 v29, v16;
	(v2sf) =	vpush v35, $0x9;
	s8 =	sand.u32 $0x7F, s8;
	v41 =	vor.u32 s7, v2;
	s7 =	spop (v2sf)  }
0x102: {  	v28 =	vadd.f32 v28, v18;
	(v2sf) =	vpush v36, $0xA;
	v42 =	vor.u32 s8, v2;
	s7 =	sand.u32 $0x7F, s7;
	s8 =	spop (v2sf);
	v17 =	vld.idx.msk [tilespmem:v17+s26+$0x0], $0xffff  }
0x103: {  	v16 =	vsel vm8, v18, v16;
	(v2sf) =	vpush v35, $0xA;
	s8 =	sand.u32 $0x7F, s8;
	v44 =	vor.u32 s7, v3;
	s7 =	spop (v2sf);
	v30 =	vld.idx.msk [tilespmem:v62+s28+$0x0], $0xffff  }
0x104: {  	v25 =	vbroadcast v25, $0xF;
	v28 =	vsel vm11, v16, v28;
	v46 =	vor.u32 s8, v3;
	s7 =	sand.u32 $0x7F, s7;
	s8 =	spop (v2sf);
	v31 =	vld.idx.msk [tilespmem:v63+s26+$0x0], $0xffff  }
0x105: {  	v18 =	vadd.f32 v43, v16;
	(v2sf) =	vpush v36, $0xB;
	s8 =	sand.u32 $0x7F, s8;
	v37 =	vor.u32 s7, v4;
	v47 =	vld.idx.msk [tilespmem:v40+s28+$0x0], $0xffff  }
0x106: {  	v16 =	vadd.f32 v26, v16;
	(v2sf) =	vpush v35, $0xB;
	s7 =	spop (v2sf);
	v38 =	vor.u32 s8, v4;
	v49 =	vld.idx.msk [tilespmem:v41+s26+$0x0], $0xffff  }
0x107: {  	v24 =	vbroadcast v24, $0xF;
	v18 =	vsel vm9, v28, v18;
	(v2sf) =	vpush v36, $0xC;
	s7 =	sand.u32 $0x7F, s7;
	s8 =	spop (v2sf);
	v33 =	vld.idx.msk [tilespmem:v42+s28+$0x0], $0xffff  }
0x108: {  	v16 =	vsel vm10, v18, v16;
	(v2sf) =	vpush v35, $0xC;
	s8 =	sand.u32 $0x7F, s8;
	v48 =	vor.u32 s7, v5;
	s7 =	spop (v2sf);
	v27 =	vld.idx.msk [tilespmem:v44+s26+$0x0], $0xffff  }
0x109: {  	(v2sf) =	vpush v36, $0xD;
	v50 =	vor.u32 s8, v5;
	s7 =	sand.u32 $0x7F, s7;
	s8 =	spop (v2sf);
	v17 =	vmul.f32 v30, v17;
	v51 =	vld.idx.msk [tilespmem:v46+s28+$0x0], $0xffff  }
0x10a: {  	v18 =	vadd.f32 v25, v18;
	(v2sf) =	vpush v35, $0xD;
	s8 =	sand.u32 $0x7F, s8;
	v39 =	vor.u32 s7, v6;
	s7 =	spop (v2sf);
	v37 =	vld.idx.msk [tilespmem:v37+s26+$0x0], $0xffff  }
0x10b: {  	(v2sf) =	vpush v36, $0xE;
	v40 =	vor.u32 s8, v6;
	s7 =	sand.u32 $0x7F, s7;
	v17 =	vnsel vm0, $0x0, v17;
	v54 =	vld.idx.msk [tilespmem:v38+s28+$0x0], $0xffff  }
0x10c: {  	v23 =	vbroadcast v23, $0xF;
	s8 =	spop (v2sf);
	(v2sf) =	vpush v35, $0xE;
	v52 =	vor.u32 s7, v7;
	(xrf2) =	vadd.scan.msk.f32 $0xffff, v17;
	v17 =	vld [tilespmem:$0x1FFD0]  }
0x10d: {  	v21 =	vbroadcast v21, $0xF;
	v20 =	vbroadcast v20, $0xF;
	v18 =	vsel vm12, v16, v18;
	s8 =	sand.u32 $0x7F, s8;
	s7 =	spop (v2sf);
	v32 =	vld.idx.msk [tilespmem:v48+s26+$0x0], $0xffff  }
0x10e: {  	v57 =	vmul.f32 v47, v31;
	(v2sf) =	vpush v36, $0xF;
	v53 =	vor.u32 s8, v7;
	s8 =	spop (v2sf);
	s7 =	sand.u32 $0x7F, s7;
	v58 =	vld.idx.msk [tilespmem:v50+s28+$0x0], $0xffff  }
0x10f: {  	v16 =	vadd.f32 v24, v16;
	s8 =	sand.u32 $0x7F, s8;
	v55 =	vor.u32 s7, v8;
	s7 =	spop (v2sf);
	(v2sf) =	vpush v35, $0xF;
	v60 =	vld.idx.msk [tilespmem:v39+s26+$0x0], $0xffff  }
0x110: {  	v23 =	vadd.f32 v23, v18;
	v62 =	vnsel vm0, $0x0, v57;
	v56 =	vor.u32 s8, v8;
	s8 =	spop (v2sf);
	s7 =	sand.u32 $0x7F, s7;
	v63 =	vld.idx.msk [tilespmem:v40+s28+$0x0], $0xffff  }
0x111: {  	(xrf2) =	vadd.scan.msk.f32 $0xffff, v62;
	s8 =	sand.u32 $0x7F, s8;
	v59 =	vor.u32 s7, v9;
	s7 =	spop (v2sf);
	vm15 =	vnez.u8 v17;
	v17 =	vbroadcast v22, $0xF;
	v41 =	vld.idx.msk [tilespmem:v52+s26+$0x0], $0xffff  }
0x112: {  	v40 =	vmul.f32 v33, v49;
	v61 =	vor.u32 s8, v9;
	s8 =	spop (v2sf);
	s7 =	sand.u32 $0x7F, s7;
	v50 =	vmul.f32 v54, v37;
	v54 =	vld [tilespmem:$0x1FFE0]  }
0x113: {  	v16 =	vsel vm15, v18, v16;
	s8 =	sand.u32 $0x7F, s8;
	v42 =	vor.u32 s7, v10;
	v43 =	vld.idx.msk [tilespmem:v53+s28+$0x0], $0xffff;
	v17 =	vadd.f32 v17, v18  }
0x114: {  	v22 =	vnsel vm0, $0x0, v40;
	v16 =	vsel vm13, v16, v23;
	s7 =	spop (v2sf);
	v44 =	vor.u32 s8, v10;
	v45 =	vld.idx.msk [tilespmem:v55+s26+$0x0], $0xffff  }
0x115: {  	s8 =	spop (v2sf);
	v21 =	vadd.f32 v21, v16;
	s7 =	sand.u32 $0x7F, s7;
	v47 =	vld.idx.msk [tilespmem:v56+s28+$0x0], $0xffff;
	v16 =	vsel vm14, v16, v17;
	v17 =	vmul.f32 v51, v27  }
0x116: {  	vm4 =	vcmask $0x333C;
	(xrf2) =	vadd.scan.msk.f32 $0xffff, v22;
	v29 =	vnsel vm0, $0x0, v50;
	v46 =	vor.u32 s7, v11;
	s7 =	spop (v2sf);
	s8 =	sand.u32 $0x7F, s8;
	v49 =	vld.idx.msk [tilespmem:v59+s26+$0x0], $0xffff  }
0x117: {  	v24 =	vmul.f32 v63, v60;
	v48 =	vor.u32 s8, v11;
	s8 =	spop (v2sf);
	s7 =	sand.u32 $0x7F, s7;
	v52 =	vld.idx.msk [tilespmem:v61+s28+$0x0], $0xffff;
	v17 =	vnsel vm0, $0x0, v17  }
0x118: {  	v21 =	vsel vm4, v16, v21;
	v51 =	vor.u32 s7, v12;
	s7 =	spop (v2sf);
	s8 =	sand.u32 $0x7F, s8;
	(xrf2) =	vadd.scan.msk.f32 $0xffff, v17;
	v17 =	vmul.f32 v58, v32;
	v58 =	vld [tilespmem:$0x1FFF0]  }
0x119: {  	v16 =	vadd.f32 v20, v16;
	vm2 =	vnez.u8 v54;
	v26 =	vld.idx.msk [tilespmem:v42+s26+$0x0], $0xffff;
	v53 =	vor.u32 s8, v12;
	s8 =	spop (v2sf);
	s7 =	sand.u32 $0x7F, s7  }
0x11a: {  	v59, _, _ =	vpop (xrf2);
	v19 =	vadd.f32 v21, v19;
	v24 =	vnsel vm0, $0x0, v24;
	v56 =	vld.idx.msk [tilespmem:v44+s28+$0x0], $0xffff;
	v55 =	vor.u32 s7, v13;
	s7 =	spop (v2sf);
	s8 =	sand.u32 $0x7F, s8;
	(xrf2) =	vadd.scan.msk.f32 $0xffff, v29  }
0x11b: {  	v16 =	vsel vm2, v21, v16;
	v62, _, _ =	vpop (xrf2);
	v57 =	vor.u32 s8, v13;
	s8 =	spop (v2sf);
	v17 =	vnsel vm0, $0x0, v17;
	v22 =	vld.idx.msk [tilespmem:v46+s26+$0x0], $0xffff;
	s7 =	sand.u32 $0x7F, s7  }
0x11c: {  	v23 =	vbroadcast v62, $0xF;
	(xrf2) =	vadd.scan.msk.f32 $0xffff, v17;
	v17 =	vmul.f32 v43, v41;
	v60 =	vld.idx.msk [tilespmem:v48+s28+$0x0], $0xffff;
	s8 =	sand.u32 $0x7F, s8;
	v61 =	vor.u32 s7, v14  }
0x11d: {  	v34 =	vmul.f32 v47, v45;
	s7 =	spop (v2sf);
	v30 =	vld.idx.msk [tilespmem:v51+s26+$0x0], $0xffff;
	v63 =	vor.u32 s8, v14;
	vm1 =	vnez.u8 v58  }
0x11e: {  	(xrf2) =	vadd.scan.msk.f32 $0xffff, v24;
	s7 =	sand.u32 $0x7F, s7;
	v17 =	vnsel vm0, $0x0, v17;
	v36 =	vld.idx.msk [tilespmem:v53+s28+$0x0], $0xffff;
	s8 =	spop (v2sf);
	v16 =	vsel vm1, v16, v19;
	v19 =	vbroadcast v59, $0xF  }
0x11f: {  	v24 =	vnsel vm0, $0x0, v34;
	v37 =	vor.u32 s7, v15;
	(xrf2) =	vadd.scan.msk.f32 $0xffff, v17;
	v17 =	vmul.f32 v52, v49;
	v21 =	vld.idx.msk [tilespmem:v55+s26+$0x0], $0xffff;
	s8 =	sand.u32 $0x7F, s8  }
0x120: {  	v38, _, _ =	vpop (xrf2);
	v40 =	vmul.f32 v56, v26;
	v29 =	vld.idx.msk [tilespmem:v57+s28+$0x0], $0xffff;
	v39 =	vor.u32 s8, v15;
	v19 =	vadd.f32 v19, v16  }
0x121: {  	v28 =	vbroadcast v38, $0xF;
	v23 =	vadd.f32 v23, v16;
	(xrf2) =	vadd.scan.msk.f32 $0xffff, v24;
	v17 =	vnsel vm0, $0x0, v17;
	v20 =	vld.idx.msk [tilespmem:v61+s26+$0x0], $0xffff  }
0x122: {  	(xrf2) =	vadd.scan.msk.f32 $0xffff, v17;
	v17 =	vmul.f32 v60, v22;
	v41 =	vld.idx.msk [tilespmem:v63+s28+$0x0], $0xffff;
	v16 =	vsel vm3, v19, v16;
	vm3 =	vcmask $0x30C  }
0x123: {  	v43 =	vnsel vm0, $0x0, v40;
	v42, _, _ =	vpop (xrf2);
	v44 =	vmul.f32 v36, v30;
	v19 =	vsel vm3, v16, v23  }
0x124: {  	(xrf2) =	vadd.scan.msk.f32 $0xffff, v43;
	v45 =	vld.idx.msk [tilespmem:v37+s26+$0x0], $0xffff;
	v16 =	vadd.f32 v28, v16;
	v22 =	vbroadcast v42, $0xF;
	v17 =	vnsel vm0, $0x0, v17;
	v46, _, _ =	vpop (xrf2)  }
0x125: {  	(xrf2) =	vadd.scan.msk.f32 $0xffff, v17;
	v17 =	vmul.f32 v29, v21;
	v47 =	vld.idx.msk [tilespmem:v39+s28+$0x0], $0xffff;
	v25 =	vbroadcast v46, $0xF  }
0x126: {  	v23 =	vnsel vm0, $0x0, v44;
	v16 =	vsel vm7, v19, v16;
	v22 =	vadd.f32 v22, v19;
	v48, _, _ =	vpop (xrf2)  }
0x127: {  	(xrf2) =	vadd.scan.msk.f32 $0xffff, v23;
	v26 =	vbroadcast v48, $0xF;
	v17 =	vnsel vm0, $0x0, v17;
	v18 =	vmul.f32 v41, v20  }
0x128: {  	v19 =	vadd.f32 v25, v19;
	v49, _, _ =	vpop (xrf2);
	v16 =	vsel vm5, v16, v22;
	(xrf2) =	vadd.scan.msk.f32 $0xffff, v17  }
0x129: {  	v20 =	vbroadcast v49, $0xF;
	v17 =	vadd.f32 v26, v16;
	v50, _, _ =	vpop (xrf2);
	v18 =	vnsel vm0, $0x0, v18  }
0x12a: {  	v16 =	vsel vm6, v16, v19;
	v51 =	vbroadcast v50, $0xF;
	(xrf2) =	vadd.scan.msk.f32 $0xffff, v18;
	v52 =	vmul.f32 v47, v45  }
0x12b: {  	v53, _, _ =	vpop (xrf2);
	v17 =	vsel vm8, v16, v17;
	v16 =	vadd.f32 v20, v16  }
0x12c: {  	v54 =	vbroadcast v53, $0xF;
	v19 =	vadd.f32 v51, v17;
	v55, _, _ =	vpop (xrf2);
	v18 =	vnsel vm0, $0x0, v52  }
0x12d: {  	v16 =	vsel vm11, v17, v16;
	v21 =	vbroadcast v55, $0xF;
	(xrf2) =	vadd.scan.msk.f32 $0xffff, v18  }
0x12e: {  	v56, _, _ =	vpop (xrf2);
	v17 =	vadd.f32 v54, v17;
	v16 =	vsel vm9, v16, v19  }
0x12f: {  	v18 =	vbroadcast v56, $0xF;
	v57, _, _ =	vpop (xrf2);
	v58 =	vadd.f32 v21, v16  }
0x130: {  	v16 =	vsel vm10, v16, v17;
	v17 =	vbroadcast v57, $0xF  }
0x131: {  	v59, _, _ =	vpop (xrf2);
	v20 =	vsel vm12, v16, v58;
	v16 =	vadd.f32 v18, v16  }
0x132: {  	v19 =	vbroadcast v59, $0xF;
	v60, _, _ =	vpop (xrf2);
	v17 =	vadd.f32 v17, v20  }
0x133: {  	v16 =	vsel vm15, v20, v16;
	v18 =	vbroadcast v60, $0xF  }
0x134: {  	v61, _, _ =	vpop (xrf2);
	v16 =	vsel vm13, v16, v17;
	v17 =	vadd.f32 v19, v20  }
0x135: {  	s17 =	sadd.s32 $0x40, s17;
	v18 =	vadd.f32 v18, v16;
	v62 =	vbroadcast v61, $0xF  }
0x136: {  	p0 =	sne.s32 s17, $0x800;
	v16 =	vsel vm14, v16, v17  }
.Ltmp3:
0x137: {  	v17 =	vsel vm4, v16, v18;
	v16 =	vadd.f32 v62, v16;
	v63, _, _ =	vpop (xrf2);
	(pc) =	sbr.rel @!p0 .LBB2_5-.Ltmp3, $4  }
0x138: {  	v18 =	vadd.f32 v17, v63  }
0x139: {  	v16 =	vsel vm2, v17, v16  }
0x13a: {  	v16 =	vsel vm1, v16, v18  }
0x13b: {  	[tilespmem:s18+$0x10A00] =	vst v16  }
.LBB2_2:
0x13c: {  	s18 =	sshra.s32 s17, $0x2  }
0x13d: {  	v16 =	vld [tilespmem:s18+$0x0];
	_ =	sdelay $0x1  }
0x13e: {  	v17 =	vld [tilespmem:s18+$0x200];
	_ =	sdelay $0x2  }
0x13f: {  	v16 =	vand.u32 $0xFFFFFF80, v16  }
0x140: {  	v16 =	vadd.s32 s10, v16  }
0x141: {  	v17 =	vand.u32 $0xFFFFFF80, v17;
	(v2sf) =	vpush v16, $0x0  }
0x142: {  	v17 =	vadd.s32 s11, v17  }
0x143: {  	(v2sf) =	vpush v17, $0x0;
	_ =	sdelay $0x1  }
0x144: {  	(v2sf) =	vpush v16, $0x1;
	_ =	sdelay $0x1  }
0x145: {  	(v2sf) =	vpush v17, $0x1;
	_ =	sdelay $0x1  }
0x146: {  	(v2sf) =	vpush v16, $0x2;
	_ =	sdelay $0x1  }
0x147: {  	(v2sf) =	vpush v17, $0x2;
	_ =	sdelay $0x1  }
0x148: {  	(v2sf) =	vpush v16, $0x3;
	_ =	sdelay $0x1  }
0x149: {  	(v2sf) =	vpush v17, $0x3  }
0x14a: {  	s7 =	spop (v2sf)  }
0x14b: {  	(v2sf) =	vpush v16, $0x4;
	[tilespmem:s26], [sflag:$0x2] =	stream.linear.gather [hbm4b:s7+s6], $0x400, $0x38;
	[tilespmem:$0x10C00] =	vst v63  }
0x14c: {  	s8 =	spop (v2sf)  }
0x14d: {  	(v2sf) =	vpush v17, $0x4;
	[tilespmem:s28], [sflag:$0x2] =	stream.linear.gather [hbm4b:s8+s6], $0x400, $0x38;
	[tilespmem:$0x10C00] =	vst v63  }
0x14e: {  	s7 =	spop (v2sf);
	s8 =	simm.s32 $0x8800  }
0x14f: {  	(v2sf) =	vpush v16, $0x5;
	[tilespmem:s8], [sflag:$0x2] =	stream.linear.gather [hbm4b:s7+s6], $0x400, $0x38;
	[tilespmem:$0x10C00] =	vst v63  }
0x150: {  	s7 =	spop (v2sf);
	s8 =	simm.s32 $0xC800  }
0x151: {  	(v2sf) =	vpush v17, $0x5;
	[tilespmem:s8], [sflag:$0x2] =	stream.linear.gather [hbm4b:s7+s6], $0x400, $0x38;
	[tilespmem:$0x10C00] =	vst v63  }
0x152: {  	s7 =	spop (v2sf);
	s8 =	simm.s32 $0x8C00  }
0x153: {  	(v2sf) =	vpush v16, $0x6;
	[tilespmem:s8], [sflag:$0x2] =	stream.linear.gather [hbm4b:s7+s6], $0x400, $0x38;
	[tilespmem:$0x10C00] =	vst v63  }
0x154: {  	s7 =	spop (v2sf);
	s8 =	simm.s32 $0xCC00  }
0x155: {  	(v2sf) =	vpush v17, $0x6;
	[tilespmem:s8], [sflag:$0x2] =	stream.linear.gather [hbm4b:s7+s6], $0x400, $0x38;
	[tilespmem:$0x10C00] =	vst v63  }
0x156: {  	s7 =	spop (v2sf);
	s8 =	simm.s32 $0x9000  }
0x157: {  	(v2sf) =	vpush v16, $0x7;
	[tilespmem:s8], [sflag:$0x2] =	stream.linear.gather [hbm4b:s7+s6], $0x400, $0x38;
	[tilespmem:$0x10C00] =	vst v63  }
0x158: {  	s7 =	spop (v2sf);
	s8 =	simm.s32 $0xD000  }
0x159: {  	(v2sf) =	vpush v17, $0x7;
	[tilespmem:s8], [sflag:$0x2] =	stream.linear.gather [hbm4b:s7+s6], $0x400, $0x38;
	[tilespmem:$0x10C00] =	vst v63  }
0x15a: {  	s7 =	spop (v2sf);
	s8 =	simm.s32 $0x9400  }
0x15b: {  	(v2sf) =	vpush v16, $0x8;
	[tilespmem:s8], [sflag:$0x2] =	stream.linear.gather [hbm4b:s7+s6], $0x400, $0x38;
	[tilespmem:$0x10C00] =	vst v63  }
0x15c: {  	s7 =	spop (v2sf);
	s8 =	simm.s32 $0xD400  }
0x15d: {  	(v2sf) =	vpush v17, $0x8;
	[tilespmem:s8], [sflag:$0x2] =	stream.linear.gather [hbm4b:s7+s6], $0x400, $0x38;
	[tilespmem:$0x10C00] =	vst v63  }
0x15e: {  	s7 =	spop (v2sf);
	s8 =	simm.s32 $0x9800  }
0x15f: {  	(v2sf) =	vpush v16, $0x9;
	[tilespmem:s8], [sflag:$0x2] =	stream.linear.gather [hbm4b:s7+s6], $0x400, $0x38;
	[tilespmem:$0x10C00] =	vst v63  }
0x160: {  	s7 =	spop (v2sf);
	s8 =	simm.s32 $0xD800  }
0x161: {  	(v2sf) =	vpush v17, $0x9;
	[tilespmem:s8], [sflag:$0x2] =	stream.linear.gather [hbm4b:s7+s6], $0x400, $0x38;
	[tilespmem:$0x10C00] =	vst v63  }
0x162: {  	s7 =	spop (v2sf);
	s8 =	simm.s32 $0x9C00  }
0x163: {  	(v2sf) =	vpush v16, $0xA;
	[tilespmem:s8], [sflag:$0x2] =	stream.linear.gather [hbm4b:s7+s6], $0x400, $0x38;
	[tilespmem:$0x10C00] =	vst v63  }
0x164: {  	s7 =	spop (v2sf);
	s8 =	simm.s32 $0xDC00  }
0x165: {  	(v2sf) =	vpush v17, $0xA;
	[tilespmem:s8], [sflag:$0x2] =	stream.linear.gather [hbm4b:s7+s6], $0x400, $0x38;
	[tilespmem:$0x10C00] =	vst v63  }
0x166: {  	s8 =	spop (v2sf)  }
0x167: {  	(v2sf) =	vpush v16, $0xB;
	[tilespmem:s9], [sflag:$0x2] =	stream.linear.gather [hbm4b:s8+s6], $0x400, $0x38;
	[tilespmem:$0x10C00] =	vst v63  }
0x168: {  	s8 =	spop (v2sf)  }
0x169: {  	(v2sf) =	vpush v17, $0xB;
	[tilespmem:s12], [sflag:$0x2] =	stream.linear.gather [hbm4b:s8+s6], $0x400, $0x38;
	[tilespmem:$0x10C00] =	vst v63  }
0x16a: {  	s8 =	spop (v2sf)  }
0x16b: {  	(v2sf) =	vpush v16, $0xC;
	[tilespmem:s13], [sflag:$0x2] =	stream.linear.gather [hbm4b:s8+s6], $0x400, $0x38;
	[tilespmem:$0x10C00] =	vst v63  }
0x16c: {  	s8 =	spop (v2sf)  }
0x16d: {  	(v2sf) =	vpush v17, $0xC;
	[tilespmem:s15], [sflag:$0x2] =	stream.linear.gather [hbm4b:s8+s6], $0x400, $0x38;
	[tilespmem:$0x10C00] =	vst v63  }
0x16e: {  	s8 =	spop (v2sf)  }
0x16f: {  	(v2sf) =	vpush v16, $0xD;
	[tilespmem:s19], [sflag:$0x2] =	stream.linear.gather [hbm4b:s8+s6], $0x400, $0x38;
	[tilespmem:$0x10C00] =	vst v63  }
0x170: {  	s8 =	spop (v2sf)  }
0x171: {  	(v2sf) =	vpush v17, $0xD;
	[tilespmem:s14], [sflag:$0x2] =	stream.linear.gather [hbm4b:s8+s6], $0x400, $0x38;
	[tilespmem:$0x10C00] =	vst v63  }
0x172: {  	s8 =	spop (v2sf)  }
0x173: {  	(v2sf) =	vpush v16, $0xE;
	[tilespmem:s1], [sflag:$0x2] =	stream.linear.gather [hbm4b:s8+s6], $0x400, $0x38;
	[tilespmem:$0x10C00] =	vst v63  }
0x174: {  	s8 =	spop (v2sf)  }
0x175: {  	(v2sf) =	vpush v17, $0xE;
	[tilespmem:s2], [sflag:$0x2] =	stream.linear.gather [hbm4b:s8+s6], $0x400, $0x38;
	[tilespmem:$0x10C00] =	vst v63  }
0x176: {  	s8 =	spop (v2sf)  }
0x177: {  	(v2sf) =	vpush v16, $0xF;
	[tilespmem:s22], [sflag:$0x2] =	stream.linear.gather [hbm4b:s8+s6], $0x400, $0x38;
	[tilespmem:$0x10C00] =	vst v63  }
0x178: {  	s8 =	spop (v2sf)  }
0x179: {  	(v2sf) =	vpush v17, $0xF;
	[tilespmem:s23], [sflag:$0x2] =	stream.linear.gather [hbm4b:s8+s6], $0x400, $0x38;
	[tilespmem:$0x10C00] =	vst v63  }
0x17a: {  	s8 =	spop (v2sf)  }
0x17b: {  	[tilespmem:s24], [sflag:$0x2] =	stream.linear.gather [hbm4b:s8+s6], $0x400, $0x38;
	[tilespmem:$0x10C00] =	vst v63  }
0x17c: {  	s8 =	spop (v2sf)  }
0x17d: {  	[tilespmem:s25], [sflag:$0x2] =	stream.linear.gather [hbm4b:s8+s6], $0x400, $0x38;
	[tilespmem:$0x10C00] =	vst v63  }
0x17e: {  	s8 =	spop (v2sf)  }
0x17f: {  	[tilespmem:s29], [sflag:$0x2] =	stream.linear.gather [hbm4b:s8+s6], $0x400, $0x38;
	[tilespmem:$0x10C00] =	vst v63  }
0x180: {  	s8 =	spop (v2sf)  }
0x181: {  	[tilespmem:s30], [sflag:$0x2] =	stream.linear.gather [hbm4b:s8+s6], $0x400, $0x38;
	[tilespmem:$0x10C00] =	vst v63  }
0x182: {  	s8 =	spop (v2sf)  }
0x183: {  	[tilespmem:s31], [sflag:$0x2] =	stream.linear.gather [hbm4b:s8+s6], $0x400, $0x38;
	[tilespmem:$0x10C00] =	vst v63  }
0x184: {  	s8 =	spop (v2sf)  }
0x185: {  	[tilespmem:s0], [sflag:$0x2] =	stream.linear.gather [hbm4b:s8+s6], $0x400, $0x38;
	[tilespmem:$0x10C00] =	vst v63  }
0x186: {  	s8 =	spop (v2sf)  }
0x187: {  	[tilespmem:s5], [sflag:$0x2] =	stream.linear.gather [hbm4b:s8+s6], $0x400, $0x38;
	[tilespmem:$0x10C00] =	vst v63  }
0x188: {  	s8 =	spop (v2sf)  }
0x189: {  	[tilespmem:s3], [sflag:$0x2] =	stream.linear.gather [hbm4b:s8+s6], $0x400, $0x38;
	[tilespmem:$0x10C00] =	vst v63  }
0x18a: {  	v17 =	vld [tilespmem:s18+$0x10800]  }
0x18b: {  	v18 =	vld [tilespmem:s18+$0x10400]  }
0x18c: {  	v16 =	vld [tilespmem:s18+$0x10600];
	_ =	swait.ge [sflag:s4], $0x400  }
0x18d: {  	[sflag:s4] =	ssyncset.done $0x0  }
0x18e: {  	[sflag:s4] =	ssyncadd.s32 $0xFFFFFC00  }
0x18f: {  	_ =	swait.ge [sflag:s4], $0x400  }
0x190: {  	[sflag:s4] =	ssyncset.done $0x0  }
0x191: {  	[sflag:s4] =	ssyncadd.s32 $0xFFFFFC00  }
0x192: {  	_ =	swait.ge [sflag:s4], $0x400  }
0x193: {  	[sflag:s4] =	ssyncset.done $0x0  }
0x194: {  	[sflag:s4] =	ssyncadd.s32 $0xFFFFFC00  }
0x195: {  	_ =	swait.ge [sflag:s4], $0x400  }
0x196: {  	[sflag:s4] =	ssyncset.done $0x0  }
0x197: {  	[sflag:s4] =	ssyncadd.s32 $0xFFFFFC00  }
0x198: {  	_ =	swait.ge [sflag:s4], $0x400  }
0x199: {  	[sflag:s4] =	ssyncset.done $0x0  }
0x19a: {  	[sflag:s4] =	ssyncadd.s32 $0xFFFFFC00  }
0x19b: {  	_ =	swait.ge [sflag:s4], $0x400  }
0x19c: {  	[sflag:s4] =	ssyncset.done $0x0  }
0x19d: {  	[sflag:s4] =	ssyncadd.s32 $0xFFFFFC00  }
0x19e: {  	_ =	swait.ge [sflag:s4], $0x400  }
0x19f: {  	[sflag:s4] =	ssyncset.done $0x0  }
0x1a0: {  	[sflag:s4] =	ssyncadd.s32 $0xFFFFFC00  }
0x1a1: {  	_ =	swait.ge [sflag:s4], $0x400  }
0x1a2: {  	[sflag:s4] =	ssyncset.done $0x0  }
0x1a3: {  	[sflag:s4] =	ssyncadd.s32 $0xFFFFFC00  }
0x1a4: {  	_ =	swait.ge [sflag:s4], $0x400  }
0x1a5: {  	[sflag:s4] =	ssyncset.done $0x0  }
0x1a6: {  	[sflag:s4] =	ssyncadd.s32 $0xFFFFFC00  }
0x1a7: {  	_ =	swait.ge [sflag:s4], $0x400  }
0x1a8: {  	[sflag:s4] =	ssyncset.done $0x0  }
0x1a9: {  	[sflag:s4] =	ssyncadd.s32 $0xFFFFFC00  }
0x1aa: {  	_ =	swait.ge [sflag:s4], $0x400  }
0x1ab: {  	[sflag:s4] =	ssyncset.done $0x0  }
0x1ac: {  	[sflag:s4] =	ssyncadd.s32 $0xFFFFFC00  }
0x1ad: {  	_ =	swait.ge [sflag:s4], $0x400  }
0x1ae: {  	[sflag:s4] =	ssyncset.done $0x0  }
0x1af: {  	[sflag:s4] =	ssyncadd.s32 $0xFFFFFC00  }
0x1b0: {  	_ =	swait.ge [sflag:s4], $0x400  }
0x1b1: {  	[sflag:s4] =	ssyncset.done $0x0  }
0x1b2: {  	[sflag:s4] =	ssyncadd.s32 $0xFFFFFC00  }
0x1b3: {  	_ =	swait.ge [sflag:s4], $0x400  }
0x1b4: {  	[sflag:s4] =	ssyncset.done $0x0  }
0x1b5: {  	[sflag:s4] =	ssyncadd.s32 $0xFFFFFC00  }
0x1b6: {  	_ =	swait.ge [sflag:s4], $0x400  }
0x1b7: {  	[sflag:s4] =	ssyncset.done $0x0  }
0x1b8: {  	[sflag:s4] =	ssyncadd.s32 $0xFFFFFC00  }
0x1b9: {  	_ =	swait.ge [sflag:s4], $0x400  }
0x1ba: {  	[sflag:s4] =	ssyncset.done $0x0  }
0x1bb: {  	[sflag:s4] =	ssyncadd.s32 $0xFFFFFC00  }
0x1bc: {  	_ =	swait.ge [sflag:s4], $0x400  }
0x1bd: {  	[sflag:s4] =	ssyncset.done $0x0  }
0x1be: {  	[sflag:s4] =	ssyncadd.s32 $0xFFFFFC00  }
0x1bf: {  	_ =	swait.ge [sflag:s4], $0x400  }
0x1c0: {  	[sflag:s4] =	ssyncset.done $0x0  }
0x1c1: {  	[sflag:s4] =	ssyncadd.s32 $0xFFFFFC00  }
0x1c2: {  	_ =	swait.ge [sflag:s4], $0x400  }
0x1c3: {  	[sflag:s4] =	ssyncset.done $0x0  }
0x1c4: {  	[sflag:s4] =	ssyncadd.s32 $0xFFFFFC00  }
0x1c5: {  	_ =	swait.ge [sflag:s4], $0x400  }
0x1c6: {  	[sflag:s4] =	ssyncset.done $0x0  }
0x1c7: {  	[sflag:s4] =	ssyncadd.s32 $0xFFFFFC00  }
0x1c8: {  	_ =	swait.ge [sflag:s4], $0x400  }
0x1c9: {  	[sflag:s4] =	ssyncset.done $0x0  }
0x1ca: {  	[sflag:s4] =	ssyncadd.s32 $0xFFFFFC00  }
0x1cb: {  	_ =	swait.ge [sflag:s4], $0x400  }
0x1cc: {  	[sflag:s4] =	ssyncset.done $0x0  }
0x1cd: {  	[sflag:s4] =	ssyncadd.s32 $0xFFFFFC00  }
0x1ce: {  	_ =	swait.ge [sflag:s4], $0x400  }
0x1cf: {  	[sflag:s4] =	ssyncset.done $0x0  }
0x1d0: {  	[sflag:s4] =	ssyncadd.s32 $0xFFFFFC00  }
0x1d1: {  	_ =	swait.ge [sflag:s4], $0x400  }
0x1d2: {  	[sflag:s4] =	ssyncset.done $0x0  }
0x1d3: {  	[sflag:s4] =	ssyncadd.s32 $0xFFFFFC00  }
0x1d4: {  	_ =	swait.ge [sflag:s4], $0x400  }
0x1d5: {  	[sflag:s4] =	ssyncset.done $0x0  }
0x1d6: {  	[sflag:s4] =	ssyncadd.s32 $0xFFFFFC00  }
0x1d7: {  	_ =	swait.ge [sflag:s4], $0x400  }
0x1d8: {  	[sflag:s4] =	ssyncset.done $0x0  }
0x1d9: {  	[sflag:s4] =	ssyncadd.s32 $0xFFFFFC00  }
0x1da: {  	_ =	swait.ge [sflag:s4], $0x400  }
0x1db: {  	[sflag:s4] =	ssyncset.done $0x0  }
0x1dc: {  	[sflag:s4] =	ssyncadd.s32 $0xFFFFFC00  }
0x1dd: {  	_ =	swait.ge [sflag:s4], $0x400  }
0x1de: {  	[sflag:s4] =	ssyncset.done $0x0  }
0x1df: {  	[sflag:s4] =	ssyncadd.s32 $0xFFFFFC00  }
0x1e0: {  	_ =	swait.ge [sflag:s4], $0x400  }
0x1e1: {  	[sflag:s4] =	ssyncset.done $0x0  }
0x1e2: {  	[sflag:s4] =	ssyncadd.s32 $0xFFFFFC00  }
0x1e3: {  	_ =	swait.ge [sflag:s4], $0x400  }
0x1e4: {  	[sflag:s4] =	ssyncset.done $0x0  }
0x1e5: {  	[sflag:s4] =	ssyncadd.s32 $0xFFFFFC00  }
0x1e6: {  	_ =	swait.ge [sflag:s4], $0x400  }
0x1e7: {  	[sflag:s4] =	ssyncset.done $0x0  }
0x1e8: {  	[sflag:s4] =	ssyncadd.s32 $0xFFFFFC00  }
0x1e9: {  	_ =	swait.ge [sflag:s4], $0x400  }
0x1ea: {  	[sflag:s4] =	ssyncset.done $0x0  }
0x1eb: {  	[sflag:s4] =	ssyncadd.s32 $0xFFFFFC00  }
0x1ec: {  	v19 =	vld [tilespmem:s18+$0x0]  }
0x1ed: {  	v20 =	vld [tilespmem:s18+$0x200];
	_ =	sdelay $0x3  }
0x1ee: {  	(v2sf) =	vpush v19, $0x0  }
0x1ef: {  	(v2sf) =	vpush v20, $0x0  }
0x1f0: {  	(v2sf) =	vpush v19, $0x1  }
0x1f1: {  	(v2sf) =	vpush v20, $0x1  }
0x1f2: {  	(v2sf) =	vpush v19, $0x2  }
0x1f3: {  	(v2sf) =	vpush v20, $0x2  }
0x1f4: {  	(v2sf) =	vpush v19, $0x3  }
0x1f5: {  	(v2sf) =	vpush v20, $0x3  }
0x1f6: {  	(v2sf) =	vpush v19, $0x4  }
0x1f7: {  	(v2sf) =	vpush v20, $0x4  }
0x1f8: {  	(v2sf) =	vpush v19, $0x5  }
0x1f9: {  	(v2sf) =	vpush v20, $0x5  }
0x1fa: {  	(v2sf) =	vpush v19, $0x6  }
0x1fb: {  	(v2sf) =	vpush v20, $0x6  }
0x1fc: {  	(v2sf) =	vpush v19, $0x7  }
0x1fd: {  	s8 =	spop (v2sf);
	(v2sf) =	vpush v20, $0x7  }
0x1fe: {  	s7 =	sand.u32 $0x7F, s8;
	s8 =	spop (v2sf);
	(v2sf) =	vpush v19, $0x8  }
0x1ff: {  	s8 =	sand.u32 $0x7F, s8;
	v21 =	vor.u32 s7, v0;
	s7 =	spop (v2sf);
	(v2sf) =	vpush v20, $0x8  }
0x200: {  	v22 =	vor.u32 s8, v0;
	s7 =	sand.u32 $0x7F, s7;
	s8 =	spop (v2sf);
	(v2sf) =	vpush v19, $0x9  }
0x201: {  	s8 =	sand.u32 $0x7F, s8;
	v23 =	vor.u32 s7, v1;
	s7 =	spop (v2sf);
	(v2sf) =	vpush v20, $0x9  }
0x202: {  	v24 =	vor.u32 s8, v1;
	s7 =	sand.u32 $0x7F, s7;
	s8 =	spop (v2sf);
	(v2sf) =	vpush v19, $0xA  }
0x203: {  	s8 =	sand.u32 $0x7F, s8;
	v25 =	vor.u32 s7, v2;
	s7 =	spop (v2sf);
	(v2sf) =	vpush v20, $0xA  }
0x204: {  	v21 =	vld.idx.msk [tilespmem:v21+s20+$0x0], $0xffff;
	v26 =	vor.u32 s8, v2;
	s7 =	sand.u32 $0x7F, s7;
	s8 =	spop (v2sf);
	(v2sf) =	vpush v19, $0xB  }
0x205: {  	v22 =	vld.idx.msk [tilespmem:v22+s21+$0x0], $0xffff;
	s8 =	sand.u32 $0x7F, s8;
	v27 =	vor.u32 s7, v3;
	s7 =	spop (v2sf);
	(v2sf) =	vpush v20, $0xB  }
0x206: {  	v23 =	vld.idx.msk [tilespmem:v23+s20+$0x0], $0xffff;
	v28 =	vor.u32 s8, v3;
	s7 =	sand.u32 $0x7F, s7;
	s8 =	spop (v2sf);
	(v2sf) =	vpush v19, $0xC  }
0x207: {  	v24 =	vld.idx.msk [tilespmem:v24+s21+$0x0], $0xffff;
	s8 =	sand.u32 $0x7F, s8;
	v29 =	vor.u32 s7, v4;
	s7 =	spop (v2sf);
	(v2sf) =	vpush v20, $0xC  }
0x208: {  	v25 =	vld.idx.msk [tilespmem:v25+s20+$0x0], $0xffff;
	v30 =	vor.u32 s8, v4;
	s7 =	sand.u32 $0x7F, s7;
	s8 =	spop (v2sf);
	(v2sf) =	vpush v19, $0xD  }
0x209: {  	v26 =	vld.idx.msk [tilespmem:v26+s21+$0x0], $0xffff;
	s8 =	sand.u32 $0x7F, s8;
	v31 =	vor.u32 s7, v5;
	s7 =	spop (v2sf);
	(v2sf) =	vpush v20, $0xD  }
0x20a: {  	v27 =	vld.idx.msk [tilespmem:v27+s20+$0x0], $0xffff;
	v32 =	vor.u32 s8, v5;
	s7 =	sand.u32 $0x7F, s7;
	s8 =	spop (v2sf);
	(v2sf) =	vpush v19, $0xE  }
0x20b: {  	v28 =	vld.idx.msk [tilespmem:v28+s21+$0x0], $0xffff;
	s8 =	sand.u32 $0x7F, s8;
	v33 =	vor.u32 s7, v6;
	s7 =	spop (v2sf);
	(v2sf) =	vpush v20, $0xE  }
0x20c: {  	v29 =	vld.idx.msk [tilespmem:v29+s20+$0x0], $0xffff;
	v34 =	vor.u32 s8, v6;
	s7 =	sand.u32 $0x7F, s7;
	s8 =	spop (v2sf);
	(v2sf) =	vpush v19, $0xF  }
0x20d: {  	v19 =	vld.idx.msk [tilespmem:v30+s21+$0x0], $0xffff;
	s8 =	sand.u32 $0x7F, s8;
	v30 =	vor.u32 s7, v7;
	s7 =	spop (v2sf);
	(v2sf) =	vpush v20, $0xF  }
0x20e: {  	v20 =	vor.u32 s8, v7;
	s8 =	spop (v2sf);
	v31 =	vld.idx.msk [tilespmem:v31+s20+$0x0], $0xffff;
	s7 =	sand.u32 $0x7F, s7  }
0x20f: {  	v35 =	vor.u32 s7, v8;
	s7 =	spop (v2sf);
	v32 =	vld.idx.msk [tilespmem:v32+s21+$0x0], $0xffff;
	s8 =	sand.u32 $0x7F, s8  }
0x210: {  	v36 =	vor.u32 s8, v8;
	s8 =	spop (v2sf);
	v33 =	vld.idx.msk [tilespmem:v33+s20+$0x0], $0xffff;
	s7 =	sand.u32 $0x7F, s7  }
0x211: {  	v37 =	vor.u32 s7, v9;
	s7 =	spop (v2sf);
	v34 =	vld.idx.msk [tilespmem:v34+s21+$0x0], $0xffff;
	s8 =	sand.u32 $0x7F, s8  }
0x212: {  	v38 =	vor.u32 s8, v9;
	s8 =	spop (v2sf);
	v30 =	vld.idx.msk [tilespmem:v30+s20+$0x0], $0xffff;
	s7 =	sand.u32 $0x7F, s7  }
0x213: {  	v39 =	vor.u32 s7, v10;
	s7 =	spop (v2sf);
	v20 =	vld.idx.msk [tilespmem:v20+s21+$0x0], $0xffff;
	s8 =	sand.u32 $0x7F, s8  }
0x214: {  	v40 =	vor.u32 s8, v10;
	s8 =	spop (v2sf);
	v35 =	vld.idx.msk [tilespmem:v35+s20+$0x0], $0xffff;
	s7 =	sand.u32 $0x7F, s7  }
0x215: {  	v41 =	vor.u32 s7, v11;
	s7 =	spop (v2sf);
	v36 =	vld.idx.msk [tilespmem:v36+s21+$0x0], $0xffff;
	s8 =	sand.u32 $0x7F, s8  }
0x216: {  	v42 =	vor.u32 s8, v11;
	s8 =	spop (v2sf);
	v37 =	vld.idx.msk [tilespmem:v37+s20+$0x0], $0xffff;
	s7 =	sand.u32 $0x7F, s7  }
0x217: {  	v43 =	vor.u32 s7, v12;
	s7 =	spop (v2sf);
	v38 =	vld.idx.msk [tilespmem:v38+s21+$0x0], $0xffff;
	s8 =	sand.u32 $0x7F, s8  }
0x218: {  	v44 =	vor.u32 s8, v12;
	s8 =	spop (v2sf);
	v39 =	vld.idx.msk [tilespmem:v39+s20+$0x0], $0xffff;
	s7 =	sand.u32 $0x7F, s7  }
0x219: {  	v21 =	vmul.f32 v22, v21;
	v22 =	vor.u32 s7, v13;
	s7 =	spop (v2sf);
	v40 =	vld.idx.msk [tilespmem:v40+s21+$0x0], $0xffff;
	s8 =	sand.u32 $0x7F, s8  }
0x21a: {  	v23 =	vmul.f32 v24, v23;
	v24 =	vor.u32 s8, v13;
	s8 =	spop (v2sf);
	v41 =	vld.idx.msk [tilespmem:v41+s20+$0x0], $0xffff;
	s7 =	sand.u32 $0x7F, s7  }
0x21b: {  	v21 =	vnsel vm0, $0x0, v21;
	v25 =	vmul.f32 v26, v25;
	v26 =	vor.u32 s7, v14;
	s7 =	spop (v2sf);
	v42 =	vld.idx.msk [tilespmem:v42+s21+$0x0], $0xffff;
	s8 =	sand.u32 $0x7F, s8  }
0x21c: {  	(xrf2) =	vadd.scan.msk.f32 $0xffff, v21;
	v21 =	vnsel vm0, $0x0, v23;
	v23 =	vmul.f32 v28, v27;
	v27 =	vld.idx.msk [tilespmem:v43+s20+$0x0], $0xffff;
	v28 =	vor.u32 s8, v14;
	s7 =	sand.u32 $0x7F, s7;
	s8 =	spop (v2sf)  }
0x21d: {  	(xrf2) =	vadd.scan.msk.f32 $0xffff, v21;
	v21 =	vnsel vm0, $0x0, v25;
	v19 =	vmul.f32 v19, v29;
	v63 =	vor.u32 s7, v15;
	v25 =	vld.idx.msk [tilespmem:v44+s21+$0x0], $0xffff;
	s8 =	sand.u32 $0x7F, s8  }
0x21e: {  	(xrf2) =	vadd.scan.msk.f32 $0xffff, v21;
	v23 =	vnsel vm0, $0x0, v23;
	v21 =	vmul.f32 v32, v31;
	v29 =	vor.u32 s8, v15;
	v22 =	vld.idx.msk [tilespmem:v22+s20+$0x0], $0xffff  }
0x21f: {  	(xrf2) =	vadd.scan.msk.f32 $0xffff, v23;
	v19 =	vnsel vm0, $0x0, v19;
	v23 =	vmul.f32 v34, v33;
	v24 =	vld.idx.msk [tilespmem:v24+s21+$0x0], $0xffff  }
0x220: {  	(xrf2) =	vadd.scan.msk.f32 $0xffff, v19;
	v19 =	vmul.f32 v20, v30;
	v20 =	vnsel vm0, $0x0, v21;
	v21 =	vld.idx.msk [tilespmem:v26+s20+$0x0], $0xffff  }
0x221: {  	(xrf2) =	vadd.scan.msk.f32 $0xffff, v20;
	v20 =	vnsel vm0, $0x0, v23;
	v23 =	vmul.f32 v36, v35;
	v26 =	vld.idx.msk [tilespmem:v28+s21+$0x0], $0xffff  }
0x222: {  	(xrf2) =	vadd.scan.msk.f32 $0xffff, v20;
	v19 =	vnsel vm0, $0x0, v19;
	v20 =	vmul.f32 v38, v37;
	v28 =	vld.idx.msk [tilespmem:v63+s20+$0x0], $0xffff  }
0x223: {  	(xrf2) =	vadd.scan.msk.f32 $0xffff, v19;
	v19 =	vnsel vm0, $0x0, v23;
	v23 =	vmul.f32 v40, v39;
	v29 =	vld.idx.msk [tilespmem:v29+s21+$0x0], $0xffff  }
0x224: {  	(xrf2) =	vadd.scan.msk.f32 $0xffff, v19;
	v19 =	vnsel vm0, $0x0, v20;
	v20 =	vmul.f32 v42, v41  }
0x225: {  	(xrf2) =	vadd.scan.msk.f32 $0xffff, v19;
	v19 =	vnsel vm0, $0x0, v23;
	v23 =	vmul.f32 v25, v27  }
0x226: {  	v31, _, _ =	vpop (xrf2);
	(xrf2) =	vadd.scan.msk.f32 $0xffff, v19;
	v19 =	vnsel vm0, $0x0, v20;
	v20 =	vmul.f32 v24, v22  }
0x227: {  	v33, _, _ =	vpop (xrf2);
	(xrf2) =	vadd.scan.msk.f32 $0xffff, v19;
	v19 =	vnsel vm0, $0x0, v23;
	v21 =	vmul.f32 v26, v21  }
0x228: {  	v32, _, _ =	vpop (xrf2);
	(xrf2) =	vadd.scan.msk.f32 $0xffff, v19;
	v19 =	vnsel vm0, $0x0, v20;
	v20 =	vmul.f32 v29, v28  }
0x229: {  	v34, _, _ =	vpop (xrf2);
	(xrf2) =	vadd.scan.msk.f32 $0xffff, v19;
	v19 =	vnsel vm0, $0x0, v21  }
0x22a: {  	v30, _, _ =	vpop (xrf2);
	(xrf2) =	vadd.scan.msk.f32 $0xffff, v19;
	v19 =	vnsel vm0, $0x0, v20  }
0x22b: {  	v29, _, _ =	vpop (xrf2);
	(xrf2) =	vadd.scan.msk.f32 $0xffff, v19  }
0x22c: {  	v28, _, _ =	vpop (xrf2)  }
0x22d: {  	v27, _, _ =	vpop (xrf2)  }
0x22e: {  	v26, _, _ =	vpop (xrf2)  }
0x22f: {  	v25, _, _ =	vpop (xrf2)  }
0x230: {  	p0 =	seq.s32 s17, $0x7C0;
	v24, _, _ =	vpop (xrf2)  }
.Ltmp4:
0x231: {  	v23, _, _ =	vpop (xrf2);
	(pc) =	sbr.rel @p0 .LBB2_4-.Ltmp4, $4  }
0x232: {  	v22, _, _ =	vpop (xrf2)  }
0x233: {  	v21, _, _ =	vpop (xrf2)  }
0x234: {  	v20, _, _ =	vpop (xrf2)  }
0x235: {  	v19, _, _ =	vpop (xrf2)  }
0x236: {  	v35 =	vld [tilespmem:s18+$0x10];
	_ =	sdelay $0x1  }
0x237: {  	v36 =	vld [tilespmem:s18+$0x210];
	_ =	sdelay $0x2  }
0x238: {  	s7 =	rddreg [dreg:$0x3];
	v35 =	vand.u32 $0xFFFFFF80, v35  }
0x239: {  	v35 =	vadd.s32 s7, v35  }
0x23a: {  	s8 =	rddreg [dreg:$0x4];
	v36 =	vand.u32 $0xFFFFFF80, v36;
	(v2sf) =	vpush v35, $0x0  }
0x23b: {  	v36 =	vadd.s32 s8, v36  }
0x23c: {  	(v2sf) =	vpush v36, $0x0;
	_ =	sdelay $0x1  }
0x23d: {  	(v2sf) =	vpush v35, $0x1;
	_ =	sdelay $0x1  }
0x23e: {  	(v2sf) =	vpush v36, $0x1;
	_ =	sdelay $0x1  }
0x23f: {  	(v2sf) =	vpush v35, $0x2;
	_ =	sdelay $0x1  }
0x240: {  	(v2sf) =	vpush v36, $0x2;
	_ =	sdelay $0x1  }
0x241: {  	(v2sf) =	vpush v35, $0x3;
	_ =	sdelay $0x1  }
0x242: {  	(v2sf) =	vpush v36, $0x3  }
0x243: {  	s8 =	spop (v2sf)  }
0x244: {  	(v2sf) =	vpush v35, $0x4;
	[tilespmem:s20], [sflag:$0x1] =	stream.linear.gather [hbm4b:s8+s6], $0x400, $0x38;
	[tilespmem:$0x10C00] =	vst v63  }
0x245: {  	s8 =	spop (v2sf)  }
0x246: {  	(v2sf) =	vpush v36, $0x4;
	[tilespmem:s21], [sflag:$0x1] =	stream.linear.gather [hbm4b:s8+s6], $0x400, $0x38;
	[tilespmem:$0x10C00] =	vst v63  }
0x247: {  	s7 =	spop (v2sf);
	s8 =	simm.s32 $0x800  }
0x248: {  	(v2sf) =	vpush v35, $0x5;
	[tilespmem:s8], [sflag:$0x1] =	stream.linear.gather [hbm4b:s7+s6], $0x400, $0x38;
	[tilespmem:$0x10C00] =	vst v63  }
0x249: {  	s7 =	spop (v2sf);
	s8 =	simm.s32 $0x4800  }
0x24a: {  	(v2sf) =	vpush v36, $0x5;
	[tilespmem:s8], [sflag:$0x1] =	stream.linear.gather [hbm4b:s7+s6], $0x400, $0x38;
	[tilespmem:$0x10C00] =	vst v63  }
0x24b: {  	s7 =	spop (v2sf);
	s8 =	simm.s32 $0xC00  }
0x24c: {  	(v2sf) =	vpush v35, $0x6;
	[tilespmem:s8], [sflag:$0x1] =	stream.linear.gather [hbm4b:s7+s6], $0x400, $0x38;
	[tilespmem:$0x10C00] =	vst v63  }
0x24d: {  	s7 =	spop (v2sf);
	s8 =	simm.s32 $0x4C00  }
0x24e: {  	(v2sf) =	vpush v36, $0x6;
	[tilespmem:s8], [sflag:$0x1] =	stream.linear.gather [hbm4b:s7+s6], $0x400, $0x38;
	[tilespmem:$0x10C00] =	vst v63  }
0x24f: {  	s7 =	spop (v2sf);
	s8 =	simm.s32 $0x1000  }
0x250: {  	(v2sf) =	vpush v35, $0x7;
	[tilespmem:s8], [sflag:$0x1] =	stream.linear.gather [hbm4b:s7+s6], $0x400, $0x38;
	[tilespmem:$0x10C00] =	vst v63  }
0x251: {  	s7 =	spop (v2sf);
	s8 =	simm.s32 $0x5000  }
0x252: {  	(v2sf) =	vpush v36, $0x7;
	[tilespmem:s8], [sflag:$0x1] =	stream.linear.gather [hbm4b:s7+s6], $0x400, $0x38;
	[tilespmem:$0x10C00] =	vst v63  }
0x253: {  	s7 =	spop (v2sf);
	s8 =	simm.s32 $0x1400  }
0x254: {  	(v2sf) =	vpush v35, $0x8;
	[tilespmem:s8], [sflag:$0x1] =	stream.linear.gather [hbm4b:s7+s6], $0x400, $0x38;
	[tilespmem:$0x10C00] =	vst v63  }
0x255: {  	s7 =	spop (v2sf);
	s8 =	simm.s32 $0x5400  }
0x256: {  	(v2sf) =	vpush v36, $0x8;
	[tilespmem:s8], [sflag:$0x1] =	stream.linear.gather [hbm4b:s7+s6], $0x400, $0x38;
	[tilespmem:$0x10C00] =	vst v63  }
0x257: {  	s7 =	spop (v2sf);
	s8 =	simm.s32 $0x1800  }
0x258: {  	(v2sf) =	vpush v35, $0x9;
	[tilespmem:s8], [sflag:$0x1] =	stream.linear.gather [hbm4b:s7+s6], $0x400, $0x38;
	[tilespmem:$0x10C00] =	vst v63  }
0x259: {  	s7 =	spop (v2sf);
	s8 =	simm.s32 $0x5800  }
0x25a: {  	(v2sf) =	vpush v36, $0x9;
	[tilespmem:s8], [sflag:$0x1] =	stream.linear.gather [hbm4b:s7+s6], $0x400, $0x38;
	[tilespmem:$0x10C00] =	vst v63  }
0x25b: {  	s7 =	spop (v2sf);
	s8 =	simm.s32 $0x1C00  }
0x25c: {  	(v2sf) =	vpush v35, $0xA;
	[tilespmem:s8], [sflag:$0x1] =	stream.linear.gather [hbm4b:s7+s6], $0x400, $0x38;
	[tilespmem:$0x10C00] =	vst v63  }
0x25d: {  	s7 =	spop (v2sf);
	s8 =	simm.s32 $0x5C00  }
0x25e: {  	(v2sf) =	vpush v36, $0xA;
	[tilespmem:s8], [sflag:$0x1] =	stream.linear.gather [hbm4b:s7+s6], $0x400, $0x38;
	[tilespmem:$0x10C00] =	vst v63  }
0x25f: {  	s7 =	spop (v2sf);
	s8 =	simm.s32 $0x2000  }
0x260: {  	(v2sf) =	vpush v35, $0xB;
	[tilespmem:s8], [sflag:$0x1] =	stream.linear.gather [hbm4b:s7+s6], $0x400, $0x38;
	[tilespmem:$0x10C00] =	vst v63  }
0x261: {  	s7 =	spop (v2sf);
	s8 =	simm.s32 $0x6000  }
0x262: {  	(v2sf) =	vpush v36, $0xB;
	[tilespmem:s8], [sflag:$0x1] =	stream.linear.gather [hbm4b:s7+s6], $0x400, $0x38;
	[tilespmem:$0x10C00] =	vst v63  }
0x263: {  	s7 =	spop (v2sf);
	s8 =	simm.s32 $0x2400  }
0x264: {  	(v2sf) =	vpush v35, $0xC;
	[tilespmem:s8], [sflag:$0x1] =	stream.linear.gather [hbm4b:s7+s6], $0x400, $0x38;
	[tilespmem:$0x10C00] =	vst v63  }
0x265: {  	s7 =	spop (v2sf);
	s8 =	simm.s32 $0x6400  }
0x266: {  	(v2sf) =	vpush v36, $0xC;
	[tilespmem:s8], [sflag:$0x1] =	stream.linear.gather [hbm4b:s7+s6], $0x400, $0x38;
	[tilespmem:$0x10C00] =	vst v63  }
0x267: {  	s7 =	spop (v2sf);
	s8 =	simm.s32 $0x2800  }
0x268: {  	(v2sf) =	vpush v35, $0xD;
	[tilespmem:s8], [sflag:$0x1] =	stream.linear.gather [hbm4b:s7+s6], $0x400, $0x38;
	[tilespmem:$0x10C00] =	vst v63  }
0x269: {  	s7 =	spop (v2sf);
	s8 =	simm.s32 $0x6800  }
0x26a: {  	(v2sf) =	vpush v36, $0xD;
	[tilespmem:s8], [sflag:$0x1] =	stream.linear.gather [hbm4b:s7+s6], $0x400, $0x38;
	[tilespmem:$0x10C00] =	vst v63  }
0x26b: {  	s7 =	spop (v2sf);
	s8 =	simm.s32 $0x2C00  }
0x26c: {  	(v2sf) =	vpush v35, $0xE;
	[tilespmem:s8], [sflag:$0x1] =	stream.linear.gather [hbm4b:s7+s6], $0x400, $0x38;
	[tilespmem:$0x10C00] =	vst v63  }
0x26d: {  	s7 =	spop (v2sf);
	s8 =	simm.s32 $0x6C00  }
0x26e: {  	(v2sf) =	vpush v36, $0xE;
	[tilespmem:s8], [sflag:$0x1] =	stream.linear.gather [hbm4b:s7+s6], $0x400, $0x38;
	[tilespmem:$0x10C00] =	vst v63  }
0x26f: {  	s7 =	spop (v2sf);
	s8 =	simm.s32 $0x3000  }
0x270: {  	[tilespmem:s8], [sflag:$0x1] =	stream.linear.gather [hbm4b:s7+s6], $0x400, $0x38;
	[tilespmem:$0x10C00] =	vst v63  }
0x271: {  	(v2sf) =	vpush v35, $0xF;
	s7 =	spop (v2sf);
	s8 =	simm.s32 $0x7000  }
0x272: {  	[tilespmem:s8], [sflag:$0x1] =	stream.linear.gather [hbm4b:s7+s6], $0x400, $0x38;
	[tilespmem:$0x10C00] =	vst v63  }
0x273: {  	(v2sf) =	vpush v36, $0xF;
	s7 =	spop (v2sf);
	s8 =	simm.s32 $0x3400  }
0x274: {  	[tilespmem:s8], [sflag:$0x1] =	stream.linear.gather [hbm4b:s7+s6], $0x400, $0x38;
	[tilespmem:$0x10C00] =	vst v63  }
0x275: {  	s7 =	spop (v2sf);
	s8 =	simm.s32 $0x7400  }
0x276: {  	[tilespmem:s8], [sflag:$0x1] =	stream.linear.gather [hbm4b:s7+s6], $0x400, $0x38;
	[tilespmem:$0x10C00] =	vst v63  }
0x277: {  	s7 =	spop (v2sf);
	s8 =	simm.s32 $0x3800  }
0x278: {  	[tilespmem:s8], [sflag:$0x1] =	stream.linear.gather [hbm4b:s7+s6], $0x400, $0x38;
	[tilespmem:$0x10C00] =	vst v63  }
0x279: {  	s7 =	spop (v2sf);
	s8 =	simm.s32 $0x7800  }
0x27a: {  	[tilespmem:s8], [sflag:$0x1] =	stream.linear.gather [hbm4b:s7+s6], $0x400, $0x38;
	[tilespmem:$0x10C00] =	vst v63  }
0x27b: {  	s7 =	spop (v2sf);
	s8 =	simm.s32 $0x3C00  }
0x27c: {  	[tilespmem:s8], [sflag:$0x1] =	stream.linear.gather [hbm4b:s7+s6], $0x400, $0x38;
	[tilespmem:$0x10C00] =	vst v63  }
0x27d: {  	s7 =	spop (v2sf);
	s8 =	simm.s32 $0x7C00  }
0x27e: {  	[tilespmem:s8], [sflag:$0x1] =	stream.linear.gather [hbm4b:s7+s6], $0x400, $0x38;
	[tilespmem:$0x10C00] =	vst v63  }
.Ltmp5:
0x27f: {  	_ = 	snop;
	(pc) =	sbr.rel .LBB2_4-.Ltmp5, $4  }
0x280: {  	s7 =	spop (v2sf);
	s8 =	simm.s32 $0x4000  }
0x281: {  	[tilespmem:s8], [sflag:$0x1] =	stream.linear.gather [hbm4b:s7+s6], $0x400, $0x38;
	[tilespmem:$0x10C00] =	vst v63  }
0x282: {  	s7 =	spop (v2sf);
	s8 =	simm.s32 $0x8000  }
0x283: {  	[tilespmem:s8], [sflag:$0x1] =	stream.linear.gather [hbm4b:s7+s6], $0x400, $0x38;
	[tilespmem:$0x10C00] =	vst v63  }
.LBB2_6:
0x284: {  	_ =	sfence.sel $0x180000  }
0x285: {  	[bflag:$0x0] =	sbarrier.arrive $0xFFFF  }
0x286: {  	_ =	strace $0x90000047  }
0x287: {  	s0 =	stileid.u32;
	[bflag:$0x2] =	sbarrier.arrive $0xFFFF  }
0x288: {  	p0 =	sne.s32 s0, $0x0;
	s0 =	rddreg [dreg:$0x8]  }
0x289: {  	s0 =	sadd.s32 @!p0 $0x100000, s0  }
0x28a: {  	[sflag:s0] =	ssyncadd.tile.s32 @!p0 $0x1;
	_ =	shalt  }
.Lfunc_end2:
_tile_overlayer_lowered:
.L_overlay_start_2:
0x28b: {  	(tag) =	ssettag $0x2  }
0x28c: {  	s0 =	rddreg [dreg:$0x0];
	s2 =	stileid.u32  }
0x28d: {  	s1 =	rddreg [dreg:$0x1];
	p0 =	sne.s32 s2, $0x0  }
0x28e: {  	s3 =	rddreg [dreg:$0x2];
	[bflag:$0x3] =	sbarrier.arrive $0xFFFF;
	s2 =	simm.s32 @!p0 $0x1C04  }
0x28f: {  	[timem:s3], [sflag:s2] =	dma.local @!p0 [hbm:s0], s1  }
0x290: {  	s0 =	simm.s32 @!p0 $0x4  }
0x291: {  	_ =	swait.ge @!p0 [sflag:s0], s1  }
0x292: {  	s1 =	ssub.s32 @!p0 $0x0, s1;
	[sflag:s0] =	ssyncset.done @!p0 $0x0  }
0x293: {  	[sflag:s0] =	ssyncadd.s32 @!p0 s1  }
0x294: {  	[bflag:$0x3] =	sbarrier.arrive $0xFFFF  }
0x295: {  	_ =	shalt  }

</sc_bundles>
